<compile_context>
chip_gen: v7x
topology: tpu7x:2x2x1
jax: 0.10.2.dev20260603
libtpu: 0.0.44.dev20260713+nightly
codegen_flags: <defaults>
</compile_context>

<pallas_src>
import functools

import jax
import jax.numpy as jnp
from jax import lax
from jax.experimental import pallas as pl
from jax.experimental.pallas import tpu as pltpu
from jax.experimental.pallas import tpu_sc as plsc

B, L, V, H, A = 4096, 50, 100001, 128, 8
NW = 32
BPW = B // NW
LANES = 16
NCH = H // LANES
NBUF = 4


def _bag_body(states_t, table, out, idx_v, bufA, buf0, buf1, buf2, buf3,
              acc, semA, sem0, sem1, sem2, sem3):
    cid = lax.axis_index("c")
    sid = lax.axis_index("s")
    wid = sid * 2 + cid
    col0 = wid * BPW

    pltpu.sync_copy(states_t.at[:, pl.ds(col0, BPW)], idx_v)

    bufs = (buf0, buf1, buf2, buf3)
    sems = (sem0, sem1, sem2, sem3)

    def start(r, buf, sem):
        pltpu.make_async_copy(table.at[idx_v.at[r]], buf, sem).start()

    def wait(buf, sem):
        pltpu.make_async_copy(table.at[idx_v.at[0]], buf, sem).wait()

    def accum(buf, first):
        def jbody(j8, carry):
            for jj in range(8):
                j = j8 * 8 + jj
                for c in range(NCH):
                    sl = pl.ds(c * LANES, LANES)
                    v = buf[j, sl]
                    if first:
                        acc[j, sl] = v
                    else:
                        plsc.addupdate(acc.at[j, sl], v)
            return carry
        lax.fori_loop(0, BPW // 8, jbody, 0, unroll=False)

    start(0, bufA, semA)
    for b in range(NBUF):
        start(1 + b, bufs[b], sems[b])

    wait(bufA, semA)
    accum(bufA, first=True)

    def group(g, carry):
        for b in range(NBUF):
            r = NBUF * g + 1 + b
            wait(bufs[b], sems[b])
            accum(bufs[b], first=False)

            @pl.when(r + NBUF < L)
            def _():
                start(r + NBUF, bufs[b], sems[b])

        return carry

    lax.fori_loop(0, (L - 2) // NBUF, group, 0, unroll=False)

    wait(buf0, sem0)
    accum(buf0, first=False)

    pltpu.sync_copy(acc, out.at[pl.ds(wid * BPW, BPW)])


@jax.jit
def _bag_sum(states_t, table):
    mesh = plsc.VectorSubcoreMesh(core_axis_name="c", subcore_axis_name="s")
    k = functools.partial(
        pl.kernel,
        out_type=jax.ShapeDtypeStruct((B, H), jnp.float32),
        mesh=mesh,
        scratch_types=[
            pltpu.VMEM((L, BPW), jnp.int32),
            pltpu.VMEM((BPW, H), jnp.float32),
            pltpu.VMEM((BPW, H), jnp.float32),
            pltpu.VMEM((BPW, H), jnp.float32),
            pltpu.VMEM((BPW, H), jnp.float32),
            pltpu.VMEM((BPW, H), jnp.float32),
            pltpu.VMEM((BPW, H), jnp.float32),
            pltpu.SemaphoreType.DMA,
            pltpu.SemaphoreType.DMA,
            pltpu.SemaphoreType.DMA,
            pltpu.SemaphoreType.DMA,
            pltpu.SemaphoreType.DMA,
        ],
    )(_bag_body)
    return k(states_t, table)


def _head_body(bag_ref, wmu_ref, bmu_ref, wsd_ref, bsd_ref, mu_ref, sd_ref):
    x = jnp.maximum(bag_ref[...], 0.0)
    zmu = jnp.dot(x, wmu_ref[...], preferred_element_type=jnp.float32)
    zsd = jnp.dot(x, wsd_ref[...], preferred_element_type=jnp.float32)
    mu_ref[...] = jnp.tanh(zmu + bmu_ref[...])
    sd_ref[...] = jax.nn.softplus(zsd + bsd_ref[...]) + 0.001


@jax.jit
def _heads(bag, wmu, bmu, wsd, bsd):
    blk = 2048
    return pl.pallas_call(
        _head_body,
        grid=(B // blk,),
        in_specs=[
            pl.BlockSpec((blk, H), lambda i: (i, 0)),
            pl.BlockSpec((H, A), lambda i: (0, 0)),
            pl.BlockSpec((1, A), lambda i: (0, 0)),
            pl.BlockSpec((H, A), lambda i: (0, 0)),
            pl.BlockSpec((1, A), lambda i: (0, 0)),
        ],
        out_specs=[
            pl.BlockSpec((blk, A), lambda i: (i, 0)),
            pl.BlockSpec((blk, A), lambda i: (i, 0)),
        ],
        out_shape=[
            jax.ShapeDtypeStruct((B, A), jnp.float32),
            jax.ShapeDtypeStruct((B, A), jnp.float32),
        ],
    )(bag, wmu, bmu, wsd, bsd)


def kernel(states, table, W_mu, b_mu, W_sd, b_sd):
    states_t = states.astype(jnp.int32).T
    bag = _bag_sum(states_t, table)
    mus, sds = _heads(bag, W_mu, b_mu[None, :], W_sd, b_sd[None, :])
    return mus, sds

# --- scband reference (transcript-rebuilt; emitter-appended) ---
"""Pipeline reference for scband-actor-6674379178431 (READ-ONLY COPY).

The authoritative reference and input builder live on the scoring server;
editing this copy changes nothing except your own understanding.
"""

import jax, jax.numpy as jnp
import numpy as np

B, L, V, H, A = 4096, 50, 100001, 128, 8

def setup_inputs(seed: int = 0) -> dict:
    key = jax.random.key(seed)
    k1, k2, k3, k4 = jax.random.split(key, 4)
    states = jax.random.randint(k1, (B, L), 0, V, dtype=jnp.int64)
    table = jax.random.normal(k2, (V, H), dtype=jnp.float32) * 0.02
    W_mu = jax.random.normal(k3, (H, A), dtype=jnp.float32) * 0.05
    b_mu = jnp.zeros((A,), dtype=jnp.float32)
    W_sd = jax.random.normal(k4, (H, A), dtype=jnp.float32) * 0.05
    b_sd = jnp.zeros((A,), dtype=jnp.float32)
    return {"states": states, "table": table, "W_mu": W_mu, "b_mu": b_mu, "W_sd": W_sd, "b_sd": b_sd}

def reference(states, table, W_mu, b_mu, W_sd, b_sd):
    # EmbeddingBag(mode='sum'): gather rows then sum over the bag (axis=1)
    emb = jnp.take(table, states, axis=0)          # [B, L, H]
    bag = jnp.sum(emb, axis=1)                     # [B, H]
    trunk = jax.nn.relu(bag)                       # ReLU after EmbeddingBag
    mus = jnp.tanh(trunk @ W_mu + b_mu)            # [B, A]
    sds = jax.nn.softplus(trunk @ W_sd + b_sd) + 0.001  # [B, A]
    return (mus, sds)

if __name__ == "__main__":
    import jax
    _d = setup_inputs()
    print(jax.jit(kernel)(*tuple(_d.values())))

</pallas_src>

<mosaic_0001>
#map = affine_map<(d0, d1) -> (0, 0)>
module attributes {stable_mosaic.version = 14 : i64} {
  func.func @_bag_body(%arg0: i32, %arg1: i32, %arg2: memref<50x4096xi32, #tpu.memory_space<hbm>>, %arg3: memref<100001x128xf32, #tpu.memory_space<hbm>>, %arg4: memref<4096x128xf32, #tpu.memory_space<hbm>>, %arg5: memref<50x128xi32, #tpu.memory_space<vmem>>, %arg6: memref<128x128xf32, #tpu.memory_space<vmem>>, %arg7: memref<128x128xf32, #tpu.memory_space<vmem>>, %arg8: memref<128x128xf32, #tpu.memory_space<vmem>>, %arg9: memref<128x128xf32, #tpu.memory_space<vmem>>, %arg10: memref<128x128xf32, #tpu.memory_space<vmem>>, %arg11: memref<128x128xf32, #tpu.memory_space<vmem>>, %arg12: memref<!tpu.dma_semaphore, #tpu.memory_space<semaphore_mem>>, %arg13: memref<!tpu.dma_semaphore, #tpu.memory_space<semaphore_mem>>, %arg14: memref<!tpu.dma_semaphore, #tpu.memory_space<semaphore_mem>>, %arg15: memref<!tpu.dma_semaphore, #tpu.memory_space<semaphore_mem>>, %arg16: memref<!tpu.dma_semaphore, #tpu.memory_space<semaphore_mem>>) attributes {dimension_semantics = [#tpu.dimension_semantics<core_parallel>, #tpu.dimension_semantics<subcore_parallel>], iteration_bounds = array<i64: 2, 16>, scalar_prefetch = 0 : i64, scratch_operands = 12 : i64, tpu.core_type = #tpu.core_type<sc_vector_subcore>, window_params = [{transform_indices = #map}, {transform_indices = #map}, {transform_indices = #map}]} {
    %mul3A = arith.constant 2 : i32
    %mul3A_0 = arith.muli %arg1, %mul3A : i32
    %add3A = arith.addi %mul3A_0, %arg0 : i32
    %mul3A_1 = arith.constant 128 : i32
    %mul3A_2 = arith.muli %add3A, %mul3A_1 : i32
    "tpu.region"() ({
      %run_scoped3A = tpu.sem_alloc : memref<!tpu.dma_semaphore, #tpu.memory_space<semaphore_mem>>
      %dma_start3A_69 = arith.constant 0 : i32
      %dma_start3A_70 = tpu.memref_slice %arg2[%dma_start3A_69, %mul3A_2] : memref<50x4096xi32, #tpu.memory_space<hbm>> -> memref<50x128xi32, #tpu.memory_space<hbm>>
      %dma_start3A_71 = arith.constant 0 : i32
      %dma_start3A_72 = tpu.memref_slice %arg2[%dma_start3A_71, %mul3A_2] : memref<50x4096xi32, #tpu.memory_space<hbm>> -> memref<50x128xi32, #tpu.memory_space<hbm>>
      tpu.enqueue_dma source(%dma_start3A_72 : memref<50x128xi32, #tpu.memory_space<hbm>>) target(%arg5 : memref<50x128xi32, #tpu.memory_space<vmem>>) target_semaphore(%run_scoped3A : memref<!tpu.dma_semaphore, #tpu.memory_space<semaphore_mem>>)
      %dma_wait3A_73 = arith.constant 0 : i32
      %dma_wait3A_74 = tpu.memref_slice %arg2[%dma_wait3A_73, %mul3A_2] : memref<50x4096xi32, #tpu.memory_space<hbm>> -> memref<50x128xi32, #tpu.memory_space<hbm>>
      %dma_wait3A_75 = arith.constant 0 : i32
      %dma_wait3A_76 = tpu.memref_slice %arg2[%dma_wait3A_75, %mul3A_2] : memref<50x4096xi32, #tpu.memory_space<hbm>> -> memref<50x128xi32, #tpu.memory_space<hbm>>
      tpu.wait_dma2 semaphore(%run_scoped3A : memref<!tpu.dma_semaphore, #tpu.memory_space<semaphore_mem>>) src(%dma_wait3A_76 : memref<50x128xi32, #tpu.memory_space<hbm>>) dst(%arg5 : memref<50x128xi32, #tpu.memory_space<vmem>>)
      tpu.yield
    }) : () -> ()
    %dma_start3A = arith.constant 0 : i32
    %dma_start3A_3 = arith.constant 0 : i32
    %dma_start3A_4 = tpu.memref_slice %arg5[%dma_start3A, %dma_start3A_3] : memref<50x128xi32, #tpu.memory_space<vmem>> -> memref<1x128xi32, #tpu.memory_space<vmem>>
    %dma_start3A_5 = tpu.memref_squeeze %dma_start3A_4 : memref<1x128xi32, #tpu.memory_space<vmem>> -> memref<128xi32, #tpu.memory_space<vmem>>
    %dma_start3A_6 = arith.constant 0 : i32
    %dma_start3A_7 = arith.constant 0 : i32
    %dma_start3A_8 = tpu.memref_slice %arg3[%dma_start3A_6, %dma_start3A_7] : memref<100001x128xf32, #tpu.memory_space<hbm>> -> memref<100001x128xf32, #tpu.memory_space<hbm>>
    tpu.enqueue_indirect_dma source(%dma_start3A_8 : memref<100001x128xf32, #tpu.memory_space<hbm>>) target(%arg6 : memref<128x128xf32, #tpu.memory_space<vmem>>) offsets(%dma_start3A_5 : memref<128xi32, #tpu.memory_space<vmem>>) semaphore(%arg12 : memref<!tpu.dma_semaphore, #tpu.memory_space<semaphore_mem>>)
    %dma_start3A_9 = arith.constant 1 : i32
    %dma_start3A_10 = arith.constant 0 : i32
    %dma_start3A_11 = tpu.memref_slice %arg5[%dma_start3A_9, %dma_start3A_10] : memref<50x128xi32, #tpu.memory_space<vmem>> -> memref<1x128xi32, #tpu.memory_space<vmem>>
    %dma_start3A_12 = tpu.memref_squeeze %dma_start3A_11 : memref<1x128xi32, #tpu.memory_space<vmem>> -> memref<128xi32, #tpu.memory_space<vmem>>
    %dma_start3A_13 = arith.constant 0 : i32
    %dma_start3A_14 = arith.constant 0 : i32
    %dma_start3A_15 = tpu.memref_slice %arg3[%dma_start3A_13, %dma_start3A_14] : memref<100001x128xf32, #tpu.memory_space<hbm>> -> memref<100001x128xf32, #tpu.memory_space<hbm>>
    tpu.enqueue_indirect_dma source(%dma_start3A_15 : memref<100001x128xf32, #tpu.memory_space<hbm>>) target(%arg7 : memref<128x128xf32, #tpu.memory_space<vmem>>) offsets(%dma_start3A_12 : memref<128xi32, #tpu.memory_space<vmem>>) semaphore(%arg13 : memref<!tpu.dma_semaphore, #tpu.memory_space<semaphore_mem>>)
    %dma_start3A_16 = arith.constant 2 : i32
    %dma_start3A_17 = arith.constant 0 : i32
    %dma_start3A_18 = tpu.memref_slice %arg5[%dma_start3A_16, %dma_start3A_17] : memref<50x128xi32, #tpu.memory_space<vmem>> -> memref<1x128xi32, #tpu.memory_space<vmem>>
    %dma_start3A_19 = tpu.memref_squeeze %dma_start3A_18 : memref<1x128xi32, #tpu.memory_space<vmem>> -> memref<128xi32, #tpu.memory_space<vmem>>
    %dma_start3A_20 = arith.constant 0 : i32
    %dma_start3A_21 = arith.constant 0 : i32
    %dma_start3A_22 = tpu.memref_slice %arg3[%dma_start3A_20, %dma_start3A_21] : memref<100001x128xf32, #tpu.memory_space<hbm>> -> memref<100001x128xf32, #tpu.memory_space<hbm>>
    tpu.enqueue_indirect_dma source(%dma_start3A_22 : memref<100001x128xf32, #tpu.memory_space<hbm>>) target(%arg8 : memref<128x128xf32, #tpu.memory_space<vmem>>) offsets(%dma_start3A_19 : memref<128xi32, #tpu.memory_space<vmem>>) semaphore(%arg14 : memref<!tpu.dma_semaphore, #tpu.memory_space<semaphore_mem>>)
    %dma_start3A_23 = arith.constant 3 : i32
    %dma_start3A_24 = arith.constant 0 : i32
    %dma_start3A_25 = tpu.memref_slice %arg5[%dma_start3A_23, %dma_start3A_24] : memref<50x128xi32, #tpu.memory_space<vmem>> -> memref<1x128xi32, #tpu.memory_space<vmem>>
    %dma_start3A_26 = tpu.memref_squeeze %dma_start3A_25 : memref<1x128xi32, #tpu.memory_space<vmem>> -> memref<128xi32, #tpu.memory_space<vmem>>
    %dma_start3A_27 = arith.constant 0 : i32
    %dma_start3A_28 = arith.constant 0 : i32
    %dma_start3A_29 = tpu.memref_slice %arg3[%dma_start3A_27, %dma_start3A_28] : memref<100001x128xf32, #tpu.memory_space<hbm>> -> memref<100001x128xf32, #tpu.memory_space<hbm>>
    tpu.enqueue_indirect_dma source(%dma_start3A_29 : memref<100001x128xf32, #tpu.memory_space<hbm>>) target(%arg9 : memref<128x128xf32, #tpu.memory_space<vmem>>) offsets(%dma_start3A_26 : memref<128xi32, #tpu.memory_space<vmem>>) semaphore(%arg15 : memref<!tpu.dma_semaphore, #tpu.memory_space<semaphore_mem>>)
    %dma_start3A_30 = arith.constant 4 : i32
    %dma_start3A_31 = arith.constant 0 : i32
    %dma_start3A_32 = tpu.memref_slice %arg5[%dma_start3A_30, %dma_start3A_31] : memref<50x128xi32, #tpu.memory_space<vmem>> -> memref<1x128xi32, #tpu.memory_space<vmem>>
    %dma_start3A_33 = tpu.memref_squeeze %dma_start3A_32 : memref<1x128xi32, #tpu.memory_space<vmem>> -> memref<128xi32, #tpu.memory_space<vmem>>
    %dma_start3A_34 = arith.constant 0 : i32
    %dma_start3A_35 = arith.constant 0 : i32
    %dma_start3A_36 = tpu.memref_slice %arg3[%dma_start3A_34, %dma_start3A_35] : memref<100001x128xf32, #tpu.memory_space<hbm>> -> memref<100001x128xf32, #tpu.memory_space<hbm>>
    tpu.enqueue_indirect_dma source(%dma_start3A_36 : memref<100001x128xf32, #tpu.memory_space<hbm>>) target(%arg10 : memref<128x128xf32, #tpu.memory_space<vmem>>) offsets(%dma_start3A_33 : memref<128xi32, #tpu.memory_space<vmem>>) semaphore(%arg16 : memref<!tpu.dma_semaphore, #tpu.memory_space<semaphore_mem>>)
    %dma_wait3A = arith.constant 0 : i32
    %dma_wait3A_37 = arith.constant 0 : i32
    %dma_wait3A_38 = tpu.memref_slice %arg5[%dma_wait3A, %dma_wait3A_37] : memref<50x128xi32, #tpu.memory_space<vmem>> -> memref<1x128xi32, #tpu.memory_space<vmem>>
    %dma_wait3A_39 = tpu.memref_squeeze %dma_wait3A_38 : memref<1x128xi32, #tpu.memory_space<vmem>> -> memref<128xi32, #tpu.memory_space<vmem>>
    %dma_wait3A_40 = arith.constant 0 : i32
    %dma_wait3A_41 = arith.constant 0 : i32
    %dma_wait3A_42 = tpu.memref_slice %arg3[%dma_wait3A_40, %dma_wait3A_41] : memref<100001x128xf32, #tpu.memory_space<hbm>> -> memref<100001x128xf32, #tpu.memory_space<hbm>>
    tpu.wait_indirect_dma semaphore(%arg12 : memref<!tpu.dma_semaphore, #tpu.memory_space<semaphore_mem>>) src(%dma_wait3A_42 : memref<100001x128xf32, #tpu.memory_space<hbm>>) dst(%arg6 : memref<128x128xf32, #tpu.memory_space<vmem>>)
    %scan3A = arith.constant 0 : i32
    %scan3A_43 = arith.constant 0 : i32
    %scan3A_44 = arith.constant 16 : i32
    %scan3A_45 = arith.addi %scan3A_43, %scan3A_44 : i32
    %scan3A_46 = arith.constant 1 : i32
    scf.for %scan3A_69 = %scan3A_43 to %scan3A_45 step %scan3A_46  : i32 {
      %mul3A_70 = arith.constant 8 : i32
      %mul3A_71 = arith.muli %scan3A_69, %mul3A_70 : i32
      %add3A_72 = arith.constant 0 : i32
      %add3A_73 = arith.addi %mul3A_71, %add3A_72 : i32
      %get3A = arith.index_cast %add3A_73 : i32 to index
      %get3A_74 = arith.constant 0 : index
      %get3A_75 = tpu.vector_load %arg6[%get3A, %get3A_74] {strides = array<i32>} : memref<128x128xf32, #tpu.memory_space<vmem>>, vector<1x16xf32>,
      %get3A_76 = vector.shape_cast %get3A_75 : vector<1x16xf32> to vector<16xf32>
      %swap3A = arith.index_cast %add3A_73 : i32 to index
      %swap3A_77 = arith.constant 0 : index
      %swap3A_78 = tpu.vector_load %arg11[%swap3A, %swap3A_77] {strides = array<i32>} : memref<128x128xf32, #tpu.memory_space<vmem>>, vector<1x16xf32>,
      %swap3A_79 = vector.shape_cast %swap3A_78 : vector<1x16xf32> to vector<16xf32>
      %swap3A_80 = vector.shape_cast %get3A_76 : vector<16xf32> to vector<1x16xf32>
      tpu.vector_store %arg11[%swap3A, %swap3A_77], %swap3A_80 {strides = array<i32>} : memref<128x128xf32, #tpu.memory_space<vmem>>, vector<1x16xf32>,
      %get3A_81 = arith.index_cast %add3A_73 : i32 to index
      %get3A_82 = arith.constant 16 : index
      %get3A_83 = tpu.vector_load %arg6[%get3A_81, %get3A_82] {strides = array<i32>} : memref<128x128xf32, #tpu.memory_space<vmem>>, vector<1x16xf32>,
      %get3A_84 = vector.shape_cast %get3A_83 : vector<1x16xf32> to vector<16xf32>
      %swap3A_85 = arith.index_cast %add3A_73 : i32 to index
      %swap3A_86 = arith.constant 16 : index
      %swap3A_87 = tpu.vector_load %arg11[%swap3A_85, %swap3A_86] {strides = array<i32>} : memref<128x128xf32, #tpu.memory_space<vmem>>, vector<1x16xf32>,
      %swap3A_88 = vector.shape_cast %swap3A_87 : vector<1x16xf32> to vector<16xf32>
      %swap3A_89 = vector.shape_cast %get3A_84 : vector<16xf32> to vector<1x16xf32>
      tpu.vector_store %arg11[%swap3A_85, %swap3A_86], %swap3A_89 {strides = array<i32>} : memref<128x128xf32, #tpu.memory_space<vmem>>, vector<1x16xf32>,
      %get3A_90 = arith.index_cast %add3A_73 : i32 to index
      %get3A_91 = arith.constant 32 : index
      %get3A_92 = tpu.vector_load %arg6[%get3A_90, %get3A_91] {strides = array<i32>} : memref<128x128xf32, #tpu.memory_space<vmem>>, vector<1x16xf32>,
      %get3A_93 = vector.shape_cast %get3A_92 : vector<1x16xf32> to vector<16xf32>
      %swap3A_94 = arith.index_cast %add3A_73 : i32 to index
      %swap3A_95 = arith.constant 32 : index
      %swap3A_96 = tpu.vector_load %arg11[%swap3A_94, %swap3A_95] {strides = array<i32>} : memref<128x128xf32, #tpu.memory_space<vmem>>, vector<1x16xf32>,
      %swap3A_97 = vector.shape_cast %swap3A_96 : vector<1x16xf32> to vector<16xf32>
      %swap3A_98 = vector.shape_cast %get3A_93 : vector<16xf32> to vector<1x16xf32>
      tpu.vector_store %arg11[%swap3A_94, %swap3A_95], %swap3A_98 {strides = array<i32>} : memref<128x128xf32, #tpu.memory_space<vmem>>, vector<1x16xf32>,
      %get3A_99 = arith.index_cast %add3A_73 : i32 to index
      %get3A_100 = arith.constant 48 : index
      %get3A_101 = tpu.vector_load %arg6[%get3A_99, %get3A_100] {strides = array<i32>} : memref<128x128xf32, #tpu.memory_space<vmem>>, vector<1x16xf32>,
      %get3A_102 = vector.shape_cast %get3A_101 : vector<1x16xf32> to vector<16xf32>
      %swap3A_103 = arith.index_cast %add3A_73 : i32 to index
      %swap3A_104 = arith.constant 48 : index
      %swap3A_105 = tpu.vector_load %arg11[%swap3A_103, %swap3A_104] {strides = array<i32>} : memref<128x128xf32, #tpu.memory_space<vmem>>, vector<1x16xf32>,
      %swap3A_106 = vector.shape_cast %swap3A_105 : vector<1x16xf32> to vector<16xf32>
      %swap3A_107 = vector.shape_cast %get3A_102 : vector<16xf32> to vector<1x16xf32>
      tpu.vector_store %arg11[%swap3A_103, %swap3A_104], %swap3A_107 {strides = array<i32>} : memref<128x128xf32, #tpu.memory_space<vmem>>, vector<1x16xf32>,
      %get3A_108 = arith.index_cast %add3A_73 : i32 to index
      %get3A_109 = arith.constant 64 : index
      %get3A_110 = tpu.vector_load %arg6[%get3A_108, %get3A_109] {strides = array<i32>} : memref<128x128xf32, #tpu.memory_space<vmem>>, vector<1x16xf32>,
      %get3A_111 = vector.shape_cast %get3A_110 : vector<1x16xf32> to vector<16xf32>
      %swap3A_112 = arith.index_cast %add3A_73 : i32 to index
      %swap3A_113 = arith.constant 64 : index
      %swap3A_114 = tpu.vector_load %arg11[%swap3A_112, %swap3A_113] {strides = array<i32>} : memref<128x128xf32, #tpu.memory_space<vmem>>, vector<1x16xf32>,
      %swap3A_115 = vector.shape_cast %swap3A_114 : vector<1x16xf32> to vector<16xf32>
      %swap3A_116 = vector.shape_cast %get3A_111 : vector<16xf32> to vector<1x16xf32>
      tpu.vector_store %arg11[%swap3A_112, %swap3A_113], %swap3A_116 {strides = array<i32>} : memref<128x128xf32, #tpu.memory_space<vmem>>, vector<1x16xf32>,
      %get3A_117 = arith.index_cast %add3A_73 : i32 to index
      %get3A_118 = arith.constant 80 : index
      %get3A_119 = tpu.vector_load %arg6[%get3A_117, %get3A_118] {strides = array<i32>} : memref<128x128xf32, #tpu.memory_space<vmem>>, vector<1x16xf32>,
      %get3A_120 = vector.shape_cast %get3A_119 : vector<1x16xf32> to vector<16xf32>
      %swap3A_121 = arith.index_cast %add3A_73 : i32 to index
      %swap3A_122 = arith.constant 80 : index
      %swap3A_123 = tpu.vector_load %arg11[%swap3A_121, %swap3A_122] {strides = array<i32>} : memref<128x128xf32, #tpu.memory_space<vmem>>, vector<1x16xf32>,
      %swap3A_124 = vector.shape_cast %swap3A_123 : vector<1x16xf32> to vector<16xf32>
      %swap3A_125 = vector.shape_cast %get3A_120 : vector<16xf32> to vector<1x16xf32>
      tpu.vector_store %arg11[%swap3A_121, %swap3A_122], %swap3A_125 {strides = array<i32>} : memref<128x128xf32, #tpu.memory_space<vmem>>, vector<1x16xf32>,
      %get3A_126 = arith.index_cast %add3A_73 : i32 to index
      %get3A_127 = arith.constant 96 : index
      %get3A_128 = tpu.vector_load %arg6[%get3A_126, %get3A_127] {strides = array<i32>} : memref<128x128xf32, #tpu.memory_space<vmem>>, vector<1x16xf32>,
      %get3A_129 = vector.shape_cast %get3A_128 : vector<1x16xf32> to vector<16xf32>
      %swap3A_130 = arith.index_cast %add3A_73 : i32 to index
      %swap3A_131 = arith.constant 96 : index
      %swap3A_132 = tpu.vector_load %arg11[%swap3A_130, %swap3A_131] {strides = array<i32>} : memref<128x128xf32, #tpu.memory_space<vmem>>, vector<1x16xf32>,
      %swap3A_133 = vector.shape_cast %swap3A_132 : vector<1x16xf32> to vector<16xf32>
      %swap3A_134 = vector.shape_cast %get3A_129 : vector<16xf32> to vector<1x16xf32>
      tpu.vector_store %arg11[%swap3A_130, %swap3A_131], %swap3A_134 {strides = array<i32>} : memref<128x128xf32, #tpu.memory_space<vmem>>, vector<1x16xf32>,
      %get3A_135 = arith.index_cast %add3A_73 : i32 to index
      %get3A_136 = arith.constant 112 : index
      %get3A_137 = tpu.vector_load %arg6[%get3A_135, %get3A_136] {strides = array<i32>} : memref<128x128xf32, #tpu.memory_space<vmem>>, vector<1x16xf32>,
      %get3A_138 = vector.shape_cast %get3A_137 : vector<1x16xf32> to vector<16xf32>
      %swap3A_139 = arith.index_cast %add3A_73 : i32 to index
      %swap3A_140 = arith.constant 112 : index
      %swap3A_141 = tpu.vector_load %arg11[%swap3A_139, %swap3A_140] {strides = array<i32>} : memref<128x128xf32, #tpu.memory_space<vmem>>, vector<1x16xf32>,
      %swap3A_142 = vector.shape_cast %swap3A_141 : vector<1x16xf32> to vector<16xf32>
      %swap3A_143 = vector.shape_cast %get3A_138 : vector<16xf32> to vector<1x16xf32>
      tpu.vector_store %arg11[%swap3A_139, %swap3A_140], %swap3A_143 {strides = array<i32>} : memref<128x128xf32, #tpu.memory_space<vmem>>, vector<1x16xf32>,
      %mul3A_144 = arith.constant 8 : i32
      %mul3A_145 = arith.muli %scan3A_69, %mul3A_144 : i32
      %add3A_146 = arith.constant 1 : i32
      %add3A_147 = arith.addi %mul3A_145, %add3A_146 : i32
      %get3A_148 = arith.index_cast %add3A_147 : i32 to index
      %get3A_149 = arith.constant 0 : index
      %get3A_150 = tpu.vector_load %arg6[%get3A_148, %get3A_149] {strides = array<i32>} : memref<128x128xf32, #tpu.memory_space<vmem>>, vector<1x16xf32>,
      %get3A_151 = vector.shape_cast %get3A_150 : vector<1x16xf32> to vector<16xf32>
      %swap3A_152 = arith.index_cast %add3A_147 : i32 to index
      %swap3A_153 = arith.constant 0 : index
      %swap3A_154 = tpu.vector_load %arg11[%swap3A_152, %swap3A_153] {strides = array<i32>} : memref<128x128xf32, #tpu.memory_space<vmem>>, vector<1x16xf32>,
      %swap3A_155 = vector.shape_cast %swap3A_154 : vector<1x16xf32> to vector<16xf32>
      %swap3A_156 = vector.shape_cast %get3A_151 : vector<16xf32> to vector<1x16xf32>
      tpu.vector_store %arg11[%swap3A_152, %swap3A_153], %swap3A_156 {strides = array<i32>} : memref<128x128xf32, #tpu.memory_space<vmem>>, vector<1x16xf32>,
      %get3A_157 = arith.index_cast %add3A_147 : i32 to index
      %get3A_158 = arith.constant 16 : index
      %get3A_159 = tpu.vector_load %arg6[%get3A_157, %get3A_158] {strides = array<i32>} : memref<128x128xf32, #tpu.memory_space<vmem>>, vector<1x16xf32>,
      %get3A_160 = vector.shape_cast %get3A_159 : vector<1x16xf32> to vector<16xf32>
      %swap3A_161 = arith.index_cast %add3A_147 : i32 to index
      %swap3A_162 = arith.constant 16 : index
      %swap3A_163 = tpu.vector_load %arg11[%swap3A_161, %swap3A_162] {strides = array<i32>} : memref<128x128xf32, #tpu.memory_space<vmem>>, vector<1x16xf32>,
      %swap3A_164 = vector.shape_cast %swap3A_163 : vector<1x16xf32> to vector<16xf32>
      %swap3A_165 = vector.shape_cast %get3A_160 : vector<16xf32> to vector<1x16xf32>
      tpu.vector_store %arg11[%swap3A_161, %swap3A_162], %swap3A_165 {strides = array<i32>} : memref<128x128xf32, #tpu.memory_space<vmem>>, vector<1x16xf32>,
      %get3A_166 = arith.index_cast %add3A_147 : i32 to index
      %get3A_167 = arith.constant 32 : index
      %get3A_168 = tpu.vector_load %arg6[%get3A_166, %get3A_167] {strides = array<i32>} : memref<128x128xf32, #tpu.memory_space<vmem>>, vector<1x16xf32>,
      %get3A_169 = vector.shape_cast %get3A_168 : vector<1x16xf32> to vector<16xf32>
      %swap3A_170 = arith.index_cast %add3A_147 : i32 to index
      %swap3A_171 = arith.constant 32 : index
      %swap3A_172 = tpu.vector_load %arg11[%swap3A_170, %swap3A_171] {strides = array<i32>} : memref<128x128xf32, #tpu.memory_space<vmem>>, vector<1x16xf32>,
      %swap3A_173 = vector.shape_cast %swap3A_172 : vector<1x16xf32> to vector<16xf32>
      %swap3A_174 = vector.shape_cast %get3A_169 : vector<16xf32> to vector<1x16xf32>
      tpu.vector_store %arg11[%swap3A_170, %swap3A_171], %swap3A_174 {strides = array<i32>} : memref<128x128xf32, #tpu.memory_space<vmem>>, vector<1x16xf32>,
      %get3A_175 = arith.index_cast %add3A_147 : i32 to index
      %get3A_176 = arith.constant 48 : index
      %get3A_177 = tpu.vector_load %arg6[%get3A_175, %get3A_176] {strides = array<i32>} : memref<128x128xf32, #tpu.memory_space<vmem>>, vector<1x16xf32>,
      %get3A_178 = vector.shape_cast %get3A_177 : vector<1x16xf32> to vector<16xf32>
      %swap3A_179 = arith.index_cast %add3A_147 : i32 to index
      %swap3A_180 = arith.constant 48 : index
      %swap3A_181 = tpu.vector_load %arg11[%swap3A_179, %swap3A_180] {strides = array<i32>} : memref<128x128xf32, #tpu.memory_space<vmem>>, vector<1x16xf32>,
      %swap3A_182 = vector.shape_cast %swap3A_181 : vector<1x16xf32> to vector<16xf32>
      %swap3A_183 = vector.shape_cast %get3A_178 : vector<16xf32> to vector<1x16xf32>
      tpu.vector_store %arg11[%swap3A_179, %swap3A_180], %swap3A_183 {strides = array<i32>} : memref<128x128xf32, #tpu.memory_space<vmem>>, vector<1x16xf32>,
      %get3A_184 = arith.index_cast %add3A_147 : i32 to index
      %get3A_185 = arith.constant 64 : index
      %get3A_186 = tpu.vector_load %arg6[%get3A_184, %get3A_185] {strides = array<i32>} : memref<128x128xf32, #tpu.memory_space<vmem>>, vector<1x16xf32>,
      %get3A_187 = vector.shape_cast %get3A_186 : vector<1x16xf32> to vector<16xf32>
      %swap3A_188 = arith.index_cast %add3A_147 : i32 to index
      %swap3A_189 = arith.constant 64 : index
      %swap3A_190 = tpu.vector_load %arg11[%swap3A_188, %swap3A_189] {strides = array<i32>} : memref<128x128xf32, #tpu.memory_space<vmem>>, vector<1x16xf32>,
      %swap3A_191 = vector.shape_cast %swap3A_190 : vector<1x16xf32> to vector<16xf32>
      %swap3A_192 = vector.shape_cast %get3A_187 : vector<16xf32> to vector<1x16xf32>
      tpu.vector_store %arg11[%swap3A_188, %swap3A_189], %swap3A_192 {strides = array<i32>} : memref<128x128xf32, #tpu.memory_space<vmem>>, vector<1x16xf32>,
      %get3A_193 = arith.index_cast %add3A_147 : i32 to index
      %get3A_194 = arith.constant 80 : index
      %get3A_195 = tpu.vector_load %arg6[%get3A_193, %get3A_194] {strides = array<i32>} : memref<128x128xf32, #tpu.memory_space<vmem>>, vector<1x16xf32>,
      %get3A_196 = vector.shape_cast %get3A_195 : vector<1x16xf32> to vector<16xf32>
      %swap3A_197 = arith.index_cast %add3A_147 : i32 to index
      %swap3A_198 = arith.constant 80 : index
      %swap3A_199 = tpu.vector_load %arg11[%swap3A_197, %swap3A_198] {strides = array<i32>} : memref<128x128xf32, #tpu.memory_space<vmem>>, vector<1x16xf32>,
      %swap3A_200 = vector.shape_cast %swap3A_199 : vector<1x16xf32> to vector<16xf32>
      %swap3A_201 = vector.shape_cast %get3A_196 : vector<16xf32> to vector<1x16xf32>
      tpu.vector_store %arg11[%swap3A_197, %swap3A_198], %swap3A_201 {strides = array<i32>} : memref<128x128xf32, #tpu.memory_space<vmem>>, vector<1x16xf32>,
      %get3A_202 = arith.index_cast %add3A_147 : i32 to index
      %get3A_203 = arith.constant 96 : index
      %get3A_204 = tpu.vector_load %arg6[%get3A_202, %get3A_203] {strides = array<i32>} : memref<128x128xf32, #tpu.memory_space<vmem>>, vector<1x16xf32>,
      %get3A_205 = vector.shape_cast %get3A_204 : vector<1x16xf32> to vector<16xf32>
      %swap3A_206 = arith.index_cast %add3A_147 : i32 to index
      %swap3A_207 = arith.constant 96 : index
      %swap3A_208 = tpu.vector_load %arg11[%swap3A_206, %swap3A_207] {strides = array<i32>} : memref<128x128xf32, #tpu.memory_space<vmem>>, vector<1x16xf32>,
      %swap3A_209 = vector.shape_cast %swap3A_208 : vector<1x16xf32> to vector<16xf32>
      %swap3A_210 = vector.shape_cast %get3A_205 : vector<16xf32> to vector<1x16xf32>
      tpu.vector_store %arg11[%swap3A_206, %swap3A_207], %swap3A_210 {strides = array<i32>} : memref<128x128xf32, #tpu.memory_space<vmem>>, vector<1x16xf32>,
      %get3A_211 = arith.index_cast %add3A_147 : i32 to index
      %get3A_212 = arith.constant 112 : index
      %get3A_213 = tpu.vector_load %arg6[%get3A_211, %get3A_212] {strides = array<i32>} : memref<128x128xf32, #tpu.memory_space<vmem>>, vector<1x16xf32>,
      %get3A_214 = vector.shape_cast %get3A_213 : vector<1x16xf32> to vector<16xf32>
      %swap3A_215 = arith.index_cast %add3A_147 : i32 to index
      %swap3A_216 = arith.constant 112 : index
      %swap3A_217 = tpu.vector_load %arg11[%swap3A_215, %swap3A_216] {strides = array<i32>} : memref<128x128xf32, #tpu.memory_space<vmem>>, vector<1x16xf32>,
      %swap3A_218 = vector.shape_cast %swap3A_217 : vector<1x16xf32> to vector<16xf32>
      %swap3A_219 = vector.shape_cast %get3A_214 : vector<16xf32> to vector<1x16xf32>
      tpu.vector_store %arg11[%swap3A_215, %swap3A_216], %swap3A_219 {strides = array<i32>} : memref<128x128xf32, #tpu.memory_space<vmem>>, vector<1x16xf32>,
      %mul3A_220 = arith.constant 8 : i32
      %mul3A_221 = arith.muli %scan3A_69, %mul3A_220 : i32
      %add3A_222 = arith.constant 2 : i32
      %add3A_223 = arith.addi %mul3A_221, %add3A_222 : i32
      %get3A_224 = arith.index_cast %add3A_223 : i32 to index
      %get3A_225 = arith.constant 0 : index
      %get3A_226 = tpu.vector_load %arg6[%get3A_224, %get3A_225] {strides = array<i32>} : memref<128x128xf32, #tpu.memory_space<vmem>>, vector<1x16xf32>,
      %get3A_227 = vector.shape_cast %get3A_226 : vector<1x16xf32> to vector<16xf32>
      %swap3A_228 = arith.index_cast %add3A_223 : i32 to index
      %swap3A_229 = arith.constant 0 : index
      %swap3A_230 = tpu.vector_load %arg11[%swap3A_228, %swap3A_229] {strides = array<i32>} : memref<128x128xf32, #tpu.memory_space<vmem>>, vector<1x16xf32>,
      %swap3A_231 = vector.shape_cast %swap3A_230 : vector<1x16xf32> to vector<16xf32>
      %swap3A_232 = vector.shape_cast %get3A_227 : vector<16xf32> to vector<1x16xf32>
      tpu.vector_store %arg11[%swap3A_228, %swap3A_229], %swap3A_232 {strides = array<i32>} : memref<128x128xf32, #tpu.memory_space<vmem>>, vector<1x16xf32>,
      %get3A_233 = arith.index_cast %add3A_223 : i32 to index
      %get3A_234 = arith.constant 16 : index
      %get3A_235 = tpu.vector_load %arg6[%get3A_233, %get3A_234] {strides = array<i32>} : memref<128x128xf32, #tpu.memory_space<vmem>>, vector<1x16xf32>,
      %get3A_236 = vector.shape_cast %get3A_235 : vector<1x16xf32> to vector<16xf32>
      %swap3A_237 = arith.index_cast %add3A_223 : i32 to index
      %swap3A_238 = arith.constant 16 : index
      %swap3A_239 = tpu.vector_load %arg11[%swap3A_237, %swap3A_238] {strides = array<i32>} : memref<128x128xf32, #tpu.memory_space<vmem>>, vector<1x16xf32>,
      %swap3A_240 = vector.shape_cast %swap3A_239 : vector<1x16xf32> to vector<16xf32>
      %swap3A_241 = vector.shape_cast %get3A_236 : vector<16xf32> to vector<1x16xf32>
      tpu.vector_store %arg11[%swap3A_237, %swap3A_238], %swap3A_241 {strides = array<i32>} : memref<128x128xf32, #tpu.memory_space<vmem>>, vector<1x16xf32>,
      %get3A_242 = arith.index_cast %add3A_223 : i32 to index
      %get3A_243 = arith.constant 32 : index
      %get3A_244 = tpu.vector_load %arg6[%get3A_242, %get3A_243] {strides = array<i32>} : memref<128x128xf32, #tpu.memory_space<vmem>>, vector<1x16xf32>,
      %get3A_245 = vector.shape_cast %get3A_244 : vector<1x16xf32> to vector<16xf32>
      %swap3A_246 = arith.index_cast %add3A_223 : i32 to index
      %swap3A_247 = arith.constant 32 : index
      %swap3A_248 = tpu.vector_load %arg11[%swap3A_246, %swap3A_247] {strides = array<i32>} : memref<128x128xf32, #tpu.memory_space<vmem>>, vector<1x16xf32>,
      %swap3A_249 = vector.shape_cast %swap3A_248 : vector<1x16xf32> to vector<16xf32>
      %swap3A_250 = vector.shape_cast %get3A_245 : vector<16xf32> to vector<1x16xf32>
      tpu.vector_store %arg11[%swap3A_246, %swap3A_247], %swap3A_250 {strides = array<i32>} : memref<128x128xf32, #tpu.memory_space<vmem>>, vector<1x16xf32>,
      %get3A_251 = arith.index_cast %add3A_223 : i32 to index
      %get3A_252 = arith.constant 48 : index
      %get3A_253 = tpu.vector_load %arg6[%get3A_251, %get3A_252] {strides = array<i32>} : memref<128x128xf32, #tpu.memory_space<vmem>>, vector<1x16xf32>,
      %get3A_254 = vector.shape_cast %get3A_253 : vector<1x16xf32> to vector<16xf32>
      %swap3A_255 = arith.index_cast %add3A_223 : i32 to index
      %swap3A_256 = arith.constant 48 : index
      %swap3A_257 = tpu.vector_load %arg11[%swap3A_255, %swap3A_256] {strides = array<i32>} : memref<128x128xf32, #tpu.memory_space<vmem>>, vector<1x16xf32>,
      %swap3A_258 = vector.shape_cast %swap3A_257 : vector<1x16xf32> to vector<16xf32>
      %swap3A_259 = vector.shape_cast %get3A_254 : vector<16xf32> to vector<1x16xf32>
      tpu.vector_store %arg11[%swap3A_255, %swap3A_256], %swap3A_259 {strides = array<i32>} : memref<128x128xf32, #tpu.memory_space<vmem>>, vector<1x16xf32>,
      %get3A_260 = arith.index_cast %add3A_223 : i32 to index
      %get3A_261 = arith.constant 64 : index
      %get3A_262 = tpu.vector_load %arg6[%get3A_260, %get3A_261] {strides = array<i32>} : memref<128x128xf32, #tpu.memory_space<vmem>>, vector<1x16xf32>,
      %get3A_263 = vector.shape_cast %get3A_262 : vector<1x16xf32> to vector<16xf32>
      %swap3A_264 = arith.index_cast %add3A_223 : i32 to index
      %swap3A_265 = arith.constant 64 : index
      %swap3A_266 = tpu.vector_load %arg11[%swap3A_264, %swap3A_265] {strides = array<i32>} : memref<128x128xf32, #tpu.memory_space<vmem>>, vector<1x16xf32>,
      %swap3A_267 = vector.shape_cast %swap3A_266 : vector<1x16xf32> to vector<16xf32>
      %swap3A_268 = vector.shape_cast %get3A_263 : vector<16xf32> to vector<1x16xf32>
      tpu.vector_store %arg11[%swap3A_264, %swap3A_265], %swap3A_268 {strides = array<i32>} : memref<128x128xf32, #tpu.memory_space<vmem>>, vector<1x16xf32>,
      %get3A_269 = arith.index_cast %add3A_223 : i32 to index
      %get3A_270 = arith.constant 80 : index
      %get3A_271 = tpu.vector_load %arg6[%get3A_269, %get3A_270] {strides = array<i32>} : memref<128x128xf32, #tpu.memory_space<vmem>>, vector<1x16xf32>,
      %get3A_272 = vector.shape_cast %get3A_271 : vector<1x16xf32> to vector<16xf32>
      %swap3A_273 = arith.index_cast %add3A_223 : i32 to index
      %swap3A_274 = arith.constant 80 : index
      %swap3A_275 = tpu.vector_load %arg11[%swap3A_273, %swap3A_274] {strides = array<i32>} : memref<128x128xf32, #tpu.memory_space<vmem>>, vector<1x16xf32>,
      %swap3A_276 = vector.shape_cast %swap3A_275 : vector<1x16xf32> to vector<16xf32>
      %swap3A_277 = vector.shape_cast %get3A_272 : vector<16xf32> to vector<1x16xf32>
      tpu.vector_store %arg11[%swap3A_273, %swap3A_274], %swap3A_277 {strides = array<i32>} : memref<128x128xf32, #tpu.memory_space<vmem>>, vector<1x16xf32>,
      %get3A_278 = arith.index_cast %add3A_223 : i32 to index
      %get3A_279 = arith.constant 96 : index
      %get3A_280 = tpu.vector_load %arg6[%get3A_278, %get3A_279] {strides = array<i32>} : memref<128x128xf32, #tpu.memory_space<vmem>>, vector<1x16xf32>,
      %get3A_281 = vector.shape_cast %get3A_280 : vector<1x16xf32> to vector<16xf32>
      %swap3A_282 = arith.index_cast %add3A_223 : i32 to index
      %swap3A_283 = arith.constant 96 : index
      %swap3A_284 = tpu.vector_load %arg11[%swap3A_282, %swap3A_283] {strides = array<i32>} : memref<128x128xf32, #tpu.memory_space<vmem>>, vector<1x16xf32>,
      %swap3A_285 = vector.shape_cast %swap3A_284 : vector<1x16xf32> to vector<16xf32>
      %swap3A_286 = vector.shape_cast %get3A_281 : vector<16xf32> to vector<1x16xf32>
      tpu.vector_store %arg11[%swap3A_282, %swap3A_283], %swap3A_286 {strides = array<i32>} : memref<128x128xf32, #tpu.memory_space<vmem>>, vector<1x16xf32>,
      %get3A_287 = arith.index_cast %add3A_223 : i32 to index
      %get3A_288 = arith.constant 112 : index
      %get3A_289 = tpu.vector_load %arg6[%get3A_287, %get3A_288] {strides = array<i32>} : memref<128x128xf32, #tpu.memory_space<vmem>>, vector<1x16xf32>,
      %get3A_290 = vector.shape_cast %get3A_289 : vector<1x16xf32> to vector<16xf32>
      %swap3A_291 = arith.index_cast %add3A_223 : i32 to index
      %swap3A_292 = arith.constant 112 : index
      %swap3A_293 = tpu.vector_load %arg11[%swap3A_291, %swap3A_292] {strides = array<i32>} : memref<128x128xf32, #tpu.memory_space<vmem>>, vector<1x16xf32>,
      %swap3A_294 = vector.shape_cast %swap3A_293 : vector<1x16xf32> to vector<16xf32>
      %swap3A_295 = vector.shape_cast %get3A_290 : vector<16xf32> to vector<1x16xf32>
      tpu.vector_store %arg11[%swap3A_291, %swap3A_292], %swap3A_295 {strides = array<i32>} : memref<128x128xf32, #tpu.memory_space<vmem>>, vector<1x16xf32>,
      %mul3A_296 = arith.constant 8 : i32
      %mul3A_297 = arith.muli %scan3A_69, %mul3A_296 : i32
      %add3A_298 = arith.constant 3 : i32
      %add3A_299 = arith.addi %mul3A_297, %add3A_298 : i32
      %get3A_300 = arith.index_cast %add3A_299 : i32 to index
      %get3A_301 = arith.constant 0 : index
      %get3A_302 = tpu.vector_load %arg6[%get3A_300, %get3A_301] {strides = array<i32>} : memref<128x128xf32, #tpu.memory_space<vmem>>, vector<1x16xf32>,
      %get3A_303 = vector.shape_cast %get3A_302 : vector<1x16xf32> to vector<16xf32>
      %swap3A_304 = arith.index_cast %add3A_299 : i32 to index
      %swap3A_305 = arith.constant 0 : index
      %swap3A_306 = tpu.vector_load %arg11[%swap3A_304, %swap3A_305] {strides = array<i32>} : memref<128x128xf32, #tpu.memory_space<vmem>>, vector<1x16xf32>,
      %swap3A_307 = vector.shape_cast %swap3A_306 : vector<1x16xf32> to vector<16xf32>
      %swap3A_308 = vector.shape_cast %get3A_303 : vector<16xf32> to vector<1x16xf32>
      tpu.vector_store %arg11[%swap3A_304, %swap3A_305], %swap3A_308 {strides = array<i32>} : memref<128x128xf32, #tpu.memory_space<vmem>>, vector<1x16xf32>,
      %get3A_309 = arith.index_cast %add3A_299 : i32 to index
      %get3A_310 = arith.constant 16 : index
      %get3A_311 = tpu.vector_load %arg6[%get3A_309, %get3A_310] {strides = array<i32>} : memref<128x128xf32, #tpu.memory_space<vmem>>, vector<1x16xf32>,
      %get3A_312 = vector.shape_cast %get3A_311 : vector<1x16xf32> to vector<16xf32>
      %swap3A_313 = arith.index_cast %add3A_299 : i32 to index
      %swap3A_314 = arith.constant 16 : index
      %swap3A_315 = tpu.vector_load %arg11[%swap3A_313, %swap3A_314] {strides = array<i32>} : memref<128x128xf32, #tpu.memory_space<vmem>>, vector<1x16xf32>,
      %swap3A_316 = vector.shape_cast %swap3A_315 : vector<1x16xf32> to vector<16xf32>
      %swap3A_317 = vector.shape_cast %get3A_312 : vector<16xf32> to vector<1x16xf32>
      tpu.vector_store %arg11[%swap3A_313, %swap3A_314], %swap3A_317 {strides = array<i32>} : memref<128x128xf32, #tpu.memory_space<vmem>>, vector<1x16xf32>,
      %get3A_318 = arith.index_cast %add3A_299 : i32 to index
      %get3A_319 = arith.constant 32 : index
      %get3A_320 = tpu.vector_load %arg6[%get3A_318, %get3A_319] {strides = array<i32>} : memref<128x128xf32, #tpu.memory_space<vmem>>, vector<1x16xf32>,
      %get3A_321 = vector.shape_cast %get3A_320 : vector<1x16xf32> to vector<16xf32>
      %swap3A_322 = arith.index_cast %add3A_299 : i32 to index
      %swap3A_323 = arith.constant 32 : index
      %swap3A_324 = tpu.vector_load %arg11[%swap3A_322, %swap3A_323] {strides = array<i32>} : memref<128x128xf32, #tpu.memory_space<vmem>>, vector<1x16xf32>,
      %swap3A_325 = vector.shape_cast %swap3A_324 : vector<1x16xf32> to vector<16xf32>
      %swap3A_326 = vector.shape_cast %get3A_321 : vector<16xf32> to vector<1x16xf32>
      tpu.vector_store %arg11[%swap3A_322, %swap3A_323], %swap3A_326 {strides = array<i32>} : memref<128x128xf32, #tpu.memory_space<vmem>>, vector<1x16xf32>,
      %get3A_327 = arith.index_cast %add3A_299 : i32 to index
      %get3A_328 = arith.constant 48 : index
      %get3A_329 = tpu.vector_load %arg6[%get3A_327, %get3A_328] {strides = array<i32>} : memref<128x128xf32, #tpu.memory_space<vmem>>, vector<1x16xf32>,
      %get3A_330 = vector.shape_cast %get3A_329 : vector<1x16xf32> to vector<16xf32>
      %swap3A_331 = arith.index_cast %add3A_299 : i32 to index
      %swap3A_332 = arith.constant 48 : index
      %swap3A_333 = tpu.vector_load %arg11[%swap3A_331, %swap3A_332] {strides = array<i32>} : memref<128x128xf32, #tpu.memory_space<vmem>>, vector<1x16xf32>,
      %swap3A_334 = vector.shape_cast %swap3A_333 : vector<1x16xf32> to vector<16xf32>
      %swap3A_335 = vector.shape_cast %get3A_330 : vector<16xf32> to vector<1x16xf32>
      tpu.vector_store %arg11[%swap3A_331, %swap3A_332], %swap3A_335 {strides = array<i32>} : memref<128x128xf32, #tpu.memory_space<vmem>>, vector<1x16xf32>,
      %get3A_336 = arith.index_cast %add3A_299 : i32 to index
      %get3A_337 = arith.constant 64 : index
      %get3A_338 = tpu.vector_load %arg6[%get3A_336, %get3A_337] {strides = array<i32>} : memref<128x128xf32, #tpu.memory_space<vmem>>, vector<1x16xf32>,
      %get3A_339 = vector.shape_cast %get3A_338 : vector<1x16xf32> to vector<16xf32>
      %swap3A_340 = arith.index_cast %add3A_299 : i32 to index
      %swap3A_341 = arith.constant 64 : index
      %swap3A_342 = tpu.vector_load %arg11[%swap3A_340, %swap3A_341] {strides = array<i32>} : memref<128x128xf32, #tpu.memory_space<vmem>>, vector<1x16xf32>,
      %swap3A_343 = vector.shape_cast %swap3A_342 : vector<1x16xf32> to vector<16xf32>
      %swap3A_344 = vector.shape_cast %get3A_339 : vector<16xf32> to vector<1x16xf32>
      tpu.vector_store %arg11[%swap3A_340, %swap3A_341], %swap3A_344 {strides = array<i32>} : memref<128x128xf32, #tpu.memory_space<vmem>>, vector<1x16xf32>,
      %get3A_345 = arith.index_cast %add3A_299 : i32 to index
      %get3A_346 = arith.constant 80 : index
      %get3A_347 = tpu.vector_load %arg6[%get3A_345, %get3A_346] {strides = array<i32>} : memref<128x128xf32, #tpu.memory_space<vmem>>, vector<1x16xf32>,
      %get3A_348 = vector.shape_cast %get3A_347 : vector<1x16xf32> to vector<16xf32>
      %swap3A_349 = arith.index_cast %add3A_299 : i32 to index
      %swap3A_350 = arith.constant 80 : index
      %swap3A_351 = tpu.vector_load %arg11[%swap3A_349, %swap3A_350] {strides = array<i32>} : memref<128x128xf32, #tpu.memory_space<vmem>>, vector<1x16xf32>,
      %swap3A_352 = vector.shape_cast %swap3A_351 : vector<1x16xf32> to vector<16xf32>
      %swap3A_353 = vector.shape_cast %get3A_348 : vector<16xf32> to vector<1x16xf32>
      tpu.vector_store %arg11[%swap3A_349, %swap3A_350], %swap3A_353 {strides = array<i32>} : memref<128x128xf32, #tpu.memory_space<vmem>>, vector<1x16xf32>,
      %get3A_354 = arith.index_cast %add3A_299 : i32 to index
      %get3A_355 = arith.constant 96 : index
      %get3A_356 = tpu.vector_load %arg6[%get3A_354, %get3A_355] {strides = array<i32>} : memref<128x128xf32, #tpu.memory_space<vmem>>, vector<1x16xf32>,
      %get3A_357 = vector.shape_cast %get3A_356 : vector<1x16xf32> to vector<16xf32>
      %swap3A_358 = arith.index_cast %add3A_299 : i32 to index
      %swap3A_359 = arith.constant 96 : index
      %swap3A_360 = tpu.vector_load %arg11[%swap3A_358, %swap3A_359] {strides = array<i32>} : memref<128x128xf32, #tpu.memory_space<vmem>>, vector<1x16xf32>,
      %swap3A_361 = vector.shape_cast %swap3A_360 : vector<1x16xf32> to vector<16xf32>
      %swap3A_362 = vector.shape_cast %get3A_357 : vector<16xf32> to vector<1x16xf32>
      tpu.vector_store %arg11[%swap3A_358, %swap3A_359], %swap3A_362 {strides = array<i32>} : memref<128x128xf32, #tpu.memory_space<vmem>>, vector<1x16xf32>,
      %get3A_363 = arith.index_cast %add3A_299 : i32 to index
      %get3A_364 = arith.constant 112 : index
      %get3A_365 = tpu.vector_load %arg6[%get3A_363, %get3A_364] {strides = array<i32>} : memref<128x128xf32, #tpu.memory_space<vmem>>, vector<1x16xf32>,
      %get3A_366 = vector.shape_cast %get3A_365 : vector<1x16xf32> to vector<16xf32>
      %swap3A_367 = arith.index_cast %add3A_299 : i32 to index
      %swap3A_368 = arith.constant 112 : index
      %swap3A_369 = tpu.vector_load %arg11[%swap3A_367, %swap3A_368] {strides = array<i32>} : memref<128x128xf32, #tpu.memory_space<vmem>>, vector<1x16xf32>,
      %swap3A_370 = vector.shape_cast %swap3A_369 : vector<1x16xf32> to vector<16xf32>
      %swap3A_371 = vector.shape_cast %get3A_366 : vector<16xf32> to vector<1x16xf32>
      tpu.vector_store %arg11[%swap3A_367, %swap3A_368], %swap3A_371 {strides = array<i32>} : memref<128x128xf32, #tpu.memory_space<vmem>>, vector<1x16xf32>,
      %mul3A_372 = arith.constant 8 : i32
      %mul3A_373 = arith.muli %scan3A_69, %mul3A_372 : i32
      %add3A_374 = arith.constant 4 : i32
      %add3A_375 = arith.addi %mul3A_373, %add3A_374 : i32
      %get3A_376 = arith.index_cast %add3A_375 : i32 to index
      %get3A_377 = arith.constant 0 : index
      %get3A_378 = tpu.vector_load %arg6[%get3A_376, %get3A_377] {strides = array<i32>} : memref<128x128xf32, #tpu.memory_space<vmem>>, vector<1x16xf32>,
      %get3A_379 = vector.shape_cast %get3A_378 : vector<1x16xf32> to vector<16xf32>
      %swap3A_380 = arith.index_cast %add3A_375 : i32 to index
      %swap3A_381 = arith.constant 0 : index
      %swap3A_382 = tpu.vector_load %arg11[%swap3A_380, %swap3A_381] {strides = array<i32>} : memref<128x128xf32, #tpu.memory_space<vmem>>, vector<1x16xf32>,
      %swap3A_383 = vector.shape_cast %swap3A_382 : vector<1x16xf32> to vector<16xf32>
      %swap3A_384 = vector.shape_cast %get3A_379 : vector<16xf32> to vector<1x16xf32>
      tpu.vector_store %arg11[%swap3A_380, %swap3A_381], %swap3A_384 {strides = array<i32>} : memref<128x128xf32, #tpu.memory_space<vmem>>, vector<1x16xf32>,
      %get3A_385 = arith.index_cast %add3A_375 : i32 to index
      %get3A_386 = arith.constant 16 : index
      %get3A_387 = tpu.vector_load %arg6[%get3A_385, %get3A_386] {strides = array<i32>} : memref<128x128xf32, #tpu.memory_space<vmem>>, vector<1x16xf32>,
      %get3A_388 = vector.shape_cast %get3A_387 : vector<1x16xf32> to vector<16xf32>
      %swap3A_389 = arith.index_cast %add3A_375 : i32 to index
      %swap3A_390 = arith.constant 16 : index
      %swap3A_391 = tpu.vector_load %arg11[%swap3A_389, %swap3A_390] {strides = array<i32>} : memref<128x128xf32, #tpu.memory_space<vmem>>, vector<1x16xf32>,
      %swap3A_392 = vector.shape_cast %swap3A_391 : vector<1x16xf32> to vector<16xf32>
      %swap3A_393 = vector.shape_cast %get3A_388 : vector<16xf32> to vector<1x16xf32>
      tpu.vector_store %arg11[%swap3A_389, %swap3A_390], %swap3A_393 {strides = array<i32>} : memref<128x128xf32, #tpu.memory_space<vmem>>, vector<1x16xf32>,
      %get3A_394 = arith.index_cast %add3A_375 : i32 to index
      %get3A_395 = arith.constant 32 : index
      %get3A_396 = tpu.vector_load %arg6[%get3A_394, %get3A_395] {strides = array<i32>} : memref<128x128xf32, #tpu.memory_space<vmem>>, vector<1x16xf32>,
      %get3A_397 = vector.shape_cast %get3A_396 : vector<1x16xf32> to vector<16xf32>
      %swap3A_398 = arith.index_cast %add3A_375 : i32 to index
      %swap3A_399 = arith.constant 32 : index
      %swap3A_400 = tpu.vector_load %arg11[%swap3A_398, %swap3A_399] {strides = array<i32>} : memref<128x128xf32, #tpu.memory_space<vmem>>, vector<1x16xf32>,
      %swap3A_401 = vector.shape_cast %swap3A_400 : vector<1x16xf32> to vector<16xf32>
      %swap3A_402 = vector.shape_cast %get3A_397 : vector<16xf32> to vector<1x16xf32>
      tpu.vector_store %arg11[%swap3A_398, %swap3A_399], %swap3A_402 {strides = array<i32>} : memref<128x128xf32, #tpu.memory_space<vmem>>, vector<1x16xf32>,
      %get3A_403 = arith.index_cast %add3A_375 : i32 to index
      %get3A_404 = arith.constant 48 : index
      %get3A_405 = tpu.vector_load %arg6[%get3A_403, %get3A_404] {strides = array<i32>} : memref<128x128xf32, #tpu.memory_space<vmem>>, vector<1x16xf32>,
      %get3A_406 = vector.shape_cast %get3A_405 : vector<1x16xf32> to vector<16xf32>
      %swap3A_407 = arith.index_cast %add3A_375 : i32 to index
      %swap3A_408 = arith.constant 48 : index
      %swap3A_409 = tpu.vector_load %arg11[%swap3A_407, %swap3A_408] {strides = array<i32>} : memref<128x128xf32, #tpu.memory_space<vmem>>, vector<1x16xf32>,
      %swap3A_410 = vector.shape_cast %swap3A_409 : vector<1x16xf32> to vector<16xf32>
      %swap3A_411 = vector.shape_cast %get3A_406 : vector<16xf32> to vector<1x16xf32>
      tpu.vector_store %arg11[%swap3A_407, %swap3A_408], %swap3A_411 {strides = array<i32>} : memref<128x128xf32, #tpu.memory_space<vmem>>, vector<1x16xf32>,
      %get3A_412 = arith.index_cast %add3A_375 : i32 to index
      %get3A_413 = arith.constant 64 : index
      %get3A_414 = tpu.vector_load %arg6[%get3A_412, %get3A_413] {strides = array<i32>} : memref<128x128xf32, #tpu.memory_space<vmem>>, vector<1x16xf32>,
      %get3A_415 = vector.shape_cast %get3A_414 : vector<1x16xf32> to vector<16xf32>
      %swap3A_416 = arith.index_cast %add3A_375 : i32 to index
      %swap3A_417 = arith.constant 64 : index
      %swap3A_418 = tpu.vector_load %arg11[%swap3A_416, %swap3A_417] {strides = array<i32>} : memref<128x128xf32, #tpu.memory_space<vmem>>, vector<1x16xf32>,
      %swap3A_419 = vector.shape_cast %swap3A_418 : vector<1x16xf32> to vector<16xf32>
      %swap3A_420 = vector.shape_cast %get3A_415 : vector<16xf32> to vector<1x16xf32>
      tpu.vector_store %arg11[%swap3A_416, %swap3A_417], %swap3A_420 {strides = array<i32>} : memref<128x128xf32, #tpu.memory_space<vmem>>, vector<1x16xf32>,
      %get3A_421 = arith.index_cast %add3A_375 : i32 to index
      %get3A_422 = arith.constant 80 : index
      %get3A_423 = tpu.vector_load %arg6[%get3A_421, %get3A_422] {strides = array<i32>} : memref<128x128xf32, #tpu.memory_space<vmem>>, vector<1x16xf32>,
      %get3A_424 = vector.shape_cast %get3A_423 : vector<1x16xf32> to vector<16xf32>
      %swap3A_425 = arith.index_cast %add3A_375 : i32 to index
      %swap3A_426 = arith.constant 80 : index
      %swap3A_427 = tpu.vector_load %arg11[%swap3A_425, %swap3A_426] {strides = array<i32>} : memref<128x128xf32, #tpu.memory_space<vmem>>, vector<1x16xf32>,
      %swap3A_428 = vector.shape_cast %swap3A_427 : vector<1x16xf32> to vector<16xf32>
      %swap3A_429 = vector.shape_cast %get3A_424 : vector<16xf32> to vector<1x16xf32>
      tpu.vector_store %arg11[%swap3A_425, %swap3A_426], %swap3A_429 {strides = array<i32>} : memref<128x128xf32, #tpu.memory_space<vmem>>, vector<1x16xf32>,
      %get3A_430 = arith.index_cast %add3A_375 : i32 to index
      %get3A_431 = arith.constant 96 : index
      %get3A_432 = tpu.vector_load %arg6[%get3A_430, %get3A_431] {strides = array<i32>} : memref<128x128xf32, #tpu.memory_space<vmem>>, vector<1x16xf32>,
      %get3A_433 = vector.shape_cast %get3A_432 : vector<1x16xf32> to vector<16xf32>
      %swap3A_434 = arith.index_cast %add3A_375 : i32 to index
      %swap3A_435 = arith.constant 96 : index
      %swap3A_436 = tpu.vector_load %arg11[%swap3A_434, %swap3A_435] {strides = array<i32>} : memref<128x128xf32, #tpu.memory_space<vmem>>, vector<1x16xf32>,
      %swap3A_437 = vector.shape_cast %swap3A_436 : vector<1x16xf32> to vector<16xf32>
      %swap3A_438 = vector.shape_cast %get3A_433 : vector<16xf32> to vector<1x16xf32>
      tpu.vector_store %arg11[%swap3A_434, %swap3A_435], %swap3A_438 {strides = array<i32>} : memref<128x128xf32, #tpu.memory_space<vmem>>, vector<1x16xf32>,
      %get3A_439 = arith.index_cast %add3A_375 : i32 to index
      %get3A_440 = arith.constant 112 : index
      %get3A_441 = tpu.vector_load %arg6[%get3A_439, %get3A_440] {strides = array<i32>} : memref<128x128xf32, #tpu.memory_space<vmem>>, vector<1x16xf32>,
      %get3A_442 = vector.shape_cast %get3A_441 : vector<1x16xf32> to vector<16xf32>
      %swap3A_443 = arith.index_cast %add3A_375 : i32 to index
      %swap3A_444 = arith.constant 112 : index
      %swap3A_445 = tpu.vector_load %arg11[%swap3A_443, %swap3A_444] {strides = array<i32>} : memref<128x128xf32, #tpu.memory_space<vmem>>, vector<1x16xf32>,
      %swap3A_446 = vector.shape_cast %swap3A_445 : vector<1x16xf32> to vector<16xf32>
      %swap3A_447 = vector.shape_cast %get3A_442 : vector<16xf32> to vector<1x16xf32>
      tpu.vector_store %arg11[%swap3A_443, %swap3A_444], %swap3A_447 {strides = array<i32>} : memref<128x128xf32, #tpu.memory_space<vmem>>, vector<1x16xf32>,
      %mul3A_448 = arith.constant 8 : i32
      %mul3A_449 = arith.muli %scan3A_69, %mul3A_448 : i32
      %add3A_450 = arith.constant 5 : i32
      %add3A_451 = arith.addi %mul3A_449, %add3A_450 : i32
      %get3A_452 = arith.index_cast %add3A_451 : i32 to index
      %get3A_453 = arith.constant 0 : index
      %get3A_454 = tpu.vector_load %arg6[%get3A_452, %get3A_453] {strides = array<i32>} : memref<128x128xf32, #tpu.memory_space<vmem>>, vector<1x16xf32>,
      %get3A_455 = vector.shape_cast %get3A_454 : vector<1x16xf32> to vector<16xf32>
      %swap3A_456 = arith.index_cast %add3A_451 : i32 to index
      %swap3A_457 = arith.constant 0 : index
      %swap3A_458 = tpu.vector_load %arg11[%swap3A_456, %swap3A_457] {strides = array<i32>} : memref<128x128xf32, #tpu.memory_space<vmem>>, vector<1x16xf32>,
      %swap3A_459 = vector.shape_cast %swap3A_458 : vector<1x16xf32> to vector<16xf32>
      %swap3A_460 = vector.shape_cast %get3A_455 : vector<16xf32> to vector<1x16xf32>
      tpu.vector_store %arg11[%swap3A_456, %swap3A_457], %swap3A_460 {strides = array<i32>} : memref<128x128xf32, #tpu.memory_space<vmem>>, vector<1x16xf32>,
      %get3A_461 = arith.index_cast %add3A_451 : i32 to index
      %get3A_462 = arith.constant 16 : index
      %get3A_463 = tpu.vector_load %arg6[%get3A_461, %get3A_462] {strides = array<i32>} : memref<128x128xf32, #tpu.memory_space<vmem>>, vector<1x16xf32>,
      %get3A_464 = vector.shape_cast %get3A_463 : vector<1x16xf32> to vector<16xf32>
      %swap3A_465 = arith.index_cast %add3A_451 : i32 to index
      %swap3A_466 = arith.constant 16 : index
      %swap3A_467 = tpu.vector_load %arg11[%swap3A_465, %swap3A_466] {strides = array<i32>} : memref<128x128xf32, #tpu.memory_space<vmem>>, vector<1x16xf32>,
      %swap3A_468 = vector.shape_cast %swap3A_467 : vector<1x16xf32> to vector<16xf32>
      %swap3A_469 = vector.shape_cast %get3A_464 : vector<16xf32> to vector<1x16xf32>
      tpu.vector_store %arg11[%swap3A_465, %swap3A_466], %swap3A_469 {strides = array<i32>} : memref<128x128xf32, #tpu.memory_space<vmem>>, vector<1x16xf32>,
      %get3A_470 = arith.index_cast %add3A_451 : i32 to index
      %get3A_471 = arith.constant 32 : index
      %get3A_472 = tpu.vector_load %arg6[%get3A_470, %get3A_471] {strides = array<i32>} : memref<128x128xf32, #tpu.memory_space<vmem>>, vector<1x16xf32>,
      %get3A_473 = vector.shape_cast %get3A_472 : vector<1x16xf32> to vector<16xf32>
      %swap3A_474 = arith.index_cast %add3A_451 : i32 to index
      %swap3A_475 = arith.constant 32 : index
      %swap3A_476 = tpu.vector_load %arg11[%swap3A_474, %swap3A_475] {strides = array<i32>} : memref<128x128xf32, #tpu.memory_space<vmem>>, vector<1x16xf32>,
      %swap3A_477 = vector.shape_cast %swap3A_476 : vector<1x16xf32> to vector<16xf32>
      %swap3A_478 = vector.shape_cast %get3A_473 : vector<16xf32> to vector<1x16xf32>
      tpu.vector_store %arg11[%swap3A_474, %swap3A_475], %swap3A_478 {strides = array<i32>} : memref<128x128xf32, #tpu.memory_space<vmem>>, vector<1x16xf32>,
      %get3A_479 = arith.index_cast %add3A_451 : i32 to index
      %get3A_480 = arith.constant 48 : index
      %get3A_481 = tpu.vector_load %arg6[%get3A_479, %get3A_480] {strides = array<i32>} : memref<128x128xf32, #tpu.memory_space<vmem>>, vector<1x16xf32>,
      %get3A_482 = vector.shape_cast %get3A_481 : vector<1x16xf32> to vector<16xf32>
      %swap3A_483 = arith.index_cast %add3A_451 : i32 to index
      %swap3A_484 = arith.constant 48 : index
      %swap3A_485 = tpu.vector_load %arg11[%swap3A_483, %swap3A_484] {strides = array<i32>} : memref<128x128xf32, #tpu.memory_space<vmem>>, vector<1x16xf32>,
      %swap3A_486 = vector.shape_cast %swap3A_485 : vector<1x16xf32> to vector<16xf32>
      %swap3A_487 = vector.shape_cast %get3A_482 : vector<16xf32> to vector<1x16xf32>
      tpu.vector_store %arg11[%swap3A_483, %swap3A_484], %swap3A_487 {strides = array<i32>} : memref<128x128xf32, #tpu.memory_space<vmem>>, vector<1x16xf32>,
      %get3A_488 = arith.index_cast %add3A_451 : i32 to index
      %get3A_489 = arith.constant 64 : index
      %get3A_490 = tpu.vector_load %arg6[%get3A_488, %get3A_489] {strides = array<i32>} : memref<128x128xf32, #tpu.memory_space<vmem>>, vector<1x16xf32>,
      %get3A_491 = vector.shape_cast %get3A_490 : vector<1x16xf32> to vector<16xf32>
      %swap3A_492 = arith.index_cast %add3A_451 : i32 to index
      %swap3A_493 = arith.constant 64 : index
      %swap3A_494 = tpu.vector_load %arg11[%swap3A_492, %swap3A_493] {strides = array<i32>} : memref<128x128xf32, #tpu.memory_space<vmem>>, vector<1x16xf32>,
      %swap3A_495 = vector.shape_cast %swap3A_494 : vector<1x16xf32> to vector<16xf32>
      %swap3A_496 = vector.shape_cast %get3A_491 : vector<16xf32> to vector<1x16xf32>
      tpu.vector_store %arg11[%swap3A_492, %swap3A_493], %swap3A_496 {strides = array<i32>} : memref<128x128xf32, #tpu.memory_space<vmem>>, vector<1x16xf32>,
      %get3A_497 = arith.index_cast %add3A_451 : i32 to index
      %get3A_498 = arith.constant 80 : index
      %get3A_499 = tpu.vector_load %arg6[%get3A_497, %get3A_498] {strides = array<i32>} : memref<128x128xf32, #tpu.memory_space<vmem>>, vector<1x16xf32>,
      %get3A_500 = vector.shape_cast %get3A_499 : vector<1x16xf32> to vector<16xf32>
      %swap3A_501 = arith.index_cast %add3A_451 : i32 to index
      %swap3A_502 = arith.constant 80 : index
      %swap3A_503 = tpu.vector_load %arg11[%swap3A_501, %swap3A_502] {strides = array<i32>} : memref<128x128xf32, #tpu.memory_space<vmem>>, vector<1x16xf32>,
      %swap3A_504 = vector.shape_cast %swap3A_503 : vector<1x16xf32> to vector<16xf32>
      %swap3A_505 = vector.shape_cast %get3A_500 : vector<16xf32> to vector<1x16xf32>
      tpu.vector_store %arg11[%swap3A_501, %swap3A_502], %swap3A_505 {strides = array<i32>} : memref<128x128xf32, #tpu.memory_space<vmem>>, vector<1x16xf32>,
      %get3A_506 = arith.index_cast %add3A_451 : i32 to index
      %get3A_507 = arith.constant 96 : index
      %get3A_508 = tpu.vector_load %arg6[%get3A_506, %get3A_507] {strides = array<i32>} : memref<128x128xf32, #tpu.memory_space<vmem>>, vector<1x16xf32>,
      %get3A_509 = vector.shape_cast %get3A_508 : vector<1x16xf32> to vector<16xf32>
      %swap3A_510 = arith.index_cast %add3A_451 : i32 to index
      %swap3A_511 = arith.constant 96 : index
      %swap3A_512 = tpu.vector_load %arg11[%swap3A_510, %swap3A_511] {strides = array<i32>} : memref<128x128xf32, #tpu.memory_space<vmem>>, vector<1x16xf32>,
      %swap3A_513 = vector.shape_cast %swap3A_512 : vector<1x16xf32> to vector<16xf32>
      %swap3A_514 = vector.shape_cast %get3A_509 : vector<16xf32> to vector<1x16xf32>
      tpu.vector_store %arg11[%swap3A_510, %swap3A_511], %swap3A_514 {strides = array<i32>} : memref<128x128xf32, #tpu.memory_space<vmem>>, vector<1x16xf32>,
      %get3A_515 = arith.index_cast %add3A_451 : i32 to index
      %get3A_516 = arith.constant 112 : index
      %get3A_517 = tpu.vector_load %arg6[%get3A_515, %get3A_516] {strides = array<i32>} : memref<128x128xf32, #tpu.memory_space<vmem>>, vector<1x16xf32>,
      %get3A_518 = vector.shape_cast %get3A_517 : vector<1x16xf32> to vector<16xf32>
      %swap3A_519 = arith.index_cast %add3A_451 : i32 to index
      %swap3A_520 = arith.constant 112 : index
      %swap3A_521 = tpu.vector_load %arg11[%swap3A_519, %swap3A_520] {strides = array<i32>} : memref<128x128xf32, #tpu.memory_space<vmem>>, vector<1x16xf32>,
      %swap3A_522 = vector.shape_cast %swap3A_521 : vector<1x16xf32> to vector<16xf32>
      %swap3A_523 = vector.shape_cast %get3A_518 : vector<16xf32> to vector<1x16xf32>
      tpu.vector_store %arg11[%swap3A_519, %swap3A_520], %swap3A_523 {strides = array<i32>} : memref<128x128xf32, #tpu.memory_space<vmem>>, vector<1x16xf32>,
      %mul3A_524 = arith.constant 8 : i32
      %mul3A_525 = arith.muli %scan3A_69, %mul3A_524 : i32
      %add3A_526 = arith.constant 6 : i32
      %add3A_527 = arith.addi %mul3A_525, %add3A_526 : i32
      %get3A_528 = arith.index_cast %add3A_527 : i32 to index
      %get3A_529 = arith.constant 0 : index
      %get3A_530 = tpu.vector_load %arg6[%get3A_528, %get3A_529] {strides = array<i32>} : memref<128x128xf32, #tpu.memory_space<vmem>>, vector<1x16xf32>,
      %get3A_531 = vector.shape_cast %get3A_530 : vector<1x16xf32> to vector<16xf32>
      %swap3A_532 = arith.index_cast %add3A_527 : i32 to index
      %swap3A_533 = arith.constant 0 : index
      %swap3A_534 = tpu.vector_load %arg11[%swap3A_532, %swap3A_533] {strides = array<i32>} : memref<128x128xf32, #tpu.memory_space<vmem>>, vector<1x16xf32>,
      %swap3A_535 = vector.shape_cast %swap3A_534 : vector<1x16xf32> to vector<16xf32>
      %swap3A_536 = vector.shape_cast %get3A_531 : vector<16xf32> to vector<1x16xf32>
      tpu.vector_store %arg11[%swap3A_532, %swap3A_533], %swap3A_536 {strides = array<i32>} : memref<128x128xf32, #tpu.memory_space<vmem>>, vector<1x16xf32>,
      %get3A_537 = arith.index_cast %add3A_527 : i32 to index
      %get3A_538 = arith.constant 16 : index
      %get3A_539 = tpu.vector_load %arg6[%get3A_537, %get3A_538] {strides = array<i32>} : memref<128x128xf32, #tpu.memory_space<vmem>>, vector<1x16xf32>,
      %get3A_540 = vector.shape_cast %get3A_539 : vector<1x16xf32> to vector<16xf32>
      %swap3A_541 = arith.index_cast %add3A_527 : i32 to index
      %swap3A_542 = arith.constant 16 : index
      %swap3A_543 = tpu.vector_load %arg11[%swap3A_541, %swap3A_542] {strides = array<i32>} : memref<128x128xf32, #tpu.memory_space<vmem>>, vector<1x16xf32>,
      %swap3A_544 = vector.shape_cast %swap3A_543 : vector<1x16xf32> to vector<16xf32>
      %swap3A_545 = vector.shape_cast %get3A_540 : vector<16xf32> to vector<1x16xf32>
      tpu.vector_store %arg11[%swap3A_541, %swap3A_542], %swap3A_545 {strides = array<i32>} : memref<128x128xf32, #tpu.memory_space<vmem>>, vector<1x16xf32>,
      %get3A_546 = arith.index_cast %add3A_527 : i32 to index
      %get3A_547 = arith.constant 32 : index
      %get3A_548 = tpu.vector_load %arg6[%get3A_546, %get3A_547] {strides = array<i32>} : memref<128x128xf32, #tpu.memory_space<vmem>>, vector<1x16xf32>,
      %get3A_549 = vector.shape_cast %get3A_548 : vector<1x16xf32> to vector<16xf32>
      %swap3A_550 = arith.index_cast %add3A_527 : i32 to index
      %swap3A_551 = arith.constant 32 : index
      %swap3A_552 = tpu.vector_load %arg11[%swap3A_550, %swap3A_551] {strides = array<i32>} : memref<128x128xf32, #tpu.memory_space<vmem>>, vector<1x16xf32>,
      %swap3A_553 = vector.shape_cast %swap3A_552 : vector<1x16xf32> to vector<16xf32>
      %swap3A_554 = vector.shape_cast %get3A_549 : vector<16xf32> to vector<1x16xf32>
      tpu.vector_store %arg11[%swap3A_550, %swap3A_551], %swap3A_554 {strides = array<i32>} : memref<128x128xf32, #tpu.memory_space<vmem>>, vector<1x16xf32>,
      %get3A_555 = arith.index_cast %add3A_527 : i32 to index
      %get3A_556 = arith.constant 48 : index
      %get3A_557 = tpu.vector_load %arg6[%get3A_555, %get3A_556] {strides = array<i32>} : memref<128x128xf32, #tpu.memory_space<vmem>>, vector<1x16xf32>,
      %get3A_558 = vector.shape_cast %get3A_557 : vector<1x16xf32> to vector<16xf32>
      %swap3A_559 = arith.index_cast %add3A_527 : i32 to index
      %swap3A_560 = arith.constant 48 : index
      %swap3A_561 = tpu.vector_load %arg11[%swap3A_559, %swap3A_560] {strides = array<i32>} : memref<128x128xf32, #tpu.memory_space<vmem>>, vector<1x16xf32>,
      %swap3A_562 = vector.shape_cast %swap3A_561 : vector<1x16xf32> to vector<16xf32>
      %swap3A_563 = vector.shape_cast %get3A_558 : vector<16xf32> to vector<1x16xf32>
      tpu.vector_store %arg11[%swap3A_559, %swap3A_560], %swap3A_563 {strides = array<i32>} : memref<128x128xf32, #tpu.memory_space<vmem>>, vector<1x16xf32>,
      %get3A_564 = arith.index_cast %add3A_527 : i32 to index
      %get3A_565 = arith.constant 64 : index
      %get3A_566 = tpu.vector_load %arg6[%get3A_564, %get3A_565] {strides = array<i32>} : memref<128x128xf32, #tpu.memory_space<vmem>>, vector<1x16xf32>,
      %get3A_567 = vector.shape_cast %get3A_566 : vector<1x16xf32> to vector<16xf32>
      %swap3A_568 = arith.index_cast %add3A_527 : i32 to index
      %swap3A_569 = arith.constant 64 : index
      %swap3A_570 = tpu.vector_load %arg11[%swap3A_568, %swap3A_569] {strides = array<i32>} : memref<128x128xf32, #tpu.memory_space<vmem>>, vector<1x16xf32>,
      %swap3A_571 = vector.shape_cast %swap3A_570 : vector<1x16xf32> to vector<16xf32>
      %swap3A_572 = vector.shape_cast %get3A_567 : vector<16xf32> to vector<1x16xf32>
      tpu.vector_store %arg11[%swap3A_568, %swap3A_569], %swap3A_572 {strides = array<i32>} : memref<128x128xf32, #tpu.memory_space<vmem>>, vector<1x16xf32>,
      %get3A_573 = arith.index_cast %add3A_527 : i32 to index
      %get3A_574 = arith.constant 80 : index
      %get3A_575 = tpu.vector_load %arg6[%get3A_573, %get3A_574] {strides = array<i32>} : memref<128x128xf32, #tpu.memory_space<vmem>>, vector<1x16xf32>,
      %get3A_576 = vector.shape_cast %get3A_575 : vector<1x16xf32> to vector<16xf32>
      %swap3A_577 = arith.index_cast %add3A_527 : i32 to index
      %swap3A_578 = arith.constant 80 : index
      %swap3A_579 = tpu.vector_load %arg11[%swap3A_577, %swap3A_578] {strides = array<i32>} : memref<128x128xf32, #tpu.memory_space<vmem>>, vector<1x16xf32>,
      %swap3A_580 = vector.shape_cast %swap3A_579 : vector<1x16xf32> to vector<16xf32>
      %swap3A_581 = vector.shape_cast %get3A_576 : vector<16xf32> to vector<1x16xf32>
      tpu.vector_store %arg11[%swap3A_577, %swap3A_578], %swap3A_581 {strides = array<i32>} : memref<128x128xf32, #tpu.memory_space<vmem>>, vector<1x16xf32>,
      %get3A_582 = arith.index_cast %add3A_527 : i32 to index
      %get3A_583 = arith.constant 96 : index
      %get3A_584 = tpu.vector_load %arg6[%get3A_582, %get3A_583] {strides = array<i32>} : memref<128x128xf32, #tpu.memory_space<vmem>>, vector<1x16xf32>,
      %get3A_585 = vector.shape_cast %get3A_584 : vector<1x16xf32> to vector<16xf32>
      %swap3A_586 = arith.index_cast %add3A_527 : i32 to index
      %swap3A_587 = arith.constant 96 : index
      %swap3A_588 = tpu.vector_load %arg11[%swap3A_586, %swap3A_587] {strides = array<i32>} : memref<128x128xf32, #tpu.memory_space<vmem>>, vector<1x16xf32>,
      %swap3A_589 = vector.shape_cast %swap3A_588 : vector<1x16xf32> to vector<16xf32>
      %swap3A_590 = vector.shape_cast %get3A_585 : vector<16xf32> to vector<1x16xf32>
      tpu.vector_store %arg11[%swap3A_586, %swap3A_587], %swap3A_590 {strides = array<i32>} : memref<128x128xf32, #tpu.memory_space<vmem>>, vector<1x16xf32>,
      %get3A_591 = arith.index_cast %add3A_527 : i32 to index
      %get3A_592 = arith.constant 112 : index
      %get3A_593 = tpu.vector_load %arg6[%get3A_591, %get3A_592] {strides = array<i32>} : memref<128x128xf32, #tpu.memory_space<vmem>>, vector<1x16xf32>,
      %get3A_594 = vector.shape_cast %get3A_593 : vector<1x16xf32> to vector<16xf32>
      %swap3A_595 = arith.index_cast %add3A_527 : i32 to index
      %swap3A_596 = arith.constant 112 : index
      %swap3A_597 = tpu.vector_load %arg11[%swap3A_595, %swap3A_596] {strides = array<i32>} : memref<128x128xf32, #tpu.memory_space<vmem>>, vector<1x16xf32>,
      %swap3A_598 = vector.shape_cast %swap3A_597 : vector<1x16xf32> to vector<16xf32>
      %swap3A_599 = vector.shape_cast %get3A_594 : vector<16xf32> to vector<1x16xf32>
      tpu.vector_store %arg11[%swap3A_595, %swap3A_596], %swap3A_599 {strides = array<i32>} : memref<128x128xf32, #tpu.memory_space<vmem>>, vector<1x16xf32>,
      %mul3A_600 = arith.constant 8 : i32
      %mul3A_601 = arith.muli %scan3A_69, %mul3A_600 : i32
      %add3A_602 = arith.constant 7 : i32
      %add3A_603 = arith.addi %mul3A_601, %add3A_602 : i32
      %get3A_604 = arith.index_cast %add3A_603 : i32 to index
      %get3A_605 = arith.constant 0 : index
      %get3A_606 = tpu.vector_load %arg6[%get3A_604, %get3A_605] {strides = array<i32>} : memref<128x128xf32, #tpu.memory_space<vmem>>, vector<1x16xf32>,
      %get3A_607 = vector.shape_cast %get3A_606 : vector<1x16xf32> to vector<16xf32>
      %swap3A_608 = arith.index_cast %add3A_603 : i32 to index
      %swap3A_609 = arith.constant 0 : index
      %swap3A_610 = tpu.vector_load %arg11[%swap3A_608, %swap3A_609] {strides = array<i32>} : memref<128x128xf32, #tpu.memory_space<vmem>>, vector<1x16xf32>,
      %swap3A_611 = vector.shape_cast %swap3A_610 : vector<1x16xf32> to vector<16xf32>
      %swap3A_612 = vector.shape_cast %get3A_607 : vector<16xf32> to vector<1x16xf32>
      tpu.vector_store %arg11[%swap3A_608, %swap3A_609], %swap3A_612 {strides = array<i32>} : memref<128x128xf32, #tpu.memory_space<vmem>>, vector<1x16xf32>,
      %get3A_613 = arith.index_cast %add3A_603 : i32 to index
      %get3A_614 = arith.constant 16 : index
      %get3A_615 = tpu.vector_load %arg6[%get3A_613, %get3A_614] {strides = array<i32>} : memref<128x128xf32, #tpu.memory_space<vmem>>, vector<1x16xf32>,
      %get3A_616 = vector.shape_cast %get3A_615 : vector<1x16xf32> to vector<16xf32>
      %swap3A_617 = arith.index_cast %add3A_603 : i32 to index
      %swap3A_618 = arith.constant 16 : index
      %swap3A_619 = tpu.vector_load %arg11[%swap3A_617, %swap3A_618] {strides = array<i32>} : memref<128x128xf32, #tpu.memory_space<vmem>>, vector<1x16xf32>,
      %swap3A_620 = vector.shape_cast %swap3A_619 : vector<1x16xf32> to vector<16xf32>
      %swap3A_621 = vector.shape_cast %get3A_616 : vector<16xf32> to vector<1x16xf32>
      tpu.vector_store %arg11[%swap3A_617, %swap3A_618], %swap3A_621 {strides = array<i32>} : memref<128x128xf32, #tpu.memory_space<vmem>>, vector<1x16xf32>,
      %get3A_622 = arith.index_cast %add3A_603 : i32 to index
      %get3A_623 = arith.constant 32 : index
      %get3A_624 = tpu.vector_load %arg6[%get3A_622, %get3A_623] {strides = array<i32>} : memref<128x128xf32, #tpu.memory_space<vmem>>, vector<1x16xf32>,
      %get3A_625 = vector.shape_cast %get3A_624 : vector<1x16xf32> to vector<16xf32>
      %swap3A_626 = arith.index_cast %add3A_603 : i32 to index
      %swap3A_627 = arith.constant 32 : index
      %swap3A_628 = tpu.vector_load %arg11[%swap3A_626, %swap3A_627] {strides = array<i32>} : memref<128x128xf32, #tpu.memory_space<vmem>>, vector<1x16xf32>,
      %swap3A_629 = vector.shape_cast %swap3A_628 : vector<1x16xf32> to vector<16xf32>
      %swap3A_630 = vector.shape_cast %get3A_625 : vector<16xf32> to vector<1x16xf32>
      tpu.vector_store %arg11[%swap3A_626, %swap3A_627], %swap3A_630 {strides = array<i32>} : memref<128x128xf32, #tpu.memory_space<vmem>>, vector<1x16xf32>,
      %get3A_631 = arith.index_cast %add3A_603 : i32 to index
      %get3A_632 = arith.constant 48 : index
      %get3A_633 = tpu.vector_load %arg6[%get3A_631, %get3A_632] {strides = array<i32>} : memref<128x128xf32, #tpu.memory_space<vmem>>, vector<1x16xf32>,
      %get3A_634 = vector.shape_cast %get3A_633 : vector<1x16xf32> to vector<16xf32>
      %swap3A_635 = arith.index_cast %add3A_603 : i32 to index
      %swap3A_636 = arith.constant 48 : index
      %swap3A_637 = tpu.vector_load %arg11[%swap3A_635, %swap3A_636] {strides = array<i32>} : memref<128x128xf32, #tpu.memory_space<vmem>>, vector<1x16xf32>,
      %swap3A_638 = vector.shape_cast %swap3A_637 : vector<1x16xf32> to vector<16xf32>
      %swap3A_639 = vector.shape_cast %get3A_634 : vector<16xf32> to vector<1x16xf32>
      tpu.vector_store %arg11[%swap3A_635, %swap3A_636], %swap3A_639 {strides = array<i32>} : memref<128x128xf32, #tpu.memory_space<vmem>>, vector<1x16xf32>,
      %get3A_640 = arith.index_cast %add3A_603 : i32 to index
      %get3A_641 = arith.constant 64 : index
      %get3A_642 = tpu.vector_load %arg6[%get3A_640, %get3A_641] {strides = array<i32>} : memref<128x128xf32, #tpu.memory_space<vmem>>, vector<1x16xf32>,
      %get3A_643 = vector.shape_cast %get3A_642 : vector<1x16xf32> to vector<16xf32>
      %swap3A_644 = arith.index_cast %add3A_603 : i32 to index
      %swap3A_645 = arith.constant 64 : index
      %swap3A_646 = tpu.vector_load %arg11[%swap3A_644, %swap3A_645] {strides = array<i32>} : memref<128x128xf32, #tpu.memory_space<vmem>>, vector<1x16xf32>,
      %swap3A_647 = vector.shape_cast %swap3A_646 : vector<1x16xf32> to vector<16xf32>
      %swap3A_648 = vector.shape_cast %get3A_643 : vector<16xf32> to vector<1x16xf32>
      tpu.vector_store %arg11[%swap3A_644, %swap3A_645], %swap3A_648 {strides = array<i32>} : memref<128x128xf32, #tpu.memory_space<vmem>>, vector<1x16xf32>,
      %get3A_649 = arith.index_cast %add3A_603 : i32 to index
      %get3A_650 = arith.constant 80 : index
      %get3A_651 = tpu.vector_load %arg6[%get3A_649, %get3A_650] {strides = array<i32>} : memref<128x128xf32, #tpu.memory_space<vmem>>, vector<1x16xf32>,
      %get3A_652 = vector.shape_cast %get3A_651 : vector<1x16xf32> to vector<16xf32>
      %swap3A_653 = arith.index_cast %add3A_603 : i32 to index
      %swap3A_654 = arith.constant 80 : index
      %swap3A_655 = tpu.vector_load %arg11[%swap3A_653, %swap3A_654] {strides = array<i32>} : memref<128x128xf32, #tpu.memory_space<vmem>>, vector<1x16xf32>,
      %swap3A_656 = vector.shape_cast %swap3A_655 : vector<1x16xf32> to vector<16xf32>
      %swap3A_657 = vector.shape_cast %get3A_652 : vector<16xf32> to vector<1x16xf32>
      tpu.vector_store %arg11[%swap3A_653, %swap3A_654], %swap3A_657 {strides = array<i32>} : memref<128x128xf32, #tpu.memory_space<vmem>>, vector<1x16xf32>,
      %get3A_658 = arith.index_cast %add3A_603 : i32 to index
      %get3A_659 = arith.constant 96 : index
      %get3A_660 = tpu.vector_load %arg6[%get3A_658, %get3A_659] {strides = array<i32>} : memref<128x128xf32, #tpu.memory_space<vmem>>, vector<1x16xf32>,
      %get3A_661 = vector.shape_cast %get3A_660 : vector<1x16xf32> to vector<16xf32>
      %swap3A_662 = arith.index_cast %add3A_603 : i32 to index
      %swap3A_663 = arith.constant 96 : index
      %swap3A_664 = tpu.vector_load %arg11[%swap3A_662, %swap3A_663] {strides = array<i32>} : memref<128x128xf32, #tpu.memory_space<vmem>>, vector<1x16xf32>,
      %swap3A_665 = vector.shape_cast %swap3A_664 : vector<1x16xf32> to vector<16xf32>
      %swap3A_666 = vector.shape_cast %get3A_661 : vector<16xf32> to vector<1x16xf32>
      tpu.vector_store %arg11[%swap3A_662, %swap3A_663], %swap3A_666 {strides = array<i32>} : memref<128x128xf32, #tpu.memory_space<vmem>>, vector<1x16xf32>,
      %get3A_667 = arith.index_cast %add3A_603 : i32 to index
      %get3A_668 = arith.constant 112 : index
      %get3A_669 = tpu.vector_load %arg6[%get3A_667, %get3A_668] {strides = array<i32>} : memref<128x128xf32, #tpu.memory_space<vmem>>, vector<1x16xf32>,
      %get3A_670 = vector.shape_cast %get3A_669 : vector<1x16xf32> to vector<16xf32>
      %swap3A_671 = arith.index_cast %add3A_603 : i32 to index
      %swap3A_672 = arith.constant 112 : index
      %swap3A_673 = tpu.vector_load %arg11[%swap3A_671, %swap3A_672] {strides = array<i32>} : memref<128x128xf32, #tpu.memory_space<vmem>>, vector<1x16xf32>,
      %swap3A_674 = vector.shape_cast %swap3A_673 : vector<1x16xf32> to vector<16xf32>
      %swap3A_675 = vector.shape_cast %get3A_670 : vector<16xf32> to vector<1x16xf32>
      tpu.vector_store %arg11[%swap3A_671, %swap3A_672], %swap3A_675 {strides = array<i32>} : memref<128x128xf32, #tpu.memory_space<vmem>>, vector<1x16xf32>,
    }
    %scan3A_47 = arith.constant 16 : i32
    %scan3A_48 = arith.constant 0 : i32
    %scan3A_49 = arith.constant 0 : i32
    %scan3A_50 = arith.constant 12 : i32
    %scan3A_51 = arith.addi %scan3A_49, %scan3A_50 : i32
    %scan3A_52 = arith.constant 1 : i32
    scf.for %scan3A_69 = %scan3A_49 to %scan3A_51 step %scan3A_52  : i32 {
      %mul3A_70 = arith.constant 4 : i32
      %mul3A_71 = arith.muli %mul3A_70, %scan3A_69 : i32
      %add3A_72 = arith.constant 1 : i32
      %add3A_73 = arith.addi %mul3A_71, %add3A_72 : i32
      %add3A_74 = arith.constant 0 : i32
      %add3A_75 = arith.addi %add3A_73, %add3A_74 : i32
      %dma_wait3A_76 = arith.constant 0 : i32
      %dma_wait3A_77 = arith.constant 0 : i32
      %dma_wait3A_78 = tpu.memref_slice %arg5[%dma_wait3A_76, %dma_wait3A_77] : memref<50x128xi32, #tpu.memory_space<vmem>> -> memref<1x128xi32, #tpu.memory_space<vmem>>
      %dma_wait3A_79 = tpu.memref_squeeze %dma_wait3A_78 : memref<1x128xi32, #tpu.memory_space<vmem>> -> memref<128xi32, #tpu.memory_space<vmem>>
      %dma_wait3A_80 = arith.constant 0 : i32
      %dma_wait3A_81 = arith.constant 0 : i32
      %dma_wait3A_82 = tpu.memref_slice %arg3[%dma_wait3A_80, %dma_wait3A_81] : memref<100001x128xf32, #tpu.memory_space<hbm>> -> memref<100001x128xf32, #tpu.memory_space<hbm>>
      tpu.wait_indirect_dma semaphore(%arg13 : memref<!tpu.dma_semaphore, #tpu.memory_space<semaphore_mem>>) src(%dma_wait3A_82 : memref<100001x128xf32, #tpu.memory_space<hbm>>) dst(%arg7 : memref<128x128xf32, #tpu.memory_space<vmem>>)
      %scan3A_83 = arith.constant 0 : i32
      %scan3A_84 = arith.constant 0 : i32
      %scan3A_85 = arith.constant 16 : i32
      %scan3A_86 = arith.addi %scan3A_84, %scan3A_85 : i32
      %scan3A_87 = arith.constant 1 : i32
      scf.for %scan3A_171 = %scan3A_84 to %scan3A_86 step %scan3A_87  : i32 {
        %mul3A_172 = arith.constant 8 : i32
        %mul3A_173 = arith.muli %scan3A_171, %mul3A_172 : i32
        %add3A_174 = arith.constant 0 : i32
        %add3A_175 = arith.addi %mul3A_173, %add3A_174 : i32
        %get3A = arith.index_cast %add3A_175 : i32 to index
        %get3A_176 = arith.constant 0 : index
        %get3A_177 = tpu.vector_load %arg7[%get3A, %get3A_176] {strides = array<i32>} : memref<128x128xf32, #tpu.memory_space<vmem>>, vector<1x16xf32>,
        %get3A_178 = vector.shape_cast %get3A_177 : vector<1x16xf32> to vector<16xf32>
        %swap3A = arith.index_cast %add3A_175 : i32 to index
        %swap3A_179 = arith.constant 0 : index
        %swap3A_180 = tpu.vector_load %arg11[%swap3A, %swap3A_179] {strides = array<i32>} : memref<128x128xf32, #tpu.memory_space<vmem>>, vector<1x16xf32>,
        %swap3A_181 = vector.shape_cast %swap3A_180 : vector<1x16xf32> to vector<16xf32>
        %swap3A_182 = vector.shape_cast %get3A_178 : vector<16xf32> to vector<1x16xf32>
        tpu.vector_store %arg11[%swap3A, %swap3A_179], %swap3A_182 {add = true, strides = array<i32>} : memref<128x128xf32, #tpu.memory_space<vmem>>, vector<1x16xf32>,
        %get3A_183 = arith.index_cast %add3A_175 : i32 to index
        %get3A_184 = arith.constant 16 : index
        %get3A_185 = tpu.vector_load %arg7[%get3A_183, %get3A_184] {strides = array<i32>} : memref<128x128xf32, #tpu.memory_space<vmem>>, vector<1x16xf32>,
        %get3A_186 = vector.shape_cast %get3A_185 : vector<1x16xf32> to vector<16xf32>
        %swap3A_187 = arith.index_cast %add3A_175 : i32 to index
        %swap3A_188 = arith.constant 16 : index
        %swap3A_189 = tpu.vector_load %arg11[%swap3A_187, %swap3A_188] {strides = array<i32>} : memref<128x128xf32, #tpu.memory_space<vmem>>, vector<1x16xf32>,
        %swap3A_190 = vector.shape_cast %swap3A_189 : vector<1x16xf32> to vector<16xf32>
        %swap3A_191 = vector.shape_cast %get3A_186 : vector<16xf32> to vector<1x16xf32>
        tpu.vector_store %arg11[%swap3A_187, %swap3A_188], %swap3A_191 {add = true, strides = array<i32>} : memref<128x128xf32, #tpu.memory_space<vmem>>, vector<1x16xf32>,
        %get3A_192 = arith.index_cast %add3A_175 : i32 to index
        %get3A_193 = arith.constant 32 : index
        %get3A_194 = tpu.vector_load %arg7[%get3A_192, %get3A_193] {strides = array<i32>} : memref<128x128xf32, #tpu.memory_space<vmem>>, vector<1x16xf32>,
        %get3A_195 = vector.shape_cast %get3A_194 : vector<1x16xf32> to vector<16xf32>
        %swap3A_196 = arith.index_cast %add3A_175 : i32 to index
        %swap3A_197 = arith.constant 32 : index
        %swap3A_198 = tpu.vector_load %arg11[%swap3A_196, %swap3A_197] {strides = array<i32>} : memref<128x128xf32, #tpu.memory_space<vmem>>, vector<1x16xf32>,
        %swap3A_199 = vector.shape_cast %swap3A_198 : vector<1x16xf32> to vector<16xf32>
        %swap3A_200 = vector.shape_cast %get3A_195 : vector<16xf32> to vector<1x16xf32>
        tpu.vector_store %arg11[%swap3A_196, %swap3A_197], %swap3A_200 {add = true, strides = array<i32>} : memref<128x128xf32, #tpu.memory_space<vmem>>, vector<1x16xf32>,
        %get3A_201 = arith.index_cast %add3A_175 : i32 to index
        %get3A_202 = arith.constant 48 : index
        %get3A_203 = tpu.vector_load %arg7[%get3A_201, %get3A_202] {strides = array<i32>} : memref<128x128xf32, #tpu.memory_space<vmem>>, vector<1x16xf32>,
        %get3A_204 = vector.shape_cast %get3A_203 : vector<1x16xf32> to vector<16xf32>
        %swap3A_205 = arith.index_cast %add3A_175 : i32 to index
        %swap3A_206 = arith.constant 48 : index
        %swap3A_207 = tpu.vector_load %arg11[%swap3A_205, %swap3A_206] {strides = array<i32>} : memref<128x128xf32, #tpu.memory_space<vmem>>, vector<1x16xf32>,
        %swap3A_208 = vector.shape_cast %swap3A_207 : vector<1x16xf32> to vector<16xf32>
        %swap3A_209 = vector.shape_cast %get3A_204 : vector<16xf32> to vector<1x16xf32>
        tpu.vector_store %arg11[%swap3A_205, %swap3A_206], %swap3A_209 {add = true, strides = array<i32>} : memref<128x128xf32, #tpu.memory_space<vmem>>, vector<1x16xf32>,
        %get3A_210 = arith.index_cast %add3A_175 : i32 to index
        %get3A_211 = arith.constant 64 : index
        %get3A_212 = tpu.vector_load %arg7[%get3A_210, %get3A_211] {strides = array<i32>} : memref<128x128xf32, #tpu.memory_space<vmem>>, vector<1x16xf32>,
        %get3A_213 = vector.shape_cast %get3A_212 : vector<1x16xf32> to vector<16xf32>
        %swap3A_214 = arith.index_cast %add3A_175 : i32 to index
        %swap3A_215 = arith.constant 64 : index
        %swap3A_216 = tpu.vector_load %arg11[%swap3A_214, %swap3A_215] {strides = array<i32>} : memref<128x128xf32, #tpu.memory_space<vmem>>, vector<1x16xf32>,
        %swap3A_217 = vector.shape_cast %swap3A_216 : vector<1x16xf32> to vector<16xf32>
        %swap3A_218 = vector.shape_cast %get3A_213 : vector<16xf32> to vector<1x16xf32>
        tpu.vector_store %arg11[%swap3A_214, %swap3A_215], %swap3A_218 {add = true, strides = array<i32>} : memref<128x128xf32, #tpu.memory_space<vmem>>, vector<1x16xf32>,
        %get3A_219 = arith.index_cast %add3A_175 : i32 to index
        %get3A_220 = arith.constant 80 : index
        %get3A_221 = tpu.vector_load %arg7[%get3A_219, %get3A_220] {strides = array<i32>} : memref<128x128xf32, #tpu.memory_space<vmem>>, vector<1x16xf32>,
        %get3A_222 = vector.shape_cast %get3A_221 : vector<1x16xf32> to vector<16xf32>
        %swap3A_223 = arith.index_cast %add3A_175 : i32 to index
        %swap3A_224 = arith.constant 80 : index
        %swap3A_225 = tpu.vector_load %arg11[%swap3A_223, %swap3A_224] {strides = array<i32>} : memref<128x128xf32, #tpu.memory_space<vmem>>, vector<1x16xf32>,
        %swap3A_226 = vector.shape_cast %swap3A_225 : vector<1x16xf32> to vector<16xf32>
        %swap3A_227 = vector.shape_cast %get3A_222 : vector<16xf32> to vector<1x16xf32>
        tpu.vector_store %arg11[%swap3A_223, %swap3A_224], %swap3A_227 {add = true, strides = array<i32>} : memref<128x128xf32, #tpu.memory_space<vmem>>, vector<1x16xf32>,
        %get3A_228 = arith.index_cast %add3A_175 : i32 to index
        %get3A_229 = arith.constant 96 : index
        %get3A_230 = tpu.vector_load %arg7[%get3A_228, %get3A_229] {strides = array<i32>} : memref<128x128xf32, #tpu.memory_space<vmem>>, vector<1x16xf32>,
        %get3A_231 = vector.shape_cast %get3A_230 : vector<1x16xf32> to vector<16xf32>
        %swap3A_232 = arith.index_cast %add3A_175 : i32 to index
        %swap3A_233 = arith.constant 96 : index
        %swap3A_234 = tpu.vector_load %arg11[%swap3A_232, %swap3A_233] {strides = array<i32>} : memref<128x128xf32, #tpu.memory_space<vmem>>, vector<1x16xf32>,
        %swap3A_235 = vector.shape_cast %swap3A_234 : vector<1x16xf32> to vector<16xf32>
        %swap3A_236 = vector.shape_cast %get3A_231 : vector<16xf32> to vector<1x16xf32>
        tpu.vector_store %arg11[%swap3A_232, %swap3A_233], %swap3A_236 {add = true, strides = array<i32>} : memref<128x128xf32, #tpu.memory_space<vmem>>, vector<1x16xf32>,
        %get3A_237 = arith.index_cast %add3A_175 : i32 to index
        %get3A_238 = arith.constant 112 : index
        %get3A_239 = tpu.vector_load %arg7[%get3A_237, %get3A_238] {strides = array<i32>} : memref<128x128xf32, #tpu.memory_space<vmem>>, vector<1x16xf32>,
        %get3A_240 = vector.shape_cast %get3A_239 : vector<1x16xf32> to vector<16xf32>
        %swap3A_241 = arith.index_cast %add3A_175 : i32 to index
        %swap3A_242 = arith.constant 112 : index
        %swap3A_243 = tpu.vector_load %arg11[%swap3A_241, %swap3A_242] {strides = array<i32>} : memref<128x128xf32, #tpu.memory_space<vmem>>, vector<1x16xf32>,
        %swap3A_244 = vector.shape_cast %swap3A_243 : vector<1x16xf32> to vector<16xf32>
        %swap3A_245 = vector.shape_cast %get3A_240 : vector<16xf32> to vector<1x16xf32>
        tpu.vector_store %arg11[%swap3A_241, %swap3A_242], %swap3A_245 {add = true, strides = array<i32>} : memref<128x128xf32, #tpu.memory_space<vmem>>, vector<1x16xf32>,
        %mul3A_246 = arith.constant 8 : i32
        %mul3A_247 = arith.muli %scan3A_171, %mul3A_246 : i32
        %add3A_248 = arith.constant 1 : i32
        %add3A_249 = arith.addi %mul3A_247, %add3A_248 : i32
        %get3A_250 = arith.index_cast %add3A_249 : i32 to index
        %get3A_251 = arith.constant 0 : index
        %get3A_252 = tpu.vector_load %arg7[%get3A_250, %get3A_251] {strides = array<i32>} : memref<128x128xf32, #tpu.memory_space<vmem>>, vector<1x16xf32>,
        %get3A_253 = vector.shape_cast %get3A_252 : vector<1x16xf32> to vector<16xf32>
        %swap3A_254 = arith.index_cast %add3A_249 : i32 to index
        %swap3A_255 = arith.constant 0 : index
        %swap3A_256 = tpu.vector_load %arg11[%swap3A_254, %swap3A_255] {strides = array<i32>} : memref<128x128xf32, #tpu.memory_space<vmem>>, vector<1x16xf32>,
        %swap3A_257 = vector.shape_cast %swap3A_256 : vector<1x16xf32> to vector<16xf32>
        %swap3A_258 = vector.shape_cast %get3A_253 : vector<16xf32> to vector<1x16xf32>
        tpu.vector_store %arg11[%swap3A_254, %swap3A_255], %swap3A_258 {add = true, strides = array<i32>} : memref<128x128xf32, #tpu.memory_space<vmem>>, vector<1x16xf32>,
        %get3A_259 = arith.index_cast %add3A_249 : i32 to index
        %get3A_260 = arith.constant 16 : index
        %get3A_261 = tpu.vector_load %arg7[%get3A_259, %get3A_260] {strides = array<i32>} : memref<128x128xf32, #tpu.memory_space<vmem>>, vector<1x16xf32>,
        %get3A_262 = vector.shape_cast %get3A_261 : vector<1x16xf32> to vector<16xf32>
        %swap3A_263 = arith.index_cast %add3A_249 : i32 to index
        %swap3A_264 = arith.constant 16 : index
        %swap3A_265 = tpu.vector_load %arg11[%swap3A_263, %swap3A_264] {strides = array<i32>} : memref<128x128xf32, #tpu.memory_space<vmem>>, vector<1x16xf32>,
        %swap3A_266 = vector.shape_cast %swap3A_265 : vector<1x16xf32> to vector<16xf32>
        %swap3A_267 = vector.shape_cast %get3A_262 : vector<16xf32> to vector<1x16xf32>
        tpu.vector_store %arg11[%swap3A_263, %swap3A_264], %swap3A_267 {add = true, strides = array<i32>} : memref<128x128xf32, #tpu.memory_space<vmem>>, vector<1x16xf32>,
        %get3A_268 = arith.index_cast %add3A_249 : i32 to index
        %get3A_269 = arith.constant 32 : index
        %get3A_270 = tpu.vector_load %arg7[%get3A_268, %get3A_269] {strides = array<i32>} : memref<128x128xf32, #tpu.memory_space<vmem>>, vector<1x16xf32>,
        %get3A_271 = vector.shape_cast %get3A_270 : vector<1x16xf32> to vector<16xf32>
        %swap3A_272 = arith.index_cast %add3A_249 : i32 to index
        %swap3A_273 = arith.constant 32 : index
        %swap3A_274 = tpu.vector_load %arg11[%swap3A_272, %swap3A_273] {strides = array<i32>} : memref<128x128xf32, #tpu.memory_space<vmem>>, vector<1x16xf32>,
        %swap3A_275 = vector.shape_cast %swap3A_274 : vector<1x16xf32> to vector<16xf32>
        %swap3A_276 = vector.shape_cast %get3A_271 : vector<16xf32> to vector<1x16xf32>
        tpu.vector_store %arg11[%swap3A_272, %swap3A_273], %swap3A_276 {add = true, strides = array<i32>} : memref<128x128xf32, #tpu.memory_space<vmem>>, vector<1x16xf32>,
        %get3A_277 = arith.index_cast %add3A_249 : i32 to index
        %get3A_278 = arith.constant 48 : index
        %get3A_279 = tpu.vector_load %arg7[%get3A_277, %get3A_278] {strides = array<i32>} : memref<128x128xf32, #tpu.memory_space<vmem>>, vector<1x16xf32>,
        %get3A_280 = vector.shape_cast %get3A_279 : vector<1x16xf32> to vector<16xf32>
        %swap3A_281 = arith.index_cast %add3A_249 : i32 to index
        %swap3A_282 = arith.constant 48 : index
        %swap3A_283 = tpu.vector_load %arg11[%swap3A_281, %swap3A_282] {strides = array<i32>} : memref<128x128xf32, #tpu.memory_space<vmem>>, vector<1x16xf32>,
        %swap3A_284 = vector.shape_cast %swap3A_283 : vector<1x16xf32> to vector<16xf32>
        %swap3A_285 = vector.shape_cast %get3A_280 : vector<16xf32> to vector<1x16xf32>
        tpu.vector_store %arg11[%swap3A_281, %swap3A_282], %swap3A_285 {add = true, strides = array<i32>} : memref<128x128xf32, #tpu.memory_space<vmem>>, vector<1x16xf32>,
        %get3A_286 = arith.index_cast %add3A_249 : i32 to index
        %get3A_287 = arith.constant 64 : index
        %get3A_288 = tpu.vector_load %arg7[%get3A_286, %get3A_287] {strides = array<i32>} : memref<128x128xf32, #tpu.memory_space<vmem>>, vector<1x16xf32>,
        %get3A_289 = vector.shape_cast %get3A_288 : vector<1x16xf32> to vector<16xf32>
        %swap3A_290 = arith.index_cast %add3A_249 : i32 to index
        %swap3A_291 = arith.constant 64 : index
        %swap3A_292 = tpu.vector_load %arg11[%swap3A_290, %swap3A_291] {strides = array<i32>} : memref<128x128xf32, #tpu.memory_space<vmem>>, vector<1x16xf32>,
        %swap3A_293 = vector.shape_cast %swap3A_292 : vector<1x16xf32> to vector<16xf32>
        %swap3A_294 = vector.shape_cast %get3A_289 : vector<16xf32> to vector<1x16xf32>
        tpu.vector_store %arg11[%swap3A_290, %swap3A_291], %swap3A_294 {add = true, strides = array<i32>} : memref<128x128xf32, #tpu.memory_space<vmem>>, vector<1x16xf32>,
        %get3A_295 = arith.index_cast %add3A_249 : i32 to index
        %get3A_296 = arith.constant 80 : index
        %get3A_297 = tpu.vector_load %arg7[%get3A_295, %get3A_296] {strides = array<i32>} : memref<128x128xf32, #tpu.memory_space<vmem>>, vector<1x16xf32>,
        %get3A_298 = vector.shape_cast %get3A_297 : vector<1x16xf32> to vector<16xf32>
        %swap3A_299 = arith.index_cast %add3A_249 : i32 to index
        %swap3A_300 = arith.constant 80 : index
        %swap3A_301 = tpu.vector_load %arg11[%swap3A_299, %swap3A_300] {strides = array<i32>} : memref<128x128xf32, #tpu.memory_space<vmem>>, vector<1x16xf32>,
        %swap3A_302 = vector.shape_cast %swap3A_301 : vector<1x16xf32> to vector<16xf32>
        %swap3A_303 = vector.shape_cast %get3A_298 : vector<16xf32> to vector<1x16xf32>
        tpu.vector_store %arg11[%swap3A_299, %swap3A_300], %swap3A_303 {add = true, strides = array<i32>} : memref<128x128xf32, #tpu.memory_space<vmem>>, vector<1x16xf32>,
        %get3A_304 = arith.index_cast %add3A_249 : i32 to index
        %get3A_305 = arith.constant 96 : index
        %get3A_306 = tpu.vector_load %arg7[%get3A_304, %get3A_305] {strides = array<i32>} : memref<128x128xf32, #tpu.memory_space<vmem>>, vector<1x16xf32>,
        %get3A_307 = vector.shape_cast %get3A_306 : vector<1x16xf32> to vector<16xf32>
        %swap3A_308 = arith.index_cast %add3A_249 : i32 to index
        %swap3A_309 = arith.constant 96 : index
        %swap3A_310 = tpu.vector_load %arg11[%swap3A_308, %swap3A_309] {strides = array<i32>} : memref<128x128xf32, #tpu.memory_space<vmem>>, vector<1x16xf32>,
        %swap3A_311 = vector.shape_cast %swap3A_310 : vector<1x16xf32> to vector<16xf32>
        %swap3A_312 = vector.shape_cast %get3A_307 : vector<16xf32> to vector<1x16xf32>
        tpu.vector_store %arg11[%swap3A_308, %swap3A_309], %swap3A_312 {add = true, strides = array<i32>} : memref<128x128xf32, #tpu.memory_space<vmem>>, vector<1x16xf32>,
        %get3A_313 = arith.index_cast %add3A_249 : i32 to index
        %get3A_314 = arith.constant 112 : index
        %get3A_315 = tpu.vector_load %arg7[%get3A_313, %get3A_314] {strides = array<i32>} : memref<128x128xf32, #tpu.memory_space<vmem>>, vector<1x16xf32>,
        %get3A_316 = vector.shape_cast %get3A_315 : vector<1x16xf32> to vector<16xf32>
        %swap3A_317 = arith.index_cast %add3A_249 : i32 to index
        %swap3A_318 = arith.constant 112 : index
        %swap3A_319 = tpu.vector_load %arg11[%swap3A_317, %swap3A_318] {strides = array<i32>} : memref<128x128xf32, #tpu.memory_space<vmem>>, vector<1x16xf32>,
        %swap3A_320 = vector.shape_cast %swap3A_319 : vector<1x16xf32> to vector<16xf32>
        %swap3A_321 = vector.shape_cast %get3A_316 : vector<16xf32> to vector<1x16xf32>
        tpu.vector_store %arg11[%swap3A_317, %swap3A_318], %swap3A_321 {add = true, strides = array<i32>} : memref<128x128xf32, #tpu.memory_space<vmem>>, vector<1x16xf32>,
        %mul3A_322 = arith.constant 8 : i32
        %mul3A_323 = arith.muli %scan3A_171, %mul3A_322 : i32
        %add3A_324 = arith.constant 2 : i32
        %add3A_325 = arith.addi %mul3A_323, %add3A_324 : i32
        %get3A_326 = arith.index_cast %add3A_325 : i32 to index
        %get3A_327 = arith.constant 0 : index
        %get3A_328 = tpu.vector_load %arg7[%get3A_326, %get3A_327] {strides = array<i32>} : memref<128x128xf32, #tpu.memory_space<vmem>>, vector<1x16xf32>,
        %get3A_329 = vector.shape_cast %get3A_328 : vector<1x16xf32> to vector<16xf32>
        %swap3A_330 = arith.index_cast %add3A_325 : i32 to index
        %swap3A_331 = arith.constant 0 : index
        %swap3A_332 = tpu.vector_load %arg11[%swap3A_330, %swap3A_331] {strides = array<i32>} : memref<128x128xf32, #tpu.memory_space<vmem>>, vector<1x16xf32>,
        %swap3A_333 = vector.shape_cast %swap3A_332 : vector<1x16xf32> to vector<16xf32>
        %swap3A_334 = vector.shape_cast %get3A_329 : vector<16xf32> to vector<1x16xf32>
        tpu.vector_store %arg11[%swap3A_330, %swap3A_331], %swap3A_334 {add = true, strides = array<i32>} : memref<128x128xf32, #tpu.memory_space<vmem>>, vector<1x16xf32>,
        %get3A_335 = arith.index_cast %add3A_325 : i32 to index
        %get3A_336 = arith.constant 16 : index
        %get3A_337 = tpu.vector_load %arg7[%get3A_335, %get3A_336] {strides = array<i32>} : memref<128x128xf32, #tpu.memory_space<vmem>>, vector<1x16xf32>,
        %get3A_338 = vector.shape_cast %get3A_337 : vector<1x16xf32> to vector<16xf32>
        %swap3A_339 = arith.index_cast %add3A_325 : i32 to index
        %swap3A_340 = arith.constant 16 : index
        %swap3A_341 = tpu.vector_load %arg11[%swap3A_339, %swap3A_340] {strides = array<i32>} : memref<128x128xf32, #tpu.memory_space<vmem>>, vector<1x16xf32>,
        %swap3A_342 = vector.shape_cast %swap3A_341 : vector<1x16xf32> to vector<16xf32>
        %swap3A_343 = vector.shape_cast %get3A_338 : vector<16xf32> to vector<1x16xf32>
        tpu.vector_store %arg11[%swap3A_339, %swap3A_340], %swap3A_343 {add = true, strides = array<i32>} : memref<128x128xf32, #tpu.memory_space<vmem>>, vector<1x16xf32>,
        %get3A_344 = arith.index_cast %add3A_325 : i32 to index
        %get3A_345 = arith.constant 32 : index
        %get3A_346 = tpu.vector_load %arg7[%get3A_344, %get3A_345] {strides = array<i32>} : memref<128x128xf32, #tpu.memory_space<vmem>>, vector<1x16xf32>,
        %get3A_347 = vector.shape_cast %get3A_346 : vector<1x16xf32> to vector<16xf32>
        %swap3A_348 = arith.index_cast %add3A_325 : i32 to index
        %swap3A_349 = arith.constant 32 : index
        %swap3A_350 = tpu.vector_load %arg11[%swap3A_348, %swap3A_349] {strides = array<i32>} : memref<128x128xf32, #tpu.memory_space<vmem>>, vector<1x16xf32>,
        %swap3A_351 = vector.shape_cast %swap3A_350 : vector<1x16xf32> to vector<16xf32>
        %swap3A_352 = vector.shape_cast %get3A_347 : vector<16xf32> to vector<1x16xf32>
        tpu.vector_store %arg11[%swap3A_348, %swap3A_349], %swap3A_352 {add = true, strides = array<i32>} : memref<128x128xf32, #tpu.memory_space<vmem>>, vector<1x16xf32>,
        %get3A_353 = arith.index_cast %add3A_325 : i32 to index
        %get3A_354 = arith.constant 48 : index
        %get3A_355 = tpu.vector_load %arg7[%get3A_353, %get3A_354] {strides = array<i32>} : memref<128x128xf32, #tpu.memory_space<vmem>>, vector<1x16xf32>,
        %get3A_356 = vector.shape_cast %get3A_355 : vector<1x16xf32> to vector<16xf32>
        %swap3A_357 = arith.index_cast %add3A_325 : i32 to index
        %swap3A_358 = arith.constant 48 : index
        %swap3A_359 = tpu.vector_load %arg11[%swap3A_357, %swap3A_358] {strides = array<i32>} : memref<128x128xf32, #tpu.memory_space<vmem>>, vector<1x16xf32>,
        %swap3A_360 = vector.shape_cast %swap3A_359 : vector<1x16xf32> to vector<16xf32>
        %swap3A_361 = vector.shape_cast %get3A_356 : vector<16xf32> to vector<1x16xf32>
        tpu.vector_store %arg11[%swap3A_357, %swap3A_358], %swap3A_361 {add = true, strides = array<i32>} : memref<128x128xf32, #tpu.memory_space<vmem>>, vector<1x16xf32>,
        %get3A_362 = arith.index_cast %add3A_325 : i32 to index
        %get3A_363 = arith.constant 64 : index
        %get3A_364 = tpu.vector_load %arg7[%get3A_362, %get3A_363] {strides = array<i32>} : memref<128x128xf32, #tpu.memory_space<vmem>>, vector<1x16xf32>,
        %get3A_365 = vector.shape_cast %get3A_364 : vector<1x16xf32> to vector<16xf32>
        %swap3A_366 = arith.index_cast %add3A_325 : i32 to index
        %swap3A_367 = arith.constant 64 : index
        %swap3A_368 = tpu.vector_load %arg11[%swap3A_366, %swap3A_367] {strides = array<i32>} : memref<128x128xf32, #tpu.memory_space<vmem>>, vector<1x16xf32>,
        %swap3A_369 = vector.shape_cast %swap3A_368 : vector<1x16xf32> to vector<16xf32>
        %swap3A_370 = vector.shape_cast %get3A_365 : vector<16xf32> to vector<1x16xf32>
        tpu.vector_store %arg11[%swap3A_366, %swap3A_367], %swap3A_370 {add = true, strides = array<i32>} : memref<128x128xf32, #tpu.memory_space<vmem>>, vector<1x16xf32>,
        %get3A_371 = arith.index_cast %add3A_325 : i32 to index
        %get3A_372 = arith.constant 80 : index
        %get3A_373 = tpu.vector_load %arg7[%get3A_371, %get3A_372] {strides = array<i32>} : memref<128x128xf32, #tpu.memory_space<vmem>>, vector<1x16xf32>,
        %get3A_374 = vector.shape_cast %get3A_373 : vector<1x16xf32> to vector<16xf32>
        %swap3A_375 = arith.index_cast %add3A_325 : i32 to index
        %swap3A_376 = arith.constant 80 : index
        %swap3A_377 = tpu.vector_load %arg11[%swap3A_375, %swap3A_376] {strides = array<i32>} : memref<128x128xf32, #tpu.memory_space<vmem>>, vector<1x16xf32>,
        %swap3A_378 = vector.shape_cast %swap3A_377 : vector<1x16xf32> to vector<16xf32>
        %swap3A_379 = vector.shape_cast %get3A_374 : vector<16xf32> to vector<1x16xf32>
        tpu.vector_store %arg11[%swap3A_375, %swap3A_376], %swap3A_379 {add = true, strides = array<i32>} : memref<128x128xf32, #tpu.memory_space<vmem>>, vector<1x16xf32>,
        %get3A_380 = arith.index_cast %add3A_325 : i32 to index
        %get3A_381 = arith.constant 96 : index
        %get3A_382 = tpu.vector_load %arg7[%get3A_380, %get3A_381] {strides = array<i32>} : memref<128x128xf32, #tpu.memory_space<vmem>>, vector<1x16xf32>,
        %get3A_383 = vector.shape_cast %get3A_382 : vector<1x16xf32> to vector<16xf32>
        %swap3A_384 = arith.index_cast %add3A_325 : i32 to index
        %swap3A_385 = arith.constant 96 : index
        %swap3A_386 = tpu.vector_load %arg11[%swap3A_384, %swap3A_385] {strides = array<i32>} : memref<128x128xf32, #tpu.memory_space<vmem>>, vector<1x16xf32>,
        %swap3A_387 = vector.shape_cast %swap3A_386 : vector<1x16xf32> to vector<16xf32>
        %swap3A_388 = vector.shape_cast %get3A_383 : vector<16xf32> to vector<1x16xf32>
        tpu.vector_store %arg11[%swap3A_384, %swap3A_385], %swap3A_388 {add = true, strides = array<i32>} : memref<128x128xf32, #tpu.memory_space<vmem>>, vector<1x16xf32>,
        %get3A_389 = arith.index_cast %add3A_325 : i32 to index
        %get3A_390 = arith.constant 112 : index
        %get3A_391 = tpu.vector_load %arg7[%get3A_389, %get3A_390] {strides = array<i32>} : memref<128x128xf32, #tpu.memory_space<vmem>>, vector<1x16xf32>,
        %get3A_392 = vector.shape_cast %get3A_391 : vector<1x16xf32> to vector<16xf32>
        %swap3A_393 = arith.index_cast %add3A_325 : i32 to index
        %swap3A_394 = arith.constant 112 : index
        %swap3A_395 = tpu.vector_load %arg11[%swap3A_393, %swap3A_394] {strides = array<i32>} : memref<128x128xf32, #tpu.memory_space<vmem>>, vector<1x16xf32>,
        %swap3A_396 = vector.shape_cast %swap3A_395 : vector<1x16xf32> to vector<16xf32>
        %swap3A_397 = vector.shape_cast %get3A_392 : vector<16xf32> to vector<1x16xf32>
        tpu.vector_store %arg11[%swap3A_393, %swap3A_394], %swap3A_397 {add = true, strides = array<i32>} : memref<128x128xf32, #tpu.memory_space<vmem>>, vector<1x16xf32>,
        %mul3A_398 = arith.constant 8 : i32
        %mul3A_399 = arith.muli %scan3A_171, %mul3A_398 : i32
        %add3A_400 = arith.constant 3 : i32
        %add3A_401 = arith.addi %mul3A_399, %add3A_400 : i32
        %get3A_402 = arith.index_cast %add3A_401 : i32 to index
        %get3A_403 = arith.constant 0 : index
        %get3A_404 = tpu.vector_load %arg7[%get3A_402, %get3A_403] {strides = array<i32>} : memref<128x128xf32, #tpu.memory_space<vmem>>, vector<1x16xf32>,
        %get3A_405 = vector.shape_cast %get3A_404 : vector<1x16xf32> to vector<16xf32>
        %swap3A_406 = arith.index_cast %add3A_401 : i32 to index
        %swap3A_407 = arith.constant 0 : index
        %swap3A_408 = tpu.vector_load %arg11[%swap3A_406, %swap3A_407] {strides = array<i32>} : memref<128x128xf32, #tpu.memory_space<vmem>>, vector<1x16xf32>,
        %swap3A_409 = vector.shape_cast %swap3A_408 : vector<1x16xf32> to vector<16xf32>
        %swap3A_410 = vector.shape_cast %get3A_405 : vector<16xf32> to vector<1x16xf32>
        tpu.vector_store %arg11[%swap3A_406, %swap3A_407], %swap3A_410 {add = true, strides = array<i32>} : memref<128x128xf32, #tpu.memory_space<vmem>>, vector<1x16xf32>,
        %get3A_411 = arith.index_cast %add3A_401 : i32 to index
        %get3A_412 = arith.constant 16 : index
        %get3A_413 = tpu.vector_load %arg7[%get3A_411, %get3A_412] {strides = array<i32>} : memref<128x128xf32, #tpu.memory_space<vmem>>, vector<1x16xf32>,
        %get3A_414 = vector.shape_cast %get3A_413 : vector<1x16xf32> to vector<16xf32>
        %swap3A_415 = arith.index_cast %add3A_401 : i32 to index
        %swap3A_416 = arith.constant 16 : index
        %swap3A_417 = tpu.vector_load %arg11[%swap3A_415, %swap3A_416] {strides = array<i32>} : memref<128x128xf32, #tpu.memory_space<vmem>>, vector<1x16xf32>,
        %swap3A_418 = vector.shape_cast %swap3A_417 : vector<1x16xf32> to vector<16xf32>
        %swap3A_419 = vector.shape_cast %get3A_414 : vector<16xf32> to vector<1x16xf32>
        tpu.vector_store %arg11[%swap3A_415, %swap3A_416], %swap3A_419 {add = true, strides = array<i32>} : memref<128x128xf32, #tpu.memory_space<vmem>>, vector<1x16xf32>,
        %get3A_420 = arith.index_cast %add3A_401 : i32 to index
        %get3A_421 = arith.constant 32 : index
        %get3A_422 = tpu.vector_load %arg7[%get3A_420, %get3A_421] {strides = array<i32>} : memref<128x128xf32, #tpu.memory_space<vmem>>, vector<1x16xf32>,
        %get3A_423 = vector.shape_cast %get3A_422 : vector<1x16xf32> to vector<16xf32>
        %swap3A_424 = arith.index_cast %add3A_401 : i32 to index
        %swap3A_425 = arith.constant 32 : index
        %swap3A_426 = tpu.vector_load %arg11[%swap3A_424, %swap3A_425] {strides = array<i32>} : memref<128x128xf32, #tpu.memory_space<vmem>>, vector<1x16xf32>,
        %swap3A_427 = vector.shape_cast %swap3A_426 : vector<1x16xf32> to vector<16xf32>
        %swap3A_428 = vector.shape_cast %get3A_423 : vector<16xf32> to vector<1x16xf32>
        tpu.vector_store %arg11[%swap3A_424, %swap3A_425], %swap3A_428 {add = true, strides = array<i32>} : memref<128x128xf32, #tpu.memory_space<vmem>>, vector<1x16xf32>,
        %get3A_429 = arith.index_cast %add3A_401 : i32 to index
        %get3A_430 = arith.constant 48 : index
        %get3A_431 = tpu.vector_load %arg7[%get3A_429, %get3A_430] {strides = array<i32>} : memref<128x128xf32, #tpu.memory_space<vmem>>, vector<1x16xf32>,
        %get3A_432 = vector.shape_cast %get3A_431 : vector<1x16xf32> to vector<16xf32>
        %swap3A_433 = arith.index_cast %add3A_401 : i32 to index
        %swap3A_434 = arith.constant 48 : index
        %swap3A_435 = tpu.vector_load %arg11[%swap3A_433, %swap3A_434] {strides = array<i32>} : memref<128x128xf32, #tpu.memory_space<vmem>>, vector<1x16xf32>,
        %swap3A_436 = vector.shape_cast %swap3A_435 : vector<1x16xf32> to vector<16xf32>
        %swap3A_437 = vector.shape_cast %get3A_432 : vector<16xf32> to vector<1x16xf32>
        tpu.vector_store %arg11[%swap3A_433, %swap3A_434], %swap3A_437 {add = true, strides = array<i32>} : memref<128x128xf32, #tpu.memory_space<vmem>>, vector<1x16xf32>,
        %get3A_438 = arith.index_cast %add3A_401 : i32 to index
        %get3A_439 = arith.constant 64 : index
        %get3A_440 = tpu.vector_load %arg7[%get3A_438, %get3A_439] {strides = array<i32>} : memref<128x128xf32, #tpu.memory_space<vmem>>, vector<1x16xf32>,
        %get3A_441 = vector.shape_cast %get3A_440 : vector<1x16xf32> to vector<16xf32>
        %swap3A_442 = arith.index_cast %add3A_401 : i32 to index
        %swap3A_443 = arith.constant 64 : index
        %swap3A_444 = tpu.vector_load %arg11[%swap3A_442, %swap3A_443] {strides = array<i32>} : memref<128x128xf32, #tpu.memory_space<vmem>>, vector<1x16xf32>,
        %swap3A_445 = vector.shape_cast %swap3A_444 : vector<1x16xf32> to vector<16xf32>
        %swap3A_446 = vector.shape_cast %get3A_441 : vector<16xf32> to vector<1x16xf32>
        tpu.vector_store %arg11[%swap3A_442, %swap3A_443], %swap3A_446 {add = true, strides = array<i32>} : memref<128x128xf32, #tpu.memory_space<vmem>>, vector<1x16xf32>,
        %get3A_447 = arith.index_cast %add3A_401 : i32 to index
        %get3A_448 = arith.constant 80 : index
        %get3A_449 = tpu.vector_load %arg7[%get3A_447, %get3A_448] {strides = array<i32>} : memref<128x128xf32, #tpu.memory_space<vmem>>, vector<1x16xf32>,
        %get3A_450 = vector.shape_cast %get3A_449 : vector<1x16xf32> to vector<16xf32>
        %swap3A_451 = arith.index_cast %add3A_401 : i32 to index
        %swap3A_452 = arith.constant 80 : index
        %swap3A_453 = tpu.vector_load %arg11[%swap3A_451, %swap3A_452] {strides = array<i32>} : memref<128x128xf32, #tpu.memory_space<vmem>>, vector<1x16xf32>,
        %swap3A_454 = vector.shape_cast %swap3A_453 : vector<1x16xf32> to vector<16xf32>
        %swap3A_455 = vector.shape_cast %get3A_450 : vector<16xf32> to vector<1x16xf32>
        tpu.vector_store %arg11[%swap3A_451, %swap3A_452], %swap3A_455 {add = true, strides = array<i32>} : memref<128x128xf32, #tpu.memory_space<vmem>>, vector<1x16xf32>,
        %get3A_456 = arith.index_cast %add3A_401 : i32 to index
        %get3A_457 = arith.constant 96 : index
        %get3A_458 = tpu.vector_load %arg7[%get3A_456, %get3A_457] {strides = array<i32>} : memref<128x128xf32, #tpu.memory_space<vmem>>, vector<1x16xf32>,
        %get3A_459 = vector.shape_cast %get3A_458 : vector<1x16xf32> to vector<16xf32>
        %swap3A_460 = arith.index_cast %add3A_401 : i32 to index
        %swap3A_461 = arith.constant 96 : index
        %swap3A_462 = tpu.vector_load %arg11[%swap3A_460, %swap3A_461] {strides = array<i32>} : memref<128x128xf32, #tpu.memory_space<vmem>>, vector<1x16xf32>,
        %swap3A_463 = vector.shape_cast %swap3A_462 : vector<1x16xf32> to vector<16xf32>
        %swap3A_464 = vector.shape_cast %get3A_459 : vector<16xf32> to vector<1x16xf32>
        tpu.vector_store %arg11[%swap3A_460, %swap3A_461], %swap3A_464 {add = true, strides = array<i32>} : memref<128x128xf32, #tpu.memory_space<vmem>>, vector<1x16xf32>,
        %get3A_465 = arith.index_cast %add3A_401 : i32 to index
        %get3A_466 = arith.constant 112 : index
        %get3A_467 = tpu.vector_load %arg7[%get3A_465, %get3A_466] {strides = array<i32>} : memref<128x128xf32, #tpu.memory_space<vmem>>, vector<1x16xf32>,
        %get3A_468 = vector.shape_cast %get3A_467 : vector<1x16xf32> to vector<16xf32>
        %swap3A_469 = arith.index_cast %add3A_401 : i32 to index
        %swap3A_470 = arith.constant 112 : index
        %swap3A_471 = tpu.vector_load %arg11[%swap3A_469, %swap3A_470] {strides = array<i32>} : memref<128x128xf32, #tpu.memory_space<vmem>>, vector<1x16xf32>,
        %swap3A_472 = vector.shape_cast %swap3A_471 : vector<1x16xf32> to vector<16xf32>
        %swap3A_473 = vector.shape_cast %get3A_468 : vector<16xf32> to vector<1x16xf32>
        tpu.vector_store %arg11[%swap3A_469, %swap3A_470], %swap3A_473 {add = true, strides = array<i32>} : memref<128x128xf32, #tpu.memory_space<vmem>>, vector<1x16xf32>,
        %mul3A_474 = arith.constant 8 : i32
        %mul3A_475 = arith.muli %scan3A_171, %mul3A_474 : i32
        %add3A_476 = arith.constant 4 : i32
        %add3A_477 = arith.addi %mul3A_475, %add3A_476 : i32
        %get3A_478 = arith.index_cast %add3A_477 : i32 to index
        %get3A_479 = arith.constant 0 : index
        %get3A_480 = tpu.vector_load %arg7[%get3A_478, %get3A_479] {strides = array<i32>} : memref<128x128xf32, #tpu.memory_space<vmem>>, vector<1x16xf32>,
        %get3A_481 = vector.shape_cast %get3A_480 : vector<1x16xf32> to vector<16xf32>
        %swap3A_482 = arith.index_cast %add3A_477 : i32 to index
        %swap3A_483 = arith.constant 0 : index
        %swap3A_484 = tpu.vector_load %arg11[%swap3A_482, %swap3A_483] {strides = array<i32>} : memref<128x128xf32, #tpu.memory_space<vmem>>, vector<1x16xf32>,
        %swap3A_485 = vector.shape_cast %swap3A_484 : vector<1x16xf32> to vector<16xf32>
        %swap3A_486 = vector.shape_cast %get3A_481 : vector<16xf32> to vector<1x16xf32>
        tpu.vector_store %arg11[%swap3A_482, %swap3A_483], %swap3A_486 {add = true, strides = array<i32>} : memref<128x128xf32, #tpu.memory_space<vmem>>, vector<1x16xf32>,
        %get3A_487 = arith.index_cast %add3A_477 : i32 to index
        %get3A_488 = arith.constant 16 : index
        %get3A_489 = tpu.vector_load %arg7[%get3A_487, %get3A_488] {strides = array<i32>} : memref<128x128xf32, #tpu.memory_space<vmem>>, vector<1x16xf32>,
        %get3A_490 = vector.shape_cast %get3A_489 : vector<1x16xf32> to vector<16xf32>
        %swap3A_491 = arith.index_cast %add3A_477 : i32 to index
        %swap3A_492 = arith.constant 16 : index
        %swap3A_493 = tpu.vector_load %arg11[%swap3A_491, %swap3A_492] {strides = array<i32>} : memref<128x128xf32, #tpu.memory_space<vmem>>, vector<1x16xf32>,
        %swap3A_494 = vector.shape_cast %swap3A_493 : vector<1x16xf32> to vector<16xf32>
        %swap3A_495 = vector.shape_cast %get3A_490 : vector<16xf32> to vector<1x16xf32>
        tpu.vector_store %arg11[%swap3A_491, %swap3A_492], %swap3A_495 {add = true, strides = array<i32>} : memref<128x128xf32, #tpu.memory_space<vmem>>, vector<1x16xf32>,
        %get3A_496 = arith.index_cast %add3A_477 : i32 to index
        %get3A_497 = arith.constant 32 : index
        %get3A_498 = tpu.vector_load %arg7[%get3A_496, %get3A_497] {strides = array<i32>} : memref<128x128xf32, #tpu.memory_space<vmem>>, vector<1x16xf32>,
        %get3A_499 = vector.shape_cast %get3A_498 : vector<1x16xf32> to vector<16xf32>
        %swap3A_500 = arith.index_cast %add3A_477 : i32 to index
        %swap3A_501 = arith.constant 32 : index
        %swap3A_502 = tpu.vector_load %arg11[%swap3A_500, %swap3A_501] {strides = array<i32>} : memref<128x128xf32, #tpu.memory_space<vmem>>, vector<1x16xf32>,
        %swap3A_503 = vector.shape_cast %swap3A_502 : vector<1x16xf32> to vector<16xf32>
        %swap3A_504 = vector.shape_cast %get3A_499 : vector<16xf32> to vector<1x16xf32>
        tpu.vector_store %arg11[%swap3A_500, %swap3A_501], %swap3A_504 {add = true, strides = array<i32>} : memref<128x128xf32, #tpu.memory_space<vmem>>, vector<1x16xf32>,
        %get3A_505 = arith.index_cast %add3A_477 : i32 to index
        %get3A_506 = arith.constant 48 : index
        %get3A_507 = tpu.vector_load %arg7[%get3A_505, %get3A_506] {strides = array<i32>} : memref<128x128xf32, #tpu.memory_space<vmem>>, vector<1x16xf32>,
        %get3A_508 = vector.shape_cast %get3A_507 : vector<1x16xf32> to vector<16xf32>
        %swap3A_509 = arith.index_cast %add3A_477 : i32 to index
        %swap3A_510 = arith.constant 48 : index
        %swap3A_511 = tpu.vector_load %arg11[%swap3A_509, %swap3A_510] {strides = array<i32>} : memref<128x128xf32, #tpu.memory_space<vmem>>, vector<1x16xf32>,
        %swap3A_512 = vector.shape_cast %swap3A_511 : vector<1x16xf32> to vector<16xf32>
        %swap3A_513 = vector.shape_cast %get3A_508 : vector<16xf32> to vector<1x16xf32>
        tpu.vector_store %arg11[%swap3A_509, %swap3A_510], %swap3A_513 {add = true, strides = array<i32>} : memref<128x128xf32, #tpu.memory_space<vmem>>, vector<1x16xf32>,
        %get3A_514 = arith.index_cast %add3A_477 : i32 to index
        %get3A_515 = arith.constant 64 : index
        %get3A_516 = tpu.vector_load %arg7[%get3A_514, %get3A_515] {strides = array<i32>} : memref<128x128xf32, #tpu.memory_space<vmem>>, vector<1x16xf32>,
        %get3A_517 = vector.shape_cast %get3A_516 : vector<1x16xf32> to vector<16xf32>
        %swap3A_518 = arith.index_cast %add3A_477 : i32 to index
        %swap3A_519 = arith.constant 64 : index
        %swap3A_520 = tpu.vector_load %arg11[%swap3A_518, %swap3A_519] {strides = array<i32>} : memref<128x128xf32, #tpu.memory_space<vmem>>, vector<1x16xf32>,
        %swap3A_521 = vector.shape_cast %swap3A_520 : vector<1x16xf32> to vector<16xf32>
        %swap3A_522 = vector.shape_cast %get3A_517 : vector<16xf32> to vector<1x16xf32>
        tpu.vector_store %arg11[%swap3A_518, %swap3A_519], %swap3A_522 {add = true, strides = array<i32>} : memref<128x128xf32, #tpu.memory_space<vmem>>, vector<1x16xf32>,
        %get3A_523 = arith.index_cast %add3A_477 : i32 to index
        %get3A_524 = arith.constant 80 : index
        %get3A_525 = tpu.vector_load %arg7[%get3A_523, %get3A_524] {strides = array<i32>} : memref<128x128xf32, #tpu.memory_space<vmem>>, vector<1x16xf32>,
        %get3A_526 = vector.shape_cast %get3A_525 : vector<1x16xf32> to vector<16xf32>
        %swap3A_527 = arith.index_cast %add3A_477 : i32 to index
        %swap3A_528 = arith.constant 80 : index
        %swap3A_529 = tpu.vector_load %arg11[%swap3A_527, %swap3A_528] {strides = array<i32>} : memref<128x128xf32, #tpu.memory_space<vmem>>, vector<1x16xf32>,
        %swap3A_530 = vector.shape_cast %swap3A_529 : vector<1x16xf32> to vector<16xf32>
        %swap3A_531 = vector.shape_cast %get3A_526 : vector<16xf32> to vector<1x16xf32>
        tpu.vector_store %arg11[%swap3A_527, %swap3A_528], %swap3A_531 {add = true, strides = array<i32>} : memref<128x128xf32, #tpu.memory_space<vmem>>, vector<1x16xf32>,
        %get3A_532 = arith.index_cast %add3A_477 : i32 to index
        %get3A_533 = arith.constant 96 : index
        %get3A_534 = tpu.vector_load %arg7[%get3A_532, %get3A_533] {strides = array<i32>} : memref<128x128xf32, #tpu.memory_space<vmem>>, vector<1x16xf32>,
        %get3A_535 = vector.shape_cast %get3A_534 : vector<1x16xf32> to vector<16xf32>
        %swap3A_536 = arith.index_cast %add3A_477 : i32 to index
        %swap3A_537 = arith.constant 96 : index
        %swap3A_538 = tpu.vector_load %arg11[%swap3A_536, %swap3A_537] {strides = array<i32>} : memref<128x128xf32, #tpu.memory_space<vmem>>, vector<1x16xf32>,
        %swap3A_539 = vector.shape_cast %swap3A_538 : vector<1x16xf32> to vector<16xf32>
        %swap3A_540 = vector.shape_cast %get3A_535 : vector<16xf32> to vector<1x16xf32>
        tpu.vector_store %arg11[%swap3A_536, %swap3A_537], %swap3A_540 {add = true, strides = array<i32>} : memref<128x128xf32, #tpu.memory_space<vmem>>, vector<1x16xf32>,
        %get3A_541 = arith.index_cast %add3A_477 : i32 to index
        %get3A_542 = arith.constant 112 : index
        %get3A_543 = tpu.vector_load %arg7[%get3A_541, %get3A_542] {strides = array<i32>} : memref<128x128xf32, #tpu.memory_space<vmem>>, vector<1x16xf32>,
        %get3A_544 = vector.shape_cast %get3A_543 : vector<1x16xf32> to vector<16xf32>
        %swap3A_545 = arith.index_cast %add3A_477 : i32 to index
        %swap3A_546 = arith.constant 112 : index
        %swap3A_547 = tpu.vector_load %arg11[%swap3A_545, %swap3A_546] {strides = array<i32>} : memref<128x128xf32, #tpu.memory_space<vmem>>, vector<1x16xf32>,
        %swap3A_548 = vector.shape_cast %swap3A_547 : vector<1x16xf32> to vector<16xf32>
        %swap3A_549 = vector.shape_cast %get3A_544 : vector<16xf32> to vector<1x16xf32>
        tpu.vector_store %arg11[%swap3A_545, %swap3A_546], %swap3A_549 {add = true, strides = array<i32>} : memref<128x128xf32, #tpu.memory_space<vmem>>, vector<1x16xf32>,
        %mul3A_550 = arith.constant 8 : i32
        %mul3A_551 = arith.muli %scan3A_171, %mul3A_550 : i32
        %add3A_552 = arith.constant 5 : i32
        %add3A_553 = arith.addi %mul3A_551, %add3A_552 : i32
        %get3A_554 = arith.index_cast %add3A_553 : i32 to index
        %get3A_555 = arith.constant 0 : index
        %get3A_556 = tpu.vector_load %arg7[%get3A_554, %get3A_555] {strides = array<i32>} : memref<128x128xf32, #tpu.memory_space<vmem>>, vector<1x16xf32>,
        %get3A_557 = vector.shape_cast %get3A_556 : vector<1x16xf32> to vector<16xf32>
        %swap3A_558 = arith.index_cast %add3A_553 : i32 to index
        %swap3A_559 = arith.constant 0 : index
        %swap3A_560 = tpu.vector_load %arg11[%swap3A_558, %swap3A_559] {strides = array<i32>} : memref<128x128xf32, #tpu.memory_space<vmem>>, vector<1x16xf32>,
        %swap3A_561 = vector.shape_cast %swap3A_560 : vector<1x16xf32> to vector<16xf32>
        %swap3A_562 = vector.shape_cast %get3A_557 : vector<16xf32> to vector<1x16xf32>
        tpu.vector_store %arg11[%swap3A_558, %swap3A_559], %swap3A_562 {add = true, strides = array<i32>} : memref<128x128xf32, #tpu.memory_space<vmem>>, vector<1x16xf32>,
        %get3A_563 = arith.index_cast %add3A_553 : i32 to index
        %get3A_564 = arith.constant 16 : index
        %get3A_565 = tpu.vector_load %arg7[%get3A_563, %get3A_564] {strides = array<i32>} : memref<128x128xf32, #tpu.memory_space<vmem>>, vector<1x16xf32>,
        %get3A_566 = vector.shape_cast %get3A_565 : vector<1x16xf32> to vector<16xf32>
        %swap3A_567 = arith.index_cast %add3A_553 : i32 to index
        %swap3A_568 = arith.constant 16 : index
        %swap3A_569 = tpu.vector_load %arg11[%swap3A_567, %swap3A_568] {strides = array<i32>} : memref<128x128xf32, #tpu.memory_space<vmem>>, vector<1x16xf32>,
        %swap3A_570 = vector.shape_cast %swap3A_569 : vector<1x16xf32> to vector<16xf32>
        %swap3A_571 = vector.shape_cast %get3A_566 : vector<16xf32> to vector<1x16xf32>
        tpu.vector_store %arg11[%swap3A_567, %swap3A_568], %swap3A_571 {add = true, strides = array<i32>} : memref<128x128xf32, #tpu.memory_space<vmem>>, vector<1x16xf32>,
        %get3A_572 = arith.index_cast %add3A_553 : i32 to index
        %get3A_573 = arith.constant 32 : index
        %get3A_574 = tpu.vector_load %arg7[%get3A_572, %get3A_573] {strides = array<i32>} : memref<128x128xf32, #tpu.memory_space<vmem>>, vector<1x16xf32>,
        %get3A_575 = vector.shape_cast %get3A_574 : vector<1x16xf32> to vector<16xf32>
        %swap3A_576 = arith.index_cast %add3A_553 : i32 to index
        %swap3A_577 = arith.constant 32 : index
        %swap3A_578 = tpu.vector_load %arg11[%swap3A_576, %swap3A_577] {strides = array<i32>} : memref<128x128xf32, #tpu.memory_space<vmem>>, vector<1x16xf32>,
        %swap3A_579 = vector.shape_cast %swap3A_578 : vector<1x16xf32> to vector<16xf32>
        %swap3A_580 = vector.shape_cast %get3A_575 : vector<16xf32> to vector<1x16xf32>
        tpu.vector_store %arg11[%swap3A_576, %swap3A_577], %swap3A_580 {add = true, strides = array<i32>} : memref<128x128xf32, #tpu.memory_space<vmem>>, vector<1x16xf32>,
        %get3A_581 = arith.index_cast %add3A_553 : i32 to index
        %get3A_582 = arith.constant 48 : index
        %get3A_583 = tpu.vector_load %arg7[%get3A_581, %get3A_582] {strides = array<i32>} : memref<128x128xf32, #tpu.memory_space<vmem>>, vector<1x16xf32>,
        %get3A_584 = vector.shape_cast %get3A_583 : vector<1x16xf32> to vector<16xf32>
        %swap3A_585 = arith.index_cast %add3A_553 : i32 to index
        %swap3A_586 = arith.constant 48 : index
        %swap3A_587 = tpu.vector_load %arg11[%swap3A_585, %swap3A_586] {strides = array<i32>} : memref<128x128xf32, #tpu.memory_space<vmem>>, vector<1x16xf32>,
        %swap3A_588 = vector.shape_cast %swap3A_587 : vector<1x16xf32> to vector<16xf32>
        %swap3A_589 = vector.shape_cast %get3A_584 : vector<16xf32> to vector<1x16xf32>
        tpu.vector_store %arg11[%swap3A_585, %swap3A_586], %swap3A_589 {add = true, strides = array<i32>} : memref<128x128xf32, #tpu.memory_space<vmem>>, vector<1x16xf32>,
        %get3A_590 = arith.index_cast %add3A_553 : i32 to index
        %get3A_591 = arith.constant 64 : index
        %get3A_592 = tpu.vector_load %arg7[%get3A_590, %get3A_591] {strides = array<i32>} : memref<128x128xf32, #tpu.memory_space<vmem>>, vector<1x16xf32>,
        %get3A_593 = vector.shape_cast %get3A_592 : vector<1x16xf32> to vector<16xf32>
        %swap3A_594 = arith.index_cast %add3A_553 : i32 to index
        %swap3A_595 = arith.constant 64 : index
        %swap3A_596 = tpu.vector_load %arg11[%swap3A_594, %swap3A_595] {strides = array<i32>} : memref<128x128xf32, #tpu.memory_space<vmem>>, vector<1x16xf32>,
        %swap3A_597 = vector.shape_cast %swap3A_596 : vector<1x16xf32> to vector<16xf32>
        %swap3A_598 = vector.shape_cast %get3A_593 : vector<16xf32> to vector<1x16xf32>
        tpu.vector_store %arg11[%swap3A_594, %swap3A_595], %swap3A_598 {add = true, strides = array<i32>} : memref<128x128xf32, #tpu.memory_space<vmem>>, vector<1x16xf32>,
        %get3A_599 = arith.index_cast %add3A_553 : i32 to index
        %get3A_600 = arith.constant 80 : index
        %get3A_601 = tpu.vector_load %arg7[%get3A_599, %get3A_600] {strides = array<i32>} : memref<128x128xf32, #tpu.memory_space<vmem>>, vector<1x16xf32>,
        %get3A_602 = vector.shape_cast %get3A_601 : vector<1x16xf32> to vector<16xf32>
        %swap3A_603 = arith.index_cast %add3A_553 : i32 to index
        %swap3A_604 = arith.constant 80 : index
        %swap3A_605 = tpu.vector_load %arg11[%swap3A_603, %swap3A_604] {strides = array<i32>} : memref<128x128xf32, #tpu.memory_space<vmem>>, vector<1x16xf32>,
        %swap3A_606 = vector.shape_cast %swap3A_605 : vector<1x16xf32> to vector<16xf32>
        %swap3A_607 = vector.shape_cast %get3A_602 : vector<16xf32> to vector<1x16xf32>
        tpu.vector_store %arg11[%swap3A_603, %swap3A_604], %swap3A_607 {add = true, strides = array<i32>} : memref<128x128xf32, #tpu.memory_space<vmem>>, vector<1x16xf32>,
        %get3A_608 = arith.index_cast %add3A_553 : i32 to index
        %get3A_609 = arith.constant 96 : index
        %get3A_610 = tpu.vector_load %arg7[%get3A_608, %get3A_609] {strides = array<i32>} : memref<128x128xf32, #tpu.memory_space<vmem>>, vector<1x16xf32>,
        %get3A_611 = vector.shape_cast %get3A_610 : vector<1x16xf32> to vector<16xf32>
        %swap3A_612 = arith.index_cast %add3A_553 : i32 to index
        %swap3A_613 = arith.constant 96 : index
        %swap3A_614 = tpu.vector_load %arg11[%swap3A_612, %swap3A_613] {strides = array<i32>} : memref<128x128xf32, #tpu.memory_space<vmem>>, vector<1x16xf32>,
        %swap3A_615 = vector.shape_cast %swap3A_614 : vector<1x16xf32> to vector<16xf32>
        %swap3A_616 = vector.shape_cast %get3A_611 : vector<16xf32> to vector<1x16xf32>
        tpu.vector_store %arg11[%swap3A_612, %swap3A_613], %swap3A_616 {add = true, strides = array<i32>} : memref<128x128xf32, #tpu.memory_space<vmem>>, vector<1x16xf32>,
        %get3A_617 = arith.index_cast %add3A_553 : i32 to index
        %get3A_618 = arith.constant 112 : index
        %get3A_619 = tpu.vector_load %arg7[%get3A_617, %get3A_618] {strides = array<i32>} : memref<128x128xf32, #tpu.memory_space<vmem>>, vector<1x16xf32>,
        %get3A_620 = vector.shape_cast %get3A_619 : vector<1x16xf32> to vector<16xf32>
        %swap3A_621 = arith.index_cast %add3A_553 : i32 to index
        %swap3A_622 = arith.constant 112 : index
        %swap3A_623 = tpu.vector_load %arg11[%swap3A_621, %swap3A_622] {strides = array<i32>} : memref<128x128xf32, #tpu.memory_space<vmem>>, vector<1x16xf32>,
        %swap3A_624 = vector.shape_cast %swap3A_623 : vector<1x16xf32> to vector<16xf32>
        %swap3A_625 = vector.shape_cast %get3A_620 : vector<16xf32> to vector<1x16xf32>
        tpu.vector_store %arg11[%swap3A_621, %swap3A_622], %swap3A_625 {add = true, strides = array<i32>} : memref<128x128xf32, #tpu.memory_space<vmem>>, vector<1x16xf32>,
        %mul3A_626 = arith.constant 8 : i32
        %mul3A_627 = arith.muli %scan3A_171, %mul3A_626 : i32
        %add3A_628 = arith.constant 6 : i32
        %add3A_629 = arith.addi %mul3A_627, %add3A_628 : i32
        %get3A_630 = arith.index_cast %add3A_629 : i32 to index
        %get3A_631 = arith.constant 0 : index
        %get3A_632 = tpu.vector_load %arg7[%get3A_630, %get3A_631] {strides = array<i32>} : memref<128x128xf32, #tpu.memory_space<vmem>>, vector<1x16xf32>,
        %get3A_633 = vector.shape_cast %get3A_632 : vector<1x16xf32> to vector<16xf32>
        %swap3A_634 = arith.index_cast %add3A_629 : i32 to index
        %swap3A_635 = arith.constant 0 : index
        %swap3A_636 = tpu.vector_load %arg11[%swap3A_634, %swap3A_635] {strides = array<i32>} : memref<128x128xf32, #tpu.memory_space<vmem>>, vector<1x16xf32>,
        %swap3A_637 = vector.shape_cast %swap3A_636 : vector<1x16xf32> to vector<16xf32>
        %swap3A_638 = vector.shape_cast %get3A_633 : vector<16xf32> to vector<1x16xf32>
        tpu.vector_store %arg11[%swap3A_634, %swap3A_635], %swap3A_638 {add = true, strides = array<i32>} : memref<128x128xf32, #tpu.memory_space<vmem>>, vector<1x16xf32>,
        %get3A_639 = arith.index_cast %add3A_629 : i32 to index
        %get3A_640 = arith.constant 16 : index
        %get3A_641 = tpu.vector_load %arg7[%get3A_639, %get3A_640] {strides = array<i32>} : memref<128x128xf32, #tpu.memory_space<vmem>>, vector<1x16xf32>,
        %get3A_642 = vector.shape_cast %get3A_641 : vector<1x16xf32> to vector<16xf32>
        %swap3A_643 = arith.index_cast %add3A_629 : i32 to index
        %swap3A_644 = arith.constant 16 : index
        %swap3A_645 = tpu.vector_load %arg11[%swap3A_643, %swap3A_644] {strides = array<i32>} : memref<128x128xf32, #tpu.memory_space<vmem>>, vector<1x16xf32>,
        %swap3A_646 = vector.shape_cast %swap3A_645 : vector<1x16xf32> to vector<16xf32>
        %swap3A_647 = vector.shape_cast %get3A_642 : vector<16xf32> to vector<1x16xf32>
        tpu.vector_store %arg11[%swap3A_643, %swap3A_644], %swap3A_647 {add = true, strides = array<i32>} : memref<128x128xf32, #tpu.memory_space<vmem>>, vector<1x16xf32>,
        %get3A_648 = arith.index_cast %add3A_629 : i32 to index
        %get3A_649 = arith.constant 32 : index
        %get3A_650 = tpu.vector_load %arg7[%get3A_648, %get3A_649] {strides = array<i32>} : memref<128x128xf32, #tpu.memory_space<vmem>>, vector<1x16xf32>,
        %get3A_651 = vector.shape_cast %get3A_650 : vector<1x16xf32> to vector<16xf32>
        %swap3A_652 = arith.index_cast %add3A_629 : i32 to index
        %swap3A_653 = arith.constant 32 : index
        %swap3A_654 = tpu.vector_load %arg11[%swap3A_652, %swap3A_653] {strides = array<i32>} : memref<128x128xf32, #tpu.memory_space<vmem>>, vector<1x16xf32>,
        %swap3A_655 = vector.shape_cast %swap3A_654 : vector<1x16xf32> to vector<16xf32>
        %swap3A_656 = vector.shape_cast %get3A_651 : vector<16xf32> to vector<1x16xf32>
        tpu.vector_store %arg11[%swap3A_652, %swap3A_653], %swap3A_656 {add = true, strides = array<i32>} : memref<128x128xf32, #tpu.memory_space<vmem>>, vector<1x16xf32>,
        %get3A_657 = arith.index_cast %add3A_629 : i32 to index
        %get3A_658 = arith.constant 48 : index
        %get3A_659 = tpu.vector_load %arg7[%get3A_657, %get3A_658] {strides = array<i32>} : memref<128x128xf32, #tpu.memory_space<vmem>>, vector<1x16xf32>,
        %get3A_660 = vector.shape_cast %get3A_659 : vector<1x16xf32> to vector<16xf32>
        %swap3A_661 = arith.index_cast %add3A_629 : i32 to index
        %swap3A_662 = arith.constant 48 : index
        %swap3A_663 = tpu.vector_load %arg11[%swap3A_661, %swap3A_662] {strides = array<i32>} : memref<128x128xf32, #tpu.memory_space<vmem>>, vector<1x16xf32>,
        %swap3A_664 = vector.shape_cast %swap3A_663 : vector<1x16xf32> to vector<16xf32>
        %swap3A_665 = vector.shape_cast %get3A_660 : vector<16xf32> to vector<1x16xf32>
        tpu.vector_store %arg11[%swap3A_661, %swap3A_662], %swap3A_665 {add = true, strides = array<i32>} : memref<128x128xf32, #tpu.memory_space<vmem>>, vector<1x16xf32>,
        %get3A_666 = arith.index_cast %add3A_629 : i32 to index
        %get3A_667 = arith.constant 64 : index
        %get3A_668 = tpu.vector_load %arg7[%get3A_666, %get3A_667] {strides = array<i32>} : memref<128x128xf32, #tpu.memory_space<vmem>>, vector<1x16xf32>,
        %get3A_669 = vector.shape_cast %get3A_668 : vector<1x16xf32> to vector<16xf32>
        %swap3A_670 = arith.index_cast %add3A_629 : i32 to index
        %swap3A_671 = arith.constant 64 : index
        %swap3A_672 = tpu.vector_load %arg11[%swap3A_670, %swap3A_671] {strides = array<i32>} : memref<128x128xf32, #tpu.memory_space<vmem>>, vector<1x16xf32>,
        %swap3A_673 = vector.shape_cast %swap3A_672 : vector<1x16xf32> to vector<16xf32>
        %swap3A_674 = vector.shape_cast %get3A_669 : vector<16xf32> to vector<1x16xf32>
        tpu.vector_store %arg11[%swap3A_670, %swap3A_671], %swap3A_674 {add = true, strides = array<i32>} : memref<128x128xf32, #tpu.memory_space<vmem>>, vector<1x16xf32>,
        %get3A_675 = arith.index_cast %add3A_629 : i32 to index
        %get3A_676 = arith.constant 80 : index
        %get3A_677 = tpu.vector_load %arg7[%get3A_675, %get3A_676] {strides = array<i32>} : memref<128x128xf32, #tpu.memory_space<vmem>>, vector<1x16xf32>,
        %get3A_678 = vector.shape_cast %get3A_677 : vector<1x16xf32> to vector<16xf32>
        %swap3A_679 = arith.index_cast %add3A_629 : i32 to index
        %swap3A_680 = arith.constant 80 : index
        %swap3A_681 = tpu.vector_load %arg11[%swap3A_679, %swap3A_680] {strides = array<i32>} : memref<128x128xf32, #tpu.memory_space<vmem>>, vector<1x16xf32>,
        %swap3A_682 = vector.shape_cast %swap3A_681 : vector<1x16xf32> to vector<16xf32>
        %swap3A_683 = vector.shape_cast %get3A_678 : vector<16xf32> to vector<1x16xf32>
        tpu.vector_store %arg11[%swap3A_679, %swap3A_680], %swap3A_683 {add = true, strides = array<i32>} : memref<128x128xf32, #tpu.memory_space<vmem>>, vector<1x16xf32>,
        %get3A_684 = arith.index_cast %add3A_629 : i32 to index
        %get3A_685 = arith.constant 96 : index
        %get3A_686 = tpu.vector_load %arg7[%get3A_684, %get3A_685] {strides = array<i32>} : memref<128x128xf32, #tpu.memory_space<vmem>>, vector<1x16xf32>,
        %get3A_687 = vector.shape_cast %get3A_686 : vector<1x16xf32> to vector<16xf32>
        %swap3A_688 = arith.index_cast %add3A_629 : i32 to index
        %swap3A_689 = arith.constant 96 : index
        %swap3A_690 = tpu.vector_load %arg11[%swap3A_688, %swap3A_689] {strides = array<i32>} : memref<128x128xf32, #tpu.memory_space<vmem>>, vector<1x16xf32>,
        %swap3A_691 = vector.shape_cast %swap3A_690 : vector<1x16xf32> to vector<16xf32>
        %swap3A_692 = vector.shape_cast %get3A_687 : vector<16xf32> to vector<1x16xf32>
        tpu.vector_store %arg11[%swap3A_688, %swap3A_689], %swap3A_692 {add = true, strides = array<i32>} : memref<128x128xf32, #tpu.memory_space<vmem>>, vector<1x16xf32>,
        %get3A_693 = arith.index_cast %add3A_629 : i32 to index
        %get3A_694 = arith.constant 112 : index
        %get3A_695 = tpu.vector_load %arg7[%get3A_693, %get3A_694] {strides = array<i32>} : memref<128x128xf32, #tpu.memory_space<vmem>>, vector<1x16xf32>,
        %get3A_696 = vector.shape_cast %get3A_695 : vector<1x16xf32> to vector<16xf32>
        %swap3A_697 = arith.index_cast %add3A_629 : i32 to index
        %swap3A_698 = arith.constant 112 : index
        %swap3A_699 = tpu.vector_load %arg11[%swap3A_697, %swap3A_698] {strides = array<i32>} : memref<128x128xf32, #tpu.memory_space<vmem>>, vector<1x16xf32>,
        %swap3A_700 = vector.shape_cast %swap3A_699 : vector<1x16xf32> to vector<16xf32>
        %swap3A_701 = vector.shape_cast %get3A_696 : vector<16xf32> to vector<1x16xf32>
        tpu.vector_store %arg11[%swap3A_697, %swap3A_698], %swap3A_701 {add = true, strides = array<i32>} : memref<128x128xf32, #tpu.memory_space<vmem>>, vector<1x16xf32>,
        %mul3A_702 = arith.constant 8 : i32
        %mul3A_703 = arith.muli %scan3A_171, %mul3A_702 : i32
        %add3A_704 = arith.constant 7 : i32
        %add3A_705 = arith.addi %mul3A_703, %add3A_704 : i32
        %get3A_706 = arith.index_cast %add3A_705 : i32 to index
        %get3A_707 = arith.constant 0 : index
        %get3A_708 = tpu.vector_load %arg7[%get3A_706, %get3A_707] {strides = array<i32>} : memref<128x128xf32, #tpu.memory_space<vmem>>, vector<1x16xf32>,
        %get3A_709 = vector.shape_cast %get3A_708 : vector<1x16xf32> to vector<16xf32>
        %swap3A_710 = arith.index_cast %add3A_705 : i32 to index
        %swap3A_711 = arith.constant 0 : index
        %swap3A_712 = tpu.vector_load %arg11[%swap3A_710, %swap3A_711] {strides = array<i32>} : memref<128x128xf32, #tpu.memory_space<vmem>>, vector<1x16xf32>,
        %swap3A_713 = vector.shape_cast %swap3A_712 : vector<1x16xf32> to vector<16xf32>
        %swap3A_714 = vector.shape_cast %get3A_709 : vector<16xf32> to vector<1x16xf32>
        tpu.vector_store %arg11[%swap3A_710, %swap3A_711], %swap3A_714 {add = true, strides = array<i32>} : memref<128x128xf32, #tpu.memory_space<vmem>>, vector<1x16xf32>,
        %get3A_715 = arith.index_cast %add3A_705 : i32 to index
        %get3A_716 = arith.constant 16 : index
        %get3A_717 = tpu.vector_load %arg7[%get3A_715, %get3A_716] {strides = array<i32>} : memref<128x128xf32, #tpu.memory_space<vmem>>, vector<1x16xf32>,
        %get3A_718 = vector.shape_cast %get3A_717 : vector<1x16xf32> to vector<16xf32>
        %swap3A_719 = arith.index_cast %add3A_705 : i32 to index
        %swap3A_720 = arith.constant 16 : index
        %swap3A_721 = tpu.vector_load %arg11[%swap3A_719, %swap3A_720] {strides = array<i32>} : memref<128x128xf32, #tpu.memory_space<vmem>>, vector<1x16xf32>,
        %swap3A_722 = vector.shape_cast %swap3A_721 : vector<1x16xf32> to vector<16xf32>
        %swap3A_723 = vector.shape_cast %get3A_718 : vector<16xf32> to vector<1x16xf32>
        tpu.vector_store %arg11[%swap3A_719, %swap3A_720], %swap3A_723 {add = true, strides = array<i32>} : memref<128x128xf32, #tpu.memory_space<vmem>>, vector<1x16xf32>,
        %get3A_724 = arith.index_cast %add3A_705 : i32 to index
        %get3A_725 = arith.constant 32 : index
        %get3A_726 = tpu.vector_load %arg7[%get3A_724, %get3A_725] {strides = array<i32>} : memref<128x128xf32, #tpu.memory_space<vmem>>, vector<1x16xf32>,
        %get3A_727 = vector.shape_cast %get3A_726 : vector<1x16xf32> to vector<16xf32>
        %swap3A_728 = arith.index_cast %add3A_705 : i32 to index
        %swap3A_729 = arith.constant 32 : index
        %swap3A_730 = tpu.vector_load %arg11[%swap3A_728, %swap3A_729] {strides = array<i32>} : memref<128x128xf32, #tpu.memory_space<vmem>>, vector<1x16xf32>,
        %swap3A_731 = vector.shape_cast %swap3A_730 : vector<1x16xf32> to vector<16xf32>
        %swap3A_732 = vector.shape_cast %get3A_727 : vector<16xf32> to vector<1x16xf32>
        tpu.vector_store %arg11[%swap3A_728, %swap3A_729], %swap3A_732 {add = true, strides = array<i32>} : memref<128x128xf32, #tpu.memory_space<vmem>>, vector<1x16xf32>,
        %get3A_733 = arith.index_cast %add3A_705 : i32 to index
        %get3A_734 = arith.constant 48 : index
        %get3A_735 = tpu.vector_load %arg7[%get3A_733, %get3A_734] {strides = array<i32>} : memref<128x128xf32, #tpu.memory_space<vmem>>, vector<1x16xf32>,
        %get3A_736 = vector.shape_cast %get3A_735 : vector<1x16xf32> to vector<16xf32>
        %swap3A_737 = arith.index_cast %add3A_705 : i32 to index
        %swap3A_738 = arith.constant 48 : index
        %swap3A_739 = tpu.vector_load %arg11[%swap3A_737, %swap3A_738] {strides = array<i32>} : memref<128x128xf32, #tpu.memory_space<vmem>>, vector<1x16xf32>,
        %swap3A_740 = vector.shape_cast %swap3A_739 : vector<1x16xf32> to vector<16xf32>
        %swap3A_741 = vector.shape_cast %get3A_736 : vector<16xf32> to vector<1x16xf32>
        tpu.vector_store %arg11[%swap3A_737, %swap3A_738], %swap3A_741 {add = true, strides = array<i32>} : memref<128x128xf32, #tpu.memory_space<vmem>>, vector<1x16xf32>,
        %get3A_742 = arith.index_cast %add3A_705 : i32 to index
        %get3A_743 = arith.constant 64 : index
        %get3A_744 = tpu.vector_load %arg7[%get3A_742, %get3A_743] {strides = array<i32>} : memref<128x128xf32, #tpu.memory_space<vmem>>, vector<1x16xf32>,
        %get3A_745 = vector.shape_cast %get3A_744 : vector<1x16xf32> to vector<16xf32>
        %swap3A_746 = arith.index_cast %add3A_705 : i32 to index
        %swap3A_747 = arith.constant 64 : index
        %swap3A_748 = tpu.vector_load %arg11[%swap3A_746, %swap3A_747] {strides = array<i32>} : memref<128x128xf32, #tpu.memory_space<vmem>>, vector<1x16xf32>,
        %swap3A_749 = vector.shape_cast %swap3A_748 : vector<1x16xf32> to vector<16xf32>
        %swap3A_750 = vector.shape_cast %get3A_745 : vector<16xf32> to vector<1x16xf32>
        tpu.vector_store %arg11[%swap3A_746, %swap3A_747], %swap3A_750 {add = true, strides = array<i32>} : memref<128x128xf32, #tpu.memory_space<vmem>>, vector<1x16xf32>,
        %get3A_751 = arith.index_cast %add3A_705 : i32 to index
        %get3A_752 = arith.constant 80 : index
        %get3A_753 = tpu.vector_load %arg7[%get3A_751, %get3A_752] {strides = array<i32>} : memref<128x128xf32, #tpu.memory_space<vmem>>, vector<1x16xf32>,
        %get3A_754 = vector.shape_cast %get3A_753 : vector<1x16xf32> to vector<16xf32>
        %swap3A_755 = arith.index_cast %add3A_705 : i32 to index
        %swap3A_756 = arith.constant 80 : index
        %swap3A_757 = tpu.vector_load %arg11[%swap3A_755, %swap3A_756] {strides = array<i32>} : memref<128x128xf32, #tpu.memory_space<vmem>>, vector<1x16xf32>,
        %swap3A_758 = vector.shape_cast %swap3A_757 : vector<1x16xf32> to vector<16xf32>
        %swap3A_759 = vector.shape_cast %get3A_754 : vector<16xf32> to vector<1x16xf32>
        tpu.vector_store %arg11[%swap3A_755, %swap3A_756], %swap3A_759 {add = true, strides = array<i32>} : memref<128x128xf32, #tpu.memory_space<vmem>>, vector<1x16xf32>,
        %get3A_760 = arith.index_cast %add3A_705 : i32 to index
        %get3A_761 = arith.constant 96 : index
        %get3A_762 = tpu.vector_load %arg7[%get3A_760, %get3A_761] {strides = array<i32>} : memref<128x128xf32, #tpu.memory_space<vmem>>, vector<1x16xf32>,
        %get3A_763 = vector.shape_cast %get3A_762 : vector<1x16xf32> to vector<16xf32>
        %swap3A_764 = arith.index_cast %add3A_705 : i32 to index
        %swap3A_765 = arith.constant 96 : index
        %swap3A_766 = tpu.vector_load %arg11[%swap3A_764, %swap3A_765] {strides = array<i32>} : memref<128x128xf32, #tpu.memory_space<vmem>>, vector<1x16xf32>,
        %swap3A_767 = vector.shape_cast %swap3A_766 : vector<1x16xf32> to vector<16xf32>
        %swap3A_768 = vector.shape_cast %get3A_763 : vector<16xf32> to vector<1x16xf32>
        tpu.vector_store %arg11[%swap3A_764, %swap3A_765], %swap3A_768 {add = true, strides = array<i32>} : memref<128x128xf32, #tpu.memory_space<vmem>>, vector<1x16xf32>,
        %get3A_769 = arith.index_cast %add3A_705 : i32 to index
        %get3A_770 = arith.constant 112 : index
        %get3A_771 = tpu.vector_load %arg7[%get3A_769, %get3A_770] {strides = array<i32>} : memref<128x128xf32, #tpu.memory_space<vmem>>, vector<1x16xf32>,
        %get3A_772 = vector.shape_cast %get3A_771 : vector<1x16xf32> to vector<16xf32>
        %swap3A_773 = arith.index_cast %add3A_705 : i32 to index
        %swap3A_774 = arith.constant 112 : index
        %swap3A_775 = tpu.vector_load %arg11[%swap3A_773, %swap3A_774] {strides = array<i32>} : memref<128x128xf32, #tpu.memory_space<vmem>>, vector<1x16xf32>,
        %swap3A_776 = vector.shape_cast %swap3A_775 : vector<1x16xf32> to vector<16xf32>
        %swap3A_777 = vector.shape_cast %get3A_772 : vector<16xf32> to vector<1x16xf32>
        tpu.vector_store %arg11[%swap3A_773, %swap3A_774], %swap3A_777 {add = true, strides = array<i32>} : memref<128x128xf32, #tpu.memory_space<vmem>>, vector<1x16xf32>,
      }
      %scan3A_88 = arith.constant 16 : i32
      %add3A_89 = arith.constant 4 : i32
      %add3A_90 = arith.addi %add3A_75, %add3A_89 : i32
      %lt3A = arith.constant 50 : i32
      %lt3A_91 = arith.cmpi slt, %add3A_90, %lt3A : i32
      %convert_element_type3A = arith.extui %lt3A_91 : i1 to i32
      %cond3A = arith.constant 0 : i32
      %cond3A_92 = arith.cmpi ne, %convert_element_type3A, %cond3A : i32
      scf.if %cond3A_92 {
        %add3A_171 = arith.constant 4 : i32
        %add3A_172 = arith.addi %add3A_75, %add3A_171 : i32
        %dma_start3A_173 = arith.constant 0 : i32
        %dma_start3A_174 = tpu.memref_slice %arg5[%add3A_172, %dma_start3A_173] : memref<50x128xi32, #tpu.memory_space<vmem>> -> memref<1x128xi32, #tpu.memory_space<vmem>>
        %dma_start3A_175 = tpu.memref_squeeze %dma_start3A_174 : memref<1x128xi32, #tpu.memory_space<vmem>> -> memref<128xi32, #tpu.memory_space<vmem>>
        %dma_start3A_176 = arith.constant 0 : i32
        %dma_start3A_177 = arith.constant 0 : i32
        %dma_start3A_178 = tpu.memref_slice %arg3[%dma_start3A_176, %dma_start3A_177] : memref<100001x128xf32, #tpu.memory_space<hbm>> -> memref<100001x128xf32, #tpu.memory_space<hbm>>
        tpu.enqueue_indirect_dma source(%dma_start3A_178 : memref<100001x128xf32, #tpu.memory_space<hbm>>) target(%arg7 : memref<128x128xf32, #tpu.memory_space<vmem>>) offsets(%dma_start3A_175 : memref<128xi32, #tpu.memory_space<vmem>>) semaphore(%arg13 : memref<!tpu.dma_semaphore, #tpu.memory_space<semaphore_mem>>)
      } else {
      }
      %mul3A_93 = arith.constant 4 : i32
      %mul3A_94 = arith.muli %mul3A_93, %scan3A_69 : i32
      %add3A_95 = arith.constant 1 : i32
      %add3A_96 = arith.addi %mul3A_94, %add3A_95 : i32
      %add3A_97 = arith.constant 1 : i32
      %add3A_98 = arith.addi %add3A_96, %add3A_97 : i32
      %dma_wait3A_99 = arith.constant 0 : i32
      %dma_wait3A_100 = arith.constant 0 : i32
      %dma_wait3A_101 = tpu.memref_slice %arg5[%dma_wait3A_99, %dma_wait3A_100] : memref<50x128xi32, #tpu.memory_space<vmem>> -> memref<1x128xi32, #tpu.memory_space<vmem>>
      %dma_wait3A_102 = tpu.memref_squeeze %dma_wait3A_101 : memref<1x128xi32, #tpu.memory_space<vmem>> -> memref<128xi32, #tpu.memory_space<vmem>>
      %dma_wait3A_103 = arith.constant 0 : i32
      %dma_wait3A_104 = arith.constant 0 : i32
      %dma_wait3A_105 = tpu.memref_slice %arg3[%dma_wait3A_103, %dma_wait3A_104] : memref<100001x128xf32, #tpu.memory_space<hbm>> -> memref<100001x128xf32, #tpu.memory_space<hbm>>
      tpu.wait_indirect_dma semaphore(%arg14 : memref<!tpu.dma_semaphore, #tpu.memory_space<semaphore_mem>>) src(%dma_wait3A_105 : memref<100001x128xf32, #tpu.memory_space<hbm>>) dst(%arg8 : memref<128x128xf32, #tpu.memory_space<vmem>>)
      %scan3A_106 = arith.constant 0 : i32
      %scan3A_107 = arith.constant 0 : i32
      %scan3A_108 = arith.constant 16 : i32
      %scan3A_109 = arith.addi %scan3A_107, %scan3A_108 : i32
      %scan3A_110 = arith.constant 1 : i32
      scf.for %scan3A_171 = %scan3A_107 to %scan3A_109 step %scan3A_110  : i32 {
        %mul3A_172 = arith.constant 8 : i32
        %mul3A_173 = arith.muli %scan3A_171, %mul3A_172 : i32
        %add3A_174 = arith.constant 0 : i32
        %add3A_175 = arith.addi %mul3A_173, %add3A_174 : i32
        %get3A = arith.index_cast %add3A_175 : i32 to index
        %get3A_176 = arith.constant 0 : index
        %get3A_177 = tpu.vector_load %arg8[%get3A, %get3A_176] {strides = array<i32>} : memref<128x128xf32, #tpu.memory_space<vmem>>, vector<1x16xf32>,
        %get3A_178 = vector.shape_cast %get3A_177 : vector<1x16xf32> to vector<16xf32>
        %swap3A = arith.index_cast %add3A_175 : i32 to index
        %swap3A_179 = arith.constant 0 : index
        %swap3A_180 = tpu.vector_load %arg11[%swap3A, %swap3A_179] {strides = array<i32>} : memref<128x128xf32, #tpu.memory_space<vmem>>, vector<1x16xf32>,
        %swap3A_181 = vector.shape_cast %swap3A_180 : vector<1x16xf32> to vector<16xf32>
        %swap3A_182 = vector.shape_cast %get3A_178 : vector<16xf32> to vector<1x16xf32>
        tpu.vector_store %arg11[%swap3A, %swap3A_179], %swap3A_182 {add = true, strides = array<i32>} : memref<128x128xf32, #tpu.memory_space<vmem>>, vector<1x16xf32>,
        %get3A_183 = arith.index_cast %add3A_175 : i32 to index
        %get3A_184 = arith.constant 16 : index
        %get3A_185 = tpu.vector_load %arg8[%get3A_183, %get3A_184] {strides = array<i32>} : memref<128x128xf32, #tpu.memory_space<vmem>>, vector<1x16xf32>,
        %get3A_186 = vector.shape_cast %get3A_185 : vector<1x16xf32> to vector<16xf32>
        %swap3A_187 = arith.index_cast %add3A_175 : i32 to index
        %swap3A_188 = arith.constant 16 : index
        %swap3A_189 = tpu.vector_load %arg11[%swap3A_187, %swap3A_188] {strides = array<i32>} : memref<128x128xf32, #tpu.memory_space<vmem>>, vector<1x16xf32>,
        %swap3A_190 = vector.shape_cast %swap3A_189 : vector<1x16xf32> to vector<16xf32>
        %swap3A_191 = vector.shape_cast %get3A_186 : vector<16xf32> to vector<1x16xf32>
        tpu.vector_store %arg11[%swap3A_187, %swap3A_188], %swap3A_191 {add = true, strides = array<i32>} : memref<128x128xf32, #tpu.memory_space<vmem>>, vector<1x16xf32>,
        %get3A_192 = arith.index_cast %add3A_175 : i32 to index
        %get3A_193 = arith.constant 32 : index
        %get3A_194 = tpu.vector_load %arg8[%get3A_192, %get3A_193] {strides = array<i32>} : memref<128x128xf32, #tpu.memory_space<vmem>>, vector<1x16xf32>,
        %get3A_195 = vector.shape_cast %get3A_194 : vector<1x16xf32> to vector<16xf32>
        %swap3A_196 = arith.index_cast %add3A_175 : i32 to index
        %swap3A_197 = arith.constant 32 : index
        %swap3A_198 = tpu.vector_load %arg11[%swap3A_196, %swap3A_197] {strides = array<i32>} : memref<128x128xf32, #tpu.memory_space<vmem>>, vector<1x16xf32>,
        %swap3A_199 = vector.shape_cast %swap3A_198 : vector<1x16xf32> to vector<16xf32>
        %swap3A_200 = vector.shape_cast %get3A_195 : vector<16xf32> to vector<1x16xf32>
        tpu.vector_store %arg11[%swap3A_196, %swap3A_197], %swap3A_200 {add = true, strides = array<i32>} : memref<128x128xf32, #tpu.memory_space<vmem>>, vector<1x16xf32>,
        %get3A_201 = arith.index_cast %add3A_175 : i32 to index
        %get3A_202 = arith.constant 48 : index
        %get3A_203 = tpu.vector_load %arg8[%get3A_201, %get3A_202] {strides = array<i32>} : memref<128x128xf32, #tpu.memory_space<vmem>>, vector<1x16xf32>,
        %get3A_204 = vector.shape_cast %get3A_203 : vector<1x16xf32> to vector<16xf32>
        %swap3A_205 = arith.index_cast %add3A_175 : i32 to index
        %swap3A_206 = arith.constant 48 : index
        %swap3A_207 = tpu.vector_load %arg11[%swap3A_205, %swap3A_206] {strides = array<i32>} : memref<128x128xf32, #tpu.memory_space<vmem>>, vector<1x16xf32>,
        %swap3A_208 = vector.shape_cast %swap3A_207 : vector<1x16xf32> to vector<16xf32>
        %swap3A_209 = vector.shape_cast %get3A_204 : vector<16xf32> to vector<1x16xf32>
        tpu.vector_store %arg11[%swap3A_205, %swap3A_206], %swap3A_209 {add = true, strides = array<i32>} : memref<128x128xf32, #tpu.memory_space<vmem>>, vector<1x16xf32>,
        %get3A_210 = arith.index_cast %add3A_175 : i32 to index
        %get3A_211 = arith.constant 64 : index
        %get3A_212 = tpu.vector_load %arg8[%get3A_210, %get3A_211] {strides = array<i32>} : memref<128x128xf32, #tpu.memory_space<vmem>>, vector<1x16xf32>,
        %get3A_213 = vector.shape_cast %get3A_212 : vector<1x16xf32> to vector<16xf32>
        %swap3A_214 = arith.index_cast %add3A_175 : i32 to index
        %swap3A_215 = arith.constant 64 : index
        %swap3A_216 = tpu.vector_load %arg11[%swap3A_214, %swap3A_215] {strides = array<i32>} : memref<128x128xf32, #tpu.memory_space<vmem>>, vector<1x16xf32>,
        %swap3A_217 = vector.shape_cast %swap3A_216 : vector<1x16xf32> to vector<16xf32>
        %swap3A_218 = vector.shape_cast %get3A_213 : vector<16xf32> to vector<1x16xf32>
        tpu.vector_store %arg11[%swap3A_214, %swap3A_215], %swap3A_218 {add = true, strides = array<i32>} : memref<128x128xf32, #tpu.memory_space<vmem>>, vector<1x16xf32>,
        %get3A_219 = arith.index_cast %add3A_175 : i32 to index
        %get3A_220 = arith.constant 80 : index
        %get3A_221 = tpu.vector_load %arg8[%get3A_219, %get3A_220] {strides = array<i32>} : memref<128x128xf32, #tpu.memory_space<vmem>>, vector<1x16xf32>,
        %get3A_222 = vector.shape_cast %get3A_221 : vector<1x16xf32> to vector<16xf32>
        %swap3A_223 = arith.index_cast %add3A_175 : i32 to index
        %swap3A_224 = arith.constant 80 : index
        %swap3A_225 = tpu.vector_load %arg11[%swap3A_223, %swap3A_224] {strides = array<i32>} : memref<128x128xf32, #tpu.memory_space<vmem>>, vector<1x16xf32>,
        %swap3A_226 = vector.shape_cast %swap3A_225 : vector<1x16xf32> to vector<16xf32>
        %swap3A_227 = vector.shape_cast %get3A_222 : vector<16xf32> to vector<1x16xf32>
        tpu.vector_store %arg11[%swap3A_223, %swap3A_224], %swap3A_227 {add = true, strides = array<i32>} : memref<128x128xf32, #tpu.memory_space<vmem>>, vector<1x16xf32>,
        %get3A_228 = arith.index_cast %add3A_175 : i32 to index
        %get3A_229 = arith.constant 96 : index
        %get3A_230 = tpu.vector_load %arg8[%get3A_228, %get3A_229] {strides = array<i32>} : memref<128x128xf32, #tpu.memory_space<vmem>>, vector<1x16xf32>,
        %get3A_231 = vector.shape_cast %get3A_230 : vector<1x16xf32> to vector<16xf32>
        %swap3A_232 = arith.index_cast %add3A_175 : i32 to index
        %swap3A_233 = arith.constant 96 : index
        %swap3A_234 = tpu.vector_load %arg11[%swap3A_232, %swap3A_233] {strides = array<i32>} : memref<128x128xf32, #tpu.memory_space<vmem>>, vector<1x16xf32>,
        %swap3A_235 = vector.shape_cast %swap3A_234 : vector<1x16xf32> to vector<16xf32>
        %swap3A_236 = vector.shape_cast %get3A_231 : vector<16xf32> to vector<1x16xf32>
        tpu.vector_store %arg11[%swap3A_232, %swap3A_233], %swap3A_236 {add = true, strides = array<i32>} : memref<128x128xf32, #tpu.memory_space<vmem>>, vector<1x16xf32>,
        %get3A_237 = arith.index_cast %add3A_175 : i32 to index
        %get3A_238 = arith.constant 112 : index
        %get3A_239 = tpu.vector_load %arg8[%get3A_237, %get3A_238] {strides = array<i32>} : memref<128x128xf32, #tpu.memory_space<vmem>>, vector<1x16xf32>,
        %get3A_240 = vector.shape_cast %get3A_239 : vector<1x16xf32> to vector<16xf32>
        %swap3A_241 = arith.index_cast %add3A_175 : i32 to index
        %swap3A_242 = arith.constant 112 : index
        %swap3A_243 = tpu.vector_load %arg11[%swap3A_241, %swap3A_242] {strides = array<i32>} : memref<128x128xf32, #tpu.memory_space<vmem>>, vector<1x16xf32>,
        %swap3A_244 = vector.shape_cast %swap3A_243 : vector<1x16xf32> to vector<16xf32>
        %swap3A_245 = vector.shape_cast %get3A_240 : vector<16xf32> to vector<1x16xf32>
        tpu.vector_store %arg11[%swap3A_241, %swap3A_242], %swap3A_245 {add = true, strides = array<i32>} : memref<128x128xf32, #tpu.memory_space<vmem>>, vector<1x16xf32>,
        %mul3A_246 = arith.constant 8 : i32
        %mul3A_247 = arith.muli %scan3A_171, %mul3A_246 : i32
        %add3A_248 = arith.constant 1 : i32
        %add3A_249 = arith.addi %mul3A_247, %add3A_248 : i32
        %get3A_250 = arith.index_cast %add3A_249 : i32 to index
        %get3A_251 = arith.constant 0 : index
        %get3A_252 = tpu.vector_load %arg8[%get3A_250, %get3A_251] {strides = array<i32>} : memref<128x128xf32, #tpu.memory_space<vmem>>, vector<1x16xf32>,
        %get3A_253 = vector.shape_cast %get3A_252 : vector<1x16xf32> to vector<16xf32>
        %swap3A_254 = arith.index_cast %add3A_249 : i32 to index
        %swap3A_255 = arith.constant 0 : index
        %swap3A_256 = tpu.vector_load %arg11[%swap3A_254, %swap3A_255] {strides = array<i32>} : memref<128x128xf32, #tpu.memory_space<vmem>>, vector<1x16xf32>,
        %swap3A_257 = vector.shape_cast %swap3A_256 : vector<1x16xf32> to vector<16xf32>
        %swap3A_258 = vector.shape_cast %get3A_253 : vector<16xf32> to vector<1x16xf32>
        tpu.vector_store %arg11[%swap3A_254, %swap3A_255], %swap3A_258 {add = true, strides = array<i32>} : memref<128x128xf32, #tpu.memory_space<vmem>>, vector<1x16xf32>,
        %get3A_259 = arith.index_cast %add3A_249 : i32 to index
        %get3A_260 = arith.constant 16 : index
        %get3A_261 = tpu.vector_load %arg8[%get3A_259, %get3A_260] {strides = array<i32>} : memref<128x128xf32, #tpu.memory_space<vmem>>, vector<1x16xf32>,
        %get3A_262 = vector.shape_cast %get3A_261 : vector<1x16xf32> to vector<16xf32>
        %swap3A_263 = arith.index_cast %add3A_249 : i32 to index
        %swap3A_264 = arith.constant 16 : index
        %swap3A_265 = tpu.vector_load %arg11[%swap3A_263, %swap3A_264] {strides = array<i32>} : memref<128x128xf32, #tpu.memory_space<vmem>>, vector<1x16xf32>,
        %swap3A_266 = vector.shape_cast %swap3A_265 : vector<1x16xf32> to vector<16xf32>
        %swap3A_267 = vector.shape_cast %get3A_262 : vector<16xf32> to vector<1x16xf32>
        tpu.vector_store %arg11[%swap3A_263, %swap3A_264], %swap3A_267 {add = true, strides = array<i32>} : memref<128x128xf32, #tpu.memory_space<vmem>>, vector<1x16xf32>,
        %get3A_268 = arith.index_cast %add3A_249 : i32 to index
        %get3A_269 = arith.constant 32 : index
        %get3A_270 = tpu.vector_load %arg8[%get3A_268, %get3A_269] {strides = array<i32>} : memref<128x128xf32, #tpu.memory_space<vmem>>, vector<1x16xf32>,
        %get3A_271 = vector.shape_cast %get3A_270 : vector<1x16xf32> to vector<16xf32>
        %swap3A_272 = arith.index_cast %add3A_249 : i32 to index
        %swap3A_273 = arith.constant 32 : index
        %swap3A_274 = tpu.vector_load %arg11[%swap3A_272, %swap3A_273] {strides = array<i32>} : memref<128x128xf32, #tpu.memory_space<vmem>>, vector<1x16xf32>,
        %swap3A_275 = vector.shape_cast %swap3A_274 : vector<1x16xf32> to vector<16xf32>
        %swap3A_276 = vector.shape_cast %get3A_271 : vector<16xf32> to vector<1x16xf32>
        tpu.vector_store %arg11[%swap3A_272, %swap3A_273], %swap3A_276 {add = true, strides = array<i32>} : memref<128x128xf32, #tpu.memory_space<vmem>>, vector<1x16xf32>,
        %get3A_277 = arith.index_cast %add3A_249 : i32 to index
        %get3A_278 = arith.constant 48 : index
        %get3A_279 = tpu.vector_load %arg8[%get3A_277, %get3A_278] {strides = array<i32>} : memref<128x128xf32, #tpu.memory_space<vmem>>, vector<1x16xf32>,
        %get3A_280 = vector.shape_cast %get3A_279 : vector<1x16xf32> to vector<16xf32>
        %swap3A_281 = arith.index_cast %add3A_249 : i32 to index
        %swap3A_282 = arith.constant 48 : index
        %swap3A_283 = tpu.vector_load %arg11[%swap3A_281, %swap3A_282] {strides = array<i32>} : memref<128x128xf32, #tpu.memory_space<vmem>>, vector<1x16xf32>,
        %swap3A_284 = vector.shape_cast %swap3A_283 : vector<1x16xf32> to vector<16xf32>
        %swap3A_285 = vector.shape_cast %get3A_280 : vector<16xf32> to vector<1x16xf32>
        tpu.vector_store %arg11[%swap3A_281, %swap3A_282], %swap3A_285 {add = true, strides = array<i32>} : memref<128x128xf32, #tpu.memory_space<vmem>>, vector<1x16xf32>,
        %get3A_286 = arith.index_cast %add3A_249 : i32 to index
        %get3A_287 = arith.constant 64 : index
        %get3A_288 = tpu.vector_load %arg8[%get3A_286, %get3A_287] {strides = array<i32>} : memref<128x128xf32, #tpu.memory_space<vmem>>, vector<1x16xf32>,
        %get3A_289 = vector.shape_cast %get3A_288 : vector<1x16xf32> to vector<16xf32>
        %swap3A_290 = arith.index_cast %add3A_249 : i32 to index
        %swap3A_291 = arith.constant 64 : index
        %swap3A_292 = tpu.vector_load %arg11[%swap3A_290, %swap3A_291] {strides = array<i32>} : memref<128x128xf32, #tpu.memory_space<vmem>>, vector<1x16xf32>,
        %swap3A_293 = vector.shape_cast %swap3A_292 : vector<1x16xf32> to vector<16xf32>
        %swap3A_294 = vector.shape_cast %get3A_289 : vector<16xf32> to vector<1x16xf32>
        tpu.vector_store %arg11[%swap3A_290, %swap3A_291], %swap3A_294 {add = true, strides = array<i32>} : memref<128x128xf32, #tpu.memory_space<vmem>>, vector<1x16xf32>,
        %get3A_295 = arith.index_cast %add3A_249 : i32 to index
        %get3A_296 = arith.constant 80 : index
        %get3A_297 = tpu.vector_load %arg8[%get3A_295, %get3A_296] {strides = array<i32>} : memref<128x128xf32, #tpu.memory_space<vmem>>, vector<1x16xf32>,
        %get3A_298 = vector.shape_cast %get3A_297 : vector<1x16xf32> to vector<16xf32>
        %swap3A_299 = arith.index_cast %add3A_249 : i32 to index
        %swap3A_300 = arith.constant 80 : index
        %swap3A_301 = tpu.vector_load %arg11[%swap3A_299, %swap3A_300] {strides = array<i32>} : memref<128x128xf32, #tpu.memory_space<vmem>>, vector<1x16xf32>,
        %swap3A_302 = vector.shape_cast %swap3A_301 : vector<1x16xf32> to vector<16xf32>
        %swap3A_303 = vector.shape_cast %get3A_298 : vector<16xf32> to vector<1x16xf32>
        tpu.vector_store %arg11[%swap3A_299, %swap3A_300], %swap3A_303 {add = true, strides = array<i32>} : memref<128x128xf32, #tpu.memory_space<vmem>>, vector<1x16xf32>,
        %get3A_304 = arith.index_cast %add3A_249 : i32 to index
        %get3A_305 = arith.constant 96 : index
        %get3A_306 = tpu.vector_load %arg8[%get3A_304, %get3A_305] {strides = array<i32>} : memref<128x128xf32, #tpu.memory_space<vmem>>, vector<1x16xf32>,
        %get3A_307 = vector.shape_cast %get3A_306 : vector<1x16xf32> to vector<16xf32>
        %swap3A_308 = arith.index_cast %add3A_249 : i32 to index
        %swap3A_309 = arith.constant 96 : index
        %swap3A_310 = tpu.vector_load %arg11[%swap3A_308, %swap3A_309] {strides = array<i32>} : memref<128x128xf32, #tpu.memory_space<vmem>>, vector<1x16xf32>,
        %swap3A_311 = vector.shape_cast %swap3A_310 : vector<1x16xf32> to vector<16xf32>
        %swap3A_312 = vector.shape_cast %get3A_307 : vector<16xf32> to vector<1x16xf32>
        tpu.vector_store %arg11[%swap3A_308, %swap3A_309], %swap3A_312 {add = true, strides = array<i32>} : memref<128x128xf32, #tpu.memory_space<vmem>>, vector<1x16xf32>,
        %get3A_313 = arith.index_cast %add3A_249 : i32 to index
        %get3A_314 = arith.constant 112 : index
        %get3A_315 = tpu.vector_load %arg8[%get3A_313, %get3A_314] {strides = array<i32>} : memref<128x128xf32, #tpu.memory_space<vmem>>, vector<1x16xf32>,
        %get3A_316 = vector.shape_cast %get3A_315 : vector<1x16xf32> to vector<16xf32>
        %swap3A_317 = arith.index_cast %add3A_249 : i32 to index
        %swap3A_318 = arith.constant 112 : index
        %swap3A_319 = tpu.vector_load %arg11[%swap3A_317, %swap3A_318] {strides = array<i32>} : memref<128x128xf32, #tpu.memory_space<vmem>>, vector<1x16xf32>,
        %swap3A_320 = vector.shape_cast %swap3A_319 : vector<1x16xf32> to vector<16xf32>
        %swap3A_321 = vector.shape_cast %get3A_316 : vector<16xf32> to vector<1x16xf32>
        tpu.vector_store %arg11[%swap3A_317, %swap3A_318], %swap3A_321 {add = true, strides = array<i32>} : memref<128x128xf32, #tpu.memory_space<vmem>>, vector<1x16xf32>,
        %mul3A_322 = arith.constant 8 : i32
        %mul3A_323 = arith.muli %scan3A_171, %mul3A_322 : i32
        %add3A_324 = arith.constant 2 : i32
        %add3A_325 = arith.addi %mul3A_323, %add3A_324 : i32
        %get3A_326 = arith.index_cast %add3A_325 : i32 to index
        %get3A_327 = arith.constant 0 : index
        %get3A_328 = tpu.vector_load %arg8[%get3A_326, %get3A_327] {strides = array<i32>} : memref<128x128xf32, #tpu.memory_space<vmem>>, vector<1x16xf32>,
        %get3A_329 = vector.shape_cast %get3A_328 : vector<1x16xf32> to vector<16xf32>
        %swap3A_330 = arith.index_cast %add3A_325 : i32 to index
        %swap3A_331 = arith.constant 0 : index
        %swap3A_332 = tpu.vector_load %arg11[%swap3A_330, %swap3A_331] {strides = array<i32>} : memref<128x128xf32, #tpu.memory_space<vmem>>, vector<1x16xf32>,
        %swap3A_333 = vector.shape_cast %swap3A_332 : vector<1x16xf32> to vector<16xf32>
        %swap3A_334 = vector.shape_cast %get3A_329 : vector<16xf32> to vector<1x16xf32>
        tpu.vector_store %arg11[%swap3A_330, %swap3A_331], %swap3A_334 {add = true, strides = array<i32>} : memref<128x128xf32, #tpu.memory_space<vmem>>, vector<1x16xf32>,
        %get3A_335 = arith.index_cast %add3A_325 : i32 to index
        %get3A_336 = arith.constant 16 : index
        %get3A_337 = tpu.vector_load %arg8[%get3A_335, %get3A_336] {strides = array<i32>} : memref<128x128xf32, #tpu.memory_space<vmem>>, vector<1x16xf32>,
        %get3A_338 = vector.shape_cast %get3A_337 : vector<1x16xf32> to vector<16xf32>
        %swap3A_339 = arith.index_cast %add3A_325 : i32 to index
        %swap3A_340 = arith.constant 16 : index
        %swap3A_341 = tpu.vector_load %arg11[%swap3A_339, %swap3A_340] {strides = array<i32>} : memref<128x128xf32, #tpu.memory_space<vmem>>, vector<1x16xf32>,
        %swap3A_342 = vector.shape_cast %swap3A_341 : vector<1x16xf32> to vector<16xf32>
        %swap3A_343 = vector.shape_cast %get3A_338 : vector<16xf32> to vector<1x16xf32>
        tpu.vector_store %arg11[%swap3A_339, %swap3A_340], %swap3A_343 {add = true, strides = array<i32>} : memref<128x128xf32, #tpu.memory_space<vmem>>, vector<1x16xf32>,
        %get3A_344 = arith.index_cast %add3A_325 : i32 to index
        %get3A_345 = arith.constant 32 : index
        %get3A_346 = tpu.vector_load %arg8[%get3A_344, %get3A_345] {strides = array<i32>} : memref<128x128xf32, #tpu.memory_space<vmem>>, vector<1x16xf32>,
        %get3A_347 = vector.shape_cast %get3A_346 : vector<1x16xf32> to vector<16xf32>
        %swap3A_348 = arith.index_cast %add3A_325 : i32 to index
        %swap3A_349 = arith.constant 32 : index
        %swap3A_350 = tpu.vector_load %arg11[%swap3A_348, %swap3A_349] {strides = array<i32>} : memref<128x128xf32, #tpu.memory_space<vmem>>, vector<1x16xf32>,
        %swap3A_351 = vector.shape_cast %swap3A_350 : vector<1x16xf32> to vector<16xf32>
        %swap3A_352 = vector.shape_cast %get3A_347 : vector<16xf32> to vector<1x16xf32>
        tpu.vector_store %arg11[%swap3A_348, %swap3A_349], %swap3A_352 {add = true, strides = array<i32>} : memref<128x128xf32, #tpu.memory_space<vmem>>, vector<1x16xf32>,
        %get3A_353 = arith.index_cast %add3A_325 : i32 to index
        %get3A_354 = arith.constant 48 : index
        %get3A_355 = tpu.vector_load %arg8[%get3A_353, %get3A_354] {strides = array<i32>} : memref<128x128xf32, #tpu.memory_space<vmem>>, vector<1x16xf32>,
        %get3A_356 = vector.shape_cast %get3A_355 : vector<1x16xf32> to vector<16xf32>
        %swap3A_357 = arith.index_cast %add3A_325 : i32 to index
        %swap3A_358 = arith.constant 48 : index
        %swap3A_359 = tpu.vector_load %arg11[%swap3A_357, %swap3A_358] {strides = array<i32>} : memref<128x128xf32, #tpu.memory_space<vmem>>, vector<1x16xf32>,
        %swap3A_360 = vector.shape_cast %swap3A_359 : vector<1x16xf32> to vector<16xf32>
        %swap3A_361 = vector.shape_cast %get3A_356 : vector<16xf32> to vector<1x16xf32>
        tpu.vector_store %arg11[%swap3A_357, %swap3A_358], %swap3A_361 {add = true, strides = array<i32>} : memref<128x128xf32, #tpu.memory_space<vmem>>, vector<1x16xf32>,
        %get3A_362 = arith.index_cast %add3A_325 : i32 to index
        %get3A_363 = arith.constant 64 : index
        %get3A_364 = tpu.vector_load %arg8[%get3A_362, %get3A_363] {strides = array<i32>} : memref<128x128xf32, #tpu.memory_space<vmem>>, vector<1x16xf32>,
        %get3A_365 = vector.shape_cast %get3A_364 : vector<1x16xf32> to vector<16xf32>
        %swap3A_366 = arith.index_cast %add3A_325 : i32 to index
        %swap3A_367 = arith.constant 64 : index
        %swap3A_368 = tpu.vector_load %arg11[%swap3A_366, %swap3A_367] {strides = array<i32>} : memref<128x128xf32, #tpu.memory_space<vmem>>, vector<1x16xf32>,
        %swap3A_369 = vector.shape_cast %swap3A_368 : vector<1x16xf32> to vector<16xf32>
        %swap3A_370 = vector.shape_cast %get3A_365 : vector<16xf32> to vector<1x16xf32>
        tpu.vector_store %arg11[%swap3A_366, %swap3A_367], %swap3A_370 {add = true, strides = array<i32>} : memref<128x128xf32, #tpu.memory_space<vmem>>, vector<1x16xf32>,
        %get3A_371 = arith.index_cast %add3A_325 : i32 to index
        %get3A_372 = arith.constant 80 : index
        %get3A_373 = tpu.vector_load %arg8[%get3A_371, %get3A_372] {strides = array<i32>} : memref<128x128xf32, #tpu.memory_space<vmem>>, vector<1x16xf32>,
        %get3A_374 = vector.shape_cast %get3A_373 : vector<1x16xf32> to vector<16xf32>
        %swap3A_375 = arith.index_cast %add3A_325 : i32 to index
        %swap3A_376 = arith.constant 80 : index
        %swap3A_377 = tpu.vector_load %arg11[%swap3A_375, %swap3A_376] {strides = array<i32>} : memref<128x128xf32, #tpu.memory_space<vmem>>, vector<1x16xf32>,
        %swap3A_378 = vector.shape_cast %swap3A_377 : vector<1x16xf32> to vector<16xf32>
        %swap3A_379 = vector.shape_cast %get3A_374 : vector<16xf32> to vector<1x16xf32>
        tpu.vector_store %arg11[%swap3A_375, %swap3A_376], %swap3A_379 {add = true, strides = array<i32>} : memref<128x128xf32, #tpu.memory_space<vmem>>, vector<1x16xf32>,
        %get3A_380 = arith.index_cast %add3A_325 : i32 to index
        %get3A_381 = arith.constant 96 : index
        %get3A_382 = tpu.vector_load %arg8[%get3A_380, %get3A_381] {strides = array<i32>} : memref<128x128xf32, #tpu.memory_space<vmem>>, vector<1x16xf32>,
        %get3A_383 = vector.shape_cast %get3A_382 : vector<1x16xf32> to vector<16xf32>
        %swap3A_384 = arith.index_cast %add3A_325 : i32 to index
        %swap3A_385 = arith.constant 96 : index
        %swap3A_386 = tpu.vector_load %arg11[%swap3A_384, %swap3A_385] {strides = array<i32>} : memref<128x128xf32, #tpu.memory_space<vmem>>, vector<1x16xf32>,
        %swap3A_387 = vector.shape_cast %swap3A_386 : vector<1x16xf32> to vector<16xf32>
        %swap3A_388 = vector.shape_cast %get3A_383 : vector<16xf32> to vector<1x16xf32>
        tpu.vector_store %arg11[%swap3A_384, %swap3A_385], %swap3A_388 {add = true, strides = array<i32>} : memref<128x128xf32, #tpu.memory_space<vmem>>, vector<1x16xf32>,
        %get3A_389 = arith.index_cast %add3A_325 : i32 to index
        %get3A_390 = arith.constant 112 : index
        %get3A_391 = tpu.vector_load %arg8[%get3A_389, %get3A_390] {strides = array<i32>} : memref<128x128xf32, #tpu.memory_space<vmem>>, vector<1x16xf32>,
        %get3A_392 = vector.shape_cast %get3A_391 : vector<1x16xf32> to vector<16xf32>
        %swap3A_393 = arith.index_cast %add3A_325 : i32 to index
        %swap3A_394 = arith.constant 112 : index
        %swap3A_395 = tpu.vector_load %arg11[%swap3A_393, %swap3A_394] {strides = array<i32>} : memref<128x128xf32, #tpu.memory_space<vmem>>, vector<1x16xf32>,
        %swap3A_396 = vector.shape_cast %swap3A_395 : vector<1x16xf32> to vector<16xf32>
        %swap3A_397 = vector.shape_cast %get3A_392 : vector<16xf32> to vector<1x16xf32>
        tpu.vector_store %arg11[%swap3A_393, %swap3A_394], %swap3A_397 {add = true, strides = array<i32>} : memref<128x128xf32, #tpu.memory_space<vmem>>, vector<1x16xf32>,
        %mul3A_398 = arith.constant 8 : i32
        %mul3A_399 = arith.muli %scan3A_171, %mul3A_398 : i32
        %add3A_400 = arith.constant 3 : i32
        %add3A_401 = arith.addi %mul3A_399, %add3A_400 : i32
        %get3A_402 = arith.index_cast %add3A_401 : i32 to index
        %get3A_403 = arith.constant 0 : index
        %get3A_404 = tpu.vector_load %arg8[%get3A_402, %get3A_403] {strides = array<i32>} : memref<128x128xf32, #tpu.memory_space<vmem>>, vector<1x16xf32>,
        %get3A_405 = vector.shape_cast %get3A_404 : vector<1x16xf32> to vector<16xf32>
        %swap3A_406 = arith.index_cast %add3A_401 : i32 to index
        %swap3A_407 = arith.constant 0 : index
        %swap3A_408 = tpu.vector_load %arg11[%swap3A_406, %swap3A_407] {strides = array<i32>} : memref<128x128xf32, #tpu.memory_space<vmem>>, vector<1x16xf32>,
        %swap3A_409 = vector.shape_cast %swap3A_408 : vector<1x16xf32> to vector<16xf32>
        %swap3A_410 = vector.shape_cast %get3A_405 : vector<16xf32> to vector<1x16xf32>
        tpu.vector_store %arg11[%swap3A_406, %swap3A_407], %swap3A_410 {add = true, strides = array<i32>} : memref<128x128xf32, #tpu.memory_space<vmem>>, vector<1x16xf32>,
        %get3A_411 = arith.index_cast %add3A_401 : i32 to index
        %get3A_412 = arith.constant 16 : index
        %get3A_413 = tpu.vector_load %arg8[%get3A_411, %get3A_412] {strides = array<i32>} : memref<128x128xf32, #tpu.memory_space<vmem>>, vector<1x16xf32>,
        %get3A_414 = vector.shape_cast %get3A_413 : vector<1x16xf32> to vector<16xf32>
        %swap3A_415 = arith.index_cast %add3A_401 : i32 to index
        %swap3A_416 = arith.constant 16 : index
        %swap3A_417 = tpu.vector_load %arg11[%swap3A_415, %swap3A_416] {strides = array<i32>} : memref<128x128xf32, #tpu.memory_space<vmem>>, vector<1x16xf32>,
        %swap3A_418 = vector.shape_cast %swap3A_417 : vector<1x16xf32> to vector<16xf32>
        %swap3A_419 = vector.shape_cast %get3A_414 : vector<16xf32> to vector<1x16xf32>
        tpu.vector_store %arg11[%swap3A_415, %swap3A_416], %swap3A_419 {add = true, strides = array<i32>} : memref<128x128xf32, #tpu.memory_space<vmem>>, vector<1x16xf32>,
        %get3A_420 = arith.index_cast %add3A_401 : i32 to index
        %get3A_421 = arith.constant 32 : index
        %get3A_422 = tpu.vector_load %arg8[%get3A_420, %get3A_421] {strides = array<i32>} : memref<128x128xf32, #tpu.memory_space<vmem>>, vector<1x16xf32>,
        %get3A_423 = vector.shape_cast %get3A_422 : vector<1x16xf32> to vector<16xf32>
        %swap3A_424 = arith.index_cast %add3A_401 : i32 to index
        %swap3A_425 = arith.constant 32 : index
        %swap3A_426 = tpu.vector_load %arg11[%swap3A_424, %swap3A_425] {strides = array<i32>} : memref<128x128xf32, #tpu.memory_space<vmem>>, vector<1x16xf32>,
        %swap3A_427 = vector.shape_cast %swap3A_426 : vector<1x16xf32> to vector<16xf32>
        %swap3A_428 = vector.shape_cast %get3A_423 : vector<16xf32> to vector<1x16xf32>
        tpu.vector_store %arg11[%swap3A_424, %swap3A_425], %swap3A_428 {add = true, strides = array<i32>} : memref<128x128xf32, #tpu.memory_space<vmem>>, vector<1x16xf32>,
        %get3A_429 = arith.index_cast %add3A_401 : i32 to index
        %get3A_430 = arith.constant 48 : index
        %get3A_431 = tpu.vector_load %arg8[%get3A_429, %get3A_430] {strides = array<i32>} : memref<128x128xf32, #tpu.memory_space<vmem>>, vector<1x16xf32>,
        %get3A_432 = vector.shape_cast %get3A_431 : vector<1x16xf32> to vector<16xf32>
        %swap3A_433 = arith.index_cast %add3A_401 : i32 to index
        %swap3A_434 = arith.constant 48 : index
        %swap3A_435 = tpu.vector_load %arg11[%swap3A_433, %swap3A_434] {strides = array<i32>} : memref<128x128xf32, #tpu.memory_space<vmem>>, vector<1x16xf32>,
        %swap3A_436 = vector.shape_cast %swap3A_435 : vector<1x16xf32> to vector<16xf32>
        %swap3A_437 = vector.shape_cast %get3A_432 : vector<16xf32> to vector<1x16xf32>
        tpu.vector_store %arg11[%swap3A_433, %swap3A_434], %swap3A_437 {add = true, strides = array<i32>} : memref<128x128xf32, #tpu.memory_space<vmem>>, vector<1x16xf32>,
        %get3A_438 = arith.index_cast %add3A_401 : i32 to index
        %get3A_439 = arith.constant 64 : index
        %get3A_440 = tpu.vector_load %arg8[%get3A_438, %get3A_439] {strides = array<i32>} : memref<128x128xf32, #tpu.memory_space<vmem>>, vector<1x16xf32>,
        %get3A_441 = vector.shape_cast %get3A_440 : vector<1x16xf32> to vector<16xf32>
        %swap3A_442 = arith.index_cast %add3A_401 : i32 to index
        %swap3A_443 = arith.constant 64 : index
        %swap3A_444 = tpu.vector_load %arg11[%swap3A_442, %swap3A_443] {strides = array<i32>} : memref<128x128xf32, #tpu.memory_space<vmem>>, vector<1x16xf32>,
        %swap3A_445 = vector.shape_cast %swap3A_444 : vector<1x16xf32> to vector<16xf32>
        %swap3A_446 = vector.shape_cast %get3A_441 : vector<16xf32> to vector<1x16xf32>
        tpu.vector_store %arg11[%swap3A_442, %swap3A_443], %swap3A_446 {add = true, strides = array<i32>} : memref<128x128xf32, #tpu.memory_space<vmem>>, vector<1x16xf32>,
        %get3A_447 = arith.index_cast %add3A_401 : i32 to index
        %get3A_448 = arith.constant 80 : index
        %get3A_449 = tpu.vector_load %arg8[%get3A_447, %get3A_448] {strides = array<i32>} : memref<128x128xf32, #tpu.memory_space<vmem>>, vector<1x16xf32>,
        %get3A_450 = vector.shape_cast %get3A_449 : vector<1x16xf32> to vector<16xf32>
        %swap3A_451 = arith.index_cast %add3A_401 : i32 to index
        %swap3A_452 = arith.constant 80 : index
        %swap3A_453 = tpu.vector_load %arg11[%swap3A_451, %swap3A_452] {strides = array<i32>} : memref<128x128xf32, #tpu.memory_space<vmem>>, vector<1x16xf32>,
        %swap3A_454 = vector.shape_cast %swap3A_453 : vector<1x16xf32> to vector<16xf32>
        %swap3A_455 = vector.shape_cast %get3A_450 : vector<16xf32> to vector<1x16xf32>
        tpu.vector_store %arg11[%swap3A_451, %swap3A_452], %swap3A_455 {add = true, strides = array<i32>} : memref<128x128xf32, #tpu.memory_space<vmem>>, vector<1x16xf32>,
        %get3A_456 = arith.index_cast %add3A_401 : i32 to index
        %get3A_457 = arith.constant 96 : index
        %get3A_458 = tpu.vector_load %arg8[%get3A_456, %get3A_457] {strides = array<i32>} : memref<128x128xf32, #tpu.memory_space<vmem>>, vector<1x16xf32>,
        %get3A_459 = vector.shape_cast %get3A_458 : vector<1x16xf32> to vector<16xf32>
        %swap3A_460 = arith.index_cast %add3A_401 : i32 to index
        %swap3A_461 = arith.constant 96 : index
        %swap3A_462 = tpu.vector_load %arg11[%swap3A_460, %swap3A_461] {strides = array<i32>} : memref<128x128xf32, #tpu.memory_space<vmem>>, vector<1x16xf32>,
        %swap3A_463 = vector.shape_cast %swap3A_462 : vector<1x16xf32> to vector<16xf32>
        %swap3A_464 = vector.shape_cast %get3A_459 : vector<16xf32> to vector<1x16xf32>
        tpu.vector_store %arg11[%swap3A_460, %swap3A_461], %swap3A_464 {add = true, strides = array<i32>} : memref<128x128xf32, #tpu.memory_space<vmem>>, vector<1x16xf32>,
        %get3A_465 = arith.index_cast %add3A_401 : i32 to index
        %get3A_466 = arith.constant 112 : index
        %get3A_467 = tpu.vector_load %arg8[%get3A_465, %get3A_466] {strides = array<i32>} : memref<128x128xf32, #tpu.memory_space<vmem>>, vector<1x16xf32>,
        %get3A_468 = vector.shape_cast %get3A_467 : vector<1x16xf32> to vector<16xf32>
        %swap3A_469 = arith.index_cast %add3A_401 : i32 to index
        %swap3A_470 = arith.constant 112 : index
        %swap3A_471 = tpu.vector_load %arg11[%swap3A_469, %swap3A_470] {strides = array<i32>} : memref<128x128xf32, #tpu.memory_space<vmem>>, vector<1x16xf32>,
        %swap3A_472 = vector.shape_cast %swap3A_471 : vector<1x16xf32> to vector<16xf32>
        %swap3A_473 = vector.shape_cast %get3A_468 : vector<16xf32> to vector<1x16xf32>
        tpu.vector_store %arg11[%swap3A_469, %swap3A_470], %swap3A_473 {add = true, strides = array<i32>} : memref<128x128xf32, #tpu.memory_space<vmem>>, vector<1x16xf32>,
        %mul3A_474 = arith.constant 8 : i32
        %mul3A_475 = arith.muli %scan3A_171, %mul3A_474 : i32
        %add3A_476 = arith.constant 4 : i32
        %add3A_477 = arith.addi %mul3A_475, %add3A_476 : i32
        %get3A_478 = arith.index_cast %add3A_477 : i32 to index
        %get3A_479 = arith.constant 0 : index
        %get3A_480 = tpu.vector_load %arg8[%get3A_478, %get3A_479] {strides = array<i32>} : memref<128x128xf32, #tpu.memory_space<vmem>>, vector<1x16xf32>,
        %get3A_481 = vector.shape_cast %get3A_480 : vector<1x16xf32> to vector<16xf32>
        %swap3A_482 = arith.index_cast %add3A_477 : i32 to index
        %swap3A_483 = arith.constant 0 : index
        %swap3A_484 = tpu.vector_load %arg11[%swap3A_482, %swap3A_483] {strides = array<i32>} : memref<128x128xf32, #tpu.memory_space<vmem>>, vector<1x16xf32>,
        %swap3A_485 = vector.shape_cast %swap3A_484 : vector<1x16xf32> to vector<16xf32>
        %swap3A_486 = vector.shape_cast %get3A_481 : vector<16xf32> to vector<1x16xf32>
        tpu.vector_store %arg11[%swap3A_482, %swap3A_483], %swap3A_486 {add = true, strides = array<i32>} : memref<128x128xf32, #tpu.memory_space<vmem>>, vector<1x16xf32>,
        %get3A_487 = arith.index_cast %add3A_477 : i32 to index
        %get3A_488 = arith.constant 16 : index
        %get3A_489 = tpu.vector_load %arg8[%get3A_487, %get3A_488] {strides = array<i32>} : memref<128x128xf32, #tpu.memory_space<vmem>>, vector<1x16xf32>,
        %get3A_490 = vector.shape_cast %get3A_489 : vector<1x16xf32> to vector<16xf32>
        %swap3A_491 = arith.index_cast %add3A_477 : i32 to index
        %swap3A_492 = arith.constant 16 : index
        %swap3A_493 = tpu.vector_load %arg11[%swap3A_491, %swap3A_492] {strides = array<i32>} : memref<128x128xf32, #tpu.memory_space<vmem>>, vector<1x16xf32>,
        %swap3A_494 = vector.shape_cast %swap3A_493 : vector<1x16xf32> to vector<16xf32>
        %swap3A_495 = vector.shape_cast %get3A_490 : vector<16xf32> to vector<1x16xf32>
        tpu.vector_store %arg11[%swap3A_491, %swap3A_492], %swap3A_495 {add = true, strides = array<i32>} : memref<128x128xf32, #tpu.memory_space<vmem>>, vector<1x16xf32>,
        %get3A_496 = arith.index_cast %add3A_477 : i32 to index
        %get3A_497 = arith.constant 32 : index
        %get3A_498 = tpu.vector_load %arg8[%get3A_496, %get3A_497] {strides = array<i32>} : memref<128x128xf32, #tpu.memory_space<vmem>>, vector<1x16xf32>,
        %get3A_499 = vector.shape_cast %get3A_498 : vector<1x16xf32> to vector<16xf32>
        %swap3A_500 = arith.index_cast %add3A_477 : i32 to index
        %swap3A_501 = arith.constant 32 : index
        %swap3A_502 = tpu.vector_load %arg11[%swap3A_500, %swap3A_501] {strides = array<i32>} : memref<128x128xf32, #tpu.memory_space<vmem>>, vector<1x16xf32>,
        %swap3A_503 = vector.shape_cast %swap3A_502 : vector<1x16xf32> to vector<16xf32>
        %swap3A_504 = vector.shape_cast %get3A_499 : vector<16xf32> to vector<1x16xf32>
        tpu.vector_store %arg11[%swap3A_500, %swap3A_501], %swap3A_504 {add = true, strides = array<i32>} : memref<128x128xf32, #tpu.memory_space<vmem>>, vector<1x16xf32>,
        %get3A_505 = arith.index_cast %add3A_477 : i32 to index
        %get3A_506 = arith.constant 48 : index
        %get3A_507 = tpu.vector_load %arg8[%get3A_505, %get3A_506] {strides = array<i32>} : memref<128x128xf32, #tpu.memory_space<vmem>>, vector<1x16xf32>,
        %get3A_508 = vector.shape_cast %get3A_507 : vector<1x16xf32> to vector<16xf32>
        %swap3A_509 = arith.index_cast %add3A_477 : i32 to index
        %swap3A_510 = arith.constant 48 : index
        %swap3A_511 = tpu.vector_load %arg11[%swap3A_509, %swap3A_510] {strides = array<i32>} : memref<128x128xf32, #tpu.memory_space<vmem>>, vector<1x16xf32>,
        %swap3A_512 = vector.shape_cast %swap3A_511 : vector<1x16xf32> to vector<16xf32>
        %swap3A_513 = vector.shape_cast %get3A_508 : vector<16xf32> to vector<1x16xf32>
        tpu.vector_store %arg11[%swap3A_509, %swap3A_510], %swap3A_513 {add = true, strides = array<i32>} : memref<128x128xf32, #tpu.memory_space<vmem>>, vector<1x16xf32>,
        %get3A_514 = arith.index_cast %add3A_477 : i32 to index
        %get3A_515 = arith.constant 64 : index
        %get3A_516 = tpu.vector_load %arg8[%get3A_514, %get3A_515] {strides = array<i32>} : memref<128x128xf32, #tpu.memory_space<vmem>>, vector<1x16xf32>,
        %get3A_517 = vector.shape_cast %get3A_516 : vector<1x16xf32> to vector<16xf32>
        %swap3A_518 = arith.index_cast %add3A_477 : i32 to index
        %swap3A_519 = arith.constant 64 : index
        %swap3A_520 = tpu.vector_load %arg11[%swap3A_518, %swap3A_519] {strides = array<i32>} : memref<128x128xf32, #tpu.memory_space<vmem>>, vector<1x16xf32>,
        %swap3A_521 = vector.shape_cast %swap3A_520 : vector<1x16xf32> to vector<16xf32>
        %swap3A_522 = vector.shape_cast %get3A_517 : vector<16xf32> to vector<1x16xf32>
        tpu.vector_store %arg11[%swap3A_518, %swap3A_519], %swap3A_522 {add = true, strides = array<i32>} : memref<128x128xf32, #tpu.memory_space<vmem>>, vector<1x16xf32>,
        %get3A_523 = arith.index_cast %add3A_477 : i32 to index
        %get3A_524 = arith.constant 80 : index
        %get3A_525 = tpu.vector_load %arg8[%get3A_523, %get3A_524] {strides = array<i32>} : memref<128x128xf32, #tpu.memory_space<vmem>>, vector<1x16xf32>,
        %get3A_526 = vector.shape_cast %get3A_525 : vector<1x16xf32> to vector<16xf32>
        %swap3A_527 = arith.index_cast %add3A_477 : i32 to index
        %swap3A_528 = arith.constant 80 : index
        %swap3A_529 = tpu.vector_load %arg11[%swap3A_527, %swap3A_528] {strides = array<i32>} : memref<128x128xf32, #tpu.memory_space<vmem>>, vector<1x16xf32>,
        %swap3A_530 = vector.shape_cast %swap3A_529 : vector<1x16xf32> to vector<16xf32>
        %swap3A_531 = vector.shape_cast %get3A_526 : vector<16xf32> to vector<1x16xf32>
        tpu.vector_store %arg11[%swap3A_527, %swap3A_528], %swap3A_531 {add = true, strides = array<i32>} : memref<128x128xf32, #tpu.memory_space<vmem>>, vector<1x16xf32>,
        %get3A_532 = arith.index_cast %add3A_477 : i32 to index
        %get3A_533 = arith.constant 96 : index
        %get3A_534 = tpu.vector_load %arg8[%get3A_532, %get3A_533] {strides = array<i32>} : memref<128x128xf32, #tpu.memory_space<vmem>>, vector<1x16xf32>,
        %get3A_535 = vector.shape_cast %get3A_534 : vector<1x16xf32> to vector<16xf32>
        %swap3A_536 = arith.index_cast %add3A_477 : i32 to index
        %swap3A_537 = arith.constant 96 : index
        %swap3A_538 = tpu.vector_load %arg11[%swap3A_536, %swap3A_537] {strides = array<i32>} : memref<128x128xf32, #tpu.memory_space<vmem>>, vector<1x16xf32>,
        %swap3A_539 = vector.shape_cast %swap3A_538 : vector<1x16xf32> to vector<16xf32>
        %swap3A_540 = vector.shape_cast %get3A_535 : vector<16xf32> to vector<1x16xf32>
        tpu.vector_store %arg11[%swap3A_536, %swap3A_537], %swap3A_540 {add = true, strides = array<i32>} : memref<128x128xf32, #tpu.memory_space<vmem>>, vector<1x16xf32>,
        %get3A_541 = arith.index_cast %add3A_477 : i32 to index
        %get3A_542 = arith.constant 112 : index
        %get3A_543 = tpu.vector_load %arg8[%get3A_541, %get3A_542] {strides = array<i32>} : memref<128x128xf32, #tpu.memory_space<vmem>>, vector<1x16xf32>,
        %get3A_544 = vector.shape_cast %get3A_543 : vector<1x16xf32> to vector<16xf32>
        %swap3A_545 = arith.index_cast %add3A_477 : i32 to index
        %swap3A_546 = arith.constant 112 : index
        %swap3A_547 = tpu.vector_load %arg11[%swap3A_545, %swap3A_546] {strides = array<i32>} : memref<128x128xf32, #tpu.memory_space<vmem>>, vector<1x16xf32>,
        %swap3A_548 = vector.shape_cast %swap3A_547 : vector<1x16xf32> to vector<16xf32>
        %swap3A_549 = vector.shape_cast %get3A_544 : vector<16xf32> to vector<1x16xf32>
        tpu.vector_store %arg11[%swap3A_545, %swap3A_546], %swap3A_549 {add = true, strides = array<i32>} : memref<128x128xf32, #tpu.memory_space<vmem>>, vector<1x16xf32>,
        %mul3A_550 = arith.constant 8 : i32
        %mul3A_551 = arith.muli %scan3A_171, %mul3A_550 : i32
        %add3A_552 = arith.constant 5 : i32
        %add3A_553 = arith.addi %mul3A_551, %add3A_552 : i32
        %get3A_554 = arith.index_cast %add3A_553 : i32 to index
        %get3A_555 = arith.constant 0 : index
        %get3A_556 = tpu.vector_load %arg8[%get3A_554, %get3A_555] {strides = array<i32>} : memref<128x128xf32, #tpu.memory_space<vmem>>, vector<1x16xf32>,
        %get3A_557 = vector.shape_cast %get3A_556 : vector<1x16xf32> to vector<16xf32>
        %swap3A_558 = arith.index_cast %add3A_553 : i32 to index
        %swap3A_559 = arith.constant 0 : index
        %swap3A_560 = tpu.vector_load %arg11[%swap3A_558, %swap3A_559] {strides = array<i32>} : memref<128x128xf32, #tpu.memory_space<vmem>>, vector<1x16xf32>,
        %swap3A_561 = vector.shape_cast %swap3A_560 : vector<1x16xf32> to vector<16xf32>
        %swap3A_562 = vector.shape_cast %get3A_557 : vector<16xf32> to vector<1x16xf32>
        tpu.vector_store %arg11[%swap3A_558, %swap3A_559], %swap3A_562 {add = true, strides = array<i32>} : memref<128x128xf32, #tpu.memory_space<vmem>>, vector<1x16xf32>,
        %get3A_563 = arith.index_cast %add3A_553 : i32 to index
        %get3A_564 = arith.constant 16 : index
        %get3A_565 = tpu.vector_load %arg8[%get3A_563, %get3A_564] {strides = array<i32>} : memref<128x128xf32, #tpu.memory_space<vmem>>, vector<1x16xf32>,
        %get3A_566 = vector.shape_cast %get3A_565 : vector<1x16xf32> to vector<16xf32>
        %swap3A_567 = arith.index_cast %add3A_553 : i32 to index
        %swap3A_568 = arith.constant 16 : index
        %swap3A_569 = tpu.vector_load %arg11[%swap3A_567, %swap3A_568] {strides = array<i32>} : memref<128x128xf32, #tpu.memory_space<vmem>>, vector<1x16xf32>,
        %swap3A_570 = vector.shape_cast %swap3A_569 : vector<1x16xf32> to vector<16xf32>
        %swap3A_571 = vector.shape_cast %get3A_566 : vector<16xf32> to vector<1x16xf32>
        tpu.vector_store %arg11[%swap3A_567, %swap3A_568], %swap3A_571 {add = true, strides = array<i32>} : memref<128x128xf32, #tpu.memory_space<vmem>>, vector<1x16xf32>,
        %get3A_572 = arith.index_cast %add3A_553 : i32 to index
        %get3A_573 = arith.constant 32 : index
        %get3A_574 = tpu.vector_load %arg8[%get3A_572, %get3A_573] {strides = array<i32>} : memref<128x128xf32, #tpu.memory_space<vmem>>, vector<1x16xf32>,
        %get3A_575 = vector.shape_cast %get3A_574 : vector<1x16xf32> to vector<16xf32>
        %swap3A_576 = arith.index_cast %add3A_553 : i32 to index
        %swap3A_577 = arith.constant 32 : index
        %swap3A_578 = tpu.vector_load %arg11[%swap3A_576, %swap3A_577] {strides = array<i32>} : memref<128x128xf32, #tpu.memory_space<vmem>>, vector<1x16xf32>,
        %swap3A_579 = vector.shape_cast %swap3A_578 : vector<1x16xf32> to vector<16xf32>
        %swap3A_580 = vector.shape_cast %get3A_575 : vector<16xf32> to vector<1x16xf32>
        tpu.vector_store %arg11[%swap3A_576, %swap3A_577], %swap3A_580 {add = true, strides = array<i32>} : memref<128x128xf32, #tpu.memory_space<vmem>>, vector<1x16xf32>,
        %get3A_581 = arith.index_cast %add3A_553 : i32 to index
        %get3A_582 = arith.constant 48 : index
        %get3A_583 = tpu.vector_load %arg8[%get3A_581, %get3A_582] {strides = array<i32>} : memref<128x128xf32, #tpu.memory_space<vmem>>, vector<1x16xf32>,
        %get3A_584 = vector.shape_cast %get3A_583 : vector<1x16xf32> to vector<16xf32>
        %swap3A_585 = arith.index_cast %add3A_553 : i32 to index
        %swap3A_586 = arith.constant 48 : index
        %swap3A_587 = tpu.vector_load %arg11[%swap3A_585, %swap3A_586] {strides = array<i32>} : memref<128x128xf32, #tpu.memory_space<vmem>>, vector<1x16xf32>,
        %swap3A_588 = vector.shape_cast %swap3A_587 : vector<1x16xf32> to vector<16xf32>
        %swap3A_589 = vector.shape_cast %get3A_584 : vector<16xf32> to vector<1x16xf32>
        tpu.vector_store %arg11[%swap3A_585, %swap3A_586], %swap3A_589 {add = true, strides = array<i32>} : memref<128x128xf32, #tpu.memory_space<vmem>>, vector<1x16xf32>,
        %get3A_590 = arith.index_cast %add3A_553 : i32 to index
        %get3A_591 = arith.constant 64 : index
        %get3A_592 = tpu.vector_load %arg8[%get3A_590, %get3A_591] {strides = array<i32>} : memref<128x128xf32, #tpu.memory_space<vmem>>, vector<1x16xf32>,
        %get3A_593 = vector.shape_cast %get3A_592 : vector<1x16xf32> to vector<16xf32>
        %swap3A_594 = arith.index_cast %add3A_553 : i32 to index
        %swap3A_595 = arith.constant 64 : index
        %swap3A_596 = tpu.vector_load %arg11[%swap3A_594, %swap3A_595] {strides = array<i32>} : memref<128x128xf32, #tpu.memory_space<vmem>>, vector<1x16xf32>,
        %swap3A_597 = vector.shape_cast %swap3A_596 : vector<1x16xf32> to vector<16xf32>
        %swap3A_598 = vector.shape_cast %get3A_593 : vector<16xf32> to vector<1x16xf32>
        tpu.vector_store %arg11[%swap3A_594, %swap3A_595], %swap3A_598 {add = true, strides = array<i32>} : memref<128x128xf32, #tpu.memory_space<vmem>>, vector<1x16xf32>,
        %get3A_599 = arith.index_cast %add3A_553 : i32 to index
        %get3A_600 = arith.constant 80 : index
        %get3A_601 = tpu.vector_load %arg8[%get3A_599, %get3A_600] {strides = array<i32>} : memref<128x128xf32, #tpu.memory_space<vmem>>, vector<1x16xf32>,
        %get3A_602 = vector.shape_cast %get3A_601 : vector<1x16xf32> to vector<16xf32>
        %swap3A_603 = arith.index_cast %add3A_553 : i32 to index
        %swap3A_604 = arith.constant 80 : index
        %swap3A_605 = tpu.vector_load %arg11[%swap3A_603, %swap3A_604] {strides = array<i32>} : memref<128x128xf32, #tpu.memory_space<vmem>>, vector<1x16xf32>,
        %swap3A_606 = vector.shape_cast %swap3A_605 : vector<1x16xf32> to vector<16xf32>
        %swap3A_607 = vector.shape_cast %get3A_602 : vector<16xf32> to vector<1x16xf32>
        tpu.vector_store %arg11[%swap3A_603, %swap3A_604], %swap3A_607 {add = true, strides = array<i32>} : memref<128x128xf32, #tpu.memory_space<vmem>>, vector<1x16xf32>,
        %get3A_608 = arith.index_cast %add3A_553 : i32 to index
        %get3A_609 = arith.constant 96 : index
        %get3A_610 = tpu.vector_load %arg8[%get3A_608, %get3A_609] {strides = array<i32>} : memref<128x128xf32, #tpu.memory_space<vmem>>, vector<1x16xf32>,
        %get3A_611 = vector.shape_cast %get3A_610 : vector<1x16xf32> to vector<16xf32>
        %swap3A_612 = arith.index_cast %add3A_553 : i32 to index
        %swap3A_613 = arith.constant 96 : index
        %swap3A_614 = tpu.vector_load %arg11[%swap3A_612, %swap3A_613] {strides = array<i32>} : memref<128x128xf32, #tpu.memory_space<vmem>>, vector<1x16xf32>,
        %swap3A_615 = vector.shape_cast %swap3A_614 : vector<1x16xf32> to vector<16xf32>
        %swap3A_616 = vector.shape_cast %get3A_611 : vector<16xf32> to vector<1x16xf32>
        tpu.vector_store %arg11[%swap3A_612, %swap3A_613], %swap3A_616 {add = true, strides = array<i32>} : memref<128x128xf32, #tpu.memory_space<vmem>>, vector<1x16xf32>,
        %get3A_617 = arith.index_cast %add3A_553 : i32 to index
        %get3A_618 = arith.constant 112 : index
        %get3A_619 = tpu.vector_load %arg8[%get3A_617, %get3A_618] {strides = array<i32>} : memref<128x128xf32, #tpu.memory_space<vmem>>, vector<1x16xf32>,
        %get3A_620 = vector.shape_cast %get3A_619 : vector<1x16xf32> to vector<16xf32>
        %swap3A_621 = arith.index_cast %add3A_553 : i32 to index
        %swap3A_622 = arith.constant 112 : index
        %swap3A_623 = tpu.vector_load %arg11[%swap3A_621, %swap3A_622] {strides = array<i32>} : memref<128x128xf32, #tpu.memory_space<vmem>>, vector<1x16xf32>,
        %swap3A_624 = vector.shape_cast %swap3A_623 : vector<1x16xf32> to vector<16xf32>
        %swap3A_625 = vector.shape_cast %get3A_620 : vector<16xf32> to vector<1x16xf32>
        tpu.vector_store %arg11[%swap3A_621, %swap3A_622], %swap3A_625 {add = true, strides = array<i32>} : memref<128x128xf32, #tpu.memory_space<vmem>>, vector<1x16xf32>,
        %mul3A_626 = arith.constant 8 : i32
        %mul3A_627 = arith.muli %scan3A_171, %mul3A_626 : i32
        %add3A_628 = arith.constant 6 : i32
        %add3A_629 = arith.addi %mul3A_627, %add3A_628 : i32
        %get3A_630 = arith.index_cast %add3A_629 : i32 to index
        %get3A_631 = arith.constant 0 : index
        %get3A_632 = tpu.vector_load %arg8[%get3A_630, %get3A_631] {strides = array<i32>} : memref<128x128xf32, #tpu.memory_space<vmem>>, vector<1x16xf32>,
        %get3A_633 = vector.shape_cast %get3A_632 : vector<1x16xf32> to vector<16xf32>
        %swap3A_634 = arith.index_cast %add3A_629 : i32 to index
        %swap3A_635 = arith.constant 0 : index
        %swap3A_636 = tpu.vector_load %arg11[%swap3A_634, %swap3A_635] {strides = array<i32>} : memref<128x128xf32, #tpu.memory_space<vmem>>, vector<1x16xf32>,
        %swap3A_637 = vector.shape_cast %swap3A_636 : vector<1x16xf32> to vector<16xf32>
        %swap3A_638 = vector.shape_cast %get3A_633 : vector<16xf32> to vector<1x16xf32>
        tpu.vector_store %arg11[%swap3A_634, %swap3A_635], %swap3A_638 {add = true, strides = array<i32>} : memref<128x128xf32, #tpu.memory_space<vmem>>, vector<1x16xf32>,
        %get3A_639 = arith.index_cast %add3A_629 : i32 to index
        %get3A_640 = arith.constant 16 : index
        %get3A_641 = tpu.vector_load %arg8[%get3A_639, %get3A_640] {strides = array<i32>} : memref<128x128xf32, #tpu.memory_space<vmem>>, vector<1x16xf32>,
        %get3A_642 = vector.shape_cast %get3A_641 : vector<1x16xf32> to vector<16xf32>
        %swap3A_643 = arith.index_cast %add3A_629 : i32 to index
        %swap3A_644 = arith.constant 16 : index
        %swap3A_645 = tpu.vector_load %arg11[%swap3A_643, %swap3A_644] {strides = array<i32>} : memref<128x128xf32, #tpu.memory_space<vmem>>, vector<1x16xf32>,
        %swap3A_646 = vector.shape_cast %swap3A_645 : vector<1x16xf32> to vector<16xf32>
        %swap3A_647 = vector.shape_cast %get3A_642 : vector<16xf32> to vector<1x16xf32>
        tpu.vector_store %arg11[%swap3A_643, %swap3A_644], %swap3A_647 {add = true, strides = array<i32>} : memref<128x128xf32, #tpu.memory_space<vmem>>, vector<1x16xf32>,
        %get3A_648 = arith.index_cast %add3A_629 : i32 to index
        %get3A_649 = arith.constant 32 : index
        %get3A_650 = tpu.vector_load %arg8[%get3A_648, %get3A_649] {strides = array<i32>} : memref<128x128xf32, #tpu.memory_space<vmem>>, vector<1x16xf32>,
        %get3A_651 = vector.shape_cast %get3A_650 : vector<1x16xf32> to vector<16xf32>
        %swap3A_652 = arith.index_cast %add3A_629 : i32 to index
        %swap3A_653 = arith.constant 32 : index
        %swap3A_654 = tpu.vector_load %arg11[%swap3A_652, %swap3A_653] {strides = array<i32>} : memref<128x128xf32, #tpu.memory_space<vmem>>, vector<1x16xf32>,
        %swap3A_655 = vector.shape_cast %swap3A_654 : vector<1x16xf32> to vector<16xf32>
        %swap3A_656 = vector.shape_cast %get3A_651 : vector<16xf32> to vector<1x16xf32>
        tpu.vector_store %arg11[%swap3A_652, %swap3A_653], %swap3A_656 {add = true, strides = array<i32>} : memref<128x128xf32, #tpu.memory_space<vmem>>, vector<1x16xf32>,
        %get3A_657 = arith.index_cast %add3A_629 : i32 to index
        %get3A_658 = arith.constant 48 : index
        %get3A_659 = tpu.vector_load %arg8[%get3A_657, %get3A_658] {strides = array<i32>} : memref<128x128xf32, #tpu.memory_space<vmem>>, vector<1x16xf32>,
        %get3A_660 = vector.shape_cast %get3A_659 : vector<1x16xf32> to vector<16xf32>
        %swap3A_661 = arith.index_cast %add3A_629 : i32 to index
        %swap3A_662 = arith.constant 48 : index
        %swap3A_663 = tpu.vector_load %arg11[%swap3A_661, %swap3A_662] {strides = array<i32>} : memref<128x128xf32, #tpu.memory_space<vmem>>, vector<1x16xf32>,
        %swap3A_664 = vector.shape_cast %swap3A_663 : vector<1x16xf32> to vector<16xf32>
        %swap3A_665 = vector.shape_cast %get3A_660 : vector<16xf32> to vector<1x16xf32>
        tpu.vector_store %arg11[%swap3A_661, %swap3A_662], %swap3A_665 {add = true, strides = array<i32>} : memref<128x128xf32, #tpu.memory_space<vmem>>, vector<1x16xf32>,
        %get3A_666 = arith.index_cast %add3A_629 : i32 to index
        %get3A_667 = arith.constant 64 : index
        %get3A_668 = tpu.vector_load %arg8[%get3A_666, %get3A_667] {strides = array<i32>} : memref<128x128xf32, #tpu.memory_space<vmem>>, vector<1x16xf32>,
        %get3A_669 = vector.shape_cast %get3A_668 : vector<1x16xf32> to vector<16xf32>
        %swap3A_670 = arith.index_cast %add3A_629 : i32 to index
        %swap3A_671 = arith.constant 64 : index
        %swap3A_672 = tpu.vector_load %arg11[%swap3A_670, %swap3A_671] {strides = array<i32>} : memref<128x128xf32, #tpu.memory_space<vmem>>, vector<1x16xf32>,
        %swap3A_673 = vector.shape_cast %swap3A_672 : vector<1x16xf32> to vector<16xf32>
        %swap3A_674 = vector.shape_cast %get3A_669 : vector<16xf32> to vector<1x16xf32>
        tpu.vector_store %arg11[%swap3A_670, %swap3A_671], %swap3A_674 {add = true, strides = array<i32>} : memref<128x128xf32, #tpu.memory_space<vmem>>, vector<1x16xf32>,
        %get3A_675 = arith.index_cast %add3A_629 : i32 to index
        %get3A_676 = arith.constant 80 : index
        %get3A_677 = tpu.vector_load %arg8[%get3A_675, %get3A_676] {strides = array<i32>} : memref<128x128xf32, #tpu.memory_space<vmem>>, vector<1x16xf32>,
        %get3A_678 = vector.shape_cast %get3A_677 : vector<1x16xf32> to vector<16xf32>
        %swap3A_679 = arith.index_cast %add3A_629 : i32 to index
        %swap3A_680 = arith.constant 80 : index
        %swap3A_681 = tpu.vector_load %arg11[%swap3A_679, %swap3A_680] {strides = array<i32>} : memref<128x128xf32, #tpu.memory_space<vmem>>, vector<1x16xf32>,
        %swap3A_682 = vector.shape_cast %swap3A_681 : vector<1x16xf32> to vector<16xf32>
        %swap3A_683 = vector.shape_cast %get3A_678 : vector<16xf32> to vector<1x16xf32>
        tpu.vector_store %arg11[%swap3A_679, %swap3A_680], %swap3A_683 {add = true, strides = array<i32>} : memref<128x128xf32, #tpu.memory_space<vmem>>, vector<1x16xf32>,
        %get3A_684 = arith.index_cast %add3A_629 : i32 to index
        %get3A_685 = arith.constant 96 : index
        %get3A_686 = tpu.vector_load %arg8[%get3A_684, %get3A_685] {strides = array<i32>} : memref<128x128xf32, #tpu.memory_space<vmem>>, vector<1x16xf32>,
        %get3A_687 = vector.shape_cast %get3A_686 : vector<1x16xf32> to vector<16xf32>
        %swap3A_688 = arith.index_cast %add3A_629 : i32 to index
        %swap3A_689 = arith.constant 96 : index
        %swap3A_690 = tpu.vector_load %arg11[%swap3A_688, %swap3A_689] {strides = array<i32>} : memref<128x128xf32, #tpu.memory_space<vmem>>, vector<1x16xf32>,
        %swap3A_691 = vector.shape_cast %swap3A_690 : vector<1x16xf32> to vector<16xf32>
        %swap3A_692 = vector.shape_cast %get3A_687 : vector<16xf32> to vector<1x16xf32>
        tpu.vector_store %arg11[%swap3A_688, %swap3A_689], %swap3A_692 {add = true, strides = array<i32>} : memref<128x128xf32, #tpu.memory_space<vmem>>, vector<1x16xf32>,
        %get3A_693 = arith.index_cast %add3A_629 : i32 to index
        %get3A_694 = arith.constant 112 : index
        %get3A_695 = tpu.vector_load %arg8[%get3A_693, %get3A_694] {strides = array<i32>} : memref<128x128xf32, #tpu.memory_space<vmem>>, vector<1x16xf32>,
        %get3A_696 = vector.shape_cast %get3A_695 : vector<1x16xf32> to vector<16xf32>
        %swap3A_697 = arith.index_cast %add3A_629 : i32 to index
        %swap3A_698 = arith.constant 112 : index
        %swap3A_699 = tpu.vector_load %arg11[%swap3A_697, %swap3A_698] {strides = array<i32>} : memref<128x128xf32, #tpu.memory_space<vmem>>, vector<1x16xf32>,
        %swap3A_700 = vector.shape_cast %swap3A_699 : vector<1x16xf32> to vector<16xf32>
        %swap3A_701 = vector.shape_cast %get3A_696 : vector<16xf32> to vector<1x16xf32>
        tpu.vector_store %arg11[%swap3A_697, %swap3A_698], %swap3A_701 {add = true, strides = array<i32>} : memref<128x128xf32, #tpu.memory_space<vmem>>, vector<1x16xf32>,
        %mul3A_702 = arith.constant 8 : i32
        %mul3A_703 = arith.muli %scan3A_171, %mul3A_702 : i32
        %add3A_704 = arith.constant 7 : i32
        %add3A_705 = arith.addi %mul3A_703, %add3A_704 : i32
        %get3A_706 = arith.index_cast %add3A_705 : i32 to index
        %get3A_707 = arith.constant 0 : index
        %get3A_708 = tpu.vector_load %arg8[%get3A_706, %get3A_707] {strides = array<i32>} : memref<128x128xf32, #tpu.memory_space<vmem>>, vector<1x16xf32>,
        %get3A_709 = vector.shape_cast %get3A_708 : vector<1x16xf32> to vector<16xf32>
        %swap3A_710 = arith.index_cast %add3A_705 : i32 to index
        %swap3A_711 = arith.constant 0 : index
        %swap3A_712 = tpu.vector_load %arg11[%swap3A_710, %swap3A_711] {strides = array<i32>} : memref<128x128xf32, #tpu.memory_space<vmem>>, vector<1x16xf32>,
        %swap3A_713 = vector.shape_cast %swap3A_712 : vector<1x16xf32> to vector<16xf32>
        %swap3A_714 = vector.shape_cast %get3A_709 : vector<16xf32> to vector<1x16xf32>
        tpu.vector_store %arg11[%swap3A_710, %swap3A_711], %swap3A_714 {add = true, strides = array<i32>} : memref<128x128xf32, #tpu.memory_space<vmem>>, vector<1x16xf32>,
        %get3A_715 = arith.index_cast %add3A_705 : i32 to index
        %get3A_716 = arith.constant 16 : index
        %get3A_717 = tpu.vector_load %arg8[%get3A_715, %get3A_716] {strides = array<i32>} : memref<128x128xf32, #tpu.memory_space<vmem>>, vector<1x16xf32>,
        %get3A_718 = vector.shape_cast %get3A_717 : vector<1x16xf32> to vector<16xf32>
        %swap3A_719 = arith.index_cast %add3A_705 : i32 to index
        %swap3A_720 = arith.constant 16 : index
        %swap3A_721 = tpu.vector_load %arg11[%swap3A_719, %swap3A_720] {strides = array<i32>} : memref<128x128xf32, #tpu.memory_space<vmem>>, vector<1x16xf32>,
        %swap3A_722 = vector.shape_cast %swap3A_721 : vector<1x16xf32> to vector<16xf32>
        %swap3A_723 = vector.shape_cast %get3A_718 : vector<16xf32> to vector<1x16xf32>
        tpu.vector_store %arg11[%swap3A_719, %swap3A_720], %swap3A_723 {add = true, strides = array<i32>} : memref<128x128xf32, #tpu.memory_space<vmem>>, vector<1x16xf32>,
        %get3A_724 = arith.index_cast %add3A_705 : i32 to index
        %get3A_725 = arith.constant 32 : index
        %get3A_726 = tpu.vector_load %arg8[%get3A_724, %get3A_725] {strides = array<i32>} : memref<128x128xf32, #tpu.memory_space<vmem>>, vector<1x16xf32>,
        %get3A_727 = vector.shape_cast %get3A_726 : vector<1x16xf32> to vector<16xf32>
        %swap3A_728 = arith.index_cast %add3A_705 : i32 to index
        %swap3A_729 = arith.constant 32 : index
        %swap3A_730 = tpu.vector_load %arg11[%swap3A_728, %swap3A_729] {strides = array<i32>} : memref<128x128xf32, #tpu.memory_space<vmem>>, vector<1x16xf32>,
        %swap3A_731 = vector.shape_cast %swap3A_730 : vector<1x16xf32> to vector<16xf32>
        %swap3A_732 = vector.shape_cast %get3A_727 : vector<16xf32> to vector<1x16xf32>
        tpu.vector_store %arg11[%swap3A_728, %swap3A_729], %swap3A_732 {add = true, strides = array<i32>} : memref<128x128xf32, #tpu.memory_space<vmem>>, vector<1x16xf32>,
        %get3A_733 = arith.index_cast %add3A_705 : i32 to index
        %get3A_734 = arith.constant 48 : index
        %get3A_735 = tpu.vector_load %arg8[%get3A_733, %get3A_734] {strides = array<i32>} : memref<128x128xf32, #tpu.memory_space<vmem>>, vector<1x16xf32>,
        %get3A_736 = vector.shape_cast %get3A_735 : vector<1x16xf32> to vector<16xf32>
        %swap3A_737 = arith.index_cast %add3A_705 : i32 to index
        %swap3A_738 = arith.constant 48 : index
        %swap3A_739 = tpu.vector_load %arg11[%swap3A_737, %swap3A_738] {strides = array<i32>} : memref<128x128xf32, #tpu.memory_space<vmem>>, vector<1x16xf32>,
        %swap3A_740 = vector.shape_cast %swap3A_739 : vector<1x16xf32> to vector<16xf32>
        %swap3A_741 = vector.shape_cast %get3A_736 : vector<16xf32> to vector<1x16xf32>
        tpu.vector_store %arg11[%swap3A_737, %swap3A_738], %swap3A_741 {add = true, strides = array<i32>} : memref<128x128xf32, #tpu.memory_space<vmem>>, vector<1x16xf32>,
        %get3A_742 = arith.index_cast %add3A_705 : i32 to index
        %get3A_743 = arith.constant 64 : index
        %get3A_744 = tpu.vector_load %arg8[%get3A_742, %get3A_743] {strides = array<i32>} : memref<128x128xf32, #tpu.memory_space<vmem>>, vector<1x16xf32>,
        %get3A_745 = vector.shape_cast %get3A_744 : vector<1x16xf32> to vector<16xf32>
        %swap3A_746 = arith.index_cast %add3A_705 : i32 to index
        %swap3A_747 = arith.constant 64 : index
        %swap3A_748 = tpu.vector_load %arg11[%swap3A_746, %swap3A_747] {strides = array<i32>} : memref<128x128xf32, #tpu.memory_space<vmem>>, vector<1x16xf32>,
        %swap3A_749 = vector.shape_cast %swap3A_748 : vector<1x16xf32> to vector<16xf32>
        %swap3A_750 = vector.shape_cast %get3A_745 : vector<16xf32> to vector<1x16xf32>
        tpu.vector_store %arg11[%swap3A_746, %swap3A_747], %swap3A_750 {add = true, strides = array<i32>} : memref<128x128xf32, #tpu.memory_space<vmem>>, vector<1x16xf32>,
        %get3A_751 = arith.index_cast %add3A_705 : i32 to index
        %get3A_752 = arith.constant 80 : index
        %get3A_753 = tpu.vector_load %arg8[%get3A_751, %get3A_752] {strides = array<i32>} : memref<128x128xf32, #tpu.memory_space<vmem>>, vector<1x16xf32>,
        %get3A_754 = vector.shape_cast %get3A_753 : vector<1x16xf32> to vector<16xf32>
        %swap3A_755 = arith.index_cast %add3A_705 : i32 to index
        %swap3A_756 = arith.constant 80 : index
        %swap3A_757 = tpu.vector_load %arg11[%swap3A_755, %swap3A_756] {strides = array<i32>} : memref<128x128xf32, #tpu.memory_space<vmem>>, vector<1x16xf32>,
        %swap3A_758 = vector.shape_cast %swap3A_757 : vector<1x16xf32> to vector<16xf32>
        %swap3A_759 = vector.shape_cast %get3A_754 : vector<16xf32> to vector<1x16xf32>
        tpu.vector_store %arg11[%swap3A_755, %swap3A_756], %swap3A_759 {add = true, strides = array<i32>} : memref<128x128xf32, #tpu.memory_space<vmem>>, vector<1x16xf32>,
        %get3A_760 = arith.index_cast %add3A_705 : i32 to index
        %get3A_761 = arith.constant 96 : index
        %get3A_762 = tpu.vector_load %arg8[%get3A_760, %get3A_761] {strides = array<i32>} : memref<128x128xf32, #tpu.memory_space<vmem>>, vector<1x16xf32>,
        %get3A_763 = vector.shape_cast %get3A_762 : vector<1x16xf32> to vector<16xf32>
        %swap3A_764 = arith.index_cast %add3A_705 : i32 to index
        %swap3A_765 = arith.constant 96 : index
        %swap3A_766 = tpu.vector_load %arg11[%swap3A_764, %swap3A_765] {strides = array<i32>} : memref<128x128xf32, #tpu.memory_space<vmem>>, vector<1x16xf32>,
        %swap3A_767 = vector.shape_cast %swap3A_766 : vector<1x16xf32> to vector<16xf32>
        %swap3A_768 = vector.shape_cast %get3A_763 : vector<16xf32> to vector<1x16xf32>
        tpu.vector_store %arg11[%swap3A_764, %swap3A_765], %swap3A_768 {add = true, strides = array<i32>} : memref<128x128xf32, #tpu.memory_space<vmem>>, vector<1x16xf32>,
        %get3A_769 = arith.index_cast %add3A_705 : i32 to index
        %get3A_770 = arith.constant 112 : index
        %get3A_771 = tpu.vector_load %arg8[%get3A_769, %get3A_770] {strides = array<i32>} : memref<128x128xf32, #tpu.memory_space<vmem>>, vector<1x16xf32>,
        %get3A_772 = vector.shape_cast %get3A_771 : vector<1x16xf32> to vector<16xf32>
        %swap3A_773 = arith.index_cast %add3A_705 : i32 to index
        %swap3A_774 = arith.constant 112 : index
        %swap3A_775 = tpu.vector_load %arg11[%swap3A_773, %swap3A_774] {strides = array<i32>} : memref<128x128xf32, #tpu.memory_space<vmem>>, vector<1x16xf32>,
        %swap3A_776 = vector.shape_cast %swap3A_775 : vector<1x16xf32> to vector<16xf32>
        %swap3A_777 = vector.shape_cast %get3A_772 : vector<16xf32> to vector<1x16xf32>
        tpu.vector_store %arg11[%swap3A_773, %swap3A_774], %swap3A_777 {add = true, strides = array<i32>} : memref<128x128xf32, #tpu.memory_space<vmem>>, vector<1x16xf32>,
      }
      %scan3A_111 = arith.constant 16 : i32
      %add3A_112 = arith.constant 4 : i32
      %add3A_113 = arith.addi %add3A_98, %add3A_112 : i32
      %lt3A_114 = arith.constant 50 : i32
      %lt3A_115 = arith.cmpi slt, %add3A_113, %lt3A_114 : i32
      %convert_element_type3A_116 = arith.extui %lt3A_115 : i1 to i32
      %cond3A_117 = arith.constant 0 : i32
      %cond3A_118 = arith.cmpi ne, %convert_element_type3A_116, %cond3A_117 : i32
      scf.if %cond3A_118 {
        %add3A_171 = arith.constant 4 : i32
        %add3A_172 = arith.addi %add3A_98, %add3A_171 : i32
        %dma_start3A_173 = arith.constant 0 : i32
        %dma_start3A_174 = tpu.memref_slice %arg5[%add3A_172, %dma_start3A_173] : memref<50x128xi32, #tpu.memory_space<vmem>> -> memref<1x128xi32, #tpu.memory_space<vmem>>
        %dma_start3A_175 = tpu.memref_squeeze %dma_start3A_174 : memref<1x128xi32, #tpu.memory_space<vmem>> -> memref<128xi32, #tpu.memory_space<vmem>>
        %dma_start3A_176 = arith.constant 0 : i32
        %dma_start3A_177 = arith.constant 0 : i32
        %dma_start3A_178 = tpu.memref_slice %arg3[%dma_start3A_176, %dma_start3A_177] : memref<100001x128xf32, #tpu.memory_space<hbm>> -> memref<100001x128xf32, #tpu.memory_space<hbm>>
        tpu.enqueue_indirect_dma source(%dma_start3A_178 : memref<100001x128xf32, #tpu.memory_space<hbm>>) target(%arg8 : memref<128x128xf32, #tpu.memory_space<vmem>>) offsets(%dma_start3A_175 : memref<128xi32, #tpu.memory_space<vmem>>) semaphore(%arg14 : memref<!tpu.dma_semaphore, #tpu.memory_space<semaphore_mem>>)
      } else {
      }
      %mul3A_119 = arith.constant 4 : i32
      %mul3A_120 = arith.muli %mul3A_119, %scan3A_69 : i32
      %add3A_121 = arith.constant 1 : i32
      %add3A_122 = arith.addi %mul3A_120, %add3A_121 : i32
      %add3A_123 = arith.constant 2 : i32
      %add3A_124 = arith.addi %add3A_122, %add3A_123 : i32
      %dma_wait3A_125 = arith.constant 0 : i32
      %dma_wait3A_126 = arith.constant 0 : i32
      %dma_wait3A_127 = tpu.memref_slice %arg5[%dma_wait3A_125, %dma_wait3A_126] : memref<50x128xi32, #tpu.memory_space<vmem>> -> memref<1x128xi32, #tpu.memory_space<vmem>>
      %dma_wait3A_128 = tpu.memref_squeeze %dma_wait3A_127 : memref<1x128xi32, #tpu.memory_space<vmem>> -> memref<128xi32, #tpu.memory_space<vmem>>
      %dma_wait3A_129 = arith.constant 0 : i32
      %dma_wait3A_130 = arith.constant 0 : i32
      %dma_wait3A_131 = tpu.memref_slice %arg3[%dma_wait3A_129, %dma_wait3A_130] : memref<100001x128xf32, #tpu.memory_space<hbm>> -> memref<100001x128xf32, #tpu.memory_space<hbm>>
      tpu.wait_indirect_dma semaphore(%arg15 : memref<!tpu.dma_semaphore, #tpu.memory_space<semaphore_mem>>) src(%dma_wait3A_131 : memref<100001x128xf32, #tpu.memory_space<hbm>>) dst(%arg9 : memref<128x128xf32, #tpu.memory_space<vmem>>)
      %scan3A_132 = arith.constant 0 : i32
      %scan3A_133 = arith.constant 0 : i32
      %scan3A_134 = arith.constant 16 : i32
      %scan3A_135 = arith.addi %scan3A_133, %scan3A_134 : i32
      %scan3A_136 = arith.constant 1 : i32
      scf.for %scan3A_171 = %scan3A_133 to %scan3A_135 step %scan3A_136  : i32 {
        %mul3A_172 = arith.constant 8 : i32
        %mul3A_173 = arith.muli %scan3A_171, %mul3A_172 : i32
        %add3A_174 = arith.constant 0 : i32
        %add3A_175 = arith.addi %mul3A_173, %add3A_174 : i32
        %get3A = arith.index_cast %add3A_175 : i32 to index
        %get3A_176 = arith.constant 0 : index
        %get3A_177 = tpu.vector_load %arg9[%get3A, %get3A_176] {strides = array<i32>} : memref<128x128xf32, #tpu.memory_space<vmem>>, vector<1x16xf32>,
        %get3A_178 = vector.shape_cast %get3A_177 : vector<1x16xf32> to vector<16xf32>
        %swap3A = arith.index_cast %add3A_175 : i32 to index
        %swap3A_179 = arith.constant 0 : index
        %swap3A_180 = tpu.vector_load %arg11[%swap3A, %swap3A_179] {strides = array<i32>} : memref<128x128xf32, #tpu.memory_space<vmem>>, vector<1x16xf32>,
        %swap3A_181 = vector.shape_cast %swap3A_180 : vector<1x16xf32> to vector<16xf32>
        %swap3A_182 = vector.shape_cast %get3A_178 : vector<16xf32> to vector<1x16xf32>
        tpu.vector_store %arg11[%swap3A, %swap3A_179], %swap3A_182 {add = true, strides = array<i32>} : memref<128x128xf32, #tpu.memory_space<vmem>>, vector<1x16xf32>,
        %get3A_183 = arith.index_cast %add3A_175 : i32 to index
        %get3A_184 = arith.constant 16 : index
        %get3A_185 = tpu.vector_load %arg9[%get3A_183, %get3A_184] {strides = array<i32>} : memref<128x128xf32, #tpu.memory_space<vmem>>, vector<1x16xf32>,
        %get3A_186 = vector.shape_cast %get3A_185 : vector<1x16xf32> to vector<16xf32>
        %swap3A_187 = arith.index_cast %add3A_175 : i32 to index
        %swap3A_188 = arith.constant 16 : index
        %swap3A_189 = tpu.vector_load %arg11[%swap3A_187, %swap3A_188] {strides = array<i32>} : memref<128x128xf32, #tpu.memory_space<vmem>>, vector<1x16xf32>,
        %swap3A_190 = vector.shape_cast %swap3A_189 : vector<1x16xf32> to vector<16xf32>
        %swap3A_191 = vector.shape_cast %get3A_186 : vector<16xf32> to vector<1x16xf32>
        tpu.vector_store %arg11[%swap3A_187, %swap3A_188], %swap3A_191 {add = true, strides = array<i32>} : memref<128x128xf32, #tpu.memory_space<vmem>>, vector<1x16xf32>,
        %get3A_192 = arith.index_cast %add3A_175 : i32 to index
        %get3A_193 = arith.constant 32 : index
        %get3A_194 = tpu.vector_load %arg9[%get3A_192, %get3A_193] {strides = array<i32>} : memref<128x128xf32, #tpu.memory_space<vmem>>, vector<1x16xf32>,
        %get3A_195 = vector.shape_cast %get3A_194 : vector<1x16xf32> to vector<16xf32>
        %swap3A_196 = arith.index_cast %add3A_175 : i32 to index
        %swap3A_197 = arith.constant 32 : index
        %swap3A_198 = tpu.vector_load %arg11[%swap3A_196, %swap3A_197] {strides = array<i32>} : memref<128x128xf32, #tpu.memory_space<vmem>>, vector<1x16xf32>,
        %swap3A_199 = vector.shape_cast %swap3A_198 : vector<1x16xf32> to vector<16xf32>
        %swap3A_200 = vector.shape_cast %get3A_195 : vector<16xf32> to vector<1x16xf32>
        tpu.vector_store %arg11[%swap3A_196, %swap3A_197], %swap3A_200 {add = true, strides = array<i32>} : memref<128x128xf32, #tpu.memory_space<vmem>>, vector<1x16xf32>,
        %get3A_201 = arith.index_cast %add3A_175 : i32 to index
        %get3A_202 = arith.constant 48 : index
        %get3A_203 = tpu.vector_load %arg9[%get3A_201, %get3A_202] {strides = array<i32>} : memref<128x128xf32, #tpu.memory_space<vmem>>, vector<1x16xf32>,
        %get3A_204 = vector.shape_cast %get3A_203 : vector<1x16xf32> to vector<16xf32>
        %swap3A_205 = arith.index_cast %add3A_175 : i32 to index
        %swap3A_206 = arith.constant 48 : index
        %swap3A_207 = tpu.vector_load %arg11[%swap3A_205, %swap3A_206] {strides = array<i32>} : memref<128x128xf32, #tpu.memory_space<vmem>>, vector<1x16xf32>,
        %swap3A_208 = vector.shape_cast %swap3A_207 : vector<1x16xf32> to vector<16xf32>
        %swap3A_209 = vector.shape_cast %get3A_204 : vector<16xf32> to vector<1x16xf32>
        tpu.vector_store %arg11[%swap3A_205, %swap3A_206], %swap3A_209 {add = true, strides = array<i32>} : memref<128x128xf32, #tpu.memory_space<vmem>>, vector<1x16xf32>,
        %get3A_210 = arith.index_cast %add3A_175 : i32 to index
        %get3A_211 = arith.constant 64 : index
        %get3A_212 = tpu.vector_load %arg9[%get3A_210, %get3A_211] {strides = array<i32>} : memref<128x128xf32, #tpu.memory_space<vmem>>, vector<1x16xf32>,
        %get3A_213 = vector.shape_cast %get3A_212 : vector<1x16xf32> to vector<16xf32>
        %swap3A_214 = arith.index_cast %add3A_175 : i32 to index
        %swap3A_215 = arith.constant 64 : index
        %swap3A_216 = tpu.vector_load %arg11[%swap3A_214, %swap3A_215] {strides = array<i32>} : memref<128x128xf32, #tpu.memory_space<vmem>>, vector<1x16xf32>,
        %swap3A_217 = vector.shape_cast %swap3A_216 : vector<1x16xf32> to vector<16xf32>
        %swap3A_218 = vector.shape_cast %get3A_213 : vector<16xf32> to vector<1x16xf32>
        tpu.vector_store %arg11[%swap3A_214, %swap3A_215], %swap3A_218 {add = true, strides = array<i32>} : memref<128x128xf32, #tpu.memory_space<vmem>>, vector<1x16xf32>,
        %get3A_219 = arith.index_cast %add3A_175 : i32 to index
        %get3A_220 = arith.constant 80 : index
        %get3A_221 = tpu.vector_load %arg9[%get3A_219, %get3A_220] {strides = array<i32>} : memref<128x128xf32, #tpu.memory_space<vmem>>, vector<1x16xf32>,
        %get3A_222 = vector.shape_cast %get3A_221 : vector<1x16xf32> to vector<16xf32>
        %swap3A_223 = arith.index_cast %add3A_175 : i32 to index
        %swap3A_224 = arith.constant 80 : index
        %swap3A_225 = tpu.vector_load %arg11[%swap3A_223, %swap3A_224] {strides = array<i32>} : memref<128x128xf32, #tpu.memory_space<vmem>>, vector<1x16xf32>,
        %swap3A_226 = vector.shape_cast %swap3A_225 : vector<1x16xf32> to vector<16xf32>
        %swap3A_227 = vector.shape_cast %get3A_222 : vector<16xf32> to vector<1x16xf32>
        tpu.vector_store %arg11[%swap3A_223, %swap3A_224], %swap3A_227 {add = true, strides = array<i32>} : memref<128x128xf32, #tpu.memory_space<vmem>>, vector<1x16xf32>,
        %get3A_228 = arith.index_cast %add3A_175 : i32 to index
        %get3A_229 = arith.constant 96 : index
        %get3A_230 = tpu.vector_load %arg9[%get3A_228, %get3A_229] {strides = array<i32>} : memref<128x128xf32, #tpu.memory_space<vmem>>, vector<1x16xf32>,
        %get3A_231 = vector.shape_cast %get3A_230 : vector<1x16xf32> to vector<16xf32>
        %swap3A_232 = arith.index_cast %add3A_175 : i32 to index
        %swap3A_233 = arith.constant 96 : index
        %swap3A_234 = tpu.vector_load %arg11[%swap3A_232, %swap3A_233] {strides = array<i32>} : memref<128x128xf32, #tpu.memory_space<vmem>>, vector<1x16xf32>,
        %swap3A_235 = vector.shape_cast %swap3A_234 : vector<1x16xf32> to vector<16xf32>
        %swap3A_236 = vector.shape_cast %get3A_231 : vector<16xf32> to vector<1x16xf32>
        tpu.vector_store %arg11[%swap3A_232, %swap3A_233], %swap3A_236 {add = true, strides = array<i32>} : memref<128x128xf32, #tpu.memory_space<vmem>>, vector<1x16xf32>,
        %get3A_237 = arith.index_cast %add3A_175 : i32 to index
        %get3A_238 = arith.constant 112 : index
        %get3A_239 = tpu.vector_load %arg9[%get3A_237, %get3A_238] {strides = array<i32>} : memref<128x128xf32, #tpu.memory_space<vmem>>, vector<1x16xf32>,
        %get3A_240 = vector.shape_cast %get3A_239 : vector<1x16xf32> to vector<16xf32>
        %swap3A_241 = arith.index_cast %add3A_175 : i32 to index
        %swap3A_242 = arith.constant 112 : index
        %swap3A_243 = tpu.vector_load %arg11[%swap3A_241, %swap3A_242] {strides = array<i32>} : memref<128x128xf32, #tpu.memory_space<vmem>>, vector<1x16xf32>,
        %swap3A_244 = vector.shape_cast %swap3A_243 : vector<1x16xf32> to vector<16xf32>
        %swap3A_245 = vector.shape_cast %get3A_240 : vector<16xf32> to vector<1x16xf32>
        tpu.vector_store %arg11[%swap3A_241, %swap3A_242], %swap3A_245 {add = true, strides = array<i32>} : memref<128x128xf32, #tpu.memory_space<vmem>>, vector<1x16xf32>,
        %mul3A_246 = arith.constant 8 : i32
        %mul3A_247 = arith.muli %scan3A_171, %mul3A_246 : i32
        %add3A_248 = arith.constant 1 : i32
        %add3A_249 = arith.addi %mul3A_247, %add3A_248 : i32
        %get3A_250 = arith.index_cast %add3A_249 : i32 to index
        %get3A_251 = arith.constant 0 : index
        %get3A_252 = tpu.vector_load %arg9[%get3A_250, %get3A_251] {strides = array<i32>} : memref<128x128xf32, #tpu.memory_space<vmem>>, vector<1x16xf32>,
        %get3A_253 = vector.shape_cast %get3A_252 : vector<1x16xf32> to vector<16xf32>
        %swap3A_254 = arith.index_cast %add3A_249 : i32 to index
        %swap3A_255 = arith.constant 0 : index
        %swap3A_256 = tpu.vector_load %arg11[%swap3A_254, %swap3A_255] {strides = array<i32>} : memref<128x128xf32, #tpu.memory_space<vmem>>, vector<1x16xf32>,
        %swap3A_257 = vector.shape_cast %swap3A_256 : vector<1x16xf32> to vector<16xf32>
        %swap3A_258 = vector.shape_cast %get3A_253 : vector<16xf32> to vector<1x16xf32>
        tpu.vector_store %arg11[%swap3A_254, %swap3A_255], %swap3A_258 {add = true, strides = array<i32>} : memref<128x128xf32, #tpu.memory_space<vmem>>, vector<1x16xf32>,
        %get3A_259 = arith.index_cast %add3A_249 : i32 to index
        %get3A_260 = arith.constant 16 : index
        %get3A_261 = tpu.vector_load %arg9[%get3A_259, %get3A_260] {strides = array<i32>} : memref<128x128xf32, #tpu.memory_space<vmem>>, vector<1x16xf32>,
        %get3A_262 = vector.shape_cast %get3A_261 : vector<1x16xf32> to vector<16xf32>
        %swap3A_263 = arith.index_cast %add3A_249 : i32 to index
        %swap3A_264 = arith.constant 16 : index
        %swap3A_265 = tpu.vector_load %arg11[%swap3A_263, %swap3A_264] {strides = array<i32>} : memref<128x128xf32, #tpu.memory_space<vmem>>, vector<1x16xf32>,
        %swap3A_266 = vector.shape_cast %swap3A_265 : vector<1x16xf32> to vector<16xf32>
        %swap3A_267 = vector.shape_cast %get3A_262 : vector<16xf32> to vector<1x16xf32>
        tpu.vector_store %arg11[%swap3A_263, %swap3A_264], %swap3A_267 {add = true, strides = array<i32>} : memref<128x128xf32, #tpu.memory_space<vmem>>, vector<1x16xf32>,
        %get3A_268 = arith.index_cast %add3A_249 : i32 to index
        %get3A_269 = arith.constant 32 : index
        %get3A_270 = tpu.vector_load %arg9[%get3A_268, %get3A_269] {strides = array<i32>} : memref<128x128xf32, #tpu.memory_space<vmem>>, vector<1x16xf32>,
        %get3A_271 = vector.shape_cast %get3A_270 : vector<1x16xf32> to vector<16xf32>
        %swap3A_272 = arith.index_cast %add3A_249 : i32 to index
        %swap3A_273 = arith.constant 32 : index
        %swap3A_274 = tpu.vector_load %arg11[%swap3A_272, %swap3A_273] {strides = array<i32>} : memref<128x128xf32, #tpu.memory_space<vmem>>, vector<1x16xf32>,
        %swap3A_275 = vector.shape_cast %swap3A_274 : vector<1x16xf32> to vector<16xf32>
        %swap3A_276 = vector.shape_cast %get3A_271 : vector<16xf32> to vector<1x16xf32>
        tpu.vector_store %arg11[%swap3A_272, %swap3A_273], %swap3A_276 {add = true, strides = array<i32>} : memref<128x128xf32, #tpu.memory_space<vmem>>, vector<1x16xf32>,
        %get3A_277 = arith.index_cast %add3A_249 : i32 to index
        %get3A_278 = arith.constant 48 : index
        %get3A_279 = tpu.vector_load %arg9[%get3A_277, %get3A_278] {strides = array<i32>} : memref<128x128xf32, #tpu.memory_space<vmem>>, vector<1x16xf32>,
        %get3A_280 = vector.shape_cast %get3A_279 : vector<1x16xf32> to vector<16xf32>
        %swap3A_281 = arith.index_cast %add3A_249 : i32 to index
        %swap3A_282 = arith.constant 48 : index
        %swap3A_283 = tpu.vector_load %arg11[%swap3A_281, %swap3A_282] {strides = array<i32>} : memref<128x128xf32, #tpu.memory_space<vmem>>, vector<1x16xf32>,
        %swap3A_284 = vector.shape_cast %swap3A_283 : vector<1x16xf32> to vector<16xf32>
        %swap3A_285 = vector.shape_cast %get3A_280 : vector<16xf32> to vector<1x16xf32>
        tpu.vector_store %arg11[%swap3A_281, %swap3A_282], %swap3A_285 {add = true, strides = array<i32>} : memref<128x128xf32, #tpu.memory_space<vmem>>, vector<1x16xf32>,
        %get3A_286 = arith.index_cast %add3A_249 : i32 to index
        %get3A_287 = arith.constant 64 : index
        %get3A_288 = tpu.vector_load %arg9[%get3A_286, %get3A_287] {strides = array<i32>} : memref<128x128xf32, #tpu.memory_space<vmem>>, vector<1x16xf32>,
        %get3A_289 = vector.shape_cast %get3A_288 : vector<1x16xf32> to vector<16xf32>
        %swap3A_290 = arith.index_cast %add3A_249 : i32 to index
        %swap3A_291 = arith.constant 64 : index
        %swap3A_292 = tpu.vector_load %arg11[%swap3A_290, %swap3A_291] {strides = array<i32>} : memref<128x128xf32, #tpu.memory_space<vmem>>, vector<1x16xf32>,
        %swap3A_293 = vector.shape_cast %swap3A_292 : vector<1x16xf32> to vector<16xf32>
        %swap3A_294 = vector.shape_cast %get3A_289 : vector<16xf32> to vector<1x16xf32>
        tpu.vector_store %arg11[%swap3A_290, %swap3A_291], %swap3A_294 {add = true, strides = array<i32>} : memref<128x128xf32, #tpu.memory_space<vmem>>, vector<1x16xf32>,
        %get3A_295 = arith.index_cast %add3A_249 : i32 to index
        %get3A_296 = arith.constant 80 : index
        %get3A_297 = tpu.vector_load %arg9[%get3A_295, %get3A_296] {strides = array<i32>} : memref<128x128xf32, #tpu.memory_space<vmem>>, vector<1x16xf32>,
        %get3A_298 = vector.shape_cast %get3A_297 : vector<1x16xf32> to vector<16xf32>
        %swap3A_299 = arith.index_cast %add3A_249 : i32 to index
        %swap3A_300 = arith.constant 80 : index
        %swap3A_301 = tpu.vector_load %arg11[%swap3A_299, %swap3A_300] {strides = array<i32>} : memref<128x128xf32, #tpu.memory_space<vmem>>, vector<1x16xf32>,
        %swap3A_302 = vector.shape_cast %swap3A_301 : vector<1x16xf32> to vector<16xf32>
        %swap3A_303 = vector.shape_cast %get3A_298 : vector<16xf32> to vector<1x16xf32>
        tpu.vector_store %arg11[%swap3A_299, %swap3A_300], %swap3A_303 {add = true, strides = array<i32>} : memref<128x128xf32, #tpu.memory_space<vmem>>, vector<1x16xf32>,
        %get3A_304 = arith.index_cast %add3A_249 : i32 to index
        %get3A_305 = arith.constant 96 : index
        %get3A_306 = tpu.vector_load %arg9[%get3A_304, %get3A_305] {strides = array<i32>} : memref<128x128xf32, #tpu.memory_space<vmem>>, vector<1x16xf32>,
        %get3A_307 = vector.shape_cast %get3A_306 : vector<1x16xf32> to vector<16xf32>
        %swap3A_308 = arith.index_cast %add3A_249 : i32 to index
        %swap3A_309 = arith.constant 96 : index
        %swap3A_310 = tpu.vector_load %arg11[%swap3A_308, %swap3A_309] {strides = array<i32>} : memref<128x128xf32, #tpu.memory_space<vmem>>, vector<1x16xf32>,
        %swap3A_311 = vector.shape_cast %swap3A_310 : vector<1x16xf32> to vector<16xf32>
        %swap3A_312 = vector.shape_cast %get3A_307 : vector<16xf32> to vector<1x16xf32>
        tpu.vector_store %arg11[%swap3A_308, %swap3A_309], %swap3A_312 {add = true, strides = array<i32>} : memref<128x128xf32, #tpu.memory_space<vmem>>, vector<1x16xf32>,
        %get3A_313 = arith.index_cast %add3A_249 : i32 to index
        %get3A_314 = arith.constant 112 : index
        %get3A_315 = tpu.vector_load %arg9[%get3A_313, %get3A_314] {strides = array<i32>} : memref<128x128xf32, #tpu.memory_space<vmem>>, vector<1x16xf32>,
        %get3A_316 = vector.shape_cast %get3A_315 : vector<1x16xf32> to vector<16xf32>
        %swap3A_317 = arith.index_cast %add3A_249 : i32 to index
        %swap3A_318 = arith.constant 112 : index
        %swap3A_319 = tpu.vector_load %arg11[%swap3A_317, %swap3A_318] {strides = array<i32>} : memref<128x128xf32, #tpu.memory_space<vmem>>, vector<1x16xf32>,
        %swap3A_320 = vector.shape_cast %swap3A_319 : vector<1x16xf32> to vector<16xf32>
        %swap3A_321 = vector.shape_cast %get3A_316 : vector<16xf32> to vector<1x16xf32>
        tpu.vector_store %arg11[%swap3A_317, %swap3A_318], %swap3A_321 {add = true, strides = array<i32>} : memref<128x128xf32, #tpu.memory_space<vmem>>, vector<1x16xf32>,
        %mul3A_322 = arith.constant 8 : i32
        %mul3A_323 = arith.muli %scan3A_171, %mul3A_322 : i32
        %add3A_324 = arith.constant 2 : i32
        %add3A_325 = arith.addi %mul3A_323, %add3A_324 : i32
        %get3A_326 = arith.index_cast %add3A_325 : i32 to index
        %get3A_327 = arith.constant 0 : index
        %get3A_328 = tpu.vector_load %arg9[%get3A_326, %get3A_327] {strides = array<i32>} : memref<128x128xf32, #tpu.memory_space<vmem>>, vector<1x16xf32>,
        %get3A_329 = vector.shape_cast %get3A_328 : vector<1x16xf32> to vector<16xf32>
        %swap3A_330 = arith.index_cast %add3A_325 : i32 to index
        %swap3A_331 = arith.constant 0 : index
        %swap3A_332 = tpu.vector_load %arg11[%swap3A_330, %swap3A_331] {strides = array<i32>} : memref<128x128xf32, #tpu.memory_space<vmem>>, vector<1x16xf32>,
        %swap3A_333 = vector.shape_cast %swap3A_332 : vector<1x16xf32> to vector<16xf32>
        %swap3A_334 = vector.shape_cast %get3A_329 : vector<16xf32> to vector<1x16xf32>
        tpu.vector_store %arg11[%swap3A_330, %swap3A_331], %swap3A_334 {add = true, strides = array<i32>} : memref<128x128xf32, #tpu.memory_space<vmem>>, vector<1x16xf32>,
        %get3A_335 = arith.index_cast %add3A_325 : i32 to index
        %get3A_336 = arith.constant 16 : index
        %get3A_337 = tpu.vector_load %arg9[%get3A_335, %get3A_336] {strides = array<i32>} : memref<128x128xf32, #tpu.memory_space<vmem>>, vector<1x16xf32>,
        %get3A_338 = vector.shape_cast %get3A_337 : vector<1x16xf32> to vector<16xf32>
        %swap3A_339 = arith.index_cast %add3A_325 : i32 to index
        %swap3A_340 = arith.constant 16 : index
        %swap3A_341 = tpu.vector_load %arg11[%swap3A_339, %swap3A_340] {strides = array<i32>} : memref<128x128xf32, #tpu.memory_space<vmem>>, vector<1x16xf32>,
        %swap3A_342 = vector.shape_cast %swap3A_341 : vector<1x16xf32> to vector<16xf32>
        %swap3A_343 = vector.shape_cast %get3A_338 : vector<16xf32> to vector<1x16xf32>
        tpu.vector_store %arg11[%swap3A_339, %swap3A_340], %swap3A_343 {add = true, strides = array<i32>} : memref<128x128xf32, #tpu.memory_space<vmem>>, vector<1x16xf32>,
        %get3A_344 = arith.index_cast %add3A_325 : i32 to index
        %get3A_345 = arith.constant 32 : index
        %get3A_346 = tpu.vector_load %arg9[%get3A_344, %get3A_345] {strides = array<i32>} : memref<128x128xf32, #tpu.memory_space<vmem>>, vector<1x16xf32>,
        %get3A_347 = vector.shape_cast %get3A_346 : vector<1x16xf32> to vector<16xf32>
        %swap3A_348 = arith.index_cast %add3A_325 : i32 to index
        %swap3A_349 = arith.constant 32 : index
        %swap3A_350 = tpu.vector_load %arg11[%swap3A_348, %swap3A_349] {strides = array<i32>} : memref<128x128xf32, #tpu.memory_space<vmem>>, vector<1x16xf32>,
        %swap3A_351 = vector.shape_cast %swap3A_350 : vector<1x16xf32> to vector<16xf32>
        %swap3A_352 = vector.shape_cast %get3A_347 : vector<16xf32> to vector<1x16xf32>
        tpu.vector_store %arg11[%swap3A_348, %swap3A_349], %swap3A_352 {add = true, strides = array<i32>} : memref<128x128xf32, #tpu.memory_space<vmem>>, vector<1x16xf32>,
        %get3A_353 = arith.index_cast %add3A_325 : i32 to index
        %get3A_354 = arith.constant 48 : index
        %get3A_355 = tpu.vector_load %arg9[%get3A_353, %get3A_354] {strides = array<i32>} : memref<128x128xf32, #tpu.memory_space<vmem>>, vector<1x16xf32>,
        %get3A_356 = vector.shape_cast %get3A_355 : vector<1x16xf32> to vector<16xf32>
        %swap3A_357 = arith.index_cast %add3A_325 : i32 to index
        %swap3A_358 = arith.constant 48 : index
        %swap3A_359 = tpu.vector_load %arg11[%swap3A_357, %swap3A_358] {strides = array<i32>} : memref<128x128xf32, #tpu.memory_space<vmem>>, vector<1x16xf32>,
        %swap3A_360 = vector.shape_cast %swap3A_359 : vector<1x16xf32> to vector<16xf32>
        %swap3A_361 = vector.shape_cast %get3A_356 : vector<16xf32> to vector<1x16xf32>
        tpu.vector_store %arg11[%swap3A_357, %swap3A_358], %swap3A_361 {add = true, strides = array<i32>} : memref<128x128xf32, #tpu.memory_space<vmem>>, vector<1x16xf32>,
        %get3A_362 = arith.index_cast %add3A_325 : i32 to index
        %get3A_363 = arith.constant 64 : index
        %get3A_364 = tpu.vector_load %arg9[%get3A_362, %get3A_363] {strides = array<i32>} : memref<128x128xf32, #tpu.memory_space<vmem>>, vector<1x16xf32>,
        %get3A_365 = vector.shape_cast %get3A_364 : vector<1x16xf32> to vector<16xf32>
        %swap3A_366 = arith.index_cast %add3A_325 : i32 to index
        %swap3A_367 = arith.constant 64 : index
        %swap3A_368 = tpu.vector_load %arg11[%swap3A_366, %swap3A_367] {strides = array<i32>} : memref<128x128xf32, #tpu.memory_space<vmem>>, vector<1x16xf32>,
        %swap3A_369 = vector.shape_cast %swap3A_368 : vector<1x16xf32> to vector<16xf32>
        %swap3A_370 = vector.shape_cast %get3A_365 : vector<16xf32> to vector<1x16xf32>
        tpu.vector_store %arg11[%swap3A_366, %swap3A_367], %swap3A_370 {add = true, strides = array<i32>} : memref<128x128xf32, #tpu.memory_space<vmem>>, vector<1x16xf32>,
        %get3A_371 = arith.index_cast %add3A_325 : i32 to index
        %get3A_372 = arith.constant 80 : index
        %get3A_373 = tpu.vector_load %arg9[%get3A_371, %get3A_372] {strides = array<i32>} : memref<128x128xf32, #tpu.memory_space<vmem>>, vector<1x16xf32>,
        %get3A_374 = vector.shape_cast %get3A_373 : vector<1x16xf32> to vector<16xf32>
        %swap3A_375 = arith.index_cast %add3A_325 : i32 to index
        %swap3A_376 = arith.constant 80 : index
        %swap3A_377 = tpu.vector_load %arg11[%swap3A_375, %swap3A_376] {strides = array<i32>} : memref<128x128xf32, #tpu.memory_space<vmem>>, vector<1x16xf32>,
        %swap3A_378 = vector.shape_cast %swap3A_377 : vector<1x16xf32> to vector<16xf32>
        %swap3A_379 = vector.shape_cast %get3A_374 : vector<16xf32> to vector<1x16xf32>
        tpu.vector_store %arg11[%swap3A_375, %swap3A_376], %swap3A_379 {add = true, strides = array<i32>} : memref<128x128xf32, #tpu.memory_space<vmem>>, vector<1x16xf32>,
        %get3A_380 = arith.index_cast %add3A_325 : i32 to index
        %get3A_381 = arith.constant 96 : index
        %get3A_382 = tpu.vector_load %arg9[%get3A_380, %get3A_381] {strides = array<i32>} : memref<128x128xf32, #tpu.memory_space<vmem>>, vector<1x16xf32>,
        %get3A_383 = vector.shape_cast %get3A_382 : vector<1x16xf32> to vector<16xf32>
        %swap3A_384 = arith.index_cast %add3A_325 : i32 to index
        %swap3A_385 = arith.constant 96 : index
        %swap3A_386 = tpu.vector_load %arg11[%swap3A_384, %swap3A_385] {strides = array<i32>} : memref<128x128xf32, #tpu.memory_space<vmem>>, vector<1x16xf32>,
        %swap3A_387 = vector.shape_cast %swap3A_386 : vector<1x16xf32> to vector<16xf32>
        %swap3A_388 = vector.shape_cast %get3A_383 : vector<16xf32> to vector<1x16xf32>
        tpu.vector_store %arg11[%swap3A_384, %swap3A_385], %swap3A_388 {add = true, strides = array<i32>} : memref<128x128xf32, #tpu.memory_space<vmem>>, vector<1x16xf32>,
        %get3A_389 = arith.index_cast %add3A_325 : i32 to index
        %get3A_390 = arith.constant 112 : index
        %get3A_391 = tpu.vector_load %arg9[%get3A_389, %get3A_390] {strides = array<i32>} : memref<128x128xf32, #tpu.memory_space<vmem>>, vector<1x16xf32>,
        %get3A_392 = vector.shape_cast %get3A_391 : vector<1x16xf32> to vector<16xf32>
        %swap3A_393 = arith.index_cast %add3A_325 : i32 to index
        %swap3A_394 = arith.constant 112 : index
        %swap3A_395 = tpu.vector_load %arg11[%swap3A_393, %swap3A_394] {strides = array<i32>} : memref<128x128xf32, #tpu.memory_space<vmem>>, vector<1x16xf32>,
        %swap3A_396 = vector.shape_cast %swap3A_395 : vector<1x16xf32> to vector<16xf32>
        %swap3A_397 = vector.shape_cast %get3A_392 : vector<16xf32> to vector<1x16xf32>
        tpu.vector_store %arg11[%swap3A_393, %swap3A_394], %swap3A_397 {add = true, strides = array<i32>} : memref<128x128xf32, #tpu.memory_space<vmem>>, vector<1x16xf32>,
        %mul3A_398 = arith.constant 8 : i32
        %mul3A_399 = arith.muli %scan3A_171, %mul3A_398 : i32
        %add3A_400 = arith.constant 3 : i32
        %add3A_401 = arith.addi %mul3A_399, %add3A_400 : i32
        %get3A_402 = arith.index_cast %add3A_401 : i32 to index
        %get3A_403 = arith.constant 0 : index
        %get3A_404 = tpu.vector_load %arg9[%get3A_402, %get3A_403] {strides = array<i32>} : memref<128x128xf32, #tpu.memory_space<vmem>>, vector<1x16xf32>,
        %get3A_405 = vector.shape_cast %get3A_404 : vector<1x16xf32> to vector<16xf32>
        %swap3A_406 = arith.index_cast %add3A_401 : i32 to index
        %swap3A_407 = arith.constant 0 : index
        %swap3A_408 = tpu.vector_load %arg11[%swap3A_406, %swap3A_407] {strides = array<i32>} : memref<128x128xf32, #tpu.memory_space<vmem>>, vector<1x16xf32>,
        %swap3A_409 = vector.shape_cast %swap3A_408 : vector<1x16xf32> to vector<16xf32>
        %swap3A_410 = vector.shape_cast %get3A_405 : vector<16xf32> to vector<1x16xf32>
        tpu.vector_store %arg11[%swap3A_406, %swap3A_407], %swap3A_410 {add = true, strides = array<i32>} : memref<128x128xf32, #tpu.memory_space<vmem>>, vector<1x16xf32>,
        %get3A_411 = arith.index_cast %add3A_401 : i32 to index
        %get3A_412 = arith.constant 16 : index
        %get3A_413 = tpu.vector_load %arg9[%get3A_411, %get3A_412] {strides = array<i32>} : memref<128x128xf32, #tpu.memory_space<vmem>>, vector<1x16xf32>,
        %get3A_414 = vector.shape_cast %get3A_413 : vector<1x16xf32> to vector<16xf32>
        %swap3A_415 = arith.index_cast %add3A_401 : i32 to index
        %swap3A_416 = arith.constant 16 : index
        %swap3A_417 = tpu.vector_load %arg11[%swap3A_415, %swap3A_416] {strides = array<i32>} : memref<128x128xf32, #tpu.memory_space<vmem>>, vector<1x16xf32>,
        %swap3A_418 = vector.shape_cast %swap3A_417 : vector<1x16xf32> to vector<16xf32>
        %swap3A_419 = vector.shape_cast %get3A_414 : vector<16xf32> to vector<1x16xf32>
        tpu.vector_store %arg11[%swap3A_415, %swap3A_416], %swap3A_419 {add = true, strides = array<i32>} : memref<128x128xf32, #tpu.memory_space<vmem>>, vector<1x16xf32>,
        %get3A_420 = arith.index_cast %add3A_401 : i32 to index
        %get3A_421 = arith.constant 32 : index
        %get3A_422 = tpu.vector_load %arg9[%get3A_420, %get3A_421] {strides = array<i32>} : memref<128x128xf32, #tpu.memory_space<vmem>>, vector<1x16xf32>,
        %get3A_423 = vector.shape_cast %get3A_422 : vector<1x16xf32> to vector<16xf32>
        %swap3A_424 = arith.index_cast %add3A_401 : i32 to index
        %swap3A_425 = arith.constant 32 : index
        %swap3A_426 = tpu.vector_load %arg11[%swap3A_424, %swap3A_425] {strides = array<i32>} : memref<128x128xf32, #tpu.memory_space<vmem>>, vector<1x16xf32>,
        %swap3A_427 = vector.shape_cast %swap3A_426 : vector<1x16xf32> to vector<16xf32>
        %swap3A_428 = vector.shape_cast %get3A_423 : vector<16xf32> to vector<1x16xf32>
        tpu.vector_store %arg11[%swap3A_424, %swap3A_425], %swap3A_428 {add = true, strides = array<i32>} : memref<128x128xf32, #tpu.memory_space<vmem>>, vector<1x16xf32>,
        %get3A_429 = arith.index_cast %add3A_401 : i32 to index
        %get3A_430 = arith.constant 48 : index
        %get3A_431 = tpu.vector_load %arg9[%get3A_429, %get3A_430] {strides = array<i32>} : memref<128x128xf32, #tpu.memory_space<vmem>>, vector<1x16xf32>,
        %get3A_432 = vector.shape_cast %get3A_431 : vector<1x16xf32> to vector<16xf32>
        %swap3A_433 = arith.index_cast %add3A_401 : i32 to index
        %swap3A_434 = arith.constant 48 : index
        %swap3A_435 = tpu.vector_load %arg11[%swap3A_433, %swap3A_434] {strides = array<i32>} : memref<128x128xf32, #tpu.memory_space<vmem>>, vector<1x16xf32>,
        %swap3A_436 = vector.shape_cast %swap3A_435 : vector<1x16xf32> to vector<16xf32>
        %swap3A_437 = vector.shape_cast %get3A_432 : vector<16xf32> to vector<1x16xf32>
        tpu.vector_store %arg11[%swap3A_433, %swap3A_434], %swap3A_437 {add = true, strides = array<i32>} : memref<128x128xf32, #tpu.memory_space<vmem>>, vector<1x16xf32>,
        %get3A_438 = arith.index_cast %add3A_401 : i32 to index
        %get3A_439 = arith.constant 64 : index
        %get3A_440 = tpu.vector_load %arg9[%get3A_438, %get3A_439] {strides = array<i32>} : memref<128x128xf32, #tpu.memory_space<vmem>>, vector<1x16xf32>,
        %get3A_441 = vector.shape_cast %get3A_440 : vector<1x16xf32> to vector<16xf32>
        %swap3A_442 = arith.index_cast %add3A_401 : i32 to index
        %swap3A_443 = arith.constant 64 : index
        %swap3A_444 = tpu.vector_load %arg11[%swap3A_442, %swap3A_443] {strides = array<i32>} : memref<128x128xf32, #tpu.memory_space<vmem>>, vector<1x16xf32>,
        %swap3A_445 = vector.shape_cast %swap3A_444 : vector<1x16xf32> to vector<16xf32>
        %swap3A_446 = vector.shape_cast %get3A_441 : vector<16xf32> to vector<1x16xf32>
        tpu.vector_store %arg11[%swap3A_442, %swap3A_443], %swap3A_446 {add = true, strides = array<i32>} : memref<128x128xf32, #tpu.memory_space<vmem>>, vector<1x16xf32>,
        %get3A_447 = arith.index_cast %add3A_401 : i32 to index
        %get3A_448 = arith.constant 80 : index
        %get3A_449 = tpu.vector_load %arg9[%get3A_447, %get3A_448] {strides = array<i32>} : memref<128x128xf32, #tpu.memory_space<vmem>>, vector<1x16xf32>,
        %get3A_450 = vector.shape_cast %get3A_449 : vector<1x16xf32> to vector<16xf32>
        %swap3A_451 = arith.index_cast %add3A_401 : i32 to index
        %swap3A_452 = arith.constant 80 : index
        %swap3A_453 = tpu.vector_load %arg11[%swap3A_451, %swap3A_452] {strides = array<i32>} : memref<128x128xf32, #tpu.memory_space<vmem>>, vector<1x16xf32>,
        %swap3A_454 = vector.shape_cast %swap3A_453 : vector<1x16xf32> to vector<16xf32>
        %swap3A_455 = vector.shape_cast %get3A_450 : vector<16xf32> to vector<1x16xf32>
        tpu.vector_store %arg11[%swap3A_451, %swap3A_452], %swap3A_455 {add = true, strides = array<i32>} : memref<128x128xf32, #tpu.memory_space<vmem>>, vector<1x16xf32>,
        %get3A_456 = arith.index_cast %add3A_401 : i32 to index
        %get3A_457 = arith.constant 96 : index
        %get3A_458 = tpu.vector_load %arg9[%get3A_456, %get3A_457] {strides = array<i32>} : memref<128x128xf32, #tpu.memory_space<vmem>>, vector<1x16xf32>,
        %get3A_459 = vector.shape_cast %get3A_458 : vector<1x16xf32> to vector<16xf32>
        %swap3A_460 = arith.index_cast %add3A_401 : i32 to index
        %swap3A_461 = arith.constant 96 : index
        %swap3A_462 = tpu.vector_load %arg11[%swap3A_460, %swap3A_461] {strides = array<i32>} : memref<128x128xf32, #tpu.memory_space<vmem>>, vector<1x16xf32>,
        %swap3A_463 = vector.shape_cast %swap3A_462 : vector<1x16xf32> to vector<16xf32>
        %swap3A_464 = vector.shape_cast %get3A_459 : vector<16xf32> to vector<1x16xf32>
        tpu.vector_store %arg11[%swap3A_460, %swap3A_461], %swap3A_464 {add = true, strides = array<i32>} : memref<128x128xf32, #tpu.memory_space<vmem>>, vector<1x16xf32>,
        %get3A_465 = arith.index_cast %add3A_401 : i32 to index
        %get3A_466 = arith.constant 112 : index
        %get3A_467 = tpu.vector_load %arg9[%get3A_465, %get3A_466] {strides = array<i32>} : memref<128x128xf32, #tpu.memory_space<vmem>>, vector<1x16xf32>,
        %get3A_468 = vector.shape_cast %get3A_467 : vector<1x16xf32> to vector<16xf32>
        %swap3A_469 = arith.index_cast %add3A_401 : i32 to index
        %swap3A_470 = arith.constant 112 : index
        %swap3A_471 = tpu.vector_load %arg11[%swap3A_469, %swap3A_470] {strides = array<i32>} : memref<128x128xf32, #tpu.memory_space<vmem>>, vector<1x16xf32>,
        %swap3A_472 = vector.shape_cast %swap3A_471 : vector<1x16xf32> to vector<16xf32>
        %swap3A_473 = vector.shape_cast %get3A_468 : vector<16xf32> to vector<1x16xf32>
        tpu.vector_store %arg11[%swap3A_469, %swap3A_470], %swap3A_473 {add = true, strides = array<i32>} : memref<128x128xf32, #tpu.memory_space<vmem>>, vector<1x16xf32>,
        %mul3A_474 = arith.constant 8 : i32
        %mul3A_475 = arith.muli %scan3A_171, %mul3A_474 : i32
        %add3A_476 = arith.constant 4 : i32
        %add3A_477 = arith.addi %mul3A_475, %add3A_476 : i32
        %get3A_478 = arith.index_cast %add3A_477 : i32 to index
        %get3A_479 = arith.constant 0 : index
        %get3A_480 = tpu.vector_load %arg9[%get3A_478, %get3A_479] {strides = array<i32>} : memref<128x128xf32, #tpu.memory_space<vmem>>, vector<1x16xf32>,
        %get3A_481 = vector.shape_cast %get3A_480 : vector<1x16xf32> to vector<16xf32>
        %swap3A_482 = arith.index_cast %add3A_477 : i32 to index
        %swap3A_483 = arith.constant 0 : index
        %swap3A_484 = tpu.vector_load %arg11[%swap3A_482, %swap3A_483] {strides = array<i32>} : memref<128x128xf32, #tpu.memory_space<vmem>>, vector<1x16xf32>,
        %swap3A_485 = vector.shape_cast %swap3A_484 : vector<1x16xf32> to vector<16xf32>
        %swap3A_486 = vector.shape_cast %get3A_481 : vector<16xf32> to vector<1x16xf32>
        tpu.vector_store %arg11[%swap3A_482, %swap3A_483], %swap3A_486 {add = true, strides = array<i32>} : memref<128x128xf32, #tpu.memory_space<vmem>>, vector<1x16xf32>,
        %get3A_487 = arith.index_cast %add3A_477 : i32 to index
        %get3A_488 = arith.constant 16 : index
        %get3A_489 = tpu.vector_load %arg9[%get3A_487, %get3A_488] {strides = array<i32>} : memref<128x128xf32, #tpu.memory_space<vmem>>, vector<1x16xf32>,
        %get3A_490 = vector.shape_cast %get3A_489 : vector<1x16xf32> to vector<16xf32>
        %swap3A_491 = arith.index_cast %add3A_477 : i32 to index
        %swap3A_492 = arith.constant 16 : index
        %swap3A_493 = tpu.vector_load %arg11[%swap3A_491, %swap3A_492] {strides = array<i32>} : memref<128x128xf32, #tpu.memory_space<vmem>>, vector<1x16xf32>,
        %swap3A_494 = vector.shape_cast %swap3A_493 : vector<1x16xf32> to vector<16xf32>
        %swap3A_495 = vector.shape_cast %get3A_490 : vector<16xf32> to vector<1x16xf32>
        tpu.vector_store %arg11[%swap3A_491, %swap3A_492], %swap3A_495 {add = true, strides = array<i32>} : memref<128x128xf32, #tpu.memory_space<vmem>>, vector<1x16xf32>,
        %get3A_496 = arith.index_cast %add3A_477 : i32 to index
        %get3A_497 = arith.constant 32 : index
        %get3A_498 = tpu.vector_load %arg9[%get3A_496, %get3A_497] {strides = array<i32>} : memref<128x128xf32, #tpu.memory_space<vmem>>, vector<1x16xf32>,
        %get3A_499 = vector.shape_cast %get3A_498 : vector<1x16xf32> to vector<16xf32>
        %swap3A_500 = arith.index_cast %add3A_477 : i32 to index
        %swap3A_501 = arith.constant 32 : index
        %swap3A_502 = tpu.vector_load %arg11[%swap3A_500, %swap3A_501] {strides = array<i32>} : memref<128x128xf32, #tpu.memory_space<vmem>>, vector<1x16xf32>,
        %swap3A_503 = vector.shape_cast %swap3A_502 : vector<1x16xf32> to vector<16xf32>
        %swap3A_504 = vector.shape_cast %get3A_499 : vector<16xf32> to vector<1x16xf32>
        tpu.vector_store %arg11[%swap3A_500, %swap3A_501], %swap3A_504 {add = true, strides = array<i32>} : memref<128x128xf32, #tpu.memory_space<vmem>>, vector<1x16xf32>,
        %get3A_505 = arith.index_cast %add3A_477 : i32 to index
        %get3A_506 = arith.constant 48 : index
        %get3A_507 = tpu.vector_load %arg9[%get3A_505, %get3A_506] {strides = array<i32>} : memref<128x128xf32, #tpu.memory_space<vmem>>, vector<1x16xf32>,
        %get3A_508 = vector.shape_cast %get3A_507 : vector<1x16xf32> to vector<16xf32>
        %swap3A_509 = arith.index_cast %add3A_477 : i32 to index
        %swap3A_510 = arith.constant 48 : index
        %swap3A_511 = tpu.vector_load %arg11[%swap3A_509, %swap3A_510] {strides = array<i32>} : memref<128x128xf32, #tpu.memory_space<vmem>>, vector<1x16xf32>,
        %swap3A_512 = vector.shape_cast %swap3A_511 : vector<1x16xf32> to vector<16xf32>
        %swap3A_513 = vector.shape_cast %get3A_508 : vector<16xf32> to vector<1x16xf32>
        tpu.vector_store %arg11[%swap3A_509, %swap3A_510], %swap3A_513 {add = true, strides = array<i32>} : memref<128x128xf32, #tpu.memory_space<vmem>>, vector<1x16xf32>,
        %get3A_514 = arith.index_cast %add3A_477 : i32 to index
        %get3A_515 = arith.constant 64 : index
        %get3A_516 = tpu.vector_load %arg9[%get3A_514, %get3A_515] {strides = array<i32>} : memref<128x128xf32, #tpu.memory_space<vmem>>, vector<1x16xf32>,
        %get3A_517 = vector.shape_cast %get3A_516 : vector<1x16xf32> to vector<16xf32>
        %swap3A_518 = arith.index_cast %add3A_477 : i32 to index
        %swap3A_519 = arith.constant 64 : index
        %swap3A_520 = tpu.vector_load %arg11[%swap3A_518, %swap3A_519] {strides = array<i32>} : memref<128x128xf32, #tpu.memory_space<vmem>>, vector<1x16xf32>,
        %swap3A_521 = vector.shape_cast %swap3A_520 : vector<1x16xf32> to vector<16xf32>
        %swap3A_522 = vector.shape_cast %get3A_517 : vector<16xf32> to vector<1x16xf32>
        tpu.vector_store %arg11[%swap3A_518, %swap3A_519], %swap3A_522 {add = true, strides = array<i32>} : memref<128x128xf32, #tpu.memory_space<vmem>>, vector<1x16xf32>,
        %get3A_523 = arith.index_cast %add3A_477 : i32 to index
        %get3A_524 = arith.constant 80 : index
        %get3A_525 = tpu.vector_load %arg9[%get3A_523, %get3A_524] {strides = array<i32>} : memref<128x128xf32, #tpu.memory_space<vmem>>, vector<1x16xf32>,
        %get3A_526 = vector.shape_cast %get3A_525 : vector<1x16xf32> to vector<16xf32>
        %swap3A_527 = arith.index_cast %add3A_477 : i32 to index
        %swap3A_528 = arith.constant 80 : index
        %swap3A_529 = tpu.vector_load %arg11[%swap3A_527, %swap3A_528] {strides = array<i32>} : memref<128x128xf32, #tpu.memory_space<vmem>>, vector<1x16xf32>,
        %swap3A_530 = vector.shape_cast %swap3A_529 : vector<1x16xf32> to vector<16xf32>
        %swap3A_531 = vector.shape_cast %get3A_526 : vector<16xf32> to vector<1x16xf32>
        tpu.vector_store %arg11[%swap3A_527, %swap3A_528], %swap3A_531 {add = true, strides = array<i32>} : memref<128x128xf32, #tpu.memory_space<vmem>>, vector<1x16xf32>,
        %get3A_532 = arith.index_cast %add3A_477 : i32 to index
        %get3A_533 = arith.constant 96 : index
        %get3A_534 = tpu.vector_load %arg9[%get3A_532, %get3A_533] {strides = array<i32>} : memref<128x128xf32, #tpu.memory_space<vmem>>, vector<1x16xf32>,
        %get3A_535 = vector.shape_cast %get3A_534 : vector<1x16xf32> to vector<16xf32>
        %swap3A_536 = arith.index_cast %add3A_477 : i32 to index
        %swap3A_537 = arith.constant 96 : index
        %swap3A_538 = tpu.vector_load %arg11[%swap3A_536, %swap3A_537] {strides = array<i32>} : memref<128x128xf32, #tpu.memory_space<vmem>>, vector<1x16xf32>,
        %swap3A_539 = vector.shape_cast %swap3A_538 : vector<1x16xf32> to vector<16xf32>
        %swap3A_540 = vector.shape_cast %get3A_535 : vector<16xf32> to vector<1x16xf32>
        tpu.vector_store %arg11[%swap3A_536, %swap3A_537], %swap3A_540 {add = true, strides = array<i32>} : memref<128x128xf32, #tpu.memory_space<vmem>>, vector<1x16xf32>,
        %get3A_541 = arith.index_cast %add3A_477 : i32 to index
        %get3A_542 = arith.constant 112 : index
        %get3A_543 = tpu.vector_load %arg9[%get3A_541, %get3A_542] {strides = array<i32>} : memref<128x128xf32, #tpu.memory_space<vmem>>, vector<1x16xf32>,
        %get3A_544 = vector.shape_cast %get3A_543 : vector<1x16xf32> to vector<16xf32>
        %swap3A_545 = arith.index_cast %add3A_477 : i32 to index
        %swap3A_546 = arith.constant 112 : index
        %swap3A_547 = tpu.vector_load %arg11[%swap3A_545, %swap3A_546] {strides = array<i32>} : memref<128x128xf32, #tpu.memory_space<vmem>>, vector<1x16xf32>,
        %swap3A_548 = vector.shape_cast %swap3A_547 : vector<1x16xf32> to vector<16xf32>
        %swap3A_549 = vector.shape_cast %get3A_544 : vector<16xf32> to vector<1x16xf32>
        tpu.vector_store %arg11[%swap3A_545, %swap3A_546], %swap3A_549 {add = true, strides = array<i32>} : memref<128x128xf32, #tpu.memory_space<vmem>>, vector<1x16xf32>,
        %mul3A_550 = arith.constant 8 : i32
        %mul3A_551 = arith.muli %scan3A_171, %mul3A_550 : i32
        %add3A_552 = arith.constant 5 : i32
        %add3A_553 = arith.addi %mul3A_551, %add3A_552 : i32
        %get3A_554 = arith.index_cast %add3A_553 : i32 to index
        %get3A_555 = arith.constant 0 : index
        %get3A_556 = tpu.vector_load %arg9[%get3A_554, %get3A_555] {strides = array<i32>} : memref<128x128xf32, #tpu.memory_space<vmem>>, vector<1x16xf32>,
        %get3A_557 = vector.shape_cast %get3A_556 : vector<1x16xf32> to vector<16xf32>
        %swap3A_558 = arith.index_cast %add3A_553 : i32 to index
        %swap3A_559 = arith.constant 0 : index
        %swap3A_560 = tpu.vector_load %arg11[%swap3A_558, %swap3A_559] {strides = array<i32>} : memref<128x128xf32, #tpu.memory_space<vmem>>, vector<1x16xf32>,
        %swap3A_561 = vector.shape_cast %swap3A_560 : vector<1x16xf32> to vector<16xf32>
        %swap3A_562 = vector.shape_cast %get3A_557 : vector<16xf32> to vector<1x16xf32>
        tpu.vector_store %arg11[%swap3A_558, %swap3A_559], %swap3A_562 {add = true, strides = array<i32>} : memref<128x128xf32, #tpu.memory_space<vmem>>, vector<1x16xf32>,
        %get3A_563 = arith.index_cast %add3A_553 : i32 to index
        %get3A_564 = arith.constant 16 : index
        %get3A_565 = tpu.vector_load %arg9[%get3A_563, %get3A_564] {strides = array<i32>} : memref<128x128xf32, #tpu.memory_space<vmem>>, vector<1x16xf32>,
        %get3A_566 = vector.shape_cast %get3A_565 : vector<1x16xf32> to vector<16xf32>
        %swap3A_567 = arith.index_cast %add3A_553 : i32 to index
        %swap3A_568 = arith.constant 16 : index
        %swap3A_569 = tpu.vector_load %arg11[%swap3A_567, %swap3A_568] {strides = array<i32>} : memref<128x128xf32, #tpu.memory_space<vmem>>, vector<1x16xf32>,
        %swap3A_570 = vector.shape_cast %swap3A_569 : vector<1x16xf32> to vector<16xf32>
        %swap3A_571 = vector.shape_cast %get3A_566 : vector<16xf32> to vector<1x16xf32>
        tpu.vector_store %arg11[%swap3A_567, %swap3A_568], %swap3A_571 {add = true, strides = array<i32>} : memref<128x128xf32, #tpu.memory_space<vmem>>, vector<1x16xf32>,
        %get3A_572 = arith.index_cast %add3A_553 : i32 to index
        %get3A_573 = arith.constant 32 : index
        %get3A_574 = tpu.vector_load %arg9[%get3A_572, %get3A_573] {strides = array<i32>} : memref<128x128xf32, #tpu.memory_space<vmem>>, vector<1x16xf32>,
        %get3A_575 = vector.shape_cast %get3A_574 : vector<1x16xf32> to vector<16xf32>
        %swap3A_576 = arith.index_cast %add3A_553 : i32 to index
        %swap3A_577 = arith.constant 32 : index
        %swap3A_578 = tpu.vector_load %arg11[%swap3A_576, %swap3A_577] {strides = array<i32>} : memref<128x128xf32, #tpu.memory_space<vmem>>, vector<1x16xf32>,
        %swap3A_579 = vector.shape_cast %swap3A_578 : vector<1x16xf32> to vector<16xf32>
        %swap3A_580 = vector.shape_cast %get3A_575 : vector<16xf32> to vector<1x16xf32>
        tpu.vector_store %arg11[%swap3A_576, %swap3A_577], %swap3A_580 {add = true, strides = array<i32>} : memref<128x128xf32, #tpu.memory_space<vmem>>, vector<1x16xf32>,
        %get3A_581 = arith.index_cast %add3A_553 : i32 to index
        %get3A_582 = arith.constant 48 : index
        %get3A_583 = tpu.vector_load %arg9[%get3A_581, %get3A_582] {strides = array<i32>} : memref<128x128xf32, #tpu.memory_space<vmem>>, vector<1x16xf32>,
        %get3A_584 = vector.shape_cast %get3A_583 : vector<1x16xf32> to vector<16xf32>
        %swap3A_585 = arith.index_cast %add3A_553 : i32 to index
        %swap3A_586 = arith.constant 48 : index
        %swap3A_587 = tpu.vector_load %arg11[%swap3A_585, %swap3A_586] {strides = array<i32>} : memref<128x128xf32, #tpu.memory_space<vmem>>, vector<1x16xf32>,
        %swap3A_588 = vector.shape_cast %swap3A_587 : vector<1x16xf32> to vector<16xf32>
        %swap3A_589 = vector.shape_cast %get3A_584 : vector<16xf32> to vector<1x16xf32>
        tpu.vector_store %arg11[%swap3A_585, %swap3A_586], %swap3A_589 {add = true, strides = array<i32>} : memref<128x128xf32, #tpu.memory_space<vmem>>, vector<1x16xf32>,
        %get3A_590 = arith.index_cast %add3A_553 : i32 to index
        %get3A_591 = arith.constant 64 : index
        %get3A_592 = tpu.vector_load %arg9[%get3A_590, %get3A_591] {strides = array<i32>} : memref<128x128xf32, #tpu.memory_space<vmem>>, vector<1x16xf32>,
        %get3A_593 = vector.shape_cast %get3A_592 : vector<1x16xf32> to vector<16xf32>
        %swap3A_594 = arith.index_cast %add3A_553 : i32 to index
        %swap3A_595 = arith.constant 64 : index
        %swap3A_596 = tpu.vector_load %arg11[%swap3A_594, %swap3A_595] {strides = array<i32>} : memref<128x128xf32, #tpu.memory_space<vmem>>, vector<1x16xf32>,
        %swap3A_597 = vector.shape_cast %swap3A_596 : vector<1x16xf32> to vector<16xf32>
        %swap3A_598 = vector.shape_cast %get3A_593 : vector<16xf32> to vector<1x16xf32>
        tpu.vector_store %arg11[%swap3A_594, %swap3A_595], %swap3A_598 {add = true, strides = array<i32>} : memref<128x128xf32, #tpu.memory_space<vmem>>, vector<1x16xf32>,
        %get3A_599 = arith.index_cast %add3A_553 : i32 to index
        %get3A_600 = arith.constant 80 : index
        %get3A_601 = tpu.vector_load %arg9[%get3A_599, %get3A_600] {strides = array<i32>} : memref<128x128xf32, #tpu.memory_space<vmem>>, vector<1x16xf32>,
        %get3A_602 = vector.shape_cast %get3A_601 : vector<1x16xf32> to vector<16xf32>
        %swap3A_603 = arith.index_cast %add3A_553 : i32 to index
        %swap3A_604 = arith.constant 80 : index
        %swap3A_605 = tpu.vector_load %arg11[%swap3A_603, %swap3A_604] {strides = array<i32>} : memref<128x128xf32, #tpu.memory_space<vmem>>, vector<1x16xf32>,
        %swap3A_606 = vector.shape_cast %swap3A_605 : vector<1x16xf32> to vector<16xf32>
        %swap3A_607 = vector.shape_cast %get3A_602 : vector<16xf32> to vector<1x16xf32>
        tpu.vector_store %arg11[%swap3A_603, %swap3A_604], %swap3A_607 {add = true, strides = array<i32>} : memref<128x128xf32, #tpu.memory_space<vmem>>, vector<1x16xf32>,
        %get3A_608 = arith.index_cast %add3A_553 : i32 to index
        %get3A_609 = arith.constant 96 : index
        %get3A_610 = tpu.vector_load %arg9[%get3A_608, %get3A_609] {strides = array<i32>} : memref<128x128xf32, #tpu.memory_space<vmem>>, vector<1x16xf32>,
        %get3A_611 = vector.shape_cast %get3A_610 : vector<1x16xf32> to vector<16xf32>
        %swap3A_612 = arith.index_cast %add3A_553 : i32 to index
        %swap3A_613 = arith.constant 96 : index
        %swap3A_614 = tpu.vector_load %arg11[%swap3A_612, %swap3A_613] {strides = array<i32>} : memref<128x128xf32, #tpu.memory_space<vmem>>, vector<1x16xf32>,
        %swap3A_615 = vector.shape_cast %swap3A_614 : vector<1x16xf32> to vector<16xf32>
        %swap3A_616 = vector.shape_cast %get3A_611 : vector<16xf32> to vector<1x16xf32>
        tpu.vector_store %arg11[%swap3A_612, %swap3A_613], %swap3A_616 {add = true, strides = array<i32>} : memref<128x128xf32, #tpu.memory_space<vmem>>, vector<1x16xf32>,
        %get3A_617 = arith.index_cast %add3A_553 : i32 to index
        %get3A_618 = arith.constant 112 : index
        %get3A_619 = tpu.vector_load %arg9[%get3A_617, %get3A_618] {strides = array<i32>} : memref<128x128xf32, #tpu.memory_space<vmem>>, vector<1x16xf32>,
        %get3A_620 = vector.shape_cast %get3A_619 : vector<1x16xf32> to vector<16xf32>
        %swap3A_621 = arith.index_cast %add3A_553 : i32 to index
        %swap3A_622 = arith.constant 112 : index
        %swap3A_623 = tpu.vector_load %arg11[%swap3A_621, %swap3A_622] {strides = array<i32>} : memref<128x128xf32, #tpu.memory_space<vmem>>, vector<1x16xf32>,
        %swap3A_624 = vector.shape_cast %swap3A_623 : vector<1x16xf32> to vector<16xf32>
        %swap3A_625 = vector.shape_cast %get3A_620 : vector<16xf32> to vector<1x16xf32>
        tpu.vector_store %arg11[%swap3A_621, %swap3A_622], %swap3A_625 {add = true, strides = array<i32>} : memref<128x128xf32, #tpu.memory_space<vmem>>, vector<1x16xf32>,
        %mul3A_626 = arith.constant 8 : i32
        %mul3A_627 = arith.muli %scan3A_171, %mul3A_626 : i32
        %add3A_628 = arith.constant 6 : i32
        %add3A_629 = arith.addi %mul3A_627, %add3A_628 : i32
        %get3A_630 = arith.index_cast %add3A_629 : i32 to index
        %get3A_631 = arith.constant 0 : index
        %get3A_632 = tpu.vector_load %arg9[%get3A_630, %get3A_631] {strides = array<i32>} : memref<128x128xf32, #tpu.memory_space<vmem>>, vector<1x16xf32>,
        %get3A_633 = vector.shape_cast %get3A_632 : vector<1x16xf32> to vector<16xf32>
        %swap3A_634 = arith.index_cast %add3A_629 : i32 to index
        %swap3A_635 = arith.constant 0 : index
        %swap3A_636 = tpu.vector_load %arg11[%swap3A_634, %swap3A_635] {strides = array<i32>} : memref<128x128xf32, #tpu.memory_space<vmem>>, vector<1x16xf32>,
        %swap3A_637 = vector.shape_cast %swap3A_636 : vector<1x16xf32> to vector<16xf32>
        %swap3A_638 = vector.shape_cast %get3A_633 : vector<16xf32> to vector<1x16xf32>
        tpu.vector_store %arg11[%swap3A_634, %swap3A_635], %swap3A_638 {add = true, strides = array<i32>} : memref<128x128xf32, #tpu.memory_space<vmem>>, vector<1x16xf32>,
        %get3A_639 = arith.index_cast %add3A_629 : i32 to index
        %get3A_640 = arith.constant 16 : index
        %get3A_641 = tpu.vector_load %arg9[%get3A_639, %get3A_640] {strides = array<i32>} : memref<128x128xf32, #tpu.memory_space<vmem>>, vector<1x16xf32>,
        %get3A_642 = vector.shape_cast %get3A_641 : vector<1x16xf32> to vector<16xf32>
        %swap3A_643 = arith.index_cast %add3A_629 : i32 to index
        %swap3A_644 = arith.constant 16 : index
        %swap3A_645 = tpu.vector_load %arg11[%swap3A_643, %swap3A_644] {strides = array<i32>} : memref<128x128xf32, #tpu.memory_space<vmem>>, vector<1x16xf32>,
        %swap3A_646 = vector.shape_cast %swap3A_645 : vector<1x16xf32> to vector<16xf32>
        %swap3A_647 = vector.shape_cast %get3A_642 : vector<16xf32> to vector<1x16xf32>
        tpu.vector_store %arg11[%swap3A_643, %swap3A_644], %swap3A_647 {add = true, strides = array<i32>} : memref<128x128xf32, #tpu.memory_space<vmem>>, vector<1x16xf32>,
        %get3A_648 = arith.index_cast %add3A_629 : i32 to index
        %get3A_649 = arith.constant 32 : index
        %get3A_650 = tpu.vector_load %arg9[%get3A_648, %get3A_649] {strides = array<i32>} : memref<128x128xf32, #tpu.memory_space<vmem>>, vector<1x16xf32>,
        %get3A_651 = vector.shape_cast %get3A_650 : vector<1x16xf32> to vector<16xf32>
        %swap3A_652 = arith.index_cast %add3A_629 : i32 to index
        %swap3A_653 = arith.constant 32 : index
        %swap3A_654 = tpu.vector_load %arg11[%swap3A_652, %swap3A_653] {strides = array<i32>} : memref<128x128xf32, #tpu.memory_space<vmem>>, vector<1x16xf32>,
        %swap3A_655 = vector.shape_cast %swap3A_654 : vector<1x16xf32> to vector<16xf32>
        %swap3A_656 = vector.shape_cast %get3A_651 : vector<16xf32> to vector<1x16xf32>
        tpu.vector_store %arg11[%swap3A_652, %swap3A_653], %swap3A_656 {add = true, strides = array<i32>} : memref<128x128xf32, #tpu.memory_space<vmem>>, vector<1x16xf32>,
        %get3A_657 = arith.index_cast %add3A_629 : i32 to index
        %get3A_658 = arith.constant 48 : index
        %get3A_659 = tpu.vector_load %arg9[%get3A_657, %get3A_658] {strides = array<i32>} : memref<128x128xf32, #tpu.memory_space<vmem>>, vector<1x16xf32>,
        %get3A_660 = vector.shape_cast %get3A_659 : vector<1x16xf32> to vector<16xf32>
        %swap3A_661 = arith.index_cast %add3A_629 : i32 to index
        %swap3A_662 = arith.constant 48 : index
        %swap3A_663 = tpu.vector_load %arg11[%swap3A_661, %swap3A_662] {strides = array<i32>} : memref<128x128xf32, #tpu.memory_space<vmem>>, vector<1x16xf32>,
        %swap3A_664 = vector.shape_cast %swap3A_663 : vector<1x16xf32> to vector<16xf32>
        %swap3A_665 = vector.shape_cast %get3A_660 : vector<16xf32> to vector<1x16xf32>
        tpu.vector_store %arg11[%swap3A_661, %swap3A_662], %swap3A_665 {add = true, strides = array<i32>} : memref<128x128xf32, #tpu.memory_space<vmem>>, vector<1x16xf32>,
        %get3A_666 = arith.index_cast %add3A_629 : i32 to index
        %get3A_667 = arith.constant 64 : index
        %get3A_668 = tpu.vector_load %arg9[%get3A_666, %get3A_667] {strides = array<i32>} : memref<128x128xf32, #tpu.memory_space<vmem>>, vector<1x16xf32>,
        %get3A_669 = vector.shape_cast %get3A_668 : vector<1x16xf32> to vector<16xf32>
        %swap3A_670 = arith.index_cast %add3A_629 : i32 to index
        %swap3A_671 = arith.constant 64 : index
        %swap3A_672 = tpu.vector_load %arg11[%swap3A_670, %swap3A_671] {strides = array<i32>} : memref<128x128xf32, #tpu.memory_space<vmem>>, vector<1x16xf32>,
        %swap3A_673 = vector.shape_cast %swap3A_672 : vector<1x16xf32> to vector<16xf32>
        %swap3A_674 = vector.shape_cast %get3A_669 : vector<16xf32> to vector<1x16xf32>
        tpu.vector_store %arg11[%swap3A_670, %swap3A_671], %swap3A_674 {add = true, strides = array<i32>} : memref<128x128xf32, #tpu.memory_space<vmem>>, vector<1x16xf32>,
        %get3A_675 = arith.index_cast %add3A_629 : i32 to index
        %get3A_676 = arith.constant 80 : index
        %get3A_677 = tpu.vector_load %arg9[%get3A_675, %get3A_676] {strides = array<i32>} : memref<128x128xf32, #tpu.memory_space<vmem>>, vector<1x16xf32>,
        %get3A_678 = vector.shape_cast %get3A_677 : vector<1x16xf32> to vector<16xf32>
        %swap3A_679 = arith.index_cast %add3A_629 : i32 to index
        %swap3A_680 = arith.constant 80 : index
        %swap3A_681 = tpu.vector_load %arg11[%swap3A_679, %swap3A_680] {strides = array<i32>} : memref<128x128xf32, #tpu.memory_space<vmem>>, vector<1x16xf32>,
        %swap3A_682 = vector.shape_cast %swap3A_681 : vector<1x16xf32> to vector<16xf32>
        %swap3A_683 = vector.shape_cast %get3A_678 : vector<16xf32> to vector<1x16xf32>
        tpu.vector_store %arg11[%swap3A_679, %swap3A_680], %swap3A_683 {add = true, strides = array<i32>} : memref<128x128xf32, #tpu.memory_space<vmem>>, vector<1x16xf32>,
        %get3A_684 = arith.index_cast %add3A_629 : i32 to index
        %get3A_685 = arith.constant 96 : index
        %get3A_686 = tpu.vector_load %arg9[%get3A_684, %get3A_685] {strides = array<i32>} : memref<128x128xf32, #tpu.memory_space<vmem>>, vector<1x16xf32>,
        %get3A_687 = vector.shape_cast %get3A_686 : vector<1x16xf32> to vector<16xf32>
        %swap3A_688 = arith.index_cast %add3A_629 : i32 to index
        %swap3A_689 = arith.constant 96 : index
        %swap3A_690 = tpu.vector_load %arg11[%swap3A_688, %swap3A_689] {strides = array<i32>} : memref<128x128xf32, #tpu.memory_space<vmem>>, vector<1x16xf32>,
        %swap3A_691 = vector.shape_cast %swap3A_690 : vector<1x16xf32> to vector<16xf32>
        %swap3A_692 = vector.shape_cast %get3A_687 : vector<16xf32> to vector<1x16xf32>
        tpu.vector_store %arg11[%swap3A_688, %swap3A_689], %swap3A_692 {add = true, strides = array<i32>} : memref<128x128xf32, #tpu.memory_space<vmem>>, vector<1x16xf32>,
        %get3A_693 = arith.index_cast %add3A_629 : i32 to index
        %get3A_694 = arith.constant 112 : index
        %get3A_695 = tpu.vector_load %arg9[%get3A_693, %get3A_694] {strides = array<i32>} : memref<128x128xf32, #tpu.memory_space<vmem>>, vector<1x16xf32>,
        %get3A_696 = vector.shape_cast %get3A_695 : vector<1x16xf32> to vector<16xf32>
        %swap3A_697 = arith.index_cast %add3A_629 : i32 to index
        %swap3A_698 = arith.constant 112 : index
        %swap3A_699 = tpu.vector_load %arg11[%swap3A_697, %swap3A_698] {strides = array<i32>} : memref<128x128xf32, #tpu.memory_space<vmem>>, vector<1x16xf32>,
        %swap3A_700 = vector.shape_cast %swap3A_699 : vector<1x16xf32> to vector<16xf32>
        %swap3A_701 = vector.shape_cast %get3A_696 : vector<16xf32> to vector<1x16xf32>
        tpu.vector_store %arg11[%swap3A_697, %swap3A_698], %swap3A_701 {add = true, strides = array<i32>} : memref<128x128xf32, #tpu.memory_space<vmem>>, vector<1x16xf32>,
        %mul3A_702 = arith.constant 8 : i32
        %mul3A_703 = arith.muli %scan3A_171, %mul3A_702 : i32
        %add3A_704 = arith.constant 7 : i32
        %add3A_705 = arith.addi %mul3A_703, %add3A_704 : i32
        %get3A_706 = arith.index_cast %add3A_705 : i32 to index
        %get3A_707 = arith.constant 0 : index
        %get3A_708 = tpu.vector_load %arg9[%get3A_706, %get3A_707] {strides = array<i32>} : memref<128x128xf32, #tpu.memory_space<vmem>>, vector<1x16xf32>,
        %get3A_709 = vector.shape_cast %get3A_708 : vector<1x16xf32> to vector<16xf32>
        %swap3A_710 = arith.index_cast %add3A_705 : i32 to index
        %swap3A_711 = arith.constant 0 : index
        %swap3A_712 = tpu.vector_load %arg11[%swap3A_710, %swap3A_711] {strides = array<i32>} : memref<128x128xf32, #tpu.memory_space<vmem>>, vector<1x16xf32>,
        %swap3A_713 = vector.shape_cast %swap3A_712 : vector<1x16xf32> to vector<16xf32>
        %swap3A_714 = vector.shape_cast %get3A_709 : vector<16xf32> to vector<1x16xf32>
        tpu.vector_store %arg11[%swap3A_710, %swap3A_711], %swap3A_714 {add = true, strides = array<i32>} : memref<128x128xf32, #tpu.memory_space<vmem>>, vector<1x16xf32>,
        %get3A_715 = arith.index_cast %add3A_705 : i32 to index
        %get3A_716 = arith.constant 16 : index
        %get3A_717 = tpu.vector_load %arg9[%get3A_715, %get3A_716] {strides = array<i32>} : memref<128x128xf32, #tpu.memory_space<vmem>>, vector<1x16xf32>,
        %get3A_718 = vector.shape_cast %get3A_717 : vector<1x16xf32> to vector<16xf32>
        %swap3A_719 = arith.index_cast %add3A_705 : i32 to index
        %swap3A_720 = arith.constant 16 : index
        %swap3A_721 = tpu.vector_load %arg11[%swap3A_719, %swap3A_720] {strides = array<i32>} : memref<128x128xf32, #tpu.memory_space<vmem>>, vector<1x16xf32>,
        %swap3A_722 = vector.shape_cast %swap3A_721 : vector<1x16xf32> to vector<16xf32>
        %swap3A_723 = vector.shape_cast %get3A_718 : vector<16xf32> to vector<1x16xf32>
        tpu.vector_store %arg11[%swap3A_719, %swap3A_720], %swap3A_723 {add = true, strides = array<i32>} : memref<128x128xf32, #tpu.memory_space<vmem>>, vector<1x16xf32>,
        %get3A_724 = arith.index_cast %add3A_705 : i32 to index
        %get3A_725 = arith.constant 32 : index
        %get3A_726 = tpu.vector_load %arg9[%get3A_724, %get3A_725] {strides = array<i32>} : memref<128x128xf32, #tpu.memory_space<vmem>>, vector<1x16xf32>,
        %get3A_727 = vector.shape_cast %get3A_726 : vector<1x16xf32> to vector<16xf32>
        %swap3A_728 = arith.index_cast %add3A_705 : i32 to index
        %swap3A_729 = arith.constant 32 : index
        %swap3A_730 = tpu.vector_load %arg11[%swap3A_728, %swap3A_729] {strides = array<i32>} : memref<128x128xf32, #tpu.memory_space<vmem>>, vector<1x16xf32>,
        %swap3A_731 = vector.shape_cast %swap3A_730 : vector<1x16xf32> to vector<16xf32>
        %swap3A_732 = vector.shape_cast %get3A_727 : vector<16xf32> to vector<1x16xf32>
        tpu.vector_store %arg11[%swap3A_728, %swap3A_729], %swap3A_732 {add = true, strides = array<i32>} : memref<128x128xf32, #tpu.memory_space<vmem>>, vector<1x16xf32>,
        %get3A_733 = arith.index_cast %add3A_705 : i32 to index
        %get3A_734 = arith.constant 48 : index
        %get3A_735 = tpu.vector_load %arg9[%get3A_733, %get3A_734] {strides = array<i32>} : memref<128x128xf32, #tpu.memory_space<vmem>>, vector<1x16xf32>,
        %get3A_736 = vector.shape_cast %get3A_735 : vector<1x16xf32> to vector<16xf32>
        %swap3A_737 = arith.index_cast %add3A_705 : i32 to index
        %swap3A_738 = arith.constant 48 : index
        %swap3A_739 = tpu.vector_load %arg11[%swap3A_737, %swap3A_738] {strides = array<i32>} : memref<128x128xf32, #tpu.memory_space<vmem>>, vector<1x16xf32>,
        %swap3A_740 = vector.shape_cast %swap3A_739 : vector<1x16xf32> to vector<16xf32>
        %swap3A_741 = vector.shape_cast %get3A_736 : vector<16xf32> to vector<1x16xf32>
        tpu.vector_store %arg11[%swap3A_737, %swap3A_738], %swap3A_741 {add = true, strides = array<i32>} : memref<128x128xf32, #tpu.memory_space<vmem>>, vector<1x16xf32>,
        %get3A_742 = arith.index_cast %add3A_705 : i32 to index
        %get3A_743 = arith.constant 64 : index
        %get3A_744 = tpu.vector_load %arg9[%get3A_742, %get3A_743] {strides = array<i32>} : memref<128x128xf32, #tpu.memory_space<vmem>>, vector<1x16xf32>,
        %get3A_745 = vector.shape_cast %get3A_744 : vector<1x16xf32> to vector<16xf32>
        %swap3A_746 = arith.index_cast %add3A_705 : i32 to index
        %swap3A_747 = arith.constant 64 : index
        %swap3A_748 = tpu.vector_load %arg11[%swap3A_746, %swap3A_747] {strides = array<i32>} : memref<128x128xf32, #tpu.memory_space<vmem>>, vector<1x16xf32>,
        %swap3A_749 = vector.shape_cast %swap3A_748 : vector<1x16xf32> to vector<16xf32>
        %swap3A_750 = vector.shape_cast %get3A_745 : vector<16xf32> to vector<1x16xf32>
        tpu.vector_store %arg11[%swap3A_746, %swap3A_747], %swap3A_750 {add = true, strides = array<i32>} : memref<128x128xf32, #tpu.memory_space<vmem>>, vector<1x16xf32>,
        %get3A_751 = arith.index_cast %add3A_705 : i32 to index
        %get3A_752 = arith.constant 80 : index
        %get3A_753 = tpu.vector_load %arg9[%get3A_751, %get3A_752] {strides = array<i32>} : memref<128x128xf32, #tpu.memory_space<vmem>>, vector<1x16xf32>,
        %get3A_754 = vector.shape_cast %get3A_753 : vector<1x16xf32> to vector<16xf32>
        %swap3A_755 = arith.index_cast %add3A_705 : i32 to index
        %swap3A_756 = arith.constant 80 : index
        %swap3A_757 = tpu.vector_load %arg11[%swap3A_755, %swap3A_756] {strides = array<i32>} : memref<128x128xf32, #tpu.memory_space<vmem>>, vector<1x16xf32>,
        %swap3A_758 = vector.shape_cast %swap3A_757 : vector<1x16xf32> to vector<16xf32>
        %swap3A_759 = vector.shape_cast %get3A_754 : vector<16xf32> to vector<1x16xf32>
        tpu.vector_store %arg11[%swap3A_755, %swap3A_756], %swap3A_759 {add = true, strides = array<i32>} : memref<128x128xf32, #tpu.memory_space<vmem>>, vector<1x16xf32>,
        %get3A_760 = arith.index_cast %add3A_705 : i32 to index
        %get3A_761 = arith.constant 96 : index
        %get3A_762 = tpu.vector_load %arg9[%get3A_760, %get3A_761] {strides = array<i32>} : memref<128x128xf32, #tpu.memory_space<vmem>>, vector<1x16xf32>,
        %get3A_763 = vector.shape_cast %get3A_762 : vector<1x16xf32> to vector<16xf32>
        %swap3A_764 = arith.index_cast %add3A_705 : i32 to index
        %swap3A_765 = arith.constant 96 : index
        %swap3A_766 = tpu.vector_load %arg11[%swap3A_764, %swap3A_765] {strides = array<i32>} : memref<128x128xf32, #tpu.memory_space<vmem>>, vector<1x16xf32>,
        %swap3A_767 = vector.shape_cast %swap3A_766 : vector<1x16xf32> to vector<16xf32>
        %swap3A_768 = vector.shape_cast %get3A_763 : vector<16xf32> to vector<1x16xf32>
        tpu.vector_store %arg11[%swap3A_764, %swap3A_765], %swap3A_768 {add = true, strides = array<i32>} : memref<128x128xf32, #tpu.memory_space<vmem>>, vector<1x16xf32>,
        %get3A_769 = arith.index_cast %add3A_705 : i32 to index
        %get3A_770 = arith.constant 112 : index
        %get3A_771 = tpu.vector_load %arg9[%get3A_769, %get3A_770] {strides = array<i32>} : memref<128x128xf32, #tpu.memory_space<vmem>>, vector<1x16xf32>,
        %get3A_772 = vector.shape_cast %get3A_771 : vector<1x16xf32> to vector<16xf32>
        %swap3A_773 = arith.index_cast %add3A_705 : i32 to index
        %swap3A_774 = arith.constant 112 : index
        %swap3A_775 = tpu.vector_load %arg11[%swap3A_773, %swap3A_774] {strides = array<i32>} : memref<128x128xf32, #tpu.memory_space<vmem>>, vector<1x16xf32>,
        %swap3A_776 = vector.shape_cast %swap3A_775 : vector<1x16xf32> to vector<16xf32>
        %swap3A_777 = vector.shape_cast %get3A_772 : vector<16xf32> to vector<1x16xf32>
        tpu.vector_store %arg11[%swap3A_773, %swap3A_774], %swap3A_777 {add = true, strides = array<i32>} : memref<128x128xf32, #tpu.memory_space<vmem>>, vector<1x16xf32>,
      }
      %scan3A_137 = arith.constant 16 : i32
      %add3A_138 = arith.constant 4 : i32
      %add3A_139 = arith.addi %add3A_124, %add3A_138 : i32
      %lt3A_140 = arith.constant 50 : i32
      %lt3A_141 = arith.cmpi slt, %add3A_139, %lt3A_140 : i32
      %convert_element_type3A_142 = arith.extui %lt3A_141 : i1 to i32
      %cond3A_143 = arith.constant 0 : i32
      %cond3A_144 = arith.cmpi ne, %convert_element_type3A_142, %cond3A_143 : i32
      scf.if %cond3A_144 {
        %add3A_171 = arith.constant 4 : i32
        %add3A_172 = arith.addi %add3A_124, %add3A_171 : i32
        %dma_start3A_173 = arith.constant 0 : i32
        %dma_start3A_174 = tpu.memref_slice %arg5[%add3A_172, %dma_start3A_173] : memref<50x128xi32, #tpu.memory_space<vmem>> -> memref<1x128xi32, #tpu.memory_space<vmem>>
        %dma_start3A_175 = tpu.memref_squeeze %dma_start3A_174 : memref<1x128xi32, #tpu.memory_space<vmem>> -> memref<128xi32, #tpu.memory_space<vmem>>
        %dma_start3A_176 = arith.constant 0 : i32
        %dma_start3A_177 = arith.constant 0 : i32
        %dma_start3A_178 = tpu.memref_slice %arg3[%dma_start3A_176, %dma_start3A_177] : memref<100001x128xf32, #tpu.memory_space<hbm>> -> memref<100001x128xf32, #tpu.memory_space<hbm>>
        tpu.enqueue_indirect_dma source(%dma_start3A_178 : memref<100001x128xf32, #tpu.memory_space<hbm>>) target(%arg9 : memref<128x128xf32, #tpu.memory_space<vmem>>) offsets(%dma_start3A_175 : memref<128xi32, #tpu.memory_space<vmem>>) semaphore(%arg15 : memref<!tpu.dma_semaphore, #tpu.memory_space<semaphore_mem>>)
      } else {
      }
      %mul3A_145 = arith.constant 4 : i32
      %mul3A_146 = arith.muli %mul3A_145, %scan3A_69 : i32
      %add3A_147 = arith.constant 1 : i32
      %add3A_148 = arith.addi %mul3A_146, %add3A_147 : i32
      %add3A_149 = arith.constant 3 : i32
      %add3A_150 = arith.addi %add3A_148, %add3A_149 : i32
      %dma_wait3A_151 = arith.constant 0 : i32
      %dma_wait3A_152 = arith.constant 0 : i32
      %dma_wait3A_153 = tpu.memref_slice %arg5[%dma_wait3A_151, %dma_wait3A_152] : memref<50x128xi32, #tpu.memory_space<vmem>> -> memref<1x128xi32, #tpu.memory_space<vmem>>
      %dma_wait3A_154 = tpu.memref_squeeze %dma_wait3A_153 : memref<1x128xi32, #tpu.memory_space<vmem>> -> memref<128xi32, #tpu.memory_space<vmem>>
      %dma_wait3A_155 = arith.constant 0 : i32
      %dma_wait3A_156 = arith.constant 0 : i32
      %dma_wait3A_157 = tpu.memref_slice %arg3[%dma_wait3A_155, %dma_wait3A_156] : memref<100001x128xf32, #tpu.memory_space<hbm>> -> memref<100001x128xf32, #tpu.memory_space<hbm>>
      tpu.wait_indirect_dma semaphore(%arg16 : memref<!tpu.dma_semaphore, #tpu.memory_space<semaphore_mem>>) src(%dma_wait3A_157 : memref<100001x128xf32, #tpu.memory_space<hbm>>) dst(%arg10 : memref<128x128xf32, #tpu.memory_space<vmem>>)
      %scan3A_158 = arith.constant 0 : i32
      %scan3A_159 = arith.constant 0 : i32
      %scan3A_160 = arith.constant 16 : i32
      %scan3A_161 = arith.addi %scan3A_159, %scan3A_160 : i32
      %scan3A_162 = arith.constant 1 : i32
      scf.for %scan3A_171 = %scan3A_159 to %scan3A_161 step %scan3A_162  : i32 {
        %mul3A_172 = arith.constant 8 : i32
        %mul3A_173 = arith.muli %scan3A_171, %mul3A_172 : i32
        %add3A_174 = arith.constant 0 : i32
        %add3A_175 = arith.addi %mul3A_173, %add3A_174 : i32
        %get3A = arith.index_cast %add3A_175 : i32 to index
        %get3A_176 = arith.constant 0 : index
        %get3A_177 = tpu.vector_load %arg10[%get3A, %get3A_176] {strides = array<i32>} : memref<128x128xf32, #tpu.memory_space<vmem>>, vector<1x16xf32>,
        %get3A_178 = vector.shape_cast %get3A_177 : vector<1x16xf32> to vector<16xf32>
        %swap3A = arith.index_cast %add3A_175 : i32 to index
        %swap3A_179 = arith.constant 0 : index
        %swap3A_180 = tpu.vector_load %arg11[%swap3A, %swap3A_179] {strides = array<i32>} : memref<128x128xf32, #tpu.memory_space<vmem>>, vector<1x16xf32>,
        %swap3A_181 = vector.shape_cast %swap3A_180 : vector<1x16xf32> to vector<16xf32>
        %swap3A_182 = vector.shape_cast %get3A_178 : vector<16xf32> to vector<1x16xf32>
        tpu.vector_store %arg11[%swap3A, %swap3A_179], %swap3A_182 {add = true, strides = array<i32>} : memref<128x128xf32, #tpu.memory_space<vmem>>, vector<1x16xf32>,
        %get3A_183 = arith.index_cast %add3A_175 : i32 to index
        %get3A_184 = arith.constant 16 : index
        %get3A_185 = tpu.vector_load %arg10[%get3A_183, %get3A_184] {strides = array<i32>} : memref<128x128xf32, #tpu.memory_space<vmem>>, vector<1x16xf32>,
        %get3A_186 = vector.shape_cast %get3A_185 : vector<1x16xf32> to vector<16xf32>
        %swap3A_187 = arith.index_cast %add3A_175 : i32 to index
        %swap3A_188 = arith.constant 16 : index
        %swap3A_189 = tpu.vector_load %arg11[%swap3A_187, %swap3A_188] {strides = array<i32>} : memref<128x128xf32, #tpu.memory_space<vmem>>, vector<1x16xf32>,
        %swap3A_190 = vector.shape_cast %swap3A_189 : vector<1x16xf32> to vector<16xf32>
        %swap3A_191 = vector.shape_cast %get3A_186 : vector<16xf32> to vector<1x16xf32>
        tpu.vector_store %arg11[%swap3A_187, %swap3A_188], %swap3A_191 {add = true, strides = array<i32>} : memref<128x128xf32, #tpu.memory_space<vmem>>, vector<1x16xf32>,
        %get3A_192 = arith.index_cast %add3A_175 : i32 to index
        %get3A_193 = arith.constant 32 : index
        %get3A_194 = tpu.vector_load %arg10[%get3A_192, %get3A_193] {strides = array<i32>} : memref<128x128xf32, #tpu.memory_space<vmem>>, vector<1x16xf32>,
        %get3A_195 = vector.shape_cast %get3A_194 : vector<1x16xf32> to vector<16xf32>
        %swap3A_196 = arith.index_cast %add3A_175 : i32 to index
        %swap3A_197 = arith.constant 32 : index
        %swap3A_198 = tpu.vector_load %arg11[%swap3A_196, %swap3A_197] {strides = array<i32>} : memref<128x128xf32, #tpu.memory_space<vmem>>, vector<1x16xf32>,
        %swap3A_199 = vector.shape_cast %swap3A_198 : vector<1x16xf32> to vector<16xf32>
        %swap3A_200 = vector.shape_cast %get3A_195 : vector<16xf32> to vector<1x16xf32>
        tpu.vector_store %arg11[%swap3A_196, %swap3A_197], %swap3A_200 {add = true, strides = array<i32>} : memref<128x128xf32, #tpu.memory_space<vmem>>, vector<1x16xf32>,
        %get3A_201 = arith.index_cast %add3A_175 : i32 to index
        %get3A_202 = arith.constant 48 : index
        %get3A_203 = tpu.vector_load %arg10[%get3A_201, %get3A_202] {strides = array<i32>} : memref<128x128xf32, #tpu.memory_space<vmem>>, vector<1x16xf32>,
        %get3A_204 = vector.shape_cast %get3A_203 : vector<1x16xf32> to vector<16xf32>
        %swap3A_205 = arith.index_cast %add3A_175 : i32 to index
        %swap3A_206 = arith.constant 48 : index
        %swap3A_207 = tpu.vector_load %arg11[%swap3A_205, %swap3A_206] {strides = array<i32>} : memref<128x128xf32, #tpu.memory_space<vmem>>, vector<1x16xf32>,
        %swap3A_208 = vector.shape_cast %swap3A_207 : vector<1x16xf32> to vector<16xf32>
        %swap3A_209 = vector.shape_cast %get3A_204 : vector<16xf32> to vector<1x16xf32>
        tpu.vector_store %arg11[%swap3A_205, %swap3A_206], %swap3A_209 {add = true, strides = array<i32>} : memref<128x128xf32, #tpu.memory_space<vmem>>, vector<1x16xf32>,
        %get3A_210 = arith.index_cast %add3A_175 : i32 to index
        %get3A_211 = arith.constant 64 : index
        %get3A_212 = tpu.vector_load %arg10[%get3A_210, %get3A_211] {strides = array<i32>} : memref<128x128xf32, #tpu.memory_space<vmem>>, vector<1x16xf32>,
        %get3A_213 = vector.shape_cast %get3A_212 : vector<1x16xf32> to vector<16xf32>
        %swap3A_214 = arith.index_cast %add3A_175 : i32 to index
        %swap3A_215 = arith.constant 64 : index
        %swap3A_216 = tpu.vector_load %arg11[%swap3A_214, %swap3A_215] {strides = array<i32>} : memref<128x128xf32, #tpu.memory_space<vmem>>, vector<1x16xf32>,
        %swap3A_217 = vector.shape_cast %swap3A_216 : vector<1x16xf32> to vector<16xf32>
        %swap3A_218 = vector.shape_cast %get3A_213 : vector<16xf32> to vector<1x16xf32>
        tpu.vector_store %arg11[%swap3A_214, %swap3A_215], %swap3A_218 {add = true, strides = array<i32>} : memref<128x128xf32, #tpu.memory_space<vmem>>, vector<1x16xf32>,
        %get3A_219 = arith.index_cast %add3A_175 : i32 to index
        %get3A_220 = arith.constant 80 : index
        %get3A_221 = tpu.vector_load %arg10[%get3A_219, %get3A_220] {strides = array<i32>} : memref<128x128xf32, #tpu.memory_space<vmem>>, vector<1x16xf32>,
        %get3A_222 = vector.shape_cast %get3A_221 : vector<1x16xf32> to vector<16xf32>
        %swap3A_223 = arith.index_cast %add3A_175 : i32 to index
        %swap3A_224 = arith.constant 80 : index
        %swap3A_225 = tpu.vector_load %arg11[%swap3A_223, %swap3A_224] {strides = array<i32>} : memref<128x128xf32, #tpu.memory_space<vmem>>, vector<1x16xf32>,
        %swap3A_226 = vector.shape_cast %swap3A_225 : vector<1x16xf32> to vector<16xf32>
        %swap3A_227 = vector.shape_cast %get3A_222 : vector<16xf32> to vector<1x16xf32>
        tpu.vector_store %arg11[%swap3A_223, %swap3A_224], %swap3A_227 {add = true, strides = array<i32>} : memref<128x128xf32, #tpu.memory_space<vmem>>, vector<1x16xf32>,
        %get3A_228 = arith.index_cast %add3A_175 : i32 to index
        %get3A_229 = arith.constant 96 : index
        %get3A_230 = tpu.vector_load %arg10[%get3A_228, %get3A_229] {strides = array<i32>} : memref<128x128xf32, #tpu.memory_space<vmem>>, vector<1x16xf32>,
        %get3A_231 = vector.shape_cast %get3A_230 : vector<1x16xf32> to vector<16xf32>
        %swap3A_232 = arith.index_cast %add3A_175 : i32 to index
        %swap3A_233 = arith.constant 96 : index
        %swap3A_234 = tpu.vector_load %arg11[%swap3A_232, %swap3A_233] {strides = array<i32>} : memref<128x128xf32, #tpu.memory_space<vmem>>, vector<1x16xf32>,
        %swap3A_235 = vector.shape_cast %swap3A_234 : vector<1x16xf32> to vector<16xf32>
        %swap3A_236 = vector.shape_cast %get3A_231 : vector<16xf32> to vector<1x16xf32>
        tpu.vector_store %arg11[%swap3A_232, %swap3A_233], %swap3A_236 {add = true, strides = array<i32>} : memref<128x128xf32, #tpu.memory_space<vmem>>, vector<1x16xf32>,
        %get3A_237 = arith.index_cast %add3A_175 : i32 to index
        %get3A_238 = arith.constant 112 : index
        %get3A_239 = tpu.vector_load %arg10[%get3A_237, %get3A_238] {strides = array<i32>} : memref<128x128xf32, #tpu.memory_space<vmem>>, vector<1x16xf32>,
        %get3A_240 = vector.shape_cast %get3A_239 : vector<1x16xf32> to vector<16xf32>
        %swap3A_241 = arith.index_cast %add3A_175 : i32 to index
        %swap3A_242 = arith.constant 112 : index
        %swap3A_243 = tpu.vector_load %arg11[%swap3A_241, %swap3A_242] {strides = array<i32>} : memref<128x128xf32, #tpu.memory_space<vmem>>, vector<1x16xf32>,
        %swap3A_244 = vector.shape_cast %swap3A_243 : vector<1x16xf32> to vector<16xf32>
        %swap3A_245 = vector.shape_cast %get3A_240 : vector<16xf32> to vector<1x16xf32>
        tpu.vector_store %arg11[%swap3A_241, %swap3A_242], %swap3A_245 {add = true, strides = array<i32>} : memref<128x128xf32, #tpu.memory_space<vmem>>, vector<1x16xf32>,
        %mul3A_246 = arith.constant 8 : i32
        %mul3A_247 = arith.muli %scan3A_171, %mul3A_246 : i32
        %add3A_248 = arith.constant 1 : i32
        %add3A_249 = arith.addi %mul3A_247, %add3A_248 : i32
        %get3A_250 = arith.index_cast %add3A_249 : i32 to index
        %get3A_251 = arith.constant 0 : index
        %get3A_252 = tpu.vector_load %arg10[%get3A_250, %get3A_251] {strides = array<i32>} : memref<128x128xf32, #tpu.memory_space<vmem>>, vector<1x16xf32>,
        %get3A_253 = vector.shape_cast %get3A_252 : vector<1x16xf32> to vector<16xf32>
        %swap3A_254 = arith.index_cast %add3A_249 : i32 to index
        %swap3A_255 = arith.constant 0 : index
        %swap3A_256 = tpu.vector_load %arg11[%swap3A_254, %swap3A_255] {strides = array<i32>} : memref<128x128xf32, #tpu.memory_space<vmem>>, vector<1x16xf32>,
        %swap3A_257 = vector.shape_cast %swap3A_256 : vector<1x16xf32> to vector<16xf32>
        %swap3A_258 = vector.shape_cast %get3A_253 : vector<16xf32> to vector<1x16xf32>
        tpu.vector_store %arg11[%swap3A_254, %swap3A_255], %swap3A_258 {add = true, strides = array<i32>} : memref<128x128xf32, #tpu.memory_space<vmem>>, vector<1x16xf32>,
        %get3A_259 = arith.index_cast %add3A_249 : i32 to index
        %get3A_260 = arith.constant 16 : index
        %get3A_261 = tpu.vector_load %arg10[%get3A_259, %get3A_260] {strides = array<i32>} : memref<128x128xf32, #tpu.memory_space<vmem>>, vector<1x16xf32>,
        %get3A_262 = vector.shape_cast %get3A_261 : vector<1x16xf32> to vector<16xf32>
        %swap3A_263 = arith.index_cast %add3A_249 : i32 to index
        %swap3A_264 = arith.constant 16 : index
        %swap3A_265 = tpu.vector_load %arg11[%swap3A_263, %swap3A_264] {strides = array<i32>} : memref<128x128xf32, #tpu.memory_space<vmem>>, vector<1x16xf32>,
        %swap3A_266 = vector.shape_cast %swap3A_265 : vector<1x16xf32> to vector<16xf32>
        %swap3A_267 = vector.shape_cast %get3A_262 : vector<16xf32> to vector<1x16xf32>
        tpu.vector_store %arg11[%swap3A_263, %swap3A_264], %swap3A_267 {add = true, strides = array<i32>} : memref<128x128xf32, #tpu.memory_space<vmem>>, vector<1x16xf32>,
        %get3A_268 = arith.index_cast %add3A_249 : i32 to index
        %get3A_269 = arith.constant 32 : index
        %get3A_270 = tpu.vector_load %arg10[%get3A_268, %get3A_269] {strides = array<i32>} : memref<128x128xf32, #tpu.memory_space<vmem>>, vector<1x16xf32>,
        %get3A_271 = vector.shape_cast %get3A_270 : vector<1x16xf32> to vector<16xf32>
        %swap3A_272 = arith.index_cast %add3A_249 : i32 to index
        %swap3A_273 = arith.constant 32 : index
        %swap3A_274 = tpu.vector_load %arg11[%swap3A_272, %swap3A_273] {strides = array<i32>} : memref<128x128xf32, #tpu.memory_space<vmem>>, vector<1x16xf32>,
        %swap3A_275 = vector.shape_cast %swap3A_274 : vector<1x16xf32> to vector<16xf32>
        %swap3A_276 = vector.shape_cast %get3A_271 : vector<16xf32> to vector<1x16xf32>
        tpu.vector_store %arg11[%swap3A_272, %swap3A_273], %swap3A_276 {add = true, strides = array<i32>} : memref<128x128xf32, #tpu.memory_space<vmem>>, vector<1x16xf32>,
        %get3A_277 = arith.index_cast %add3A_249 : i32 to index
        %get3A_278 = arith.constant 48 : index
        %get3A_279 = tpu.vector_load %arg10[%get3A_277, %get3A_278] {strides = array<i32>} : memref<128x128xf32, #tpu.memory_space<vmem>>, vector<1x16xf32>,
        %get3A_280 = vector.shape_cast %get3A_279 : vector<1x16xf32> to vector<16xf32>
        %swap3A_281 = arith.index_cast %add3A_249 : i32 to index
        %swap3A_282 = arith.constant 48 : index
        %swap3A_283 = tpu.vector_load %arg11[%swap3A_281, %swap3A_282] {strides = array<i32>} : memref<128x128xf32, #tpu.memory_space<vmem>>, vector<1x16xf32>,
        %swap3A_284 = vector.shape_cast %swap3A_283 : vector<1x16xf32> to vector<16xf32>
        %swap3A_285 = vector.shape_cast %get3A_280 : vector<16xf32> to vector<1x16xf32>
        tpu.vector_store %arg11[%swap3A_281, %swap3A_282], %swap3A_285 {add = true, strides = array<i32>} : memref<128x128xf32, #tpu.memory_space<vmem>>, vector<1x16xf32>,
        %get3A_286 = arith.index_cast %add3A_249 : i32 to index
        %get3A_287 = arith.constant 64 : index
        %get3A_288 = tpu.vector_load %arg10[%get3A_286, %get3A_287] {strides = array<i32>} : memref<128x128xf32, #tpu.memory_space<vmem>>, vector<1x16xf32>,
        %get3A_289 = vector.shape_cast %get3A_288 : vector<1x16xf32> to vector<16xf32>
        %swap3A_290 = arith.index_cast %add3A_249 : i32 to index
        %swap3A_291 = arith.constant 64 : index
        %swap3A_292 = tpu.vector_load %arg11[%swap3A_290, %swap3A_291] {strides = array<i32>} : memref<128x128xf32, #tpu.memory_space<vmem>>, vector<1x16xf32>,
        %swap3A_293 = vector.shape_cast %swap3A_292 : vector<1x16xf32> to vector<16xf32>
        %swap3A_294 = vector.shape_cast %get3A_289 : vector<16xf32> to vector<1x16xf32>
        tpu.vector_store %arg11[%swap3A_290, %swap3A_291], %swap3A_294 {add = true, strides = array<i32>} : memref<128x128xf32, #tpu.memory_space<vmem>>, vector<1x16xf32>,
        %get3A_295 = arith.index_cast %add3A_249 : i32 to index
        %get3A_296 = arith.constant 80 : index
        %get3A_297 = tpu.vector_load %arg10[%get3A_295, %get3A_296] {strides = array<i32>} : memref<128x128xf32, #tpu.memory_space<vmem>>, vector<1x16xf32>,
        %get3A_298 = vector.shape_cast %get3A_297 : vector<1x16xf32> to vector<16xf32>
        %swap3A_299 = arith.index_cast %add3A_249 : i32 to index
        %swap3A_300 = arith.constant 80 : index
        %swap3A_301 = tpu.vector_load %arg11[%swap3A_299, %swap3A_300] {strides = array<i32>} : memref<128x128xf32, #tpu.memory_space<vmem>>, vector<1x16xf32>,
        %swap3A_302 = vector.shape_cast %swap3A_301 : vector<1x16xf32> to vector<16xf32>
        %swap3A_303 = vector.shape_cast %get3A_298 : vector<16xf32> to vector<1x16xf32>
        tpu.vector_store %arg11[%swap3A_299, %swap3A_300], %swap3A_303 {add = true, strides = array<i32>} : memref<128x128xf32, #tpu.memory_space<vmem>>, vector<1x16xf32>,
        %get3A_304 = arith.index_cast %add3A_249 : i32 to index
        %get3A_305 = arith.constant 96 : index
        %get3A_306 = tpu.vector_load %arg10[%get3A_304, %get3A_305] {strides = array<i32>} : memref<128x128xf32, #tpu.memory_space<vmem>>, vector<1x16xf32>,
        %get3A_307 = vector.shape_cast %get3A_306 : vector<1x16xf32> to vector<16xf32>
        %swap3A_308 = arith.index_cast %add3A_249 : i32 to index
        %swap3A_309 = arith.constant 96 : index
        %swap3A_310 = tpu.vector_load %arg11[%swap3A_308, %swap3A_309] {strides = array<i32>} : memref<128x128xf32, #tpu.memory_space<vmem>>, vector<1x16xf32>,
        %swap3A_311 = vector.shape_cast %swap3A_310 : vector<1x16xf32> to vector<16xf32>
        %swap3A_312 = vector.shape_cast %get3A_307 : vector<16xf32> to vector<1x16xf32>
        tpu.vector_store %arg11[%swap3A_308, %swap3A_309], %swap3A_312 {add = true, strides = array<i32>} : memref<128x128xf32, #tpu.memory_space<vmem>>, vector<1x16xf32>,
        %get3A_313 = arith.index_cast %add3A_249 : i32 to index
        %get3A_314 = arith.constant 112 : index
        %get3A_315 = tpu.vector_load %arg10[%get3A_313, %get3A_314] {strides = array<i32>} : memref<128x128xf32, #tpu.memory_space<vmem>>, vector<1x16xf32>,
        %get3A_316 = vector.shape_cast %get3A_315 : vector<1x16xf32> to vector<16xf32>
        %swap3A_317 = arith.index_cast %add3A_249 : i32 to index
        %swap3A_318 = arith.constant 112 : index
        %swap3A_319 = tpu.vector_load %arg11[%swap3A_317, %swap3A_318] {strides = array<i32>} : memref<128x128xf32, #tpu.memory_space<vmem>>, vector<1x16xf32>,
        %swap3A_320 = vector.shape_cast %swap3A_319 : vector<1x16xf32> to vector<16xf32>
        %swap3A_321 = vector.shape_cast %get3A_316 : vector<16xf32> to vector<1x16xf32>
        tpu.vector_store %arg11[%swap3A_317, %swap3A_318], %swap3A_321 {add = true, strides = array<i32>} : memref<128x128xf32, #tpu.memory_space<vmem>>, vector<1x16xf32>,
        %mul3A_322 = arith.constant 8 : i32
        %mul3A_323 = arith.muli %scan3A_171, %mul3A_322 : i32
        %add3A_324 = arith.constant 2 : i32
        %add3A_325 = arith.addi %mul3A_323, %add3A_324 : i32
        %get3A_326 = arith.index_cast %add3A_325 : i32 to index
        %get3A_327 = arith.constant 0 : index
        %get3A_328 = tpu.vector_load %arg10[%get3A_326, %get3A_327] {strides = array<i32>} : memref<128x128xf32, #tpu.memory_space<vmem>>, vector<1x16xf32>,
        %get3A_329 = vector.shape_cast %get3A_328 : vector<1x16xf32> to vector<16xf32>
        %swap3A_330 = arith.index_cast %add3A_325 : i32 to index
        %swap3A_331 = arith.constant 0 : index
        %swap3A_332 = tpu.vector_load %arg11[%swap3A_330, %swap3A_331] {strides = array<i32>} : memref<128x128xf32, #tpu.memory_space<vmem>>, vector<1x16xf32>,
        %swap3A_333 = vector.shape_cast %swap3A_332 : vector<1x16xf32> to vector<16xf32>
        %swap3A_334 = vector.shape_cast %get3A_329 : vector<16xf32> to vector<1x16xf32>
        tpu.vector_store %arg11[%swap3A_330, %swap3A_331], %swap3A_334 {add = true, strides = array<i32>} : memref<128x128xf32, #tpu.memory_space<vmem>>, vector<1x16xf32>,
        %get3A_335 = arith.index_cast %add3A_325 : i32 to index
        %get3A_336 = arith.constant 16 : index
        %get3A_337 = tpu.vector_load %arg10[%get3A_335, %get3A_336] {strides = array<i32>} : memref<128x128xf32, #tpu.memory_space<vmem>>, vector<1x16xf32>,
        %get3A_338 = vector.shape_cast %get3A_337 : vector<1x16xf32> to vector<16xf32>
        %swap3A_339 = arith.index_cast %add3A_325 : i32 to index
        %swap3A_340 = arith.constant 16 : index
        %swap3A_341 = tpu.vector_load %arg11[%swap3A_339, %swap3A_340] {strides = array<i32>} : memref<128x128xf32, #tpu.memory_space<vmem>>, vector<1x16xf32>,
        %swap3A_342 = vector.shape_cast %swap3A_341 : vector<1x16xf32> to vector<16xf32>
        %swap3A_343 = vector.shape_cast %get3A_338 : vector<16xf32> to vector<1x16xf32>
        tpu.vector_store %arg11[%swap3A_339, %swap3A_340], %swap3A_343 {add = true, strides = array<i32>} : memref<128x128xf32, #tpu.memory_space<vmem>>, vector<1x16xf32>,
        %get3A_344 = arith.index_cast %add3A_325 : i32 to index
        %get3A_345 = arith.constant 32 : index
        %get3A_346 = tpu.vector_load %arg10[%get3A_344, %get3A_345] {strides = array<i32>} : memref<128x128xf32, #tpu.memory_space<vmem>>, vector<1x16xf32>,
        %get3A_347 = vector.shape_cast %get3A_346 : vector<1x16xf32> to vector<16xf32>
        %swap3A_348 = arith.index_cast %add3A_325 : i32 to index
        %swap3A_349 = arith.constant 32 : index
        %swap3A_350 = tpu.vector_load %arg11[%swap3A_348, %swap3A_349] {strides = array<i32>} : memref<128x128xf32, #tpu.memory_space<vmem>>, vector<1x16xf32>,
        %swap3A_351 = vector.shape_cast %swap3A_350 : vector<1x16xf32> to vector<16xf32>
        %swap3A_352 = vector.shape_cast %get3A_347 : vector<16xf32> to vector<1x16xf32>
        tpu.vector_store %arg11[%swap3A_348, %swap3A_349], %swap3A_352 {add = true, strides = array<i32>} : memref<128x128xf32, #tpu.memory_space<vmem>>, vector<1x16xf32>,
        %get3A_353 = arith.index_cast %add3A_325 : i32 to index
        %get3A_354 = arith.constant 48 : index
        %get3A_355 = tpu.vector_load %arg10[%get3A_353, %get3A_354] {strides = array<i32>} : memref<128x128xf32, #tpu.memory_space<vmem>>, vector<1x16xf32>,
        %get3A_356 = vector.shape_cast %get3A_355 : vector<1x16xf32> to vector<16xf32>
        %swap3A_357 = arith.index_cast %add3A_325 : i32 to index
        %swap3A_358 = arith.constant 48 : index
        %swap3A_359 = tpu.vector_load %arg11[%swap3A_357, %swap3A_358] {strides = array<i32>} : memref<128x128xf32, #tpu.memory_space<vmem>>, vector<1x16xf32>,
        %swap3A_360 = vector.shape_cast %swap3A_359 : vector<1x16xf32> to vector<16xf32>
        %swap3A_361 = vector.shape_cast %get3A_356 : vector<16xf32> to vector<1x16xf32>
        tpu.vector_store %arg11[%swap3A_357, %swap3A_358], %swap3A_361 {add = true, strides = array<i32>} : memref<128x128xf32, #tpu.memory_space<vmem>>, vector<1x16xf32>,
        %get3A_362 = arith.index_cast %add3A_325 : i32 to index
        %get3A_363 = arith.constant 64 : index
        %get3A_364 = tpu.vector_load %arg10[%get3A_362, %get3A_363] {strides = array<i32>} : memref<128x128xf32, #tpu.memory_space<vmem>>, vector<1x16xf32>,
        %get3A_365 = vector.shape_cast %get3A_364 : vector<1x16xf32> to vector<16xf32>
        %swap3A_366 = arith.index_cast %add3A_325 : i32 to index
        %swap3A_367 = arith.constant 64 : index
        %swap3A_368 = tpu.vector_load %arg11[%swap3A_366, %swap3A_367] {strides = array<i32>} : memref<128x128xf32, #tpu.memory_space<vmem>>, vector<1x16xf32>,
        %swap3A_369 = vector.shape_cast %swap3A_368 : vector<1x16xf32> to vector<16xf32>
        %swap3A_370 = vector.shape_cast %get3A_365 : vector<16xf32> to vector<1x16xf32>
        tpu.vector_store %arg11[%swap3A_366, %swap3A_367], %swap3A_370 {add = true, strides = array<i32>} : memref<128x128xf32, #tpu.memory_space<vmem>>, vector<1x16xf32>,
        %get3A_371 = arith.index_cast %add3A_325 : i32 to index
        %get3A_372 = arith.constant 80 : index
        %get3A_373 = tpu.vector_load %arg10[%get3A_371, %get3A_372] {strides = array<i32>} : memref<128x128xf32, #tpu.memory_space<vmem>>, vector<1x16xf32>,
        %get3A_374 = vector.shape_cast %get3A_373 : vector<1x16xf32> to vector<16xf32>
        %swap3A_375 = arith.index_cast %add3A_325 : i32 to index
        %swap3A_376 = arith.constant 80 : index
        %swap3A_377 = tpu.vector_load %arg11[%swap3A_375, %swap3A_376] {strides = array<i32>} : memref<128x128xf32, #tpu.memory_space<vmem>>, vector<1x16xf32>,
        %swap3A_378 = vector.shape_cast %swap3A_377 : vector<1x16xf32> to vector<16xf32>
        %swap3A_379 = vector.shape_cast %get3A_374 : vector<16xf32> to vector<1x16xf32>
        tpu.vector_store %arg11[%swap3A_375, %swap3A_376], %swap3A_379 {add = true, strides = array<i32>} : memref<128x128xf32, #tpu.memory_space<vmem>>, vector<1x16xf32>,
        %get3A_380 = arith.index_cast %add3A_325 : i32 to index
        %get3A_381 = arith.constant 96 : index
        %get3A_382 = tpu.vector_load %arg10[%get3A_380, %get3A_381] {strides = array<i32>} : memref<128x128xf32, #tpu.memory_space<vmem>>, vector<1x16xf32>,
        %get3A_383 = vector.shape_cast %get3A_382 : vector<1x16xf32> to vector<16xf32>
        %swap3A_384 = arith.index_cast %add3A_325 : i32 to index
        %swap3A_385 = arith.constant 96 : index
        %swap3A_386 = tpu.vector_load %arg11[%swap3A_384, %swap3A_385] {strides = array<i32>} : memref<128x128xf32, #tpu.memory_space<vmem>>, vector<1x16xf32>,
        %swap3A_387 = vector.shape_cast %swap3A_386 : vector<1x16xf32> to vector<16xf32>
        %swap3A_388 = vector.shape_cast %get3A_383 : vector<16xf32> to vector<1x16xf32>
        tpu.vector_store %arg11[%swap3A_384, %swap3A_385], %swap3A_388 {add = true, strides = array<i32>} : memref<128x128xf32, #tpu.memory_space<vmem>>, vector<1x16xf32>,
        %get3A_389 = arith.index_cast %add3A_325 : i32 to index
        %get3A_390 = arith.constant 112 : index
        %get3A_391 = tpu.vector_load %arg10[%get3A_389, %get3A_390] {strides = array<i32>} : memref<128x128xf32, #tpu.memory_space<vmem>>, vector<1x16xf32>,
        %get3A_392 = vector.shape_cast %get3A_391 : vector<1x16xf32> to vector<16xf32>
        %swap3A_393 = arith.index_cast %add3A_325 : i32 to index
        %swap3A_394 = arith.constant 112 : index
        %swap3A_395 = tpu.vector_load %arg11[%swap3A_393, %swap3A_394] {strides = array<i32>} : memref<128x128xf32, #tpu.memory_space<vmem>>, vector<1x16xf32>,
        %swap3A_396 = vector.shape_cast %swap3A_395 : vector<1x16xf32> to vector<16xf32>
        %swap3A_397 = vector.shape_cast %get3A_392 : vector<16xf32> to vector<1x16xf32>
        tpu.vector_store %arg11[%swap3A_393, %swap3A_394], %swap3A_397 {add = true, strides = array<i32>} : memref<128x128xf32, #tpu.memory_space<vmem>>, vector<1x16xf32>,
        %mul3A_398 = arith.constant 8 : i32
        %mul3A_399 = arith.muli %scan3A_171, %mul3A_398 : i32
        %add3A_400 = arith.constant 3 : i32
        %add3A_401 = arith.addi %mul3A_399, %add3A_400 : i32
        %get3A_402 = arith.index_cast %add3A_401 : i32 to index
        %get3A_403 = arith.constant 0 : index
        %get3A_404 = tpu.vector_load %arg10[%get3A_402, %get3A_403] {strides = array<i32>} : memref<128x128xf32, #tpu.memory_space<vmem>>, vector<1x16xf32>,
        %get3A_405 = vector.shape_cast %get3A_404 : vector<1x16xf32> to vector<16xf32>
        %swap3A_406 = arith.index_cast %add3A_401 : i32 to index
        %swap3A_407 = arith.constant 0 : index
        %swap3A_408 = tpu.vector_load %arg11[%swap3A_406, %swap3A_407] {strides = array<i32>} : memref<128x128xf32, #tpu.memory_space<vmem>>, vector<1x16xf32>,
        %swap3A_409 = vector.shape_cast %swap3A_408 : vector<1x16xf32> to vector<16xf32>
        %swap3A_410 = vector.shape_cast %get3A_405 : vector<16xf32> to vector<1x16xf32>
        tpu.vector_store %arg11[%swap3A_406, %swap3A_407], %swap3A_410 {add = true, strides = array<i32>} : memref<128x128xf32, #tpu.memory_space<vmem>>, vector<1x16xf32>,
        %get3A_411 = arith.index_cast %add3A_401 : i32 to index
        %get3A_412 = arith.constant 16 : index
        %get3A_413 = tpu.vector_load %arg10[%get3A_411, %get3A_412] {strides = array<i32>} : memref<128x128xf32, #tpu.memory_space<vmem>>, vector<1x16xf32>,
        %get3A_414 = vector.shape_cast %get3A_413 : vector<1x16xf32> to vector<16xf32>
        %swap3A_415 = arith.index_cast %add3A_401 : i32 to index
        %swap3A_416 = arith.constant 16 : index
        %swap3A_417 = tpu.vector_load %arg11[%swap3A_415, %swap3A_416] {strides = array<i32>} : memref<128x128xf32, #tpu.memory_space<vmem>>, vector<1x16xf32>,
        %swap3A_418 = vector.shape_cast %swap3A_417 : vector<1x16xf32> to vector<16xf32>
        %swap3A_419 = vector.shape_cast %get3A_414 : vector<16xf32> to vector<1x16xf32>
        tpu.vector_store %arg11[%swap3A_415, %swap3A_416], %swap3A_419 {add = true, strides = array<i32>} : memref<128x128xf32, #tpu.memory_space<vmem>>, vector<1x16xf32>,
        %get3A_420 = arith.index_cast %add3A_401 : i32 to index
        %get3A_421 = arith.constant 32 : index
        %get3A_422 = tpu.vector_load %arg10[%get3A_420, %get3A_421] {strides = array<i32>} : memref<128x128xf32, #tpu.memory_space<vmem>>, vector<1x16xf32>,
        %get3A_423 = vector.shape_cast %get3A_422 : vector<1x16xf32> to vector<16xf32>
        %swap3A_424 = arith.index_cast %add3A_401 : i32 to index
        %swap3A_425 = arith.constant 32 : index
        %swap3A_426 = tpu.vector_load %arg11[%swap3A_424, %swap3A_425] {strides = array<i32>} : memref<128x128xf32, #tpu.memory_space<vmem>>, vector<1x16xf32>,
        %swap3A_427 = vector.shape_cast %swap3A_426 : vector<1x16xf32> to vector<16xf32>
        %swap3A_428 = vector.shape_cast %get3A_423 : vector<16xf32> to vector<1x16xf32>
        tpu.vector_store %arg11[%swap3A_424, %swap3A_425], %swap3A_428 {add = true, strides = array<i32>} : memref<128x128xf32, #tpu.memory_space<vmem>>, vector<1x16xf32>,
        %get3A_429 = arith.index_cast %add3A_401 : i32 to index
        %get3A_430 = arith.constant 48 : index
        %get3A_431 = tpu.vector_load %arg10[%get3A_429, %get3A_430] {strides = array<i32>} : memref<128x128xf32, #tpu.memory_space<vmem>>, vector<1x16xf32>,
        %get3A_432 = vector.shape_cast %get3A_431 : vector<1x16xf32> to vector<16xf32>
        %swap3A_433 = arith.index_cast %add3A_401 : i32 to index
        %swap3A_434 = arith.constant 48 : index
        %swap3A_435 = tpu.vector_load %arg11[%swap3A_433, %swap3A_434] {strides = array<i32>} : memref<128x128xf32, #tpu.memory_space<vmem>>, vector<1x16xf32>,
        %swap3A_436 = vector.shape_cast %swap3A_435 : vector<1x16xf32> to vector<16xf32>
        %swap3A_437 = vector.shape_cast %get3A_432 : vector<16xf32> to vector<1x16xf32>
        tpu.vector_store %arg11[%swap3A_433, %swap3A_434], %swap3A_437 {add = true, strides = array<i32>} : memref<128x128xf32, #tpu.memory_space<vmem>>, vector<1x16xf32>,
        %get3A_438 = arith.index_cast %add3A_401 : i32 to index
        %get3A_439 = arith.constant 64 : index
        %get3A_440 = tpu.vector_load %arg10[%get3A_438, %get3A_439] {strides = array<i32>} : memref<128x128xf32, #tpu.memory_space<vmem>>, vector<1x16xf32>,
        %get3A_441 = vector.shape_cast %get3A_440 : vector<1x16xf32> to vector<16xf32>
        %swap3A_442 = arith.index_cast %add3A_401 : i32 to index
        %swap3A_443 = arith.constant 64 : index
        %swap3A_444 = tpu.vector_load %arg11[%swap3A_442, %swap3A_443] {strides = array<i32>} : memref<128x128xf32, #tpu.memory_space<vmem>>, vector<1x16xf32>,
        %swap3A_445 = vector.shape_cast %swap3A_444 : vector<1x16xf32> to vector<16xf32>
        %swap3A_446 = vector.shape_cast %get3A_441 : vector<16xf32> to vector<1x16xf32>
        tpu.vector_store %arg11[%swap3A_442, %swap3A_443], %swap3A_446 {add = true, strides = array<i32>} : memref<128x128xf32, #tpu.memory_space<vmem>>, vector<1x16xf32>,
        %get3A_447 = arith.index_cast %add3A_401 : i32 to index
        %get3A_448 = arith.constant 80 : index
        %get3A_449 = tpu.vector_load %arg10[%get3A_447, %get3A_448] {strides = array<i32>} : memref<128x128xf32, #tpu.memory_space<vmem>>, vector<1x16xf32>,
        %get3A_450 = vector.shape_cast %get3A_449 : vector<1x16xf32> to vector<16xf32>
        %swap3A_451 = arith.index_cast %add3A_401 : i32 to index
        %swap3A_452 = arith.constant 80 : index
        %swap3A_453 = tpu.vector_load %arg11[%swap3A_451, %swap3A_452] {strides = array<i32>} : memref<128x128xf32, #tpu.memory_space<vmem>>, vector<1x16xf32>,
        %swap3A_454 = vector.shape_cast %swap3A_453 : vector<1x16xf32> to vector<16xf32>
        %swap3A_455 = vector.shape_cast %get3A_450 : vector<16xf32> to vector<1x16xf32>
        tpu.vector_store %arg11[%swap3A_451, %swap3A_452], %swap3A_455 {add = true, strides = array<i32>} : memref<128x128xf32, #tpu.memory_space<vmem>>, vector<1x16xf32>,
        %get3A_456 = arith.index_cast %add3A_401 : i32 to index
        %get3A_457 = arith.constant 96 : index
        %get3A_458 = tpu.vector_load %arg10[%get3A_456, %get3A_457] {strides = array<i32>} : memref<128x128xf32, #tpu.memory_space<vmem>>, vector<1x16xf32>,
        %get3A_459 = vector.shape_cast %get3A_458 : vector<1x16xf32> to vector<16xf32>
        %swap3A_460 = arith.index_cast %add3A_401 : i32 to index
        %swap3A_461 = arith.constant 96 : index
        %swap3A_462 = tpu.vector_load %arg11[%swap3A_460, %swap3A_461] {strides = array<i32>} : memref<128x128xf32, #tpu.memory_space<vmem>>, vector<1x16xf32>,
        %swap3A_463 = vector.shape_cast %swap3A_462 : vector<1x16xf32> to vector<16xf32>
        %swap3A_464 = vector.shape_cast %get3A_459 : vector<16xf32> to vector<1x16xf32>
        tpu.vector_store %arg11[%swap3A_460, %swap3A_461], %swap3A_464 {add = true, strides = array<i32>} : memref<128x128xf32, #tpu.memory_space<vmem>>, vector<1x16xf32>,
        %get3A_465 = arith.index_cast %add3A_401 : i32 to index
        %get3A_466 = arith.constant 112 : index
        %get3A_467 = tpu.vector_load %arg10[%get3A_465, %get3A_466] {strides = array<i32>} : memref<128x128xf32, #tpu.memory_space<vmem>>, vector<1x16xf32>,
        %get3A_468 = vector.shape_cast %get3A_467 : vector<1x16xf32> to vector<16xf32>
        %swap3A_469 = arith.index_cast %add3A_401 : i32 to index
        %swap3A_470 = arith.constant 112 : index
        %swap3A_471 = tpu.vector_load %arg11[%swap3A_469, %swap3A_470] {strides = array<i32>} : memref<128x128xf32, #tpu.memory_space<vmem>>, vector<1x16xf32>,
        %swap3A_472 = vector.shape_cast %swap3A_471 : vector<1x16xf32> to vector<16xf32>
        %swap3A_473 = vector.shape_cast %get3A_468 : vector<16xf32> to vector<1x16xf32>
        tpu.vector_store %arg11[%swap3A_469, %swap3A_470], %swap3A_473 {add = true, strides = array<i32>} : memref<128x128xf32, #tpu.memory_space<vmem>>, vector<1x16xf32>,
        %mul3A_474 = arith.constant 8 : i32
        %mul3A_475 = arith.muli %scan3A_171, %mul3A_474 : i32
        %add3A_476 = arith.constant 4 : i32
        %add3A_477 = arith.addi %mul3A_475, %add3A_476 : i32
        %get3A_478 = arith.index_cast %add3A_477 : i32 to index
        %get3A_479 = arith.constant 0 : index
        %get3A_480 = tpu.vector_load %arg10[%get3A_478, %get3A_479] {strides = array<i32>} : memref<128x128xf32, #tpu.memory_space<vmem>>, vector<1x16xf32>,
        %get3A_481 = vector.shape_cast %get3A_480 : vector<1x16xf32> to vector<16xf32>
        %swap3A_482 = arith.index_cast %add3A_477 : i32 to index
        %swap3A_483 = arith.constant 0 : index
        %swap3A_484 = tpu.vector_load %arg11[%swap3A_482, %swap3A_483] {strides = array<i32>} : memref<128x128xf32, #tpu.memory_space<vmem>>, vector<1x16xf32>,
        %swap3A_485 = vector.shape_cast %swap3A_484 : vector<1x16xf32> to vector<16xf32>
        %swap3A_486 = vector.shape_cast %get3A_481 : vector<16xf32> to vector<1x16xf32>
        tpu.vector_store %arg11[%swap3A_482, %swap3A_483], %swap3A_486 {add = true, strides = array<i32>} : memref<128x128xf32, #tpu.memory_space<vmem>>, vector<1x16xf32>,
        %get3A_487 = arith.index_cast %add3A_477 : i32 to index
        %get3A_488 = arith.constant 16 : index
        %get3A_489 = tpu.vector_load %arg10[%get3A_487, %get3A_488] {strides = array<i32>} : memref<128x128xf32, #tpu.memory_space<vmem>>, vector<1x16xf32>,
        %get3A_490 = vector.shape_cast %get3A_489 : vector<1x16xf32> to vector<16xf32>
        %swap3A_491 = arith.index_cast %add3A_477 : i32 to index
        %swap3A_492 = arith.constant 16 : index
        %swap3A_493 = tpu.vector_load %arg11[%swap3A_491, %swap3A_492] {strides = array<i32>} : memref<128x128xf32, #tpu.memory_space<vmem>>, vector<1x16xf32>,
        %swap3A_494 = vector.shape_cast %swap3A_493 : vector<1x16xf32> to vector<16xf32>
        %swap3A_495 = vector.shape_cast %get3A_490 : vector<16xf32> to vector<1x16xf32>
        tpu.vector_store %arg11[%swap3A_491, %swap3A_492], %swap3A_495 {add = true, strides = array<i32>} : memref<128x128xf32, #tpu.memory_space<vmem>>, vector<1x16xf32>,
        %get3A_496 = arith.index_cast %add3A_477 : i32 to index
        %get3A_497 = arith.constant 32 : index
        %get3A_498 = tpu.vector_load %arg10[%get3A_496, %get3A_497] {strides = array<i32>} : memref<128x128xf32, #tpu.memory_space<vmem>>, vector<1x16xf32>,
        %get3A_499 = vector.shape_cast %get3A_498 : vector<1x16xf32> to vector<16xf32>
        %swap3A_500 = arith.index_cast %add3A_477 : i32 to index
        %swap3A_501 = arith.constant 32 : index
        %swap3A_502 = tpu.vector_load %arg11[%swap3A_500, %swap3A_501] {strides = array<i32>} : memref<128x128xf32, #tpu.memory_space<vmem>>, vector<1x16xf32>,
        %swap3A_503 = vector.shape_cast %swap3A_502 : vector<1x16xf32> to vector<16xf32>
        %swap3A_504 = vector.shape_cast %get3A_499 : vector<16xf32> to vector<1x16xf32>
        tpu.vector_store %arg11[%swap3A_500, %swap3A_501], %swap3A_504 {add = true, strides = array<i32>} : memref<128x128xf32, #tpu.memory_space<vmem>>, vector<1x16xf32>,
        %get3A_505 = arith.index_cast %add3A_477 : i32 to index
        %get3A_506 = arith.constant 48 : index
        %get3A_507 = tpu.vector_load %arg10[%get3A_505, %get3A_506] {strides = array<i32>} : memref<128x128xf32, #tpu.memory_space<vmem>>, vector<1x16xf32>,
        %get3A_508 = vector.shape_cast %get3A_507 : vector<1x16xf32> to vector<16xf32>
        %swap3A_509 = arith.index_cast %add3A_477 : i32 to index
        %swap3A_510 = arith.constant 48 : index
        %swap3A_511 = tpu.vector_load %arg11[%swap3A_509, %swap3A_510] {strides = array<i32>} : memref<128x128xf32, #tpu.memory_space<vmem>>, vector<1x16xf32>,
        %swap3A_512 = vector.shape_cast %swap3A_511 : vector<1x16xf32> to vector<16xf32>
        %swap3A_513 = vector.shape_cast %get3A_508 : vector<16xf32> to vector<1x16xf32>
        tpu.vector_store %arg11[%swap3A_509, %swap3A_510], %swap3A_513 {add = true, strides = array<i32>} : memref<128x128xf32, #tpu.memory_space<vmem>>, vector<1x16xf32>,
        %get3A_514 = arith.index_cast %add3A_477 : i32 to index
        %get3A_515 = arith.constant 64 : index
        %get3A_516 = tpu.vector_load %arg10[%get3A_514, %get3A_515] {strides = array<i32>} : memref<128x128xf32, #tpu.memory_space<vmem>>, vector<1x16xf32>,
        %get3A_517 = vector.shape_cast %get3A_516 : vector<1x16xf32> to vector<16xf32>
        %swap3A_518 = arith.index_cast %add3A_477 : i32 to index
        %swap3A_519 = arith.constant 64 : index
        %swap3A_520 = tpu.vector_load %arg11[%swap3A_518, %swap3A_519] {strides = array<i32>} : memref<128x128xf32, #tpu.memory_space<vmem>>, vector<1x16xf32>,
        %swap3A_521 = vector.shape_cast %swap3A_520 : vector<1x16xf32> to vector<16xf32>
        %swap3A_522 = vector.shape_cast %get3A_517 : vector<16xf32> to vector<1x16xf32>
        tpu.vector_store %arg11[%swap3A_518, %swap3A_519], %swap3A_522 {add = true, strides = array<i32>} : memref<128x128xf32, #tpu.memory_space<vmem>>, vector<1x16xf32>,
        %get3A_523 = arith.index_cast %add3A_477 : i32 to index
        %get3A_524 = arith.constant 80 : index
        %get3A_525 = tpu.vector_load %arg10[%get3A_523, %get3A_524] {strides = array<i32>} : memref<128x128xf32, #tpu.memory_space<vmem>>, vector<1x16xf32>,
        %get3A_526 = vector.shape_cast %get3A_525 : vector<1x16xf32> to vector<16xf32>
        %swap3A_527 = arith.index_cast %add3A_477 : i32 to index
        %swap3A_528 = arith.constant 80 : index
        %swap3A_529 = tpu.vector_load %arg11[%swap3A_527, %swap3A_528] {strides = array<i32>} : memref<128x128xf32, #tpu.memory_space<vmem>>, vector<1x16xf32>,
        %swap3A_530 = vector.shape_cast %swap3A_529 : vector<1x16xf32> to vector<16xf32>
        %swap3A_531 = vector.shape_cast %get3A_526 : vector<16xf32> to vector<1x16xf32>
        tpu.vector_store %arg11[%swap3A_527, %swap3A_528], %swap3A_531 {add = true, strides = array<i32>} : memref<128x128xf32, #tpu.memory_space<vmem>>, vector<1x16xf32>,
        %get3A_532 = arith.index_cast %add3A_477 : i32 to index
        %get3A_533 = arith.constant 96 : index
        %get3A_534 = tpu.vector_load %arg10[%get3A_532, %get3A_533] {strides = array<i32>} : memref<128x128xf32, #tpu.memory_space<vmem>>, vector<1x16xf32>,
        %get3A_535 = vector.shape_cast %get3A_534 : vector<1x16xf32> to vector<16xf32>
        %swap3A_536 = arith.index_cast %add3A_477 : i32 to index
        %swap3A_537 = arith.constant 96 : index
        %swap3A_538 = tpu.vector_load %arg11[%swap3A_536, %swap3A_537] {strides = array<i32>} : memref<128x128xf32, #tpu.memory_space<vmem>>, vector<1x16xf32>,
        %swap3A_539 = vector.shape_cast %swap3A_538 : vector<1x16xf32> to vector<16xf32>
        %swap3A_540 = vector.shape_cast %get3A_535 : vector<16xf32> to vector<1x16xf32>
        tpu.vector_store %arg11[%swap3A_536, %swap3A_537], %swap3A_540 {add = true, strides = array<i32>} : memref<128x128xf32, #tpu.memory_space<vmem>>, vector<1x16xf32>,
        %get3A_541 = arith.index_cast %add3A_477 : i32 to index
        %get3A_542 = arith.constant 112 : index
        %get3A_543 = tpu.vector_load %arg10[%get3A_541, %get3A_542] {strides = array<i32>} : memref<128x128xf32, #tpu.memory_space<vmem>>, vector<1x16xf32>,
        %get3A_544 = vector.shape_cast %get3A_543 : vector<1x16xf32> to vector<16xf32>
        %swap3A_545 = arith.index_cast %add3A_477 : i32 to index
        %swap3A_546 = arith.constant 112 : index
        %swap3A_547 = tpu.vector_load %arg11[%swap3A_545, %swap3A_546] {strides = array<i32>} : memref<128x128xf32, #tpu.memory_space<vmem>>, vector<1x16xf32>,
        %swap3A_548 = vector.shape_cast %swap3A_547 : vector<1x16xf32> to vector<16xf32>
        %swap3A_549 = vector.shape_cast %get3A_544 : vector<16xf32> to vector<1x16xf32>
        tpu.vector_store %arg11[%swap3A_545, %swap3A_546], %swap3A_549 {add = true, strides = array<i32>} : memref<128x128xf32, #tpu.memory_space<vmem>>, vector<1x16xf32>,
        %mul3A_550 = arith.constant 8 : i32
        %mul3A_551 = arith.muli %scan3A_171, %mul3A_550 : i32
        %add3A_552 = arith.constant 5 : i32
        %add3A_553 = arith.addi %mul3A_551, %add3A_552 : i32
        %get3A_554 = arith.index_cast %add3A_553 : i32 to index
        %get3A_555 = arith.constant 0 : index
        %get3A_556 = tpu.vector_load %arg10[%get3A_554, %get3A_555] {strides = array<i32>} : memref<128x128xf32, #tpu.memory_space<vmem>>, vector<1x16xf32>,
        %get3A_557 = vector.shape_cast %get3A_556 : vector<1x16xf32> to vector<16xf32>
        %swap3A_558 = arith.index_cast %add3A_553 : i32 to index
        %swap3A_559 = arith.constant 0 : index
        %swap3A_560 = tpu.vector_load %arg11[%swap3A_558, %swap3A_559] {strides = array<i32>} : memref<128x128xf32, #tpu.memory_space<vmem>>, vector<1x16xf32>,
        %swap3A_561 = vector.shape_cast %swap3A_560 : vector<1x16xf32> to vector<16xf32>
        %swap3A_562 = vector.shape_cast %get3A_557 : vector<16xf32> to vector<1x16xf32>
        tpu.vector_store %arg11[%swap3A_558, %swap3A_559], %swap3A_562 {add = true, strides = array<i32>} : memref<128x128xf32, #tpu.memory_space<vmem>>, vector<1x16xf32>,
        %get3A_563 = arith.index_cast %add3A_553 : i32 to index
        %get3A_564 = arith.constant 16 : index
        %get3A_565 = tpu.vector_load %arg10[%get3A_563, %get3A_564] {strides = array<i32>} : memref<128x128xf32, #tpu.memory_space<vmem>>, vector<1x16xf32>,
        %get3A_566 = vector.shape_cast %get3A_565 : vector<1x16xf32> to vector<16xf32>
        %swap3A_567 = arith.index_cast %add3A_553 : i32 to index
        %swap3A_568 = arith.constant 16 : index
        %swap3A_569 = tpu.vector_load %arg11[%swap3A_567, %swap3A_568] {strides = array<i32>} : memref<128x128xf32, #tpu.memory_space<vmem>>, vector<1x16xf32>,
        %swap3A_570 = vector.shape_cast %swap3A_569 : vector<1x16xf32> to vector<16xf32>
        %swap3A_571 = vector.shape_cast %get3A_566 : vector<16xf32> to vector<1x16xf32>
        tpu.vector_store %arg11[%swap3A_567, %swap3A_568], %swap3A_571 {add = true, strides = array<i32>} : memref<128x128xf32, #tpu.memory_space<vmem>>, vector<1x16xf32>,
        %get3A_572 = arith.index_cast %add3A_553 : i32 to index
        %get3A_573 = arith.constant 32 : index
        %get3A_574 = tpu.vector_load %arg10[%get3A_572, %get3A_573] {strides = array<i32>} : memref<128x128xf32, #tpu.memory_space<vmem>>, vector<1x16xf32>,
        %get3A_575 = vector.shape_cast %get3A_574 : vector<1x16xf32> to vector<16xf32>
        %swap3A_576 = arith.index_cast %add3A_553 : i32 to index
        %swap3A_577 = arith.constant 32 : index
        %swap3A_578 = tpu.vector_load %arg11[%swap3A_576, %swap3A_577] {strides = array<i32>} : memref<128x128xf32, #tpu.memory_space<vmem>>, vector<1x16xf32>,
        %swap3A_579 = vector.shape_cast %swap3A_578 : vector<1x16xf32> to vector<16xf32>
        %swap3A_580 = vector.shape_cast %get3A_575 : vector<16xf32> to vector<1x16xf32>
        tpu.vector_store %arg11[%swap3A_576, %swap3A_577], %swap3A_580 {add = true, strides = array<i32>} : memref<128x128xf32, #tpu.memory_space<vmem>>, vector<1x16xf32>,
        %get3A_581 = arith.index_cast %add3A_553 : i32 to index
        %get3A_582 = arith.constant 48 : index
        %get3A_583 = tpu.vector_load %arg10[%get3A_581, %get3A_582] {strides = array<i32>} : memref<128x128xf32, #tpu.memory_space<vmem>>, vector<1x16xf32>,
        %get3A_584 = vector.shape_cast %get3A_583 : vector<1x16xf32> to vector<16xf32>
        %swap3A_585 = arith.index_cast %add3A_553 : i32 to index
        %swap3A_586 = arith.constant 48 : index
        %swap3A_587 = tpu.vector_load %arg11[%swap3A_585, %swap3A_586] {strides = array<i32>} : memref<128x128xf32, #tpu.memory_space<vmem>>, vector<1x16xf32>,
        %swap3A_588 = vector.shape_cast %swap3A_587 : vector<1x16xf32> to vector<16xf32>
        %swap3A_589 = vector.shape_cast %get3A_584 : vector<16xf32> to vector<1x16xf32>
        tpu.vector_store %arg11[%swap3A_585, %swap3A_586], %swap3A_589 {add = true, strides = array<i32>} : memref<128x128xf32, #tpu.memory_space<vmem>>, vector<1x16xf32>,
        %get3A_590 = arith.index_cast %add3A_553 : i32 to index
        %get3A_591 = arith.constant 64 : index
        %get3A_592 = tpu.vector_load %arg10[%get3A_590, %get3A_591] {strides = array<i32>} : memref<128x128xf32, #tpu.memory_space<vmem>>, vector<1x16xf32>,
        %get3A_593 = vector.shape_cast %get3A_592 : vector<1x16xf32> to vector<16xf32>
        %swap3A_594 = arith.index_cast %add3A_553 : i32 to index
        %swap3A_595 = arith.constant 64 : index
        %swap3A_596 = tpu.vector_load %arg11[%swap3A_594, %swap3A_595] {strides = array<i32>} : memref<128x128xf32, #tpu.memory_space<vmem>>, vector<1x16xf32>,
        %swap3A_597 = vector.shape_cast %swap3A_596 : vector<1x16xf32> to vector<16xf32>
        %swap3A_598 = vector.shape_cast %get3A_593 : vector<16xf32> to vector<1x16xf32>
        tpu.vector_store %arg11[%swap3A_594, %swap3A_595], %swap3A_598 {add = true, strides = array<i32>} : memref<128x128xf32, #tpu.memory_space<vmem>>, vector<1x16xf32>,
        %get3A_599 = arith.index_cast %add3A_553 : i32 to index
        %get3A_600 = arith.constant 80 : index
        %get3A_601 = tpu.vector_load %arg10[%get3A_599, %get3A_600] {strides = array<i32>} : memref<128x128xf32, #tpu.memory_space<vmem>>, vector<1x16xf32>,
        %get3A_602 = vector.shape_cast %get3A_601 : vector<1x16xf32> to vector<16xf32>
        %swap3A_603 = arith.index_cast %add3A_553 : i32 to index
        %swap3A_604 = arith.constant 80 : index
        %swap3A_605 = tpu.vector_load %arg11[%swap3A_603, %swap3A_604] {strides = array<i32>} : memref<128x128xf32, #tpu.memory_space<vmem>>, vector<1x16xf32>,
        %swap3A_606 = vector.shape_cast %swap3A_605 : vector<1x16xf32> to vector<16xf32>
        %swap3A_607 = vector.shape_cast %get3A_602 : vector<16xf32> to vector<1x16xf32>
        tpu.vector_store %arg11[%swap3A_603, %swap3A_604], %swap3A_607 {add = true, strides = array<i32>} : memref<128x128xf32, #tpu.memory_space<vmem>>, vector<1x16xf32>,
        %get3A_608 = arith.index_cast %add3A_553 : i32 to index
        %get3A_609 = arith.constant 96 : index
        %get3A_610 = tpu.vector_load %arg10[%get3A_608, %get3A_609] {strides = array<i32>} : memref<128x128xf32, #tpu.memory_space<vmem>>, vector<1x16xf32>,
        %get3A_611 = vector.shape_cast %get3A_610 : vector<1x16xf32> to vector<16xf32>
        %swap3A_612 = arith.index_cast %add3A_553 : i32 to index
        %swap3A_613 = arith.constant 96 : index
        %swap3A_614 = tpu.vector_load %arg11[%swap3A_612, %swap3A_613] {strides = array<i32>} : memref<128x128xf32, #tpu.memory_space<vmem>>, vector<1x16xf32>,
        %swap3A_615 = vector.shape_cast %swap3A_614 : vector<1x16xf32> to vector<16xf32>
        %swap3A_616 = vector.shape_cast %get3A_611 : vector<16xf32> to vector<1x16xf32>
        tpu.vector_store %arg11[%swap3A_612, %swap3A_613], %swap3A_616 {add = true, strides = array<i32>} : memref<128x128xf32, #tpu.memory_space<vmem>>, vector<1x16xf32>,
        %get3A_617 = arith.index_cast %add3A_553 : i32 to index
        %get3A_618 = arith.constant 112 : index
        %get3A_619 = tpu.vector_load %arg10[%get3A_617, %get3A_618] {strides = array<i32>} : memref<128x128xf32, #tpu.memory_space<vmem>>, vector<1x16xf32>,
        %get3A_620 = vector.shape_cast %get3A_619 : vector<1x16xf32> to vector<16xf32>
        %swap3A_621 = arith.index_cast %add3A_553 : i32 to index
        %swap3A_622 = arith.constant 112 : index
        %swap3A_623 = tpu.vector_load %arg11[%swap3A_621, %swap3A_622] {strides = array<i32>} : memref<128x128xf32, #tpu.memory_space<vmem>>, vector<1x16xf32>,
        %swap3A_624 = vector.shape_cast %swap3A_623 : vector<1x16xf32> to vector<16xf32>
        %swap3A_625 = vector.shape_cast %get3A_620 : vector<16xf32> to vector<1x16xf32>
        tpu.vector_store %arg11[%swap3A_621, %swap3A_622], %swap3A_625 {add = true, strides = array<i32>} : memref<128x128xf32, #tpu.memory_space<vmem>>, vector<1x16xf32>,
        %mul3A_626 = arith.constant 8 : i32
        %mul3A_627 = arith.muli %scan3A_171, %mul3A_626 : i32
        %add3A_628 = arith.constant 6 : i32
        %add3A_629 = arith.addi %mul3A_627, %add3A_628 : i32
        %get3A_630 = arith.index_cast %add3A_629 : i32 to index
        %get3A_631 = arith.constant 0 : index
        %get3A_632 = tpu.vector_load %arg10[%get3A_630, %get3A_631] {strides = array<i32>} : memref<128x128xf32, #tpu.memory_space<vmem>>, vector<1x16xf32>,
        %get3A_633 = vector.shape_cast %get3A_632 : vector<1x16xf32> to vector<16xf32>
        %swap3A_634 = arith.index_cast %add3A_629 : i32 to index
        %swap3A_635 = arith.constant 0 : index
        %swap3A_636 = tpu.vector_load %arg11[%swap3A_634, %swap3A_635] {strides = array<i32>} : memref<128x128xf32, #tpu.memory_space<vmem>>, vector<1x16xf32>,
        %swap3A_637 = vector.shape_cast %swap3A_636 : vector<1x16xf32> to vector<16xf32>
        %swap3A_638 = vector.shape_cast %get3A_633 : vector<16xf32> to vector<1x16xf32>
        tpu.vector_store %arg11[%swap3A_634, %swap3A_635], %swap3A_638 {add = true, strides = array<i32>} : memref<128x128xf32, #tpu.memory_space<vmem>>, vector<1x16xf32>,
        %get3A_639 = arith.index_cast %add3A_629 : i32 to index
        %get3A_640 = arith.constant 16 : index
        %get3A_641 = tpu.vector_load %arg10[%get3A_639, %get3A_640] {strides = array<i32>} : memref<128x128xf32, #tpu.memory_space<vmem>>, vector<1x16xf32>,
        %get3A_642 = vector.shape_cast %get3A_641 : vector<1x16xf32> to vector<16xf32>
        %swap3A_643 = arith.index_cast %add3A_629 : i32 to index
        %swap3A_644 = arith.constant 16 : index
        %swap3A_645 = tpu.vector_load %arg11[%swap3A_643, %swap3A_644] {strides = array<i32>} : memref<128x128xf32, #tpu.memory_space<vmem>>, vector<1x16xf32>,
        %swap3A_646 = vector.shape_cast %swap3A_645 : vector<1x16xf32> to vector<16xf32>
        %swap3A_647 = vector.shape_cast %get3A_642 : vector<16xf32> to vector<1x16xf32>
        tpu.vector_store %arg11[%swap3A_643, %swap3A_644], %swap3A_647 {add = true, strides = array<i32>} : memref<128x128xf32, #tpu.memory_space<vmem>>, vector<1x16xf32>,
        %get3A_648 = arith.index_cast %add3A_629 : i32 to index
        %get3A_649 = arith.constant 32 : index
        %get3A_650 = tpu.vector_load %arg10[%get3A_648, %get3A_649] {strides = array<i32>} : memref<128x128xf32, #tpu.memory_space<vmem>>, vector<1x16xf32>,
        %get3A_651 = vector.shape_cast %get3A_650 : vector<1x16xf32> to vector<16xf32>
        %swap3A_652 = arith.index_cast %add3A_629 : i32 to index
        %swap3A_653 = arith.constant 32 : index
        %swap3A_654 = tpu.vector_load %arg11[%swap3A_652, %swap3A_653] {strides = array<i32>} : memref<128x128xf32, #tpu.memory_space<vmem>>, vector<1x16xf32>,
        %swap3A_655 = vector.shape_cast %swap3A_654 : vector<1x16xf32> to vector<16xf32>
        %swap3A_656 = vector.shape_cast %get3A_651 : vector<16xf32> to vector<1x16xf32>
        tpu.vector_store %arg11[%swap3A_652, %swap3A_653], %swap3A_656 {add = true, strides = array<i32>} : memref<128x128xf32, #tpu.memory_space<vmem>>, vector<1x16xf32>,
        %get3A_657 = arith.index_cast %add3A_629 : i32 to index
        %get3A_658 = arith.constant 48 : index
        %get3A_659 = tpu.vector_load %arg10[%get3A_657, %get3A_658] {strides = array<i32>} : memref<128x128xf32, #tpu.memory_space<vmem>>, vector<1x16xf32>,
        %get3A_660 = vector.shape_cast %get3A_659 : vector<1x16xf32> to vector<16xf32>
        %swap3A_661 = arith.index_cast %add3A_629 : i32 to index
        %swap3A_662 = arith.constant 48 : index
        %swap3A_663 = tpu.vector_load %arg11[%swap3A_661, %swap3A_662] {strides = array<i32>} : memref<128x128xf32, #tpu.memory_space<vmem>>, vector<1x16xf32>,
        %swap3A_664 = vector.shape_cast %swap3A_663 : vector<1x16xf32> to vector<16xf32>
        %swap3A_665 = vector.shape_cast %get3A_660 : vector<16xf32> to vector<1x16xf32>
        tpu.vector_store %arg11[%swap3A_661, %swap3A_662], %swap3A_665 {add = true, strides = array<i32>} : memref<128x128xf32, #tpu.memory_space<vmem>>, vector<1x16xf32>,
        %get3A_666 = arith.index_cast %add3A_629 : i32 to index
        %get3A_667 = arith.constant 64 : index
        %get3A_668 = tpu.vector_load %arg10[%get3A_666, %get3A_667] {strides = array<i32>} : memref<128x128xf32, #tpu.memory_space<vmem>>, vector<1x16xf32>,
        %get3A_669 = vector.shape_cast %get3A_668 : vector<1x16xf32> to vector<16xf32>
        %swap3A_670 = arith.index_cast %add3A_629 : i32 to index
        %swap3A_671 = arith.constant 64 : index
        %swap3A_672 = tpu.vector_load %arg11[%swap3A_670, %swap3A_671] {strides = array<i32>} : memref<128x128xf32, #tpu.memory_space<vmem>>, vector<1x16xf32>,
        %swap3A_673 = vector.shape_cast %swap3A_672 : vector<1x16xf32> to vector<16xf32>
        %swap3A_674 = vector.shape_cast %get3A_669 : vector<16xf32> to vector<1x16xf32>
        tpu.vector_store %arg11[%swap3A_670, %swap3A_671], %swap3A_674 {add = true, strides = array<i32>} : memref<128x128xf32, #tpu.memory_space<vmem>>, vector<1x16xf32>,
        %get3A_675 = arith.index_cast %add3A_629 : i32 to index
        %get3A_676 = arith.constant 80 : index
        %get3A_677 = tpu.vector_load %arg10[%get3A_675, %get3A_676] {strides = array<i32>} : memref<128x128xf32, #tpu.memory_space<vmem>>, vector<1x16xf32>,
        %get3A_678 = vector.shape_cast %get3A_677 : vector<1x16xf32> to vector<16xf32>
        %swap3A_679 = arith.index_cast %add3A_629 : i32 to index
        %swap3A_680 = arith.constant 80 : index
        %swap3A_681 = tpu.vector_load %arg11[%swap3A_679, %swap3A_680] {strides = array<i32>} : memref<128x128xf32, #tpu.memory_space<vmem>>, vector<1x16xf32>,
        %swap3A_682 = vector.shape_cast %swap3A_681 : vector<1x16xf32> to vector<16xf32>
        %swap3A_683 = vector.shape_cast %get3A_678 : vector<16xf32> to vector<1x16xf32>
        tpu.vector_store %arg11[%swap3A_679, %swap3A_680], %swap3A_683 {add = true, strides = array<i32>} : memref<128x128xf32, #tpu.memory_space<vmem>>, vector<1x16xf32>,
        %get3A_684 = arith.index_cast %add3A_629 : i32 to index
        %get3A_685 = arith.constant 96 : index
        %get3A_686 = tpu.vector_load %arg10[%get3A_684, %get3A_685] {strides = array<i32>} : memref<128x128xf32, #tpu.memory_space<vmem>>, vector<1x16xf32>,
        %get3A_687 = vector.shape_cast %get3A_686 : vector<1x16xf32> to vector<16xf32>
        %swap3A_688 = arith.index_cast %add3A_629 : i32 to index
        %swap3A_689 = arith.constant 96 : index
        %swap3A_690 = tpu.vector_load %arg11[%swap3A_688, %swap3A_689] {strides = array<i32>} : memref<128x128xf32, #tpu.memory_space<vmem>>, vector<1x16xf32>,
        %swap3A_691 = vector.shape_cast %swap3A_690 : vector<1x16xf32> to vector<16xf32>
        %swap3A_692 = vector.shape_cast %get3A_687 : vector<16xf32> to vector<1x16xf32>
        tpu.vector_store %arg11[%swap3A_688, %swap3A_689], %swap3A_692 {add = true, strides = array<i32>} : memref<128x128xf32, #tpu.memory_space<vmem>>, vector<1x16xf32>,
        %get3A_693 = arith.index_cast %add3A_629 : i32 to index
        %get3A_694 = arith.constant 112 : index
        %get3A_695 = tpu.vector_load %arg10[%get3A_693, %get3A_694] {strides = array<i32>} : memref<128x128xf32, #tpu.memory_space<vmem>>, vector<1x16xf32>,
        %get3A_696 = vector.shape_cast %get3A_695 : vector<1x16xf32> to vector<16xf32>
        %swap3A_697 = arith.index_cast %add3A_629 : i32 to index
        %swap3A_698 = arith.constant 112 : index
        %swap3A_699 = tpu.vector_load %arg11[%swap3A_697, %swap3A_698] {strides = array<i32>} : memref<128x128xf32, #tpu.memory_space<vmem>>, vector<1x16xf32>,
        %swap3A_700 = vector.shape_cast %swap3A_699 : vector<1x16xf32> to vector<16xf32>
        %swap3A_701 = vector.shape_cast %get3A_696 : vector<16xf32> to vector<1x16xf32>
        tpu.vector_store %arg11[%swap3A_697, %swap3A_698], %swap3A_701 {add = true, strides = array<i32>} : memref<128x128xf32, #tpu.memory_space<vmem>>, vector<1x16xf32>,
        %mul3A_702 = arith.constant 8 : i32
        %mul3A_703 = arith.muli %scan3A_171, %mul3A_702 : i32
        %add3A_704 = arith.constant 7 : i32
        %add3A_705 = arith.addi %mul3A_703, %add3A_704 : i32
        %get3A_706 = arith.index_cast %add3A_705 : i32 to index
        %get3A_707 = arith.constant 0 : index
        %get3A_708 = tpu.vector_load %arg10[%get3A_706, %get3A_707] {strides = array<i32>} : memref<128x128xf32, #tpu.memory_space<vmem>>, vector<1x16xf32>,
        %get3A_709 = vector.shape_cast %get3A_708 : vector<1x16xf32> to vector<16xf32>
        %swap3A_710 = arith.index_cast %add3A_705 : i32 to index
        %swap3A_711 = arith.constant 0 : index
        %swap3A_712 = tpu.vector_load %arg11[%swap3A_710, %swap3A_711] {strides = array<i32>} : memref<128x128xf32, #tpu.memory_space<vmem>>, vector<1x16xf32>,
        %swap3A_713 = vector.shape_cast %swap3A_712 : vector<1x16xf32> to vector<16xf32>
        %swap3A_714 = vector.shape_cast %get3A_709 : vector<16xf32> to vector<1x16xf32>
        tpu.vector_store %arg11[%swap3A_710, %swap3A_711], %swap3A_714 {add = true, strides = array<i32>} : memref<128x128xf32, #tpu.memory_space<vmem>>, vector<1x16xf32>,
        %get3A_715 = arith.index_cast %add3A_705 : i32 to index
        %get3A_716 = arith.constant 16 : index
        %get3A_717 = tpu.vector_load %arg10[%get3A_715, %get3A_716] {strides = array<i32>} : memref<128x128xf32, #tpu.memory_space<vmem>>, vector<1x16xf32>,
        %get3A_718 = vector.shape_cast %get3A_717 : vector<1x16xf32> to vector<16xf32>
        %swap3A_719 = arith.index_cast %add3A_705 : i32 to index
        %swap3A_720 = arith.constant 16 : index
        %swap3A_721 = tpu.vector_load %arg11[%swap3A_719, %swap3A_720] {strides = array<i32>} : memref<128x128xf32, #tpu.memory_space<vmem>>, vector<1x16xf32>,
        %swap3A_722 = vector.shape_cast %swap3A_721 : vector<1x16xf32> to vector<16xf32>
        %swap3A_723 = vector.shape_cast %get3A_718 : vector<16xf32> to vector<1x16xf32>
        tpu.vector_store %arg11[%swap3A_719, %swap3A_720], %swap3A_723 {add = true, strides = array<i32>} : memref<128x128xf32, #tpu.memory_space<vmem>>, vector<1x16xf32>,
        %get3A_724 = arith.index_cast %add3A_705 : i32 to index
        %get3A_725 = arith.constant 32 : index
        %get3A_726 = tpu.vector_load %arg10[%get3A_724, %get3A_725] {strides = array<i32>} : memref<128x128xf32, #tpu.memory_space<vmem>>, vector<1x16xf32>,
        %get3A_727 = vector.shape_cast %get3A_726 : vector<1x16xf32> to vector<16xf32>
        %swap3A_728 = arith.index_cast %add3A_705 : i32 to index
        %swap3A_729 = arith.constant 32 : index
        %swap3A_730 = tpu.vector_load %arg11[%swap3A_728, %swap3A_729] {strides = array<i32>} : memref<128x128xf32, #tpu.memory_space<vmem>>, vector<1x16xf32>,
        %swap3A_731 = vector.shape_cast %swap3A_730 : vector<1x16xf32> to vector<16xf32>
        %swap3A_732 = vector.shape_cast %get3A_727 : vector<16xf32> to vector<1x16xf32>
        tpu.vector_store %arg11[%swap3A_728, %swap3A_729], %swap3A_732 {add = true, strides = array<i32>} : memref<128x128xf32, #tpu.memory_space<vmem>>, vector<1x16xf32>,
        %get3A_733 = arith.index_cast %add3A_705 : i32 to index
        %get3A_734 = arith.constant 48 : index
        %get3A_735 = tpu.vector_load %arg10[%get3A_733, %get3A_734] {strides = array<i32>} : memref<128x128xf32, #tpu.memory_space<vmem>>, vector<1x16xf32>,
        %get3A_736 = vector.shape_cast %get3A_735 : vector<1x16xf32> to vector<16xf32>
        %swap3A_737 = arith.index_cast %add3A_705 : i32 to index
        %swap3A_738 = arith.constant 48 : index
        %swap3A_739 = tpu.vector_load %arg11[%swap3A_737, %swap3A_738] {strides = array<i32>} : memref<128x128xf32, #tpu.memory_space<vmem>>, vector<1x16xf32>,
        %swap3A_740 = vector.shape_cast %swap3A_739 : vector<1x16xf32> to vector<16xf32>
        %swap3A_741 = vector.shape_cast %get3A_736 : vector<16xf32> to vector<1x16xf32>
        tpu.vector_store %arg11[%swap3A_737, %swap3A_738], %swap3A_741 {add = true, strides = array<i32>} : memref<128x128xf32, #tpu.memory_space<vmem>>, vector<1x16xf32>,
        %get3A_742 = arith.index_cast %add3A_705 : i32 to index
        %get3A_743 = arith.constant 64 : index
        %get3A_744 = tpu.vector_load %arg10[%get3A_742, %get3A_743] {strides = array<i32>} : memref<128x128xf32, #tpu.memory_space<vmem>>, vector<1x16xf32>,
        %get3A_745 = vector.shape_cast %get3A_744 : vector<1x16xf32> to vector<16xf32>
        %swap3A_746 = arith.index_cast %add3A_705 : i32 to index
        %swap3A_747 = arith.constant 64 : index
        %swap3A_748 = tpu.vector_load %arg11[%swap3A_746, %swap3A_747] {strides = array<i32>} : memref<128x128xf32, #tpu.memory_space<vmem>>, vector<1x16xf32>,
        %swap3A_749 = vector.shape_cast %swap3A_748 : vector<1x16xf32> to vector<16xf32>
        %swap3A_750 = vector.shape_cast %get3A_745 : vector<16xf32> to vector<1x16xf32>
        tpu.vector_store %arg11[%swap3A_746, %swap3A_747], %swap3A_750 {add = true, strides = array<i32>} : memref<128x128xf32, #tpu.memory_space<vmem>>, vector<1x16xf32>,
        %get3A_751 = arith.index_cast %add3A_705 : i32 to index
        %get3A_752 = arith.constant 80 : index
        %get3A_753 = tpu.vector_load %arg10[%get3A_751, %get3A_752] {strides = array<i32>} : memref<128x128xf32, #tpu.memory_space<vmem>>, vector<1x16xf32>,
        %get3A_754 = vector.shape_cast %get3A_753 : vector<1x16xf32> to vector<16xf32>
        %swap3A_755 = arith.index_cast %add3A_705 : i32 to index
        %swap3A_756 = arith.constant 80 : index
        %swap3A_757 = tpu.vector_load %arg11[%swap3A_755, %swap3A_756] {strides = array<i32>} : memref<128x128xf32, #tpu.memory_space<vmem>>, vector<1x16xf32>,
        %swap3A_758 = vector.shape_cast %swap3A_757 : vector<1x16xf32> to vector<16xf32>
        %swap3A_759 = vector.shape_cast %get3A_754 : vector<16xf32> to vector<1x16xf32>
        tpu.vector_store %arg11[%swap3A_755, %swap3A_756], %swap3A_759 {add = true, strides = array<i32>} : memref<128x128xf32, #tpu.memory_space<vmem>>, vector<1x16xf32>,
        %get3A_760 = arith.index_cast %add3A_705 : i32 to index
        %get3A_761 = arith.constant 96 : index
        %get3A_762 = tpu.vector_load %arg10[%get3A_760, %get3A_761] {strides = array<i32>} : memref<128x128xf32, #tpu.memory_space<vmem>>, vector<1x16xf32>,
        %get3A_763 = vector.shape_cast %get3A_762 : vector<1x16xf32> to vector<16xf32>
        %swap3A_764 = arith.index_cast %add3A_705 : i32 to index
        %swap3A_765 = arith.constant 96 : index
        %swap3A_766 = tpu.vector_load %arg11[%swap3A_764, %swap3A_765] {strides = array<i32>} : memref<128x128xf32, #tpu.memory_space<vmem>>, vector<1x16xf32>,
        %swap3A_767 = vector.shape_cast %swap3A_766 : vector<1x16xf32> to vector<16xf32>
        %swap3A_768 = vector.shape_cast %get3A_763 : vector<16xf32> to vector<1x16xf32>
        tpu.vector_store %arg11[%swap3A_764, %swap3A_765], %swap3A_768 {add = true, strides = array<i32>} : memref<128x128xf32, #tpu.memory_space<vmem>>, vector<1x16xf32>,
        %get3A_769 = arith.index_cast %add3A_705 : i32 to index
        %get3A_770 = arith.constant 112 : index
        %get3A_771 = tpu.vector_load %arg10[%get3A_769, %get3A_770] {strides = array<i32>} : memref<128x128xf32, #tpu.memory_space<vmem>>, vector<1x16xf32>,
        %get3A_772 = vector.shape_cast %get3A_771 : vector<1x16xf32> to vector<16xf32>
        %swap3A_773 = arith.index_cast %add3A_705 : i32 to index
        %swap3A_774 = arith.constant 112 : index
        %swap3A_775 = tpu.vector_load %arg11[%swap3A_773, %swap3A_774] {strides = array<i32>} : memref<128x128xf32, #tpu.memory_space<vmem>>, vector<1x16xf32>,
        %swap3A_776 = vector.shape_cast %swap3A_775 : vector<1x16xf32> to vector<16xf32>
        %swap3A_777 = vector.shape_cast %get3A_772 : vector<16xf32> to vector<1x16xf32>
        tpu.vector_store %arg11[%swap3A_773, %swap3A_774], %swap3A_777 {add = true, strides = array<i32>} : memref<128x128xf32, #tpu.memory_space<vmem>>, vector<1x16xf32>,
      }
      %scan3A_163 = arith.constant 16 : i32
      %add3A_164 = arith.constant 4 : i32
      %add3A_165 = arith.addi %add3A_150, %add3A_164 : i32
      %lt3A_166 = arith.constant 50 : i32
      %lt3A_167 = arith.cmpi slt, %add3A_165, %lt3A_166 : i32
      %convert_element_type3A_168 = arith.extui %lt3A_167 : i1 to i32
      %cond3A_169 = arith.constant 0 : i32
      %cond3A_170 = arith.cmpi ne, %convert_element_type3A_168, %cond3A_169 : i32
      scf.if %cond3A_170 {
        %add3A_171 = arith.constant 4 : i32
        %add3A_172 = arith.addi %add3A_150, %add3A_171 : i32
        %dma_start3A_173 = arith.constant 0 : i32
        %dma_start3A_174 = tpu.memref_slice %arg5[%add3A_172, %dma_start3A_173] : memref<50x128xi32, #tpu.memory_space<vmem>> -> memref<1x128xi32, #tpu.memory_space<vmem>>
        %dma_start3A_175 = tpu.memref_squeeze %dma_start3A_174 : memref<1x128xi32, #tpu.memory_space<vmem>> -> memref<128xi32, #tpu.memory_space<vmem>>
        %dma_start3A_176 = arith.constant 0 : i32
        %dma_start3A_177 = arith.constant 0 : i32
        %dma_start3A_178 = tpu.memref_slice %arg3[%dma_start3A_176, %dma_start3A_177] : memref<100001x128xf32, #tpu.memory_space<hbm>> -> memref<100001x128xf32, #tpu.memory_space<hbm>>
        tpu.enqueue_indirect_dma source(%dma_start3A_178 : memref<100001x128xf32, #tpu.memory_space<hbm>>) target(%arg10 : memref<128x128xf32, #tpu.memory_space<vmem>>) offsets(%dma_start3A_175 : memref<128xi32, #tpu.memory_space<vmem>>) semaphore(%arg16 : memref<!tpu.dma_semaphore, #tpu.memory_space<semaphore_mem>>)
      } else {
      }
    }
    %scan3A_53 = arith.constant 12 : i32
    %dma_wait3A_54 = arith.constant 0 : i32
    %dma_wait3A_55 = arith.constant 0 : i32
    %dma_wait3A_56 = tpu.memref_slice %arg5[%dma_wait3A_54, %dma_wait3A_55] : memref<50x128xi32, #tpu.memory_space<vmem>> -> memref<1x128xi32, #tpu.memory_space<vmem>>
    %dma_wait3A_57 = tpu.memref_squeeze %dma_wait3A_56 : memref<1x128xi32, #tpu.memory_space<vmem>> -> memref<128xi32, #tpu.memory_space<vmem>>
    %dma_wait3A_58 = arith.constant 0 : i32
    %dma_wait3A_59 = arith.constant 0 : i32
    %dma_wait3A_60 = tpu.memref_slice %arg3[%dma_wait3A_58, %dma_wait3A_59] : memref<100001x128xf32, #tpu.memory_space<hbm>> -> memref<100001x128xf32, #tpu.memory_space<hbm>>
    tpu.wait_indirect_dma semaphore(%arg13 : memref<!tpu.dma_semaphore, #tpu.memory_space<semaphore_mem>>) src(%dma_wait3A_60 : memref<100001x128xf32, #tpu.memory_space<hbm>>) dst(%arg7 : memref<128x128xf32, #tpu.memory_space<vmem>>)
    %scan3A_61 = arith.constant 0 : i32
    %scan3A_62 = arith.constant 0 : i32
    %scan3A_63 = arith.constant 16 : i32
    %scan3A_64 = arith.addi %scan3A_62, %scan3A_63 : i32
    %scan3A_65 = arith.constant 1 : i32
    scf.for %scan3A_69 = %scan3A_62 to %scan3A_64 step %scan3A_65  : i32 {
      %mul3A_70 = arith.constant 8 : i32
      %mul3A_71 = arith.muli %scan3A_69, %mul3A_70 : i32
      %add3A_72 = arith.constant 0 : i32
      %add3A_73 = arith.addi %mul3A_71, %add3A_72 : i32
      %get3A = arith.index_cast %add3A_73 : i32 to index
      %get3A_74 = arith.constant 0 : index
      %get3A_75 = tpu.vector_load %arg7[%get3A, %get3A_74] {strides = array<i32>} : memref<128x128xf32, #tpu.memory_space<vmem>>, vector<1x16xf32>,
      %get3A_76 = vector.shape_cast %get3A_75 : vector<1x16xf32> to vector<16xf32>
      %swap3A = arith.index_cast %add3A_73 : i32 to index
      %swap3A_77 = arith.constant 0 : index
      %swap3A_78 = tpu.vector_load %arg11[%swap3A, %swap3A_77] {strides = array<i32>} : memref<128x128xf32, #tpu.memory_space<vmem>>, vector<1x16xf32>,
      %swap3A_79 = vector.shape_cast %swap3A_78 : vector<1x16xf32> to vector<16xf32>
      %swap3A_80 = vector.shape_cast %get3A_76 : vector<16xf32> to vector<1x16xf32>
      tpu.vector_store %arg11[%swap3A, %swap3A_77], %swap3A_80 {add = true, strides = array<i32>} : memref<128x128xf32, #tpu.memory_space<vmem>>, vector<1x16xf32>,
      %get3A_81 = arith.index_cast %add3A_73 : i32 to index
      %get3A_82 = arith.constant 16 : index
      %get3A_83 = tpu.vector_load %arg7[%get3A_81, %get3A_82] {strides = array<i32>} : memref<128x128xf32, #tpu.memory_space<vmem>>, vector<1x16xf32>,
      %get3A_84 = vector.shape_cast %get3A_83 : vector<1x16xf32> to vector<16xf32>
      %swap3A_85 = arith.index_cast %add3A_73 : i32 to index
      %swap3A_86 = arith.constant 16 : index
      %swap3A_87 = tpu.vector_load %arg11[%swap3A_85, %swap3A_86] {strides = array<i32>} : memref<128x128xf32, #tpu.memory_space<vmem>>, vector<1x16xf32>,
      %swap3A_88 = vector.shape_cast %swap3A_87 : vector<1x16xf32> to vector<16xf32>
      %swap3A_89 = vector.shape_cast %get3A_84 : vector<16xf32> to vector<1x16xf32>
      tpu.vector_store %arg11[%swap3A_85, %swap3A_86], %swap3A_89 {add = true, strides = array<i32>} : memref<128x128xf32, #tpu.memory_space<vmem>>, vector<1x16xf32>,
      %get3A_90 = arith.index_cast %add3A_73 : i32 to index
      %get3A_91 = arith.constant 32 : index
      %get3A_92 = tpu.vector_load %arg7[%get3A_90, %get3A_91] {strides = array<i32>} : memref<128x128xf32, #tpu.memory_space<vmem>>, vector<1x16xf32>,
      %get3A_93 = vector.shape_cast %get3A_92 : vector<1x16xf32> to vector<16xf32>
      %swap3A_94 = arith.index_cast %add3A_73 : i32 to index
      %swap3A_95 = arith.constant 32 : index
      %swap3A_96 = tpu.vector_load %arg11[%swap3A_94, %swap3A_95] {strides = array<i32>} : memref<128x128xf32, #tpu.memory_space<vmem>>, vector<1x16xf32>,
      %swap3A_97 = vector.shape_cast %swap3A_96 : vector<1x16xf32> to vector<16xf32>
      %swap3A_98 = vector.shape_cast %get3A_93 : vector<16xf32> to vector<1x16xf32>
      tpu.vector_store %arg11[%swap3A_94, %swap3A_95], %swap3A_98 {add = true, strides = array<i32>} : memref<128x128xf32, #tpu.memory_space<vmem>>, vector<1x16xf32>,
      %get3A_99 = arith.index_cast %add3A_73 : i32 to index
      %get3A_100 = arith.constant 48 : index
      %get3A_101 = tpu.vector_load %arg7[%get3A_99, %get3A_100] {strides = array<i32>} : memref<128x128xf32, #tpu.memory_space<vmem>>, vector<1x16xf32>,
      %get3A_102 = vector.shape_cast %get3A_101 : vector<1x16xf32> to vector<16xf32>
      %swap3A_103 = arith.index_cast %add3A_73 : i32 to index
      %swap3A_104 = arith.constant 48 : index
      %swap3A_105 = tpu.vector_load %arg11[%swap3A_103, %swap3A_104] {strides = array<i32>} : memref<128x128xf32, #tpu.memory_space<vmem>>, vector<1x16xf32>,
      %swap3A_106 = vector.shape_cast %swap3A_105 : vector<1x16xf32> to vector<16xf32>
      %swap3A_107 = vector.shape_cast %get3A_102 : vector<16xf32> to vector<1x16xf32>
      tpu.vector_store %arg11[%swap3A_103, %swap3A_104], %swap3A_107 {add = true, strides = array<i32>} : memref<128x128xf32, #tpu.memory_space<vmem>>, vector<1x16xf32>,
      %get3A_108 = arith.index_cast %add3A_73 : i32 to index
      %get3A_109 = arith.constant 64 : index
      %get3A_110 = tpu.vector_load %arg7[%get3A_108, %get3A_109] {strides = array<i32>} : memref<128x128xf32, #tpu.memory_space<vmem>>, vector<1x16xf32>,
      %get3A_111 = vector.shape_cast %get3A_110 : vector<1x16xf32> to vector<16xf32>
      %swap3A_112 = arith.index_cast %add3A_73 : i32 to index
      %swap3A_113 = arith.constant 64 : index
      %swap3A_114 = tpu.vector_load %arg11[%swap3A_112, %swap3A_113] {strides = array<i32>} : memref<128x128xf32, #tpu.memory_space<vmem>>, vector<1x16xf32>,
      %swap3A_115 = vector.shape_cast %swap3A_114 : vector<1x16xf32> to vector<16xf32>
      %swap3A_116 = vector.shape_cast %get3A_111 : vector<16xf32> to vector<1x16xf32>
      tpu.vector_store %arg11[%swap3A_112, %swap3A_113], %swap3A_116 {add = true, strides = array<i32>} : memref<128x128xf32, #tpu.memory_space<vmem>>, vector<1x16xf32>,
      %get3A_117 = arith.index_cast %add3A_73 : i32 to index
      %get3A_118 = arith.constant 80 : index
      %get3A_119 = tpu.vector_load %arg7[%get3A_117, %get3A_118] {strides = array<i32>} : memref<128x128xf32, #tpu.memory_space<vmem>>, vector<1x16xf32>,
      %get3A_120 = vector.shape_cast %get3A_119 : vector<1x16xf32> to vector<16xf32>
      %swap3A_121 = arith.index_cast %add3A_73 : i32 to index
      %swap3A_122 = arith.constant 80 : index
      %swap3A_123 = tpu.vector_load %arg11[%swap3A_121, %swap3A_122] {strides = array<i32>} : memref<128x128xf32, #tpu.memory_space<vmem>>, vector<1x16xf32>,
      %swap3A_124 = vector.shape_cast %swap3A_123 : vector<1x16xf32> to vector<16xf32>
      %swap3A_125 = vector.shape_cast %get3A_120 : vector<16xf32> to vector<1x16xf32>
      tpu.vector_store %arg11[%swap3A_121, %swap3A_122], %swap3A_125 {add = true, strides = array<i32>} : memref<128x128xf32, #tpu.memory_space<vmem>>, vector<1x16xf32>,
      %get3A_126 = arith.index_cast %add3A_73 : i32 to index
      %get3A_127 = arith.constant 96 : index
      %get3A_128 = tpu.vector_load %arg7[%get3A_126, %get3A_127] {strides = array<i32>} : memref<128x128xf32, #tpu.memory_space<vmem>>, vector<1x16xf32>,
      %get3A_129 = vector.shape_cast %get3A_128 : vector<1x16xf32> to vector<16xf32>
      %swap3A_130 = arith.index_cast %add3A_73 : i32 to index
      %swap3A_131 = arith.constant 96 : index
      %swap3A_132 = tpu.vector_load %arg11[%swap3A_130, %swap3A_131] {strides = array<i32>} : memref<128x128xf32, #tpu.memory_space<vmem>>, vector<1x16xf32>,
      %swap3A_133 = vector.shape_cast %swap3A_132 : vector<1x16xf32> to vector<16xf32>
      %swap3A_134 = vector.shape_cast %get3A_129 : vector<16xf32> to vector<1x16xf32>
      tpu.vector_store %arg11[%swap3A_130, %swap3A_131], %swap3A_134 {add = true, strides = array<i32>} : memref<128x128xf32, #tpu.memory_space<vmem>>, vector<1x16xf32>,
      %get3A_135 = arith.index_cast %add3A_73 : i32 to index
      %get3A_136 = arith.constant 112 : index
      %get3A_137 = tpu.vector_load %arg7[%get3A_135, %get3A_136] {strides = array<i32>} : memref<128x128xf32, #tpu.memory_space<vmem>>, vector<1x16xf32>,
      %get3A_138 = vector.shape_cast %get3A_137 : vector<1x16xf32> to vector<16xf32>
      %swap3A_139 = arith.index_cast %add3A_73 : i32 to index
      %swap3A_140 = arith.constant 112 : index
      %swap3A_141 = tpu.vector_load %arg11[%swap3A_139, %swap3A_140] {strides = array<i32>} : memref<128x128xf32, #tpu.memory_space<vmem>>, vector<1x16xf32>,
      %swap3A_142 = vector.shape_cast %swap3A_141 : vector<1x16xf32> to vector<16xf32>
      %swap3A_143 = vector.shape_cast %get3A_138 : vector<16xf32> to vector<1x16xf32>
      tpu.vector_store %arg11[%swap3A_139, %swap3A_140], %swap3A_143 {add = true, strides = array<i32>} : memref<128x128xf32, #tpu.memory_space<vmem>>, vector<1x16xf32>,
      %mul3A_144 = arith.constant 8 : i32
      %mul3A_145 = arith.muli %scan3A_69, %mul3A_144 : i32
      %add3A_146 = arith.constant 1 : i32
      %add3A_147 = arith.addi %mul3A_145, %add3A_146 : i32
      %get3A_148 = arith.index_cast %add3A_147 : i32 to index
      %get3A_149 = arith.constant 0 : index
      %get3A_150 = tpu.vector_load %arg7[%get3A_148, %get3A_149] {strides = array<i32>} : memref<128x128xf32, #tpu.memory_space<vmem>>, vector<1x16xf32>,
      %get3A_151 = vector.shape_cast %get3A_150 : vector<1x16xf32> to vector<16xf32>
      %swap3A_152 = arith.index_cast %add3A_147 : i32 to index
      %swap3A_153 = arith.constant 0 : index
      %swap3A_154 = tpu.vector_load %arg11[%swap3A_152, %swap3A_153] {strides = array<i32>} : memref<128x128xf32, #tpu.memory_space<vmem>>, vector<1x16xf32>,
      %swap3A_155 = vector.shape_cast %swap3A_154 : vector<1x16xf32> to vector<16xf32>
      %swap3A_156 = vector.shape_cast %get3A_151 : vector<16xf32> to vector<1x16xf32>
      tpu.vector_store %arg11[%swap3A_152, %swap3A_153], %swap3A_156 {add = true, strides = array<i32>} : memref<128x128xf32, #tpu.memory_space<vmem>>, vector<1x16xf32>,
      %get3A_157 = arith.index_cast %add3A_147 : i32 to index
      %get3A_158 = arith.constant 16 : index
      %get3A_159 = tpu.vector_load %arg7[%get3A_157, %get3A_158] {strides = array<i32>} : memref<128x128xf32, #tpu.memory_space<vmem>>, vector<1x16xf32>,
      %get3A_160 = vector.shape_cast %get3A_159 : vector<1x16xf32> to vector<16xf32>
      %swap3A_161 = arith.index_cast %add3A_147 : i32 to index
      %swap3A_162 = arith.constant 16 : index
      %swap3A_163 = tpu.vector_load %arg11[%swap3A_161, %swap3A_162] {strides = array<i32>} : memref<128x128xf32, #tpu.memory_space<vmem>>, vector<1x16xf32>,
      %swap3A_164 = vector.shape_cast %swap3A_163 : vector<1x16xf32> to vector<16xf32>
      %swap3A_165 = vector.shape_cast %get3A_160 : vector<16xf32> to vector<1x16xf32>
      tpu.vector_store %arg11[%swap3A_161, %swap3A_162], %swap3A_165 {add = true, strides = array<i32>} : memref<128x128xf32, #tpu.memory_space<vmem>>, vector<1x16xf32>,
      %get3A_166 = arith.index_cast %add3A_147 : i32 to index
      %get3A_167 = arith.constant 32 : index
      %get3A_168 = tpu.vector_load %arg7[%get3A_166, %get3A_167] {strides = array<i32>} : memref<128x128xf32, #tpu.memory_space<vmem>>, vector<1x16xf32>,
      %get3A_169 = vector.shape_cast %get3A_168 : vector<1x16xf32> to vector<16xf32>
      %swap3A_170 = arith.index_cast %add3A_147 : i32 to index
      %swap3A_171 = arith.constant 32 : index
      %swap3A_172 = tpu.vector_load %arg11[%swap3A_170, %swap3A_171] {strides = array<i32>} : memref<128x128xf32, #tpu.memory_space<vmem>>, vector<1x16xf32>,
      %swap3A_173 = vector.shape_cast %swap3A_172 : vector<1x16xf32> to vector<16xf32>
      %swap3A_174 = vector.shape_cast %get3A_169 : vector<16xf32> to vector<1x16xf32>
      tpu.vector_store %arg11[%swap3A_170, %swap3A_171], %swap3A_174 {add = true, strides = array<i32>} : memref<128x128xf32, #tpu.memory_space<vmem>>, vector<1x16xf32>,
      %get3A_175 = arith.index_cast %add3A_147 : i32 to index
      %get3A_176 = arith.constant 48 : index
      %get3A_177 = tpu.vector_load %arg7[%get3A_175, %get3A_176] {strides = array<i32>} : memref<128x128xf32, #tpu.memory_space<vmem>>, vector<1x16xf32>,
      %get3A_178 = vector.shape_cast %get3A_177 : vector<1x16xf32> to vector<16xf32>
      %swap3A_179 = arith.index_cast %add3A_147 : i32 to index
      %swap3A_180 = arith.constant 48 : index
      %swap3A_181 = tpu.vector_load %arg11[%swap3A_179, %swap3A_180] {strides = array<i32>} : memref<128x128xf32, #tpu.memory_space<vmem>>, vector<1x16xf32>,
      %swap3A_182 = vector.shape_cast %swap3A_181 : vector<1x16xf32> to vector<16xf32>
      %swap3A_183 = vector.shape_cast %get3A_178 : vector<16xf32> to vector<1x16xf32>
      tpu.vector_store %arg11[%swap3A_179, %swap3A_180], %swap3A_183 {add = true, strides = array<i32>} : memref<128x128xf32, #tpu.memory_space<vmem>>, vector<1x16xf32>,
      %get3A_184 = arith.index_cast %add3A_147 : i32 to index
      %get3A_185 = arith.constant 64 : index
      %get3A_186 = tpu.vector_load %arg7[%get3A_184, %get3A_185] {strides = array<i32>} : memref<128x128xf32, #tpu.memory_space<vmem>>, vector<1x16xf32>,
      %get3A_187 = vector.shape_cast %get3A_186 : vector<1x16xf32> to vector<16xf32>
      %swap3A_188 = arith.index_cast %add3A_147 : i32 to index
      %swap3A_189 = arith.constant 64 : index
      %swap3A_190 = tpu.vector_load %arg11[%swap3A_188, %swap3A_189] {strides = array<i32>} : memref<128x128xf32, #tpu.memory_space<vmem>>, vector<1x16xf32>,
      %swap3A_191 = vector.shape_cast %swap3A_190 : vector<1x16xf32> to vector<16xf32>
      %swap3A_192 = vector.shape_cast %get3A_187 : vector<16xf32> to vector<1x16xf32>
      tpu.vector_store %arg11[%swap3A_188, %swap3A_189], %swap3A_192 {add = true, strides = array<i32>} : memref<128x128xf32, #tpu.memory_space<vmem>>, vector<1x16xf32>,
      %get3A_193 = arith.index_cast %add3A_147 : i32 to index
      %get3A_194 = arith.constant 80 : index
      %get3A_195 = tpu.vector_load %arg7[%get3A_193, %get3A_194] {strides = array<i32>} : memref<128x128xf32, #tpu.memory_space<vmem>>, vector<1x16xf32>,
      %get3A_196 = vector.shape_cast %get3A_195 : vector<1x16xf32> to vector<16xf32>
      %swap3A_197 = arith.index_cast %add3A_147 : i32 to index
      %swap3A_198 = arith.constant 80 : index
      %swap3A_199 = tpu.vector_load %arg11[%swap3A_197, %swap3A_198] {strides = array<i32>} : memref<128x128xf32, #tpu.memory_space<vmem>>, vector<1x16xf32>,
      %swap3A_200 = vector.shape_cast %swap3A_199 : vector<1x16xf32> to vector<16xf32>
      %swap3A_201 = vector.shape_cast %get3A_196 : vector<16xf32> to vector<1x16xf32>
      tpu.vector_store %arg11[%swap3A_197, %swap3A_198], %swap3A_201 {add = true, strides = array<i32>} : memref<128x128xf32, #tpu.memory_space<vmem>>, vector<1x16xf32>,
      %get3A_202 = arith.index_cast %add3A_147 : i32 to index
      %get3A_203 = arith.constant 96 : index
      %get3A_204 = tpu.vector_load %arg7[%get3A_202, %get3A_203] {strides = array<i32>} : memref<128x128xf32, #tpu.memory_space<vmem>>, vector<1x16xf32>,
      %get3A_205 = vector.shape_cast %get3A_204 : vector<1x16xf32> to vector<16xf32>
      %swap3A_206 = arith.index_cast %add3A_147 : i32 to index
      %swap3A_207 = arith.constant 96 : index
      %swap3A_208 = tpu.vector_load %arg11[%swap3A_206, %swap3A_207] {strides = array<i32>} : memref<128x128xf32, #tpu.memory_space<vmem>>, vector<1x16xf32>,
      %swap3A_209 = vector.shape_cast %swap3A_208 : vector<1x16xf32> to vector<16xf32>
      %swap3A_210 = vector.shape_cast %get3A_205 : vector<16xf32> to vector<1x16xf32>
      tpu.vector_store %arg11[%swap3A_206, %swap3A_207], %swap3A_210 {add = true, strides = array<i32>} : memref<128x128xf32, #tpu.memory_space<vmem>>, vector<1x16xf32>,
      %get3A_211 = arith.index_cast %add3A_147 : i32 to index
      %get3A_212 = arith.constant 112 : index
      %get3A_213 = tpu.vector_load %arg7[%get3A_211, %get3A_212] {strides = array<i32>} : memref<128x128xf32, #tpu.memory_space<vmem>>, vector<1x16xf32>,
      %get3A_214 = vector.shape_cast %get3A_213 : vector<1x16xf32> to vector<16xf32>
      %swap3A_215 = arith.index_cast %add3A_147 : i32 to index
      %swap3A_216 = arith.constant 112 : index
      %swap3A_217 = tpu.vector_load %arg11[%swap3A_215, %swap3A_216] {strides = array<i32>} : memref<128x128xf32, #tpu.memory_space<vmem>>, vector<1x16xf32>,
      %swap3A_218 = vector.shape_cast %swap3A_217 : vector<1x16xf32> to vector<16xf32>
      %swap3A_219 = vector.shape_cast %get3A_214 : vector<16xf32> to vector<1x16xf32>
      tpu.vector_store %arg11[%swap3A_215, %swap3A_216], %swap3A_219 {add = true, strides = array<i32>} : memref<128x128xf32, #tpu.memory_space<vmem>>, vector<1x16xf32>,
      %mul3A_220 = arith.constant 8 : i32
      %mul3A_221 = arith.muli %scan3A_69, %mul3A_220 : i32
      %add3A_222 = arith.constant 2 : i32
      %add3A_223 = arith.addi %mul3A_221, %add3A_222 : i32
      %get3A_224 = arith.index_cast %add3A_223 : i32 to index
      %get3A_225 = arith.constant 0 : index
      %get3A_226 = tpu.vector_load %arg7[%get3A_224, %get3A_225] {strides = array<i32>} : memref<128x128xf32, #tpu.memory_space<vmem>>, vector<1x16xf32>,
      %get3A_227 = vector.shape_cast %get3A_226 : vector<1x16xf32> to vector<16xf32>
      %swap3A_228 = arith.index_cast %add3A_223 : i32 to index
      %swap3A_229 = arith.constant 0 : index
      %swap3A_230 = tpu.vector_load %arg11[%swap3A_228, %swap3A_229] {strides = array<i32>} : memref<128x128xf32, #tpu.memory_space<vmem>>, vector<1x16xf32>,
      %swap3A_231 = vector.shape_cast %swap3A_230 : vector<1x16xf32> to vector<16xf32>
      %swap3A_232 = vector.shape_cast %get3A_227 : vector<16xf32> to vector<1x16xf32>
      tpu.vector_store %arg11[%swap3A_228, %swap3A_229], %swap3A_232 {add = true, strides = array<i32>} : memref<128x128xf32, #tpu.memory_space<vmem>>, vector<1x16xf32>,
      %get3A_233 = arith.index_cast %add3A_223 : i32 to index
      %get3A_234 = arith.constant 16 : index
      %get3A_235 = tpu.vector_load %arg7[%get3A_233, %get3A_234] {strides = array<i32>} : memref<128x128xf32, #tpu.memory_space<vmem>>, vector<1x16xf32>,
      %get3A_236 = vector.shape_cast %get3A_235 : vector<1x16xf32> to vector<16xf32>
      %swap3A_237 = arith.index_cast %add3A_223 : i32 to index
      %swap3A_238 = arith.constant 16 : index
      %swap3A_239 = tpu.vector_load %arg11[%swap3A_237, %swap3A_238] {strides = array<i32>} : memref<128x128xf32, #tpu.memory_space<vmem>>, vector<1x16xf32>,
      %swap3A_240 = vector.shape_cast %swap3A_239 : vector<1x16xf32> to vector<16xf32>
      %swap3A_241 = vector.shape_cast %get3A_236 : vector<16xf32> to vector<1x16xf32>
      tpu.vector_store %arg11[%swap3A_237, %swap3A_238], %swap3A_241 {add = true, strides = array<i32>} : memref<128x128xf32, #tpu.memory_space<vmem>>, vector<1x16xf32>,
      %get3A_242 = arith.index_cast %add3A_223 : i32 to index
      %get3A_243 = arith.constant 32 : index
      %get3A_244 = tpu.vector_load %arg7[%get3A_242, %get3A_243] {strides = array<i32>} : memref<128x128xf32, #tpu.memory_space<vmem>>, vector<1x16xf32>,
      %get3A_245 = vector.shape_cast %get3A_244 : vector<1x16xf32> to vector<16xf32>
      %swap3A_246 = arith.index_cast %add3A_223 : i32 to index
      %swap3A_247 = arith.constant 32 : index
      %swap3A_248 = tpu.vector_load %arg11[%swap3A_246, %swap3A_247] {strides = array<i32>} : memref<128x128xf32, #tpu.memory_space<vmem>>, vector<1x16xf32>,
      %swap3A_249 = vector.shape_cast %swap3A_248 : vector<1x16xf32> to vector<16xf32>
      %swap3A_250 = vector.shape_cast %get3A_245 : vector<16xf32> to vector<1x16xf32>
      tpu.vector_store %arg11[%swap3A_246, %swap3A_247], %swap3A_250 {add = true, strides = array<i32>} : memref<128x128xf32, #tpu.memory_space<vmem>>, vector<1x16xf32>,
      %get3A_251 = arith.index_cast %add3A_223 : i32 to index
      %get3A_252 = arith.constant 48 : index
      %get3A_253 = tpu.vector_load %arg7[%get3A_251, %get3A_252] {strides = array<i32>} : memref<128x128xf32, #tpu.memory_space<vmem>>, vector<1x16xf32>,
      %get3A_254 = vector.shape_cast %get3A_253 : vector<1x16xf32> to vector<16xf32>
      %swap3A_255 = arith.index_cast %add3A_223 : i32 to index
      %swap3A_256 = arith.constant 48 : index
      %swap3A_257 = tpu.vector_load %arg11[%swap3A_255, %swap3A_256] {strides = array<i32>} : memref<128x128xf32, #tpu.memory_space<vmem>>, vector<1x16xf32>,
      %swap3A_258 = vector.shape_cast %swap3A_257 : vector<1x16xf32> to vector<16xf32>
      %swap3A_259 = vector.shape_cast %get3A_254 : vector<16xf32> to vector<1x16xf32>
      tpu.vector_store %arg11[%swap3A_255, %swap3A_256], %swap3A_259 {add = true, strides = array<i32>} : memref<128x128xf32, #tpu.memory_space<vmem>>, vector<1x16xf32>,
      %get3A_260 = arith.index_cast %add3A_223 : i32 to index
      %get3A_261 = arith.constant 64 : index
      %get3A_262 = tpu.vector_load %arg7[%get3A_260, %get3A_261] {strides = array<i32>} : memref<128x128xf32, #tpu.memory_space<vmem>>, vector<1x16xf32>,
      %get3A_263 = vector.shape_cast %get3A_262 : vector<1x16xf32> to vector<16xf32>
      %swap3A_264 = arith.index_cast %add3A_223 : i32 to index
      %swap3A_265 = arith.constant 64 : index
      %swap3A_266 = tpu.vector_load %arg11[%swap3A_264, %swap3A_265] {strides = array<i32>} : memref<128x128xf32, #tpu.memory_space<vmem>>, vector<1x16xf32>,
      %swap3A_267 = vector.shape_cast %swap3A_266 : vector<1x16xf32> to vector<16xf32>
      %swap3A_268 = vector.shape_cast %get3A_263 : vector<16xf32> to vector<1x16xf32>
      tpu.vector_store %arg11[%swap3A_264, %swap3A_265], %swap3A_268 {add = true, strides = array<i32>} : memref<128x128xf32, #tpu.memory_space<vmem>>, vector<1x16xf32>,
      %get3A_269 = arith.index_cast %add3A_223 : i32 to index
      %get3A_270 = arith.constant 80 : index
      %get3A_271 = tpu.vector_load %arg7[%get3A_269, %get3A_270] {strides = array<i32>} : memref<128x128xf32, #tpu.memory_space<vmem>>, vector<1x16xf32>,
      %get3A_272 = vector.shape_cast %get3A_271 : vector<1x16xf32> to vector<16xf32>
      %swap3A_273 = arith.index_cast %add3A_223 : i32 to index
      %swap3A_274 = arith.constant 80 : index
      %swap3A_275 = tpu.vector_load %arg11[%swap3A_273, %swap3A_274] {strides = array<i32>} : memref<128x128xf32, #tpu.memory_space<vmem>>, vector<1x16xf32>,
      %swap3A_276 = vector.shape_cast %swap3A_275 : vector<1x16xf32> to vector<16xf32>
      %swap3A_277 = vector.shape_cast %get3A_272 : vector<16xf32> to vector<1x16xf32>
      tpu.vector_store %arg11[%swap3A_273, %swap3A_274], %swap3A_277 {add = true, strides = array<i32>} : memref<128x128xf32, #tpu.memory_space<vmem>>, vector<1x16xf32>,
      %get3A_278 = arith.index_cast %add3A_223 : i32 to index
      %get3A_279 = arith.constant 96 : index
      %get3A_280 = tpu.vector_load %arg7[%get3A_278, %get3A_279] {strides = array<i32>} : memref<128x128xf32, #tpu.memory_space<vmem>>, vector<1x16xf32>,
      %get3A_281 = vector.shape_cast %get3A_280 : vector<1x16xf32> to vector<16xf32>
      %swap3A_282 = arith.index_cast %add3A_223 : i32 to index
      %swap3A_283 = arith.constant 96 : index
      %swap3A_284 = tpu.vector_load %arg11[%swap3A_282, %swap3A_283] {strides = array<i32>} : memref<128x128xf32, #tpu.memory_space<vmem>>, vector<1x16xf32>,
      %swap3A_285 = vector.shape_cast %swap3A_284 : vector<1x16xf32> to vector<16xf32>
      %swap3A_286 = vector.shape_cast %get3A_281 : vector<16xf32> to vector<1x16xf32>
      tpu.vector_store %arg11[%swap3A_282, %swap3A_283], %swap3A_286 {add = true, strides = array<i32>} : memref<128x128xf32, #tpu.memory_space<vmem>>, vector<1x16xf32>,
      %get3A_287 = arith.index_cast %add3A_223 : i32 to index
      %get3A_288 = arith.constant 112 : index
      %get3A_289 = tpu.vector_load %arg7[%get3A_287, %get3A_288] {strides = array<i32>} : memref<128x128xf32, #tpu.memory_space<vmem>>, vector<1x16xf32>,
      %get3A_290 = vector.shape_cast %get3A_289 : vector<1x16xf32> to vector<16xf32>
      %swap3A_291 = arith.index_cast %add3A_223 : i32 to index
      %swap3A_292 = arith.constant 112 : index
      %swap3A_293 = tpu.vector_load %arg11[%swap3A_291, %swap3A_292] {strides = array<i32>} : memref<128x128xf32, #tpu.memory_space<vmem>>, vector<1x16xf32>,
      %swap3A_294 = vector.shape_cast %swap3A_293 : vector<1x16xf32> to vector<16xf32>
      %swap3A_295 = vector.shape_cast %get3A_290 : vector<16xf32> to vector<1x16xf32>
      tpu.vector_store %arg11[%swap3A_291, %swap3A_292], %swap3A_295 {add = true, strides = array<i32>} : memref<128x128xf32, #tpu.memory_space<vmem>>, vector<1x16xf32>,
      %mul3A_296 = arith.constant 8 : i32
      %mul3A_297 = arith.muli %scan3A_69, %mul3A_296 : i32
      %add3A_298 = arith.constant 3 : i32
      %add3A_299 = arith.addi %mul3A_297, %add3A_298 : i32
      %get3A_300 = arith.index_cast %add3A_299 : i32 to index
      %get3A_301 = arith.constant 0 : index
      %get3A_302 = tpu.vector_load %arg7[%get3A_300, %get3A_301] {strides = array<i32>} : memref<128x128xf32, #tpu.memory_space<vmem>>, vector<1x16xf32>,
      %get3A_303 = vector.shape_cast %get3A_302 : vector<1x16xf32> to vector<16xf32>
      %swap3A_304 = arith.index_cast %add3A_299 : i32 to index
      %swap3A_305 = arith.constant 0 : index
      %swap3A_306 = tpu.vector_load %arg11[%swap3A_304, %swap3A_305] {strides = array<i32>} : memref<128x128xf32, #tpu.memory_space<vmem>>, vector<1x16xf32>,
      %swap3A_307 = vector.shape_cast %swap3A_306 : vector<1x16xf32> to vector<16xf32>
      %swap3A_308 = vector.shape_cast %get3A_303 : vector<16xf32> to vector<1x16xf32>
      tpu.vector_store %arg11[%swap3A_304, %swap3A_305], %swap3A_308 {add = true, strides = array<i32>} : memref<128x128xf32, #tpu.memory_space<vmem>>, vector<1x16xf32>,
      %get3A_309 = arith.index_cast %add3A_299 : i32 to index
      %get3A_310 = arith.constant 16 : index
      %get3A_311 = tpu.vector_load %arg7[%get3A_309, %get3A_310] {strides = array<i32>} : memref<128x128xf32, #tpu.memory_space<vmem>>, vector<1x16xf32>,
      %get3A_312 = vector.shape_cast %get3A_311 : vector<1x16xf32> to vector<16xf32>
      %swap3A_313 = arith.index_cast %add3A_299 : i32 to index
      %swap3A_314 = arith.constant 16 : index
      %swap3A_315 = tpu.vector_load %arg11[%swap3A_313, %swap3A_314] {strides = array<i32>} : memref<128x128xf32, #tpu.memory_space<vmem>>, vector<1x16xf32>,
      %swap3A_316 = vector.shape_cast %swap3A_315 : vector<1x16xf32> to vector<16xf32>
      %swap3A_317 = vector.shape_cast %get3A_312 : vector<16xf32> to vector<1x16xf32>
      tpu.vector_store %arg11[%swap3A_313, %swap3A_314], %swap3A_317 {add = true, strides = array<i32>} : memref<128x128xf32, #tpu.memory_space<vmem>>, vector<1x16xf32>,
      %get3A_318 = arith.index_cast %add3A_299 : i32 to index
      %get3A_319 = arith.constant 32 : index
      %get3A_320 = tpu.vector_load %arg7[%get3A_318, %get3A_319] {strides = array<i32>} : memref<128x128xf32, #tpu.memory_space<vmem>>, vector<1x16xf32>,
      %get3A_321 = vector.shape_cast %get3A_320 : vector<1x16xf32> to vector<16xf32>
      %swap3A_322 = arith.index_cast %add3A_299 : i32 to index
      %swap3A_323 = arith.constant 32 : index
      %swap3A_324 = tpu.vector_load %arg11[%swap3A_322, %swap3A_323] {strides = array<i32>} : memref<128x128xf32, #tpu.memory_space<vmem>>, vector<1x16xf32>,
      %swap3A_325 = vector.shape_cast %swap3A_324 : vector<1x16xf32> to vector<16xf32>
      %swap3A_326 = vector.shape_cast %get3A_321 : vector<16xf32> to vector<1x16xf32>
      tpu.vector_store %arg11[%swap3A_322, %swap3A_323], %swap3A_326 {add = true, strides = array<i32>} : memref<128x128xf32, #tpu.memory_space<vmem>>, vector<1x16xf32>,
      %get3A_327 = arith.index_cast %add3A_299 : i32 to index
      %get3A_328 = arith.constant 48 : index
      %get3A_329 = tpu.vector_load %arg7[%get3A_327, %get3A_328] {strides = array<i32>} : memref<128x128xf32, #tpu.memory_space<vmem>>, vector<1x16xf32>,
      %get3A_330 = vector.shape_cast %get3A_329 : vector<1x16xf32> to vector<16xf32>
      %swap3A_331 = arith.index_cast %add3A_299 : i32 to index
      %swap3A_332 = arith.constant 48 : index
      %swap3A_333 = tpu.vector_load %arg11[%swap3A_331, %swap3A_332] {strides = array<i32>} : memref<128x128xf32, #tpu.memory_space<vmem>>, vector<1x16xf32>,
      %swap3A_334 = vector.shape_cast %swap3A_333 : vector<1x16xf32> to vector<16xf32>
      %swap3A_335 = vector.shape_cast %get3A_330 : vector<16xf32> to vector<1x16xf32>
      tpu.vector_store %arg11[%swap3A_331, %swap3A_332], %swap3A_335 {add = true, strides = array<i32>} : memref<128x128xf32, #tpu.memory_space<vmem>>, vector<1x16xf32>,
      %get3A_336 = arith.index_cast %add3A_299 : i32 to index
      %get3A_337 = arith.constant 64 : index
      %get3A_338 = tpu.vector_load %arg7[%get3A_336, %get3A_337] {strides = array<i32>} : memref<128x128xf32, #tpu.memory_space<vmem>>, vector<1x16xf32>,
      %get3A_339 = vector.shape_cast %get3A_338 : vector<1x16xf32> to vector<16xf32>
      %swap3A_340 = arith.index_cast %add3A_299 : i32 to index
      %swap3A_341 = arith.constant 64 : index
      %swap3A_342 = tpu.vector_load %arg11[%swap3A_340, %swap3A_341] {strides = array<i32>} : memref<128x128xf32, #tpu.memory_space<vmem>>, vector<1x16xf32>,
      %swap3A_343 = vector.shape_cast %swap3A_342 : vector<1x16xf32> to vector<16xf32>
      %swap3A_344 = vector.shape_cast %get3A_339 : vector<16xf32> to vector<1x16xf32>
      tpu.vector_store %arg11[%swap3A_340, %swap3A_341], %swap3A_344 {add = true, strides = array<i32>} : memref<128x128xf32, #tpu.memory_space<vmem>>, vector<1x16xf32>,
      %get3A_345 = arith.index_cast %add3A_299 : i32 to index
      %get3A_346 = arith.constant 80 : index
      %get3A_347 = tpu.vector_load %arg7[%get3A_345, %get3A_346] {strides = array<i32>} : memref<128x128xf32, #tpu.memory_space<vmem>>, vector<1x16xf32>,
      %get3A_348 = vector.shape_cast %get3A_347 : vector<1x16xf32> to vector<16xf32>
      %swap3A_349 = arith.index_cast %add3A_299 : i32 to index
      %swap3A_350 = arith.constant 80 : index
      %swap3A_351 = tpu.vector_load %arg11[%swap3A_349, %swap3A_350] {strides = array<i32>} : memref<128x128xf32, #tpu.memory_space<vmem>>, vector<1x16xf32>,
      %swap3A_352 = vector.shape_cast %swap3A_351 : vector<1x16xf32> to vector<16xf32>
      %swap3A_353 = vector.shape_cast %get3A_348 : vector<16xf32> to vector<1x16xf32>
      tpu.vector_store %arg11[%swap3A_349, %swap3A_350], %swap3A_353 {add = true, strides = array<i32>} : memref<128x128xf32, #tpu.memory_space<vmem>>, vector<1x16xf32>,
      %get3A_354 = arith.index_cast %add3A_299 : i32 to index
      %get3A_355 = arith.constant 96 : index
      %get3A_356 = tpu.vector_load %arg7[%get3A_354, %get3A_355] {strides = array<i32>} : memref<128x128xf32, #tpu.memory_space<vmem>>, vector<1x16xf32>,
      %get3A_357 = vector.shape_cast %get3A_356 : vector<1x16xf32> to vector<16xf32>
      %swap3A_358 = arith.index_cast %add3A_299 : i32 to index
      %swap3A_359 = arith.constant 96 : index
      %swap3A_360 = tpu.vector_load %arg11[%swap3A_358, %swap3A_359] {strides = array<i32>} : memref<128x128xf32, #tpu.memory_space<vmem>>, vector<1x16xf32>,
      %swap3A_361 = vector.shape_cast %swap3A_360 : vector<1x16xf32> to vector<16xf32>
      %swap3A_362 = vector.shape_cast %get3A_357 : vector<16xf32> to vector<1x16xf32>
      tpu.vector_store %arg11[%swap3A_358, %swap3A_359], %swap3A_362 {add = true, strides = array<i32>} : memref<128x128xf32, #tpu.memory_space<vmem>>, vector<1x16xf32>,
      %get3A_363 = arith.index_cast %add3A_299 : i32 to index
      %get3A_364 = arith.constant 112 : index
      %get3A_365 = tpu.vector_load %arg7[%get3A_363, %get3A_364] {strides = array<i32>} : memref<128x128xf32, #tpu.memory_space<vmem>>, vector<1x16xf32>,
      %get3A_366 = vector.shape_cast %get3A_365 : vector<1x16xf32> to vector<16xf32>
      %swap3A_367 = arith.index_cast %add3A_299 : i32 to index
      %swap3A_368 = arith.constant 112 : index
      %swap3A_369 = tpu.vector_load %arg11[%swap3A_367, %swap3A_368] {strides = array<i32>} : memref<128x128xf32, #tpu.memory_space<vmem>>, vector<1x16xf32>,
      %swap3A_370 = vector.shape_cast %swap3A_369 : vector<1x16xf32> to vector<16xf32>
      %swap3A_371 = vector.shape_cast %get3A_366 : vector<16xf32> to vector<1x16xf32>
      tpu.vector_store %arg11[%swap3A_367, %swap3A_368], %swap3A_371 {add = true, strides = array<i32>} : memref<128x128xf32, #tpu.memory_space<vmem>>, vector<1x16xf32>,
      %mul3A_372 = arith.constant 8 : i32
      %mul3A_373 = arith.muli %scan3A_69, %mul3A_372 : i32
      %add3A_374 = arith.constant 4 : i32
      %add3A_375 = arith.addi %mul3A_373, %add3A_374 : i32
      %get3A_376 = arith.index_cast %add3A_375 : i32 to index
      %get3A_377 = arith.constant 0 : index
      %get3A_378 = tpu.vector_load %arg7[%get3A_376, %get3A_377] {strides = array<i32>} : memref<128x128xf32, #tpu.memory_space<vmem>>, vector<1x16xf32>,
      %get3A_379 = vector.shape_cast %get3A_378 : vector<1x16xf32> to vector<16xf32>
      %swap3A_380 = arith.index_cast %add3A_375 : i32 to index
      %swap3A_381 = arith.constant 0 : index
      %swap3A_382 = tpu.vector_load %arg11[%swap3A_380, %swap3A_381] {strides = array<i32>} : memref<128x128xf32, #tpu.memory_space<vmem>>, vector<1x16xf32>,
      %swap3A_383 = vector.shape_cast %swap3A_382 : vector<1x16xf32> to vector<16xf32>
      %swap3A_384 = vector.shape_cast %get3A_379 : vector<16xf32> to vector<1x16xf32>
      tpu.vector_store %arg11[%swap3A_380, %swap3A_381], %swap3A_384 {add = true, strides = array<i32>} : memref<128x128xf32, #tpu.memory_space<vmem>>, vector<1x16xf32>,
      %get3A_385 = arith.index_cast %add3A_375 : i32 to index
      %get3A_386 = arith.constant 16 : index
      %get3A_387 = tpu.vector_load %arg7[%get3A_385, %get3A_386] {strides = array<i32>} : memref<128x128xf32, #tpu.memory_space<vmem>>, vector<1x16xf32>,
      %get3A_388 = vector.shape_cast %get3A_387 : vector<1x16xf32> to vector<16xf32>
      %swap3A_389 = arith.index_cast %add3A_375 : i32 to index
      %swap3A_390 = arith.constant 16 : index
      %swap3A_391 = tpu.vector_load %arg11[%swap3A_389, %swap3A_390] {strides = array<i32>} : memref<128x128xf32, #tpu.memory_space<vmem>>, vector<1x16xf32>,
      %swap3A_392 = vector.shape_cast %swap3A_391 : vector<1x16xf32> to vector<16xf32>
      %swap3A_393 = vector.shape_cast %get3A_388 : vector<16xf32> to vector<1x16xf32>
      tpu.vector_store %arg11[%swap3A_389, %swap3A_390], %swap3A_393 {add = true, strides = array<i32>} : memref<128x128xf32, #tpu.memory_space<vmem>>, vector<1x16xf32>,
      %get3A_394 = arith.index_cast %add3A_375 : i32 to index
      %get3A_395 = arith.constant 32 : index
      %get3A_396 = tpu.vector_load %arg7[%get3A_394, %get3A_395] {strides = array<i32>} : memref<128x128xf32, #tpu.memory_space<vmem>>, vector<1x16xf32>,
      %get3A_397 = vector.shape_cast %get3A_396 : vector<1x16xf32> to vector<16xf32>
      %swap3A_398 = arith.index_cast %add3A_375 : i32 to index
      %swap3A_399 = arith.constant 32 : index
      %swap3A_400 = tpu.vector_load %arg11[%swap3A_398, %swap3A_399] {strides = array<i32>} : memref<128x128xf32, #tpu.memory_space<vmem>>, vector<1x16xf32>,
      %swap3A_401 = vector.shape_cast %swap3A_400 : vector<1x16xf32> to vector<16xf32>
      %swap3A_402 = vector.shape_cast %get3A_397 : vector<16xf32> to vector<1x16xf32>
      tpu.vector_store %arg11[%swap3A_398, %swap3A_399], %swap3A_402 {add = true, strides = array<i32>} : memref<128x128xf32, #tpu.memory_space<vmem>>, vector<1x16xf32>,
      %get3A_403 = arith.index_cast %add3A_375 : i32 to index
      %get3A_404 = arith.constant 48 : index
      %get3A_405 = tpu.vector_load %arg7[%get3A_403, %get3A_404] {strides = array<i32>} : memref<128x128xf32, #tpu.memory_space<vmem>>, vector<1x16xf32>,
      %get3A_406 = vector.shape_cast %get3A_405 : vector<1x16xf32> to vector<16xf32>
      %swap3A_407 = arith.index_cast %add3A_375 : i32 to index
      %swap3A_408 = arith.constant 48 : index
      %swap3A_409 = tpu.vector_load %arg11[%swap3A_407, %swap3A_408] {strides = array<i32>} : memref<128x128xf32, #tpu.memory_space<vmem>>, vector<1x16xf32>,
      %swap3A_410 = vector.shape_cast %swap3A_409 : vector<1x16xf32> to vector<16xf32>
      %swap3A_411 = vector.shape_cast %get3A_406 : vector<16xf32> to vector<1x16xf32>
      tpu.vector_store %arg11[%swap3A_407, %swap3A_408], %swap3A_411 {add = true, strides = array<i32>} : memref<128x128xf32, #tpu.memory_space<vmem>>, vector<1x16xf32>,
      %get3A_412 = arith.index_cast %add3A_375 : i32 to index
      %get3A_413 = arith.constant 64 : index
      %get3A_414 = tpu.vector_load %arg7[%get3A_412, %get3A_413] {strides = array<i32>} : memref<128x128xf32, #tpu.memory_space<vmem>>, vector<1x16xf32>,
      %get3A_415 = vector.shape_cast %get3A_414 : vector<1x16xf32> to vector<16xf32>
      %swap3A_416 = arith.index_cast %add3A_375 : i32 to index
      %swap3A_417 = arith.constant 64 : index
      %swap3A_418 = tpu.vector_load %arg11[%swap3A_416, %swap3A_417] {strides = array<i32>} : memref<128x128xf32, #tpu.memory_space<vmem>>, vector<1x16xf32>,
      %swap3A_419 = vector.shape_cast %swap3A_418 : vector<1x16xf32> to vector<16xf32>
      %swap3A_420 = vector.shape_cast %get3A_415 : vector<16xf32> to vector<1x16xf32>
      tpu.vector_store %arg11[%swap3A_416, %swap3A_417], %swap3A_420 {add = true, strides = array<i32>} : memref<128x128xf32, #tpu.memory_space<vmem>>, vector<1x16xf32>,
      %get3A_421 = arith.index_cast %add3A_375 : i32 to index
      %get3A_422 = arith.constant 80 : index
      %get3A_423 = tpu.vector_load %arg7[%get3A_421, %get3A_422] {strides = array<i32>} : memref<128x128xf32, #tpu.memory_space<vmem>>, vector<1x16xf32>,
      %get3A_424 = vector.shape_cast %get3A_423 : vector<1x16xf32> to vector<16xf32>
      %swap3A_425 = arith.index_cast %add3A_375 : i32 to index
      %swap3A_426 = arith.constant 80 : index
      %swap3A_427 = tpu.vector_load %arg11[%swap3A_425, %swap3A_426] {strides = array<i32>} : memref<128x128xf32, #tpu.memory_space<vmem>>, vector<1x16xf32>,
      %swap3A_428 = vector.shape_cast %swap3A_427 : vector<1x16xf32> to vector<16xf32>
      %swap3A_429 = vector.shape_cast %get3A_424 : vector<16xf32> to vector<1x16xf32>
      tpu.vector_store %arg11[%swap3A_425, %swap3A_426], %swap3A_429 {add = true, strides = array<i32>} : memref<128x128xf32, #tpu.memory_space<vmem>>, vector<1x16xf32>,
      %get3A_430 = arith.index_cast %add3A_375 : i32 to index
      %get3A_431 = arith.constant 96 : index
      %get3A_432 = tpu.vector_load %arg7[%get3A_430, %get3A_431] {strides = array<i32>} : memref<128x128xf32, #tpu.memory_space<vmem>>, vector<1x16xf32>,
      %get3A_433 = vector.shape_cast %get3A_432 : vector<1x16xf32> to vector<16xf32>
      %swap3A_434 = arith.index_cast %add3A_375 : i32 to index
      %swap3A_435 = arith.constant 96 : index
      %swap3A_436 = tpu.vector_load %arg11[%swap3A_434, %swap3A_435] {strides = array<i32>} : memref<128x128xf32, #tpu.memory_space<vmem>>, vector<1x16xf32>,
      %swap3A_437 = vector.shape_cast %swap3A_436 : vector<1x16xf32> to vector<16xf32>
      %swap3A_438 = vector.shape_cast %get3A_433 : vector<16xf32> to vector<1x16xf32>
      tpu.vector_store %arg11[%swap3A_434, %swap3A_435], %swap3A_438 {add = true, strides = array<i32>} : memref<128x128xf32, #tpu.memory_space<vmem>>, vector<1x16xf32>,
      %get3A_439 = arith.index_cast %add3A_375 : i32 to index
      %get3A_440 = arith.constant 112 : index
      %get3A_441 = tpu.vector_load %arg7[%get3A_439, %get3A_440] {strides = array<i32>} : memref<128x128xf32, #tpu.memory_space<vmem>>, vector<1x16xf32>,
      %get3A_442 = vector.shape_cast %get3A_441 : vector<1x16xf32> to vector<16xf32>
      %swap3A_443 = arith.index_cast %add3A_375 : i32 to index
      %swap3A_444 = arith.constant 112 : index
      %swap3A_445 = tpu.vector_load %arg11[%swap3A_443, %swap3A_444] {strides = array<i32>} : memref<128x128xf32, #tpu.memory_space<vmem>>, vector<1x16xf32>,
      %swap3A_446 = vector.shape_cast %swap3A_445 : vector<1x16xf32> to vector<16xf32>
      %swap3A_447 = vector.shape_cast %get3A_442 : vector<16xf32> to vector<1x16xf32>
      tpu.vector_store %arg11[%swap3A_443, %swap3A_444], %swap3A_447 {add = true, strides = array<i32>} : memref<128x128xf32, #tpu.memory_space<vmem>>, vector<1x16xf32>,
      %mul3A_448 = arith.constant 8 : i32
      %mul3A_449 = arith.muli %scan3A_69, %mul3A_448 : i32
      %add3A_450 = arith.constant 5 : i32
      %add3A_451 = arith.addi %mul3A_449, %add3A_450 : i32
      %get3A_452 = arith.index_cast %add3A_451 : i32 to index
      %get3A_453 = arith.constant 0 : index
      %get3A_454 = tpu.vector_load %arg7[%get3A_452, %get3A_453] {strides = array<i32>} : memref<128x128xf32, #tpu.memory_space<vmem>>, vector<1x16xf32>,
      %get3A_455 = vector.shape_cast %get3A_454 : vector<1x16xf32> to vector<16xf32>
      %swap3A_456 = arith.index_cast %add3A_451 : i32 to index
      %swap3A_457 = arith.constant 0 : index
      %swap3A_458 = tpu.vector_load %arg11[%swap3A_456, %swap3A_457] {strides = array<i32>} : memref<128x128xf32, #tpu.memory_space<vmem>>, vector<1x16xf32>,
      %swap3A_459 = vector.shape_cast %swap3A_458 : vector<1x16xf32> to vector<16xf32>
      %swap3A_460 = vector.shape_cast %get3A_455 : vector<16xf32> to vector<1x16xf32>
      tpu.vector_store %arg11[%swap3A_456, %swap3A_457], %swap3A_460 {add = true, strides = array<i32>} : memref<128x128xf32, #tpu.memory_space<vmem>>, vector<1x16xf32>,
      %get3A_461 = arith.index_cast %add3A_451 : i32 to index
      %get3A_462 = arith.constant 16 : index
      %get3A_463 = tpu.vector_load %arg7[%get3A_461, %get3A_462] {strides = array<i32>} : memref<128x128xf32, #tpu.memory_space<vmem>>, vector<1x16xf32>,
      %get3A_464 = vector.shape_cast %get3A_463 : vector<1x16xf32> to vector<16xf32>
      %swap3A_465 = arith.index_cast %add3A_451 : i32 to index
      %swap3A_466 = arith.constant 16 : index
      %swap3A_467 = tpu.vector_load %arg11[%swap3A_465, %swap3A_466] {strides = array<i32>} : memref<128x128xf32, #tpu.memory_space<vmem>>, vector<1x16xf32>,
      %swap3A_468 = vector.shape_cast %swap3A_467 : vector<1x16xf32> to vector<16xf32>
      %swap3A_469 = vector.shape_cast %get3A_464 : vector<16xf32> to vector<1x16xf32>
      tpu.vector_store %arg11[%swap3A_465, %swap3A_466], %swap3A_469 {add = true, strides = array<i32>} : memref<128x128xf32, #tpu.memory_space<vmem>>, vector<1x16xf32>,
      %get3A_470 = arith.index_cast %add3A_451 : i32 to index
      %get3A_471 = arith.constant 32 : index
      %get3A_472 = tpu.vector_load %arg7[%get3A_470, %get3A_471] {strides = array<i32>} : memref<128x128xf32, #tpu.memory_space<vmem>>, vector<1x16xf32>,
      %get3A_473 = vector.shape_cast %get3A_472 : vector<1x16xf32> to vector<16xf32>
      %swap3A_474 = arith.index_cast %add3A_451 : i32 to index
      %swap3A_475 = arith.constant 32 : index
      %swap3A_476 = tpu.vector_load %arg11[%swap3A_474, %swap3A_475] {strides = array<i32>} : memref<128x128xf32, #tpu.memory_space<vmem>>, vector<1x16xf32>,
      %swap3A_477 = vector.shape_cast %swap3A_476 : vector<1x16xf32> to vector<16xf32>
      %swap3A_478 = vector.shape_cast %get3A_473 : vector<16xf32> to vector<1x16xf32>
      tpu.vector_store %arg11[%swap3A_474, %swap3A_475], %swap3A_478 {add = true, strides = array<i32>} : memref<128x128xf32, #tpu.memory_space<vmem>>, vector<1x16xf32>,
      %get3A_479 = arith.index_cast %add3A_451 : i32 to index
      %get3A_480 = arith.constant 48 : index
      %get3A_481 = tpu.vector_load %arg7[%get3A_479, %get3A_480] {strides = array<i32>} : memref<128x128xf32, #tpu.memory_space<vmem>>, vector<1x16xf32>,
      %get3A_482 = vector.shape_cast %get3A_481 : vector<1x16xf32> to vector<16xf32>
      %swap3A_483 = arith.index_cast %add3A_451 : i32 to index
      %swap3A_484 = arith.constant 48 : index
      %swap3A_485 = tpu.vector_load %arg11[%swap3A_483, %swap3A_484] {strides = array<i32>} : memref<128x128xf32, #tpu.memory_space<vmem>>, vector<1x16xf32>,
      %swap3A_486 = vector.shape_cast %swap3A_485 : vector<1x16xf32> to vector<16xf32>
      %swap3A_487 = vector.shape_cast %get3A_482 : vector<16xf32> to vector<1x16xf32>
      tpu.vector_store %arg11[%swap3A_483, %swap3A_484], %swap3A_487 {add = true, strides = array<i32>} : memref<128x128xf32, #tpu.memory_space<vmem>>, vector<1x16xf32>,
      %get3A_488 = arith.index_cast %add3A_451 : i32 to index
      %get3A_489 = arith.constant 64 : index
      %get3A_490 = tpu.vector_load %arg7[%get3A_488, %get3A_489] {strides = array<i32>} : memref<128x128xf32, #tpu.memory_space<vmem>>, vector<1x16xf32>,
      %get3A_491 = vector.shape_cast %get3A_490 : vector<1x16xf32> to vector<16xf32>
      %swap3A_492 = arith.index_cast %add3A_451 : i32 to index
      %swap3A_493 = arith.constant 64 : index
      %swap3A_494 = tpu.vector_load %arg11[%swap3A_492, %swap3A_493] {strides = array<i32>} : memref<128x128xf32, #tpu.memory_space<vmem>>, vector<1x16xf32>,
      %swap3A_495 = vector.shape_cast %swap3A_494 : vector<1x16xf32> to vector<16xf32>
      %swap3A_496 = vector.shape_cast %get3A_491 : vector<16xf32> to vector<1x16xf32>
      tpu.vector_store %arg11[%swap3A_492, %swap3A_493], %swap3A_496 {add = true, strides = array<i32>} : memref<128x128xf32, #tpu.memory_space<vmem>>, vector<1x16xf32>,
      %get3A_497 = arith.index_cast %add3A_451 : i32 to index
      %get3A_498 = arith.constant 80 : index
      %get3A_499 = tpu.vector_load %arg7[%get3A_497, %get3A_498] {strides = array<i32>} : memref<128x128xf32, #tpu.memory_space<vmem>>, vector<1x16xf32>,
      %get3A_500 = vector.shape_cast %get3A_499 : vector<1x16xf32> to vector<16xf32>
      %swap3A_501 = arith.index_cast %add3A_451 : i32 to index
      %swap3A_502 = arith.constant 80 : index
      %swap3A_503 = tpu.vector_load %arg11[%swap3A_501, %swap3A_502] {strides = array<i32>} : memref<128x128xf32, #tpu.memory_space<vmem>>, vector<1x16xf32>,
      %swap3A_504 = vector.shape_cast %swap3A_503 : vector<1x16xf32> to vector<16xf32>
      %swap3A_505 = vector.shape_cast %get3A_500 : vector<16xf32> to vector<1x16xf32>
      tpu.vector_store %arg11[%swap3A_501, %swap3A_502], %swap3A_505 {add = true, strides = array<i32>} : memref<128x128xf32, #tpu.memory_space<vmem>>, vector<1x16xf32>,
      %get3A_506 = arith.index_cast %add3A_451 : i32 to index
      %get3A_507 = arith.constant 96 : index
      %get3A_508 = tpu.vector_load %arg7[%get3A_506, %get3A_507] {strides = array<i32>} : memref<128x128xf32, #tpu.memory_space<vmem>>, vector<1x16xf32>,
      %get3A_509 = vector.shape_cast %get3A_508 : vector<1x16xf32> to vector<16xf32>
      %swap3A_510 = arith.index_cast %add3A_451 : i32 to index
      %swap3A_511 = arith.constant 96 : index
      %swap3A_512 = tpu.vector_load %arg11[%swap3A_510, %swap3A_511] {strides = array<i32>} : memref<128x128xf32, #tpu.memory_space<vmem>>, vector<1x16xf32>,
      %swap3A_513 = vector.shape_cast %swap3A_512 : vector<1x16xf32> to vector<16xf32>
      %swap3A_514 = vector.shape_cast %get3A_509 : vector<16xf32> to vector<1x16xf32>
      tpu.vector_store %arg11[%swap3A_510, %swap3A_511], %swap3A_514 {add = true, strides = array<i32>} : memref<128x128xf32, #tpu.memory_space<vmem>>, vector<1x16xf32>,
      %get3A_515 = arith.index_cast %add3A_451 : i32 to index
      %get3A_516 = arith.constant 112 : index
      %get3A_517 = tpu.vector_load %arg7[%get3A_515, %get3A_516] {strides = array<i32>} : memref<128x128xf32, #tpu.memory_space<vmem>>, vector<1x16xf32>,
      %get3A_518 = vector.shape_cast %get3A_517 : vector<1x16xf32> to vector<16xf32>
      %swap3A_519 = arith.index_cast %add3A_451 : i32 to index
      %swap3A_520 = arith.constant 112 : index
      %swap3A_521 = tpu.vector_load %arg11[%swap3A_519, %swap3A_520] {strides = array<i32>} : memref<128x128xf32, #tpu.memory_space<vmem>>, vector<1x16xf32>,
      %swap3A_522 = vector.shape_cast %swap3A_521 : vector<1x16xf32> to vector<16xf32>
      %swap3A_523 = vector.shape_cast %get3A_518 : vector<16xf32> to vector<1x16xf32>
      tpu.vector_store %arg11[%swap3A_519, %swap3A_520], %swap3A_523 {add = true, strides = array<i32>} : memref<128x128xf32, #tpu.memory_space<vmem>>, vector<1x16xf32>,
      %mul3A_524 = arith.constant 8 : i32
      %mul3A_525 = arith.muli %scan3A_69, %mul3A_524 : i32
      %add3A_526 = arith.constant 6 : i32
      %add3A_527 = arith.addi %mul3A_525, %add3A_526 : i32
      %get3A_528 = arith.index_cast %add3A_527 : i32 to index
      %get3A_529 = arith.constant 0 : index
      %get3A_530 = tpu.vector_load %arg7[%get3A_528, %get3A_529] {strides = array<i32>} : memref<128x128xf32, #tpu.memory_space<vmem>>, vector<1x16xf32>,
      %get3A_531 = vector.shape_cast %get3A_530 : vector<1x16xf32> to vector<16xf32>
      %swap3A_532 = arith.index_cast %add3A_527 : i32 to index
      %swap3A_533 = arith.constant 0 : index
      %swap3A_534 = tpu.vector_load %arg11[%swap3A_532, %swap3A_533] {strides = array<i32>} : memref<128x128xf32, #tpu.memory_space<vmem>>, vector<1x16xf32>,
      %swap3A_535 = vector.shape_cast %swap3A_534 : vector<1x16xf32> to vector<16xf32>
      %swap3A_536 = vector.shape_cast %get3A_531 : vector<16xf32> to vector<1x16xf32>
      tpu.vector_store %arg11[%swap3A_532, %swap3A_533], %swap3A_536 {add = true, strides = array<i32>} : memref<128x128xf32, #tpu.memory_space<vmem>>, vector<1x16xf32>,
      %get3A_537 = arith.index_cast %add3A_527 : i32 to index
      %get3A_538 = arith.constant 16 : index
      %get3A_539 = tpu.vector_load %arg7[%get3A_537, %get3A_538] {strides = array<i32>} : memref<128x128xf32, #tpu.memory_space<vmem>>, vector<1x16xf32>,
      %get3A_540 = vector.shape_cast %get3A_539 : vector<1x16xf32> to vector<16xf32>
      %swap3A_541 = arith.index_cast %add3A_527 : i32 to index
      %swap3A_542 = arith.constant 16 : index
      %swap3A_543 = tpu.vector_load %arg11[%swap3A_541, %swap3A_542] {strides = array<i32>} : memref<128x128xf32, #tpu.memory_space<vmem>>, vector<1x16xf32>,
      %swap3A_544 = vector.shape_cast %swap3A_543 : vector<1x16xf32> to vector<16xf32>
      %swap3A_545 = vector.shape_cast %get3A_540 : vector<16xf32> to vector<1x16xf32>
      tpu.vector_store %arg11[%swap3A_541, %swap3A_542], %swap3A_545 {add = true, strides = array<i32>} : memref<128x128xf32, #tpu.memory_space<vmem>>, vector<1x16xf32>,
      %get3A_546 = arith.index_cast %add3A_527 : i32 to index
      %get3A_547 = arith.constant 32 : index
      %get3A_548 = tpu.vector_load %arg7[%get3A_546, %get3A_547] {strides = array<i32>} : memref<128x128xf32, #tpu.memory_space<vmem>>, vector<1x16xf32>,
      %get3A_549 = vector.shape_cast %get3A_548 : vector<1x16xf32> to vector<16xf32>
      %swap3A_550 = arith.index_cast %add3A_527 : i32 to index
      %swap3A_551 = arith.constant 32 : index
      %swap3A_552 = tpu.vector_load %arg11[%swap3A_550, %swap3A_551] {strides = array<i32>} : memref<128x128xf32, #tpu.memory_space<vmem>>, vector<1x16xf32>,
      %swap3A_553 = vector.shape_cast %swap3A_552 : vector<1x16xf32> to vector<16xf32>
      %swap3A_554 = vector.shape_cast %get3A_549 : vector<16xf32> to vector<1x16xf32>
      tpu.vector_store %arg11[%swap3A_550, %swap3A_551], %swap3A_554 {add = true, strides = array<i32>} : memref<128x128xf32, #tpu.memory_space<vmem>>, vector<1x16xf32>,
      %get3A_555 = arith.index_cast %add3A_527 : i32 to index
      %get3A_556 = arith.constant 48 : index
      %get3A_557 = tpu.vector_load %arg7[%get3A_555, %get3A_556] {strides = array<i32>} : memref<128x128xf32, #tpu.memory_space<vmem>>, vector<1x16xf32>,
      %get3A_558 = vector.shape_cast %get3A_557 : vector<1x16xf32> to vector<16xf32>
      %swap3A_559 = arith.index_cast %add3A_527 : i32 to index
      %swap3A_560 = arith.constant 48 : index
      %swap3A_561 = tpu.vector_load %arg11[%swap3A_559, %swap3A_560] {strides = array<i32>} : memref<128x128xf32, #tpu.memory_space<vmem>>, vector<1x16xf32>,
      %swap3A_562 = vector.shape_cast %swap3A_561 : vector<1x16xf32> to vector<16xf32>
      %swap3A_563 = vector.shape_cast %get3A_558 : vector<16xf32> to vector<1x16xf32>
      tpu.vector_store %arg11[%swap3A_559, %swap3A_560], %swap3A_563 {add = true, strides = array<i32>} : memref<128x128xf32, #tpu.memory_space<vmem>>, vector<1x16xf32>,
      %get3A_564 = arith.index_cast %add3A_527 : i32 to index
      %get3A_565 = arith.constant 64 : index
      %get3A_566 = tpu.vector_load %arg7[%get3A_564, %get3A_565] {strides = array<i32>} : memref<128x128xf32, #tpu.memory_space<vmem>>, vector<1x16xf32>,
      %get3A_567 = vector.shape_cast %get3A_566 : vector<1x16xf32> to vector<16xf32>
      %swap3A_568 = arith.index_cast %add3A_527 : i32 to index
      %swap3A_569 = arith.constant 64 : index
      %swap3A_570 = tpu.vector_load %arg11[%swap3A_568, %swap3A_569] {strides = array<i32>} : memref<128x128xf32, #tpu.memory_space<vmem>>, vector<1x16xf32>,
      %swap3A_571 = vector.shape_cast %swap3A_570 : vector<1x16xf32> to vector<16xf32>
      %swap3A_572 = vector.shape_cast %get3A_567 : vector<16xf32> to vector<1x16xf32>
      tpu.vector_store %arg11[%swap3A_568, %swap3A_569], %swap3A_572 {add = true, strides = array<i32>} : memref<128x128xf32, #tpu.memory_space<vmem>>, vector<1x16xf32>,
      %get3A_573 = arith.index_cast %add3A_527 : i32 to index
      %get3A_574 = arith.constant 80 : index
      %get3A_575 = tpu.vector_load %arg7[%get3A_573, %get3A_574] {strides = array<i32>} : memref<128x128xf32, #tpu.memory_space<vmem>>, vector<1x16xf32>,
      %get3A_576 = vector.shape_cast %get3A_575 : vector<1x16xf32> to vector<16xf32>
      %swap3A_577 = arith.index_cast %add3A_527 : i32 to index
      %swap3A_578 = arith.constant 80 : index
      %swap3A_579 = tpu.vector_load %arg11[%swap3A_577, %swap3A_578] {strides = array<i32>} : memref<128x128xf32, #tpu.memory_space<vmem>>, vector<1x16xf32>,
      %swap3A_580 = vector.shape_cast %swap3A_579 : vector<1x16xf32> to vector<16xf32>
      %swap3A_581 = vector.shape_cast %get3A_576 : vector<16xf32> to vector<1x16xf32>
      tpu.vector_store %arg11[%swap3A_577, %swap3A_578], %swap3A_581 {add = true, strides = array<i32>} : memref<128x128xf32, #tpu.memory_space<vmem>>, vector<1x16xf32>,
      %get3A_582 = arith.index_cast %add3A_527 : i32 to index
      %get3A_583 = arith.constant 96 : index
      %get3A_584 = tpu.vector_load %arg7[%get3A_582, %get3A_583] {strides = array<i32>} : memref<128x128xf32, #tpu.memory_space<vmem>>, vector<1x16xf32>,
      %get3A_585 = vector.shape_cast %get3A_584 : vector<1x16xf32> to vector<16xf32>
      %swap3A_586 = arith.index_cast %add3A_527 : i32 to index
      %swap3A_587 = arith.constant 96 : index
      %swap3A_588 = tpu.vector_load %arg11[%swap3A_586, %swap3A_587] {strides = array<i32>} : memref<128x128xf32, #tpu.memory_space<vmem>>, vector<1x16xf32>,
      %swap3A_589 = vector.shape_cast %swap3A_588 : vector<1x16xf32> to vector<16xf32>
      %swap3A_590 = vector.shape_cast %get3A_585 : vector<16xf32> to vector<1x16xf32>
      tpu.vector_store %arg11[%swap3A_586, %swap3A_587], %swap3A_590 {add = true, strides = array<i32>} : memref<128x128xf32, #tpu.memory_space<vmem>>, vector<1x16xf32>,
      %get3A_591 = arith.index_cast %add3A_527 : i32 to index
      %get3A_592 = arith.constant 112 : index
      %get3A_593 = tpu.vector_load %arg7[%get3A_591, %get3A_592] {strides = array<i32>} : memref<128x128xf32, #tpu.memory_space<vmem>>, vector<1x16xf32>,
      %get3A_594 = vector.shape_cast %get3A_593 : vector<1x16xf32> to vector<16xf32>
      %swap3A_595 = arith.index_cast %add3A_527 : i32 to index
      %swap3A_596 = arith.constant 112 : index
      %swap3A_597 = tpu.vector_load %arg11[%swap3A_595, %swap3A_596] {strides = array<i32>} : memref<128x128xf32, #tpu.memory_space<vmem>>, vector<1x16xf32>,
      %swap3A_598 = vector.shape_cast %swap3A_597 : vector<1x16xf32> to vector<16xf32>
      %swap3A_599 = vector.shape_cast %get3A_594 : vector<16xf32> to vector<1x16xf32>
      tpu.vector_store %arg11[%swap3A_595, %swap3A_596], %swap3A_599 {add = true, strides = array<i32>} : memref<128x128xf32, #tpu.memory_space<vmem>>, vector<1x16xf32>,
      %mul3A_600 = arith.constant 8 : i32
      %mul3A_601 = arith.muli %scan3A_69, %mul3A_600 : i32
      %add3A_602 = arith.constant 7 : i32
      %add3A_603 = arith.addi %mul3A_601, %add3A_602 : i32
      %get3A_604 = arith.index_cast %add3A_603 : i32 to index
      %get3A_605 = arith.constant 0 : index
      %get3A_606 = tpu.vector_load %arg7[%get3A_604, %get3A_605] {strides = array<i32>} : memref<128x128xf32, #tpu.memory_space<vmem>>, vector<1x16xf32>,
      %get3A_607 = vector.shape_cast %get3A_606 : vector<1x16xf32> to vector<16xf32>
      %swap3A_608 = arith.index_cast %add3A_603 : i32 to index
      %swap3A_609 = arith.constant 0 : index
      %swap3A_610 = tpu.vector_load %arg11[%swap3A_608, %swap3A_609] {strides = array<i32>} : memref<128x128xf32, #tpu.memory_space<vmem>>, vector<1x16xf32>,
      %swap3A_611 = vector.shape_cast %swap3A_610 : vector<1x16xf32> to vector<16xf32>
      %swap3A_612 = vector.shape_cast %get3A_607 : vector<16xf32> to vector<1x16xf32>
      tpu.vector_store %arg11[%swap3A_608, %swap3A_609], %swap3A_612 {add = true, strides = array<i32>} : memref<128x128xf32, #tpu.memory_space<vmem>>, vector<1x16xf32>,
      %get3A_613 = arith.index_cast %add3A_603 : i32 to index
      %get3A_614 = arith.constant 16 : index
      %get3A_615 = tpu.vector_load %arg7[%get3A_613, %get3A_614] {strides = array<i32>} : memref<128x128xf32, #tpu.memory_space<vmem>>, vector<1x16xf32>,
      %get3A_616 = vector.shape_cast %get3A_615 : vector<1x16xf32> to vector<16xf32>
      %swap3A_617 = arith.index_cast %add3A_603 : i32 to index
      %swap3A_618 = arith.constant 16 : index
      %swap3A_619 = tpu.vector_load %arg11[%swap3A_617, %swap3A_618] {strides = array<i32>} : memref<128x128xf32, #tpu.memory_space<vmem>>, vector<1x16xf32>,
      %swap3A_620 = vector.shape_cast %swap3A_619 : vector<1x16xf32> to vector<16xf32>
      %swap3A_621 = vector.shape_cast %get3A_616 : vector<16xf32> to vector<1x16xf32>
      tpu.vector_store %arg11[%swap3A_617, %swap3A_618], %swap3A_621 {add = true, strides = array<i32>} : memref<128x128xf32, #tpu.memory_space<vmem>>, vector<1x16xf32>,
      %get3A_622 = arith.index_cast %add3A_603 : i32 to index
      %get3A_623 = arith.constant 32 : index
      %get3A_624 = tpu.vector_load %arg7[%get3A_622, %get3A_623] {strides = array<i32>} : memref<128x128xf32, #tpu.memory_space<vmem>>, vector<1x16xf32>,
      %get3A_625 = vector.shape_cast %get3A_624 : vector<1x16xf32> to vector<16xf32>
      %swap3A_626 = arith.index_cast %add3A_603 : i32 to index
      %swap3A_627 = arith.constant 32 : index
      %swap3A_628 = tpu.vector_load %arg11[%swap3A_626, %swap3A_627] {strides = array<i32>} : memref<128x128xf32, #tpu.memory_space<vmem>>, vector<1x16xf32>,
      %swap3A_629 = vector.shape_cast %swap3A_628 : vector<1x16xf32> to vector<16xf32>
      %swap3A_630 = vector.shape_cast %get3A_625 : vector<16xf32> to vector<1x16xf32>
      tpu.vector_store %arg11[%swap3A_626, %swap3A_627], %swap3A_630 {add = true, strides = array<i32>} : memref<128x128xf32, #tpu.memory_space<vmem>>, vector<1x16xf32>,
      %get3A_631 = arith.index_cast %add3A_603 : i32 to index
      %get3A_632 = arith.constant 48 : index
      %get3A_633 = tpu.vector_load %arg7[%get3A_631, %get3A_632] {strides = array<i32>} : memref<128x128xf32, #tpu.memory_space<vmem>>, vector<1x16xf32>,
      %get3A_634 = vector.shape_cast %get3A_633 : vector<1x16xf32> to vector<16xf32>
      %swap3A_635 = arith.index_cast %add3A_603 : i32 to index
      %swap3A_636 = arith.constant 48 : index
      %swap3A_637 = tpu.vector_load %arg11[%swap3A_635, %swap3A_636] {strides = array<i32>} : memref<128x128xf32, #tpu.memory_space<vmem>>, vector<1x16xf32>,
      %swap3A_638 = vector.shape_cast %swap3A_637 : vector<1x16xf32> to vector<16xf32>
      %swap3A_639 = vector.shape_cast %get3A_634 : vector<16xf32> to vector<1x16xf32>
      tpu.vector_store %arg11[%swap3A_635, %swap3A_636], %swap3A_639 {add = true, strides = array<i32>} : memref<128x128xf32, #tpu.memory_space<vmem>>, vector<1x16xf32>,
      %get3A_640 = arith.index_cast %add3A_603 : i32 to index
      %get3A_641 = arith.constant 64 : index
      %get3A_642 = tpu.vector_load %arg7[%get3A_640, %get3A_641] {strides = array<i32>} : memref<128x128xf32, #tpu.memory_space<vmem>>, vector<1x16xf32>,
      %get3A_643 = vector.shape_cast %get3A_642 : vector<1x16xf32> to vector<16xf32>
      %swap3A_644 = arith.index_cast %add3A_603 : i32 to index
      %swap3A_645 = arith.constant 64 : index
      %swap3A_646 = tpu.vector_load %arg11[%swap3A_644, %swap3A_645] {strides = array<i32>} : memref<128x128xf32, #tpu.memory_space<vmem>>, vector<1x16xf32>,
      %swap3A_647 = vector.shape_cast %swap3A_646 : vector<1x16xf32> to vector<16xf32>
      %swap3A_648 = vector.shape_cast %get3A_643 : vector<16xf32> to vector<1x16xf32>
      tpu.vector_store %arg11[%swap3A_644, %swap3A_645], %swap3A_648 {add = true, strides = array<i32>} : memref<128x128xf32, #tpu.memory_space<vmem>>, vector<1x16xf32>,
      %get3A_649 = arith.index_cast %add3A_603 : i32 to index
      %get3A_650 = arith.constant 80 : index
      %get3A_651 = tpu.vector_load %arg7[%get3A_649, %get3A_650] {strides = array<i32>} : memref<128x128xf32, #tpu.memory_space<vmem>>, vector<1x16xf32>,
      %get3A_652 = vector.shape_cast %get3A_651 : vector<1x16xf32> to vector<16xf32>
      %swap3A_653 = arith.index_cast %add3A_603 : i32 to index
      %swap3A_654 = arith.constant 80 : index
      %swap3A_655 = tpu.vector_load %arg11[%swap3A_653, %swap3A_654] {strides = array<i32>} : memref<128x128xf32, #tpu.memory_space<vmem>>, vector<1x16xf32>,
      %swap3A_656 = vector.shape_cast %swap3A_655 : vector<1x16xf32> to vector<16xf32>
      %swap3A_657 = vector.shape_cast %get3A_652 : vector<16xf32> to vector<1x16xf32>
      tpu.vector_store %arg11[%swap3A_653, %swap3A_654], %swap3A_657 {add = true, strides = array<i32>} : memref<128x128xf32, #tpu.memory_space<vmem>>, vector<1x16xf32>,
      %get3A_658 = arith.index_cast %add3A_603 : i32 to index
      %get3A_659 = arith.constant 96 : index
      %get3A_660 = tpu.vector_load %arg7[%get3A_658, %get3A_659] {strides = array<i32>} : memref<128x128xf32, #tpu.memory_space<vmem>>, vector<1x16xf32>,
      %get3A_661 = vector.shape_cast %get3A_660 : vector<1x16xf32> to vector<16xf32>
      %swap3A_662 = arith.index_cast %add3A_603 : i32 to index
      %swap3A_663 = arith.constant 96 : index
      %swap3A_664 = tpu.vector_load %arg11[%swap3A_662, %swap3A_663] {strides = array<i32>} : memref<128x128xf32, #tpu.memory_space<vmem>>, vector<1x16xf32>,
      %swap3A_665 = vector.shape_cast %swap3A_664 : vector<1x16xf32> to vector<16xf32>
      %swap3A_666 = vector.shape_cast %get3A_661 : vector<16xf32> to vector<1x16xf32>
      tpu.vector_store %arg11[%swap3A_662, %swap3A_663], %swap3A_666 {add = true, strides = array<i32>} : memref<128x128xf32, #tpu.memory_space<vmem>>, vector<1x16xf32>,
      %get3A_667 = arith.index_cast %add3A_603 : i32 to index
      %get3A_668 = arith.constant 112 : index
      %get3A_669 = tpu.vector_load %arg7[%get3A_667, %get3A_668] {strides = array<i32>} : memref<128x128xf32, #tpu.memory_space<vmem>>, vector<1x16xf32>,
      %get3A_670 = vector.shape_cast %get3A_669 : vector<1x16xf32> to vector<16xf32>
      %swap3A_671 = arith.index_cast %add3A_603 : i32 to index
      %swap3A_672 = arith.constant 112 : index
      %swap3A_673 = tpu.vector_load %arg11[%swap3A_671, %swap3A_672] {strides = array<i32>} : memref<128x128xf32, #tpu.memory_space<vmem>>, vector<1x16xf32>,
      %swap3A_674 = vector.shape_cast %swap3A_673 : vector<1x16xf32> to vector<16xf32>
      %swap3A_675 = vector.shape_cast %get3A_670 : vector<16xf32> to vector<1x16xf32>
      tpu.vector_store %arg11[%swap3A_671, %swap3A_672], %swap3A_675 {add = true, strides = array<i32>} : memref<128x128xf32, #tpu.memory_space<vmem>>, vector<1x16xf32>,
    }
    %scan3A_66 = arith.constant 16 : i32
    %mul3A_67 = arith.constant 128 : i32
    %mul3A_68 = arith.muli %add3A, %mul3A_67 : i32
    "tpu.region"() ({
      %run_scoped3A = tpu.sem_alloc : memref<!tpu.dma_semaphore, #tpu.memory_space<semaphore_mem>>
      %dma_start3A_69 = arith.constant 0 : i32
      %dma_start3A_70 = tpu.memref_slice %arg4[%mul3A_68, %dma_start3A_69] : memref<4096x128xf32, #tpu.memory_space<hbm>> -> memref<128x128xf32, #tpu.memory_space<hbm>>
      %dma_start3A_71 = arith.constant 0 : i32
      %dma_start3A_72 = tpu.memref_slice %arg4[%mul3A_68, %dma_start3A_71] : memref<4096x128xf32, #tpu.memory_space<hbm>> -> memref<128x128xf32, #tpu.memory_space<hbm>>
      tpu.enqueue_dma source(%arg11 : memref<128x128xf32, #tpu.memory_space<vmem>>) target(%dma_start3A_72 : memref<128x128xf32, #tpu.memory_space<hbm>>) target_semaphore(%run_scoped3A : memref<!tpu.dma_semaphore, #tpu.memory_space<semaphore_mem>>)
      %dma_wait3A_73 = arith.constant 0 : i32
      %dma_wait3A_74 = tpu.memref_slice %arg4[%mul3A_68, %dma_wait3A_73] : memref<4096x128xf32, #tpu.memory_space<hbm>> -> memref<128x128xf32, #tpu.memory_space<hbm>>
      %dma_wait3A_75 = arith.constant 0 : i32
      %dma_wait3A_76 = tpu.memref_slice %arg4[%mul3A_68, %dma_wait3A_75] : memref<4096x128xf32, #tpu.memory_space<hbm>> -> memref<128x128xf32, #tpu.memory_space<hbm>>
      tpu.wait_dma2 semaphore(%run_scoped3A : memref<!tpu.dma_semaphore, #tpu.memory_space<semaphore_mem>>) src(%arg11 : memref<128x128xf32, #tpu.memory_space<vmem>>) dst(%dma_wait3A_76 : memref<128x128xf32, #tpu.memory_space<hbm>>)
      tpu.yield
    }) : () -> ()
    return
  }
}

</mosaic_0001>

<sc_bundles>
// kernel: _bag_sum.3.cloned.1.call-start
scs
__scs_entry_jumppad:
0x0: {  	(pc) =	sbr.rel $0x88, $3  }
0x1: {  	(tag) =	ssettag $0x0;
	lr =	simm.s32 $0x1  }
0x2: {  	[smem:$0x3F9F] =	sst lr;
	_ =	strace $0xD0000000  }
0x3: {  	_ = 	snop  }
0x4: {  	_ = 	snop  }
0x5: {  	_ = 	snop  }
0x6: {  	_ = 	snop  }
0x7: {  	_ = 	snop  }
__scs_overlays_trampoline_lowered:
0x8: {  	[smem:$0x3FAE] =	sst s0  }
0x9: {  	[smem:$0x3FAF] =	sst s1  }
0xa: {  	[smem:$0x3FB0] =	sst s2  }
0xb: {  	[smem:$0x3FB1] =	sst s3  }
0xc: {  	[smem:$0x3FB2] =	sst s4  }
0xd: {  	[smem:$0x3FB3] =	sst s5  }
0xe: {  	[smem:$0x3FB4] =	sst s6  }
0xf: {  	[smem:$0x3FB5] =	sst s7  }
0x10: {  	[smem:$0x3FB6] =	sst s8  }
0x11: {  	[smem:$0x3FB7] =	sst s9;
	s0 =	simm.s32 @!p0 $0x0  }
0x12: {  	s1 =	sld [smem:$0x3F9D];
	s0 =	simm.s32 @p0 $0x1  }
0x13: {  	[smem:$0x3FB8] =	sst s0;
	s0 =	simm.s32 @!p1 $0x0  }
0x14: {  	s2 =	sld [smem:$0x3F9C];
	s0 =	simm.s32 @p1 $0x1  }
0x15: {  	[smem:$0x3FB9] =	sst s0;
	s0 =	simm.s32 @!p2 $0x0  }
0x16: {  	s3 =	sld [smem:$0x3FDB];
	s0 =	simm.s32 @p2 $0x1  }
0x17: {  	s4 =	simm.s32 $0x1BF5;
	[smem:$0x3FBB] =	sst s0  }
0x18: {  	s0 =	sld [smem:$0x3F9E];
	_ =	swait.ge [sflag:s4], $0x0  }
0x19: {  	s7 =	sld [smem:$0x3F9F]  }
0x1a: {  	s8 =	sadd.s32 $0xFFFFE003, lr  }
0x1b: {  	s9 =	sadd.s32 $0xFFFFFEF7, lr;
	s5 =	simm.s32 $0xFFFFFFFF;
	p2 =	slt.u32 s8, $0xFFFFF086  }
0x1c: {  	p1 =	slt.u32 s9, $0xF7A;
	s5 =	simm.s32 @!p2 $0x0  }
0x1d: {  	s5 =	simm.s32 @p1 $0x1;
	p0 =	seq.s32 s7, s2  }
0x1e: {  	s7 =	smul.u32 @!p0 $0xF7A, s2;
	p2 =	seq.s32 @!p0 s5, $0x0  }
0x1f: {  	s9 =	smul.u32 $0xF7A, s1;
	s8 =	simm.s32 @!p0 $0x1BF5;
	p2 =	por !p2, p0  }
0x20: {  	[sflag:s8] =	ssyncset.s32 @!p0 $0xFFFFF086;
	s6 =	sadd.s32 @!p0 s3, s7;
	s7 =	simm.s32 @!p0 $0x108  }
0x21: {  	s3 =	sadd.s32 s3, s9;
	s6 =	sadd.s32 @!p0 $0x88, s6;
	s7 =	simm.s32 @p2 $0x1082  }
0x22: {  	[simem:s7], [sflag:s8] =	dma.local @!p0 [hbm:s6], $0xF7A  }
0x23: {  	s9 =	sor.u32 $0xD0000000, s2;
	s6 =	simm.s32 $0x108;
	_ =	swait.ge @!p0 [sflag:s8], $0x0  }
0x24: {  	s3 =	sadd.s32 $0x88, s3;
	s6 =	simm.s32 @!p1 $0x1082;
	[sflag:s4] =	ssyncset.s32 $0xFFFFF086  }
0x25: {  	[simem:s6], [sflag:s4] =	dma.local [hbm:s3], $0xF7A  }
0x26: {  	[smem:$0x3F9F] =	sst s1;
	(tag) =	ssettag s2;
	_ =	strace s9  }
0x27: {  	s1 =	sld [smem:$0x3FAF]  }
0x28: {  	s2 =	sld [smem:$0x3FB0]  }
0x29: {  	s4 =	sld [smem:$0x3FB2]  }
0x2a: {  	p0 =	seq.s32 s5, $0x0;
	s5 =	sld [smem:$0x3FB3]  }
0x2b: {  	s6 =	sld [smem:$0x3FB4]  }
0x2c: {  	s7 =	sld [smem:$0x3FB5]  }
0x2d: {  	s3 =	simm.s32 $0x108;
	s8 =	sld [smem:$0x3FB6]  }
0x2e: {  	s3 =	simm.s32 @!p0 $0x1082;
	s9 =	sld [smem:$0x3FB7]  }
0x2f: {  	lr =	sadd.s32 s0, s3;
	s0 =	sld [smem:$0x3FAE]  }
0x30: {  	s3 =	sld [smem:$0x3FB1]  }
0x31: {  	[smem:$0x3FBA] =	sst s10  }
0x32: {  	s10 =	sld [smem:$0x3FB8];
	_ =	sdelay $0x3  }
0x33: {  	p0 =	seq.s32 s10, $0x1;
	s10 =	sld [smem:$0x3FBA];
	_ =	sdelay $0x3  }
0x34: {  	[smem:$0x3FBA] =	sst s10  }
0x35: {  	s10 =	sld [smem:$0x3FB9];
	_ =	sdelay $0x3  }
0x36: {  	p1 =	seq.s32 s10, $0x1;
	s10 =	sld [smem:$0x3FBA];
	_ =	sdelay $0x3  }
0x37: {  	[smem:$0x3FBA] =	sst s10  }
0x38: {  	s10 =	sld [smem:$0x3FBB]  }
0x39: {  	_ = 	snop;
	(pc) =	sbr.ind lr, $3  }
0x3a: {  	_ = 	snop  }
0x3b: {  	_ = 	snop  }
0x3c: {  	p2 =	seq.s32 s10, $0x1;
	s10 =	sld [smem:$0x3FBA]  }
0x3d: {  	_ =	shalt  }
0x3e: {  	_ =	shalt  }
0x3f: {  	_ =	shalt  }
0x40: {  	_ =	shalt  }
0x41: {  	_ =	shalt  }
0x42: {  	_ =	shalt  }
0x43: {  	_ =	shalt  }
0x44: {  	_ =	shalt  }
0x45: {  	_ =	shalt  }
0x46: {  	_ =	shalt  }
0x47: {  	_ =	shalt  }
0x48: {  	_ =	shalt  }
0x49: {  	_ =	shalt  }
0x4a: {  	_ =	shalt  }
0x4b: {  	_ =	shalt  }
0x4c: {  	_ =	shalt  }
0x4d: {  	_ =	shalt  }
0x4e: {  	_ =	shalt  }
0x4f: {  	_ =	shalt  }
0x50: {  	_ =	shalt  }
0x51: {  	_ =	shalt  }
0x52: {  	_ =	shalt  }
0x53: {  	_ =	shalt  }
0x54: {  	_ =	shalt  }
0x55: {  	_ =	shalt  }
0x56: {  	_ =	shalt  }
0x57: {  	_ =	shalt  }
0x58: {  	_ =	shalt  }
0x59: {  	_ =	shalt  }
0x5a: {  	_ =	shalt  }
0x5b: {  	_ =	shalt  }
0x5c: {  	_ =	shalt  }
0x5d: {  	_ =	shalt  }
0x5e: {  	_ =	shalt  }
0x5f: {  	_ =	shalt  }
0x60: {  	_ =	shalt  }
0x61: {  	_ =	shalt  }
0x62: {  	_ =	shalt  }
0x63: {  	_ =	shalt  }
0x64: {  	_ =	shalt  }
0x65: {  	_ =	shalt  }
0x66: {  	_ =	shalt  }
0x67: {  	_ =	shalt  }
0x68: {  	_ =	shalt  }
0x69: {  	_ =	shalt  }
0x6a: {  	_ =	shalt  }
0x6b: {  	_ =	shalt  }
0x6c: {  	_ =	shalt  }
0x6d: {  	_ =	shalt  }
0x6e: {  	_ =	shalt  }
0x6f: {  	_ =	shalt  }
0x70: {  	_ =	shalt  }
0x71: {  	_ =	shalt  }
0x72: {  	_ =	shalt  }
0x73: {  	_ =	shalt  }
0x74: {  	_ =	shalt  }
0x75: {  	_ =	shalt  }
0x76: {  	_ =	shalt  }
0x77: {  	_ =	shalt  }
0x78: {  	_ =	shalt  }
0x79: {  	_ =	shalt  }
0x7a: {  	_ =	shalt  }
0x7b: {  	_ =	shalt  }
0x7c: {  	_ =	shalt  }
0x7d: {  	_ =	shalt  }
0x7e: {  	_ =	shalt  }
0x7f: {  	_ =	shalt  }
0x80: {  	_ =	shalt  }
0x81: {  	_ =	shalt  }
0x82: {  	_ =	shalt  }
0x83: {  	_ =	shalt  }
0x84: {  	_ =	shalt  }
0x85: {  	_ =	shalt  }
0x86: {  	_ =	shalt  }
0x87: {  	_ =	shalt  }
.Lfunc_end0:
.L_simem_size_0:
called_computation_lowered:
.L_overlay_start_0:
0x88: {  	s2 =	sld [smem:$0x3FD9]  }
0x89: {  	s3 =	sld [smem:$0x3FFE];
	_ =	sdelay $0x1  }
0x8a: {  	s1 =	srdreg.scid  }
0x8b: {  	s0 =	sand.u32 $0x1, s1  }
0x8c: {  	s18 =	sshll.u32 s0, $0xA;
	s2 =	sadd.s32 s3, s2  }
0x8d: {  	s2 =	sadd.s32 s2, s18  }
0x8e: {  	[smem:$0x3FC6] =	sst s2  }
0x8f: {  	_ = 	snop  }
0x90: {  	s2 =	sld [smem:$0x3FC9]  }
0x91: {  	s19 =	sld [smem:$0x3FC8]  }
0x92: {  	s4 =	sld [smem:$0x3FD0];
	(tm) =	ssettm $0x1  }
0x93: {  	s5 =	sld [smem:$0x3FFB];
	_ =	sdelay $0x3  }
0x94: {  	_ =	strace s5  }
0x95: {  	s5 =	sld [smem:$0x3FFC];
	_ =	sdelay $0x3  }
0x96: {  	_ =	strace s5  }
0x97: {  	s5 =	sld [smem:$0x3FFD];
	_ =	sdelay $0x3  }
0x98: {  	_ =	strace s5  }
0x99: {  	_ =	strace $0x8FFFFFFF  }
0x9a: {  	s20 =	sld [smem:$0x3FDB];
	_ =	sdelay $0x1  }
0x9b: {  	s6 =	simm.s32 $_scs_section_size  }
0x9c: {  	s7 =	simm.s32 $_size__tile_overlayer_lowered;
	s8 =	simm.s32 $_tile_overlayer_lowered  }
0x9d: {  	s23 =	simm.s32 $0x1BFF;
	s22 =	sshll.u32 s8, $0x1;
	s5 =	sadd.s32 s6, s20  }
0x9e: {  	s9 =	simm.s32 $0x0;
	s21 =	sshll.u32 s7, $0x1;
	s7 =	sadd.s32 s22, s5  }
0x9f: {  	[timem:s9], [sflag:s23] =	dma.local [hbm:s7], s21  }
0xa0: {  	_ =	swait.ge [sflag:s23], s21  }
0xa1: {  	s6 =	ssub.s32 $0x0, s21;
	[sflag:s23] =	ssyncset.done $0x0  }
0xa2: {  	[sflag:s23] =	ssyncadd.s32 s6;
	_ =	sdelay $0x1  }
0xa3: {  	s24 =	simm.s32 $0x1B8B  }
0xa4: {  	_ =	swait.ge [sflag:s24], $0x1  }
0xa5: {  	[sflag:s24] =	ssyncset.done $0x0  }
0xa6: {  	s25 =	simm.s32 $0x1B8E;
	[sflag:s24] =	ssyncadd.s32 $0xFFFFFFFF  }
0xa7: {  	s26 =	simm.s32 $execute0_lowered;
	[smem:$0x3FD2] =	sst s25  }
0xa8: {  	s6 =	sshll.u32 s26, $0x1;
	_ =	strace $0x80000046;
	[dreg:$0x1] =	wrdreg $0xFFFFFFFF  }
0xa9: {  	s28 =	simm.s32 $_size_execute0_lowered;
	s5 =	sadd.s32 s5, s6;
	[dreg:$0x0] =	wrdreg $0x0  }
0xaa: {  	s6 =	sshll.u32 s28, $0x1;
	[dreg:$0x2] =	wrdreg s5  }
0xab: {  	[dreg:$0x3] =	wrdreg s6  }
0xac: {  	[dreg:$0x4] =	wrdreg $0xC0  }
0xad: {  	_ =	task [dreg:s9], $0x5FFFF  }
0xae: {  	[dreg:$0x1] =	wrdreg $0xFFFFFFFF  }
0xaf: {  	[dreg:$0x0] =	wrdreg $0x60  }
0xb0: {  	[dreg:$0x2] =	wrdreg s2  }
0xb1: {  	[dreg:$0x3] =	wrdreg s19  }
0xb2: {  	[dreg:$0x4] =	wrdreg s4  }
0xb3: {  	[dreg:$0x5] =	wrdreg $0x9  }
0xb4: {  	_ =	task.clear_ibuf [dreg:s9], $0x6FFFF;
	_ =	strace $0x90000046  }
0xb5: {  	s29 =	simm.s32 $0x9;
	_ =	strace $0x80000048  }
0xb6: {  	_ =	swait.ge [sflag:s29], $0x1  }
0xb7: {  	[sflag:s29] =	ssyncadd.s32 $0xFFFFFFFF  }
0xb8: {  	_ =	strace $0x90000048  }
0xb9: {  	_ =	sfence  }
0xba: {  	s30 =	sld [smem:$0x0];
	_ =	sdelay $0x2  }
0xbb: {  	s31 =	sshll.u32 s1, $0xD;
	s1 =	sshrl.u32 s1, $0x2  }
0xbc: {  	s3 =	sand.u32 $0x4000, s31;
	s1 =	sadd.s32 s1, s30  }
0xbd: {  	s0 =	sor.u32 s3, s0;
	s1 =	sshll.u32 s1, $0x11  }
0xbe: {  	s0 =	sor.u32 s1, s0  }
0xbf: {  	s0 =	sadd.s32 $0x8F2B, s0  }
0xc0: {  	[sflag:s0] =	ssyncadd.remote.s32 $0x1  }
0xc1: {  	_ =	sfence.sel $0xFFFF  }
0xc2: {  	[dreg:$0x0] =	wrdreg $0xFFFFFFFF;
	(pc) =	sbr.abs _section_cstart, $3  }
0xc3: {  	[dreg:$0x1] =	wrdreg $0xFFFFFFFF  }
0xc4: {  	_ =	task.clear_ibuf [dreg:s9], $0x2FFFF;
	_ =	strace $0x9FFFFFFF  }
0xc5: {  	(tm) =	ssettm $0x7FFFFFFF  }
tec
execute0_lowered:
.L_overlay_start_1:
0x0: {  	(tag) =	ssettag $0x1  }
0x1: {  	s0 =	rddreg [dreg:$0x0]  }
0x2: {  	s1 =	rddreg [dreg:$0x1]  }
0x3: {  	s6 =	rddreg [dreg:$0x2];
	s4 =	srdreg.scid  }
0x4: {  	s3 =	simm.s32 $0x0;
	s2 =	stileid.u32;
	s9 =	simm.s32 $0x8000  }
0x5: {  	s10 =	simm.s32 $0x1800;
	s11 =	simm.s32 $0x6;
	s12 =	simm.s32 $0x80  }
0x6: {  	s13 =	simm.s32 $0x1C00;
	s14 =	simm.s32 $0x5C00;
	s15 =	simm.s32 $0x100  }
0x7: {  	s16 =	simm.s32 $0x9C00;
	s17 =	simm.s32 $0x180;
	s18 =	simm.s32 $0xDC00  }
0x8: {  	s19 =	simm.s32 $0x200;
	s20 =	simm.s32 $0x11C00;
	s21 =	simm.s32 $0x1  }
0x9: {  	s22 =	simm.s32 $0x2;
	s23 =	simm.s32 $0x3;
	s24 =	simm.s32 $0x4  }
0xa: {  	s25 =	simm.s32 $0x5;
	s26 =	simm.s32 $0x15C00;
	s4 =	sand.u32 $0x1, s4  }
0xb: {  	s28 =	simm.s32 $0x0;
	s5 =	sshll.u32 s2, $0x8;
	s7 =	sshll.u32 s4, $0x7  }
0xc: {  	[smem:$0x7FF] =	sst s3;
	s8 =	ssub.s32 $0x2, s4;
	s5 =	sor.u32 s7, s5  }
0xd: {  	_ =	strace $0x80000047;
	s30 =	sshrl.u32 s8, $0x1;
	s4 =	sadd.s32 s0, s5  }
0xe: {  	s31 =	sshll.u32 s5, $0x4;
	s7 =	ssub.s32 s8, s30;
	s8 =	simm.s32 $0x400  }
0xf: {  	s5 =	sadd.s32 $0x6000, s4;
	s6 =	sadd.s32 s6, s31;
	s7 =	smax.u32 s7, $0x1  }
.LBB2_1:
0x10: {  	[tilespmem:s3], [sflag:$0x6] =	stream.strided.gather [hbm4b:s4+s8], $0x1800, s9, s8, $0x38;
	[tilespmem:$0x19C00] =	vst v63  }
0x11: {  	_ = 	snop  }
0x12: {  	[tilespmem:s10], [sflag:$0x6] =	stream.linear.gather [hbm4b:s5+s3], $0x100, $0x38;
	[tilespmem:$0x19C00] =	vst v63  }
0x13: {  	_ =	swait.ge [sflag:s11], $0x1900  }
0x14: {  	[sflag:s11] =	ssyncset.done $0x0  }
0x15: {  	[sflag:s11] =	ssyncadd.s32 $0xFFFFE700  }
0x16: {  	[tilespmem:s13], [sflag:$0x1] =	stream.indirect.gather [hbm4b:s1+s12], $0x80, s3, s12, $0xb8;
	[tilespmem:$0x19C00] =	vst v63  }
0x17: {  	_ = 	snop  }
0x18: {  	[tilespmem:s14], [sflag:$0x2] =	stream.indirect.gather [hbm4b:s1+s12], $0x80, s12, s12, $0xb8;
	[tilespmem:$0x19C00] =	vst v63  }
0x19: {  	_ = 	snop  }
0x1a: {  	[tilespmem:s16], [sflag:$0x3] =	stream.indirect.gather [hbm4b:s1+s12], $0x80, s15, s12, $0xb8;
	[tilespmem:$0x19C00] =	vst v63  }
0x1b: {  	_ = 	snop  }
0x1c: {  	[tilespmem:s18], [sflag:$0x4] =	stream.indirect.gather [hbm4b:s1+s12], $0x80, s17, s12, $0xb8;
	[tilespmem:$0x19C00] =	vst v63  }
0x1d: {  	_ = 	snop  }
0x1e: {  	[tilespmem:s20], [sflag:$0x5] =	stream.indirect.gather [hbm4b:s1+s12], $0x80, s19, s12, $0xb8;
	[tilespmem:$0x19C00] =	vst v63  }
0x1f: {  	_ =	swait.ge [sflag:s21], $0x4000  }
0x20: {  	[sflag:s21] =	ssyncset.done $0x0  }
0x21: {  	s29 =	simm.s32 $0x0;
	[sflag:s21] =	ssyncadd.s32 $0xFFFFC000  }
0x22: {  	v0 =	vld [tilespmem:s29+$0x1FF0]  }
0x23: {  	v1 =	vld [tilespmem:s29+$0x1C00]  }
0x24: {  	v2 =	vld [tilespmem:s29+$0x1C10]  }
0x25: {  	v3 =	vld [tilespmem:s29+$0x1C20]  }
0x26: {  	v4 =	vld [tilespmem:s29+$0x1C30]  }
0x27: {  	v5 =	vld [tilespmem:s29+$0x1C40];
	[tilespmem:s29+$0x15FF0] =	vst v0  }
0x28: {  	v6 =	vld [tilespmem:s29+$0x1F80];
	[tilespmem:s29+$0x15C00] =	vst v1  }
0x29: {  	v7 =	vld [tilespmem:s29+$0x1F90];
	[tilespmem:s29+$0x15C10] =	vst v2  }
0x2a: {  	v0 =	vld [tilespmem:s29+$0x1C50];
	[tilespmem:s29+$0x15C20] =	vst v3  }
0x2b: {  	v1 =	vld [tilespmem:s29+$0x1C60];
	[tilespmem:s29+$0x15C30] =	vst v4  }
0x2c: {  	v2 =	vld [tilespmem:s29+$0x1C70];
	[tilespmem:s29+$0x15C40] =	vst v5  }
0x2d: {  	v3 =	vld [tilespmem:s29+$0x1C80];
	[tilespmem:s29+$0x15F80] =	vst v6  }
0x2e: {  	v4 =	vld [tilespmem:s29+$0x1C90];
	[tilespmem:s29+$0x15F90] =	vst v7  }
0x2f: {  	v5 =	vld [tilespmem:s29+$0x1F70];
	[tilespmem:s29+$0x15C50] =	vst v0  }
0x30: {  	v0 =	vld [tilespmem:s29+$0x1CA0];
	[tilespmem:s29+$0x15C60] =	vst v1  }
0x31: {  	v1 =	vld [tilespmem:s29+$0x1CB0];
	[tilespmem:s29+$0x15C70] =	vst v2  }
0x32: {  	v2 =	vld [tilespmem:s29+$0x1CC0];
	[tilespmem:s29+$0x15C80] =	vst v3  }
0x33: {  	v3 =	vld [tilespmem:s29+$0x1CD0];
	[tilespmem:s29+$0x15C90] =	vst v4  }
0x34: {  	v4 =	vld [tilespmem:s29+$0x1CE0];
	[tilespmem:s29+$0x15F70] =	vst v5  }
0x35: {  	[tilespmem:s29+$0x15CA0] =	vst v0;
	v0 =	vld [tilespmem:s29+$0x1CF0]  }
0x36: {  	[tilespmem:s29+$0x15CB0] =	vst v1;
	v1 =	vld [tilespmem:s29+$0x1D00]  }
0x37: {  	[tilespmem:s29+$0x15CC0] =	vst v2;
	v2 =	vld [tilespmem:s29+$0x1D10]  }
0x38: {  	[tilespmem:s29+$0x15CD0] =	vst v3;
	v3 =	vld [tilespmem:s29+$0x1D20]  }
0x39: {  	[tilespmem:s29+$0x15CE0] =	vst v4;
	v4 =	vld [tilespmem:s29+$0x1D30]  }
0x3a: {  	[tilespmem:s29+$0x15CF0] =	vst v0;
	v0 =	vld [tilespmem:s29+$0x1D40]  }
0x3b: {  	[tilespmem:s29+$0x15D00] =	vst v1;
	v1 =	vld [tilespmem:s29+$0x1D50]  }
0x3c: {  	[tilespmem:s29+$0x15D10] =	vst v2;
	v2 =	vld [tilespmem:s29+$0x1D60]  }
0x3d: {  	[tilespmem:s29+$0x15D20] =	vst v3;
	v3 =	vld [tilespmem:s29+$0x1D70]  }
0x3e: {  	[tilespmem:s29+$0x15D30] =	vst v4;
	v4 =	vld [tilespmem:s29+$0x1D80]  }
0x3f: {  	[tilespmem:s29+$0x15D40] =	vst v0;
	v0 =	vld [tilespmem:s29+$0x1D90]  }
0x40: {  	[tilespmem:s29+$0x15D50] =	vst v1;
	v1 =	vld [tilespmem:s29+$0x1DA0]  }
0x41: {  	[tilespmem:s29+$0x15D60] =	vst v2;
	v2 =	vld [tilespmem:s29+$0x1DB0]  }
0x42: {  	[tilespmem:s29+$0x15D70] =	vst v3;
	v3 =	vld [tilespmem:s29+$0x1DC0]  }
0x43: {  	[tilespmem:s29+$0x15D80] =	vst v4;
	v4 =	vld [tilespmem:s29+$0x1DD0]  }
0x44: {  	[tilespmem:s29+$0x15D90] =	vst v0;
	v0 =	vld [tilespmem:s29+$0x1DE0]  }
0x45: {  	[tilespmem:s29+$0x15DA0] =	vst v1;
	v1 =	vld [tilespmem:s29+$0x1DF0]  }
0x46: {  	[tilespmem:s29+$0x15DB0] =	vst v2;
	v2 =	vld [tilespmem:s29+$0x1E00]  }
0x47: {  	[tilespmem:s29+$0x15DC0] =	vst v3;
	v3 =	vld [tilespmem:s29+$0x1E10]  }
0x48: {  	[tilespmem:s29+$0x15DD0] =	vst v4;
	v4 =	vld [tilespmem:s29+$0x1E20]  }
0x49: {  	[tilespmem:s29+$0x15DE0] =	vst v0;
	v0 =	vld [tilespmem:s29+$0x1E30]  }
0x4a: {  	[tilespmem:s29+$0x15DF0] =	vst v1;
	v1 =	vld [tilespmem:s29+$0x1E40]  }
0x4b: {  	[tilespmem:s29+$0x15E00] =	vst v2;
	v2 =	vld [tilespmem:s29+$0x1E50]  }
0x4c: {  	[tilespmem:s29+$0x15E10] =	vst v3;
	v3 =	vld [tilespmem:s29+$0x1E60]  }
0x4d: {  	[tilespmem:s29+$0x15E20] =	vst v4;
	v4 =	vld [tilespmem:s29+$0x1E70]  }
0x4e: {  	[tilespmem:s29+$0x15E30] =	vst v0;
	v0 =	vld [tilespmem:s29+$0x1E80]  }
0x4f: {  	[tilespmem:s29+$0x15E40] =	vst v1;
	v1 =	vld [tilespmem:s29+$0x1E90]  }
0x50: {  	[tilespmem:s29+$0x15E50] =	vst v2;
	v2 =	vld [tilespmem:s29+$0x1EA0]  }
0x51: {  	[tilespmem:s29+$0x15E60] =	vst v3;
	v3 =	vld [tilespmem:s29+$0x1EB0]  }
0x52: {  	[tilespmem:s29+$0x15E70] =	vst v4;
	v4 =	vld [tilespmem:s29+$0x1EC0]  }
0x53: {  	[tilespmem:s29+$0x15E80] =	vst v0;
	v0 =	vld [tilespmem:s29+$0x1ED0]  }
0x54: {  	[tilespmem:s29+$0x15E90] =	vst v1;
	v1 =	vld [tilespmem:s29+$0x1EE0]  }
0x55: {  	[tilespmem:s29+$0x15EA0] =	vst v2;
	v2 =	vld [tilespmem:s29+$0x1EF0]  }
0x56: {  	[tilespmem:s29+$0x15EB0] =	vst v3;
	v3 =	vld [tilespmem:s29+$0x1F00]  }
0x57: {  	[tilespmem:s29+$0x15EC0] =	vst v4;
	v4 =	vld [tilespmem:s29+$0x1F10]  }
0x58: {  	[tilespmem:s29+$0x15ED0] =	vst v0;
	v0 =	vld [tilespmem:s29+$0x1F20]  }
0x59: {  	[tilespmem:s29+$0x15EE0] =	vst v1;
	v1 =	vld [tilespmem:s29+$0x1F30]  }
0x5a: {  	[tilespmem:s29+$0x15EF0] =	vst v2;
	v2 =	vld [tilespmem:s29+$0x1F40]  }
0x5b: {  	[tilespmem:s29+$0x15F00] =	vst v3;
	v3 =	vld [tilespmem:s29+$0x1F50]  }
0x5c: {  	[tilespmem:s29+$0x15F10] =	vst v4;
	v4 =	vld [tilespmem:s29+$0x1F60]  }
0x5d: {  	[tilespmem:s29+$0x15F20] =	vst v0;
	v0 =	vld [tilespmem:s29+$0x1FA0]  }
0x5e: {  	[tilespmem:s29+$0x15F30] =	vst v1;
	v1 =	vld [tilespmem:s29+$0x1FB0]  }
0x5f: {  	[tilespmem:s29+$0x15F40] =	vst v2;
	v2 =	vld [tilespmem:s29+$0x1FC0]  }
0x60: {  	[tilespmem:s29+$0x15F50] =	vst v3;
	v3 =	vld [tilespmem:s29+$0x1FD0]  }
0x61: {  	s30 =	simm.s32 $0x400;
	s0 =	simm.s32 $0x2000;
	[tilespmem:s29+$0x15F60] =	vst v4;
	v4 =	vld [tilespmem:s29+$0x1FE0]  }
.LBB2_2:
0x62: {  	p0 =	sne.s32 s0, $0xF000;
	v5 =	vld [tilespmem:s30+$0x1FF0];
	[tilespmem:s29+$0x15FA0] =	vst v0  }
0x63: {  	v0 =	vld [tilespmem:s30+$0x1C00];
	[tilespmem:s29+$0x15FB0] =	vst v1  }
0x64: {  	v1 =	vld [tilespmem:s30+$0x1C10];
	[tilespmem:s29+$0x15FC0] =	vst v2  }
0x65: {  	v2 =	vld [tilespmem:s30+$0x1C20];
	[tilespmem:s29+$0x15FD0] =	vst v3  }
0x66: {  	v3 =	vld [tilespmem:s30+$0x1C30];
	[tilespmem:s29+$0x15FE0] =	vst v4;
	s29 =	smov.u32 s30  }
0x67: {  	v4 =	vld [tilespmem:s29+$0x1C40];
	[tilespmem:s29+$0x15FF0] =	vst v5  }
0x68: {  	[tilespmem:s29+$0x15C00] =	vst v0;
	v0 =	vld [tilespmem:s29+$0x1C50]  }
0x69: {  	[tilespmem:s29+$0x15C10] =	vst v1;
	v1 =	vld [tilespmem:s29+$0x1C60]  }
0x6a: {  	[tilespmem:s29+$0x15C20] =	vst v2;
	v2 =	vld [tilespmem:s29+$0x1C70]  }
0x6b: {  	[tilespmem:s29+$0x15C30] =	vst v3;
	v3 =	vld [tilespmem:s29+$0x1C80]  }
0x6c: {  	[tilespmem:s29+$0x15C40] =	vst v4;
	v4 =	vld [tilespmem:s29+$0x1C90]  }
0x6d: {  	[tilespmem:s29+$0x15C50] =	vst v0;
	v0 =	vld [tilespmem:s29+$0x1CA0]  }
0x6e: {  	[tilespmem:s29+$0x15C60] =	vst v1;
	v1 =	vld [tilespmem:s29+$0x1CB0]  }
0x6f: {  	[tilespmem:s29+$0x15C70] =	vst v2;
	v2 =	vld [tilespmem:s29+$0x1CC0]  }
0x70: {  	[tilespmem:s29+$0x15C80] =	vst v3;
	v3 =	vld [tilespmem:s29+$0x1CD0]  }
0x71: {  	[tilespmem:s29+$0x15C90] =	vst v4;
	v4 =	vld [tilespmem:s29+$0x1CE0]  }
0x72: {  	[tilespmem:s29+$0x15CA0] =	vst v0;
	v0 =	vld [tilespmem:s29+$0x1CF0]  }
0x73: {  	[tilespmem:s29+$0x15CB0] =	vst v1;
	v1 =	vld [tilespmem:s29+$0x1D00]  }
0x74: {  	[tilespmem:s29+$0x15CC0] =	vst v2;
	v2 =	vld [tilespmem:s29+$0x1D10]  }
0x75: {  	[tilespmem:s29+$0x15CD0] =	vst v3;
	v3 =	vld [tilespmem:s29+$0x1D20]  }
0x76: {  	[tilespmem:s29+$0x15CE0] =	vst v4;
	v4 =	vld [tilespmem:s29+$0x1D30]  }
0x77: {  	[tilespmem:s29+$0x15CF0] =	vst v0;
	v0 =	vld [tilespmem:s29+$0x1D40]  }
0x78: {  	[tilespmem:s29+$0x15D00] =	vst v1;
	v1 =	vld [tilespmem:s29+$0x1D50]  }
0x79: {  	[tilespmem:s29+$0x15D10] =	vst v2;
	v2 =	vld [tilespmem:s29+$0x1D60]  }
0x7a: {  	[tilespmem:s29+$0x15D20] =	vst v3;
	v3 =	vld [tilespmem:s29+$0x1D70]  }
0x7b: {  	[tilespmem:s29+$0x15D30] =	vst v4;
	v4 =	vld [tilespmem:s29+$0x1D80]  }
0x7c: {  	[tilespmem:s29+$0x15D40] =	vst v0;
	v0 =	vld [tilespmem:s29+$0x1D90]  }
0x7d: {  	[tilespmem:s29+$0x15D50] =	vst v1;
	v1 =	vld [tilespmem:s29+$0x1DA0]  }
0x7e: {  	[tilespmem:s29+$0x15D60] =	vst v2;
	v2 =	vld [tilespmem:s29+$0x1DB0]  }
0x7f: {  	[tilespmem:s29+$0x15D70] =	vst v3;
	v3 =	vld [tilespmem:s29+$0x1DC0]  }
0x80: {  	[tilespmem:s29+$0x15D80] =	vst v4;
	v4 =	vld [tilespmem:s29+$0x1DD0]  }
0x81: {  	[tilespmem:s29+$0x15D90] =	vst v0;
	v0 =	vld [tilespmem:s29+$0x1DE0]  }
0x82: {  	[tilespmem:s29+$0x15DA0] =	vst v1;
	v1 =	vld [tilespmem:s29+$0x1DF0]  }
0x83: {  	[tilespmem:s29+$0x15DB0] =	vst v2;
	v2 =	vld [tilespmem:s29+$0x1E00]  }
0x84: {  	[tilespmem:s29+$0x15DC0] =	vst v3;
	v3 =	vld [tilespmem:s29+$0x1E10]  }
0x85: {  	[tilespmem:s29+$0x15DD0] =	vst v4;
	v4 =	vld [tilespmem:s29+$0x1E20]  }
0x86: {  	[tilespmem:s29+$0x15DE0] =	vst v0;
	v0 =	vld [tilespmem:s29+$0x1E30]  }
0x87: {  	[tilespmem:s29+$0x15DF0] =	vst v1;
	v1 =	vld [tilespmem:s29+$0x1E40]  }
0x88: {  	[tilespmem:s29+$0x15E00] =	vst v2;
	v2 =	vld [tilespmem:s29+$0x1E50]  }
0x89: {  	[tilespmem:s29+$0x15E10] =	vst v3;
	v3 =	vld [tilespmem:s29+$0x1E60]  }
0x8a: {  	[tilespmem:s29+$0x15E20] =	vst v4;
	v4 =	vld [tilespmem:s29+$0x1E70]  }
0x8b: {  	[tilespmem:s29+$0x15E30] =	vst v0;
	v0 =	vld [tilespmem:s29+$0x1E80]  }
0x8c: {  	[tilespmem:s29+$0x15E40] =	vst v1;
	v1 =	vld [tilespmem:s29+$0x1E90]  }
0x8d: {  	[tilespmem:s29+$0x15E50] =	vst v2;
	v2 =	vld [tilespmem:s29+$0x1EA0]  }
0x8e: {  	[tilespmem:s29+$0x15E60] =	vst v3;
	v3 =	vld [tilespmem:s29+$0x1EB0]  }
0x8f: {  	[tilespmem:s29+$0x15E70] =	vst v4;
	v4 =	vld [tilespmem:s29+$0x1EC0]  }
0x90: {  	[tilespmem:s29+$0x15E80] =	vst v0;
	v0 =	vld [tilespmem:s29+$0x1ED0]  }
0x91: {  	[tilespmem:s29+$0x15E90] =	vst v1;
	v1 =	vld [tilespmem:s29+$0x1EE0]  }
0x92: {  	[tilespmem:s29+$0x15EA0] =	vst v2;
	v2 =	vld [tilespmem:s29+$0x1EF0]  }
0x93: {  	[tilespmem:s29+$0x15EB0] =	vst v3;
	v3 =	vld [tilespmem:s29+$0x1F00]  }
0x94: {  	[tilespmem:s29+$0x15EC0] =	vst v4;
	v4 =	vld [tilespmem:s29+$0x1F10]  }
0x95: {  	[tilespmem:s29+$0x15ED0] =	vst v0;
	v0 =	vld [tilespmem:s29+$0x1F20]  }
0x96: {  	[tilespmem:s29+$0x15EE0] =	vst v1;
	v1 =	vld [tilespmem:s29+$0x1F30]  }
0x97: {  	[tilespmem:s29+$0x15EF0] =	vst v2;
	v2 =	vld [tilespmem:s29+$0x1F40]  }
0x98: {  	[tilespmem:s29+$0x15F00] =	vst v3;
	v3 =	vld [tilespmem:s29+$0x1F50]  }
0x99: {  	[tilespmem:s29+$0x15F10] =	vst v4;
	v4 =	vld [tilespmem:s29+$0x1F60]  }
0x9a: {  	[tilespmem:s29+$0x15F20] =	vst v0;
	v5 =	vld [tilespmem:s29+$0x1F70]  }
0x9b: {  	[tilespmem:s29+$0x15F30] =	vst v1;
	v6 =	vld [tilespmem:s29+$0x1F80]  }
0x9c: {  	[tilespmem:s29+$0x15F40] =	vst v2;
	v7 =	vld [tilespmem:s29+$0x1F90]  }
.Ltmp0:
0x9d: {  	[tilespmem:s29+$0x15F50] =	vst v3;
	v0 =	vld [tilespmem:s29+$0x1FA0];
	(pc) =	sbr.rel @p0 .LBB2_2-.Ltmp0, $4  }
0x9e: {  	[tilespmem:s29+$0x15F60] =	vst v4;
	v1 =	vld [tilespmem:s29+$0x1FB0]  }
0x9f: {  	[tilespmem:s29+$0x15F70] =	vst v5;
	v2 =	vld [tilespmem:s29+$0x1FC0]  }
0xa0: {  	[tilespmem:s29+$0x15F80] =	vst v6;
	v3 =	vld [tilespmem:s29+$0x1FD0]  }
0xa1: {  	s30 =	sshra.s32 s0, $0x2;
	s0 =	sadd.s32 $0x1000, s0;
	[tilespmem:s29+$0x15F90] =	vst v7;
	v4 =	vld [tilespmem:s29+$0x1FE0]  }
0xa2: {  	v5 =	vld [tilespmem:s30+$0x1FF0];
	[tilespmem:s29+$0x15FA0] =	vst v0  }
0xa3: {  	v0 =	vld [tilespmem:s30+$0x1C00];
	[tilespmem:s29+$0x15FB0] =	vst v1  }
0xa4: {  	v1 =	vld [tilespmem:s30+$0x1C10];
	[tilespmem:s29+$0x15FC0] =	vst v2  }
0xa5: {  	v2 =	vld [tilespmem:s30+$0x1C20];
	[tilespmem:s29+$0x15FD0] =	vst v3  }
0xa6: {  	v3 =	vld [tilespmem:s30+$0x1C30];
	[tilespmem:s29+$0x15FE0] =	vst v4  }
0xa7: {  	v4 =	vld [tilespmem:s30+$0x1C40];
	[tilespmem:s30+$0x15FF0] =	vst v5  }
0xa8: {  	v62 =	vld [tilespmem:s30+$0x1C50];
	[tilespmem:s30+$0x15C00] =	vst v0  }
0xa9: {  	v63 =	vld [tilespmem:s30+$0x1C60];
	[tilespmem:s30+$0x15C10] =	vst v1  }
0xaa: {  	v8 =	vld [tilespmem:s30+$0x1C70];
	[tilespmem:s30+$0x15C20] =	vst v2  }
0xab: {  	v9 =	vld [tilespmem:s30+$0x1C80];
	[tilespmem:s30+$0x15C30] =	vst v3  }
0xac: {  	v10 =	vld [tilespmem:s30+$0x1C90];
	[tilespmem:s30+$0x15C40] =	vst v4  }
0xad: {  	v11 =	vld [tilespmem:s30+$0x1CA0];
	[tilespmem:s30+$0x15C50] =	vst v62  }
0xae: {  	v12 =	vld [tilespmem:s30+$0x1CB0];
	[tilespmem:s30+$0x15C60] =	vst v63  }
0xaf: {  	v13 =	vld [tilespmem:s30+$0x1CC0];
	[tilespmem:s30+$0x15C70] =	vst v8  }
0xb0: {  	v14 =	vld [tilespmem:s30+$0x1CD0];
	[tilespmem:s30+$0x15C80] =	vst v9  }
0xb1: {  	v15 =	vld [tilespmem:s30+$0x1CE0];
	[tilespmem:s30+$0x15C90] =	vst v10  }
0xb2: {  	v16 =	vld [tilespmem:s30+$0x1CF0];
	[tilespmem:s30+$0x15CA0] =	vst v11  }
0xb3: {  	v17 =	vld [tilespmem:s30+$0x1D00];
	[tilespmem:s30+$0x15CB0] =	vst v12  }
0xb4: {  	v18 =	vld [tilespmem:s30+$0x1D10];
	[tilespmem:s30+$0x15CC0] =	vst v13  }
0xb5: {  	v19 =	vld [tilespmem:s30+$0x1D20];
	[tilespmem:s30+$0x15CD0] =	vst v14  }
0xb6: {  	v20 =	vld [tilespmem:s30+$0x1D30];
	[tilespmem:s30+$0x15CE0] =	vst v15  }
0xb7: {  	v21 =	vld [tilespmem:s30+$0x1D40];
	[tilespmem:s30+$0x15CF0] =	vst v16  }
0xb8: {  	v22 =	vld [tilespmem:s30+$0x1D50];
	[tilespmem:s30+$0x15D00] =	vst v17  }
0xb9: {  	v23 =	vld [tilespmem:s30+$0x1D60];
	[tilespmem:s30+$0x15D10] =	vst v18  }
0xba: {  	v24 =	vld [tilespmem:s30+$0x1D70];
	[tilespmem:s30+$0x15D20] =	vst v19  }
0xbb: {  	v25 =	vld [tilespmem:s30+$0x1D80];
	[tilespmem:s30+$0x15D30] =	vst v20  }
0xbc: {  	v26 =	vld [tilespmem:s30+$0x1D90];
	[tilespmem:s30+$0x15D40] =	vst v21  }
0xbd: {  	v27 =	vld [tilespmem:s30+$0x1DA0];
	[tilespmem:s30+$0x15D50] =	vst v22  }
0xbe: {  	v28 =	vld [tilespmem:s30+$0x1DB0];
	[tilespmem:s30+$0x15D60] =	vst v23  }
0xbf: {  	v29 =	vld [tilespmem:s30+$0x1DC0];
	[tilespmem:s30+$0x15D70] =	vst v24  }
0xc0: {  	v30 =	vld [tilespmem:s30+$0x1DD0];
	[tilespmem:s30+$0x15D80] =	vst v25  }
0xc1: {  	v31 =	vld [tilespmem:s30+$0x1DE0];
	[tilespmem:s30+$0x15D90] =	vst v26  }
0xc2: {  	v32 =	vld [tilespmem:s30+$0x1DF0];
	[tilespmem:s30+$0x15DA0] =	vst v27  }
0xc3: {  	v33 =	vld [tilespmem:s30+$0x1E00];
	[tilespmem:s30+$0x15DB0] =	vst v28  }
0xc4: {  	v34 =	vld [tilespmem:s30+$0x1E10];
	[tilespmem:s30+$0x15DC0] =	vst v29  }
0xc5: {  	v35 =	vld [tilespmem:s30+$0x1E20];
	[tilespmem:s30+$0x15DD0] =	vst v30  }
0xc6: {  	v36 =	vld [tilespmem:s30+$0x1E30];
	[tilespmem:s30+$0x15DE0] =	vst v31  }
0xc7: {  	v37 =	vld [tilespmem:s30+$0x1E40];
	[tilespmem:s30+$0x15DF0] =	vst v32  }
0xc8: {  	v38 =	vld [tilespmem:s30+$0x1E50];
	[tilespmem:s30+$0x15E00] =	vst v33  }
0xc9: {  	v39 =	vld [tilespmem:s30+$0x1E60];
	[tilespmem:s30+$0x15E10] =	vst v34  }
0xca: {  	v40 =	vld [tilespmem:s30+$0x1E70];
	[tilespmem:s30+$0x15E20] =	vst v35  }
0xcb: {  	v41 =	vld [tilespmem:s30+$0x1E80];
	[tilespmem:s30+$0x15E30] =	vst v36  }
0xcc: {  	v42 =	vld [tilespmem:s30+$0x1E90];
	[tilespmem:s30+$0x15E40] =	vst v37  }
0xcd: {  	v43 =	vld [tilespmem:s30+$0x1EA0];
	[tilespmem:s30+$0x15E50] =	vst v38  }
0xce: {  	v44 =	vld [tilespmem:s30+$0x1EB0];
	[tilespmem:s30+$0x15E60] =	vst v39  }
0xcf: {  	v45 =	vld [tilespmem:s30+$0x1EC0];
	[tilespmem:s30+$0x15E70] =	vst v40  }
0xd0: {  	v46 =	vld [tilespmem:s30+$0x1ED0];
	[tilespmem:s30+$0x15E80] =	vst v41  }
0xd1: {  	v47 =	vld [tilespmem:s30+$0x1EE0];
	[tilespmem:s30+$0x15E90] =	vst v42  }
0xd2: {  	v48 =	vld [tilespmem:s30+$0x1EF0];
	[tilespmem:s30+$0x15EA0] =	vst v43  }
0xd3: {  	v49 =	vld [tilespmem:s30+$0x1F00];
	[tilespmem:s30+$0x15EB0] =	vst v44  }
0xd4: {  	v50 =	vld [tilespmem:s30+$0x1F10];
	[tilespmem:s30+$0x15EC0] =	vst v45  }
0xd5: {  	v51 =	vld [tilespmem:s30+$0x1F20];
	[tilespmem:s30+$0x15ED0] =	vst v46  }
0xd6: {  	v52 =	vld [tilespmem:s30+$0x1F30];
	[tilespmem:s30+$0x15EE0] =	vst v47  }
0xd7: {  	v53 =	vld [tilespmem:s30+$0x1F40];
	[tilespmem:s30+$0x15EF0] =	vst v48  }
0xd8: {  	v54 =	vld [tilespmem:s30+$0x1F50];
	[tilespmem:s30+$0x15F00] =	vst v49  }
0xd9: {  	v55 =	vld [tilespmem:s30+$0x1F60];
	[tilespmem:s30+$0x15F10] =	vst v50  }
0xda: {  	v56 =	vld [tilespmem:s30+$0x1F70];
	[tilespmem:s30+$0x15F20] =	vst v51  }
0xdb: {  	v57 =	vld [tilespmem:s30+$0x1F80];
	[tilespmem:s30+$0x15F30] =	vst v52  }
0xdc: {  	v58 =	vld [tilespmem:s30+$0x1F90];
	[tilespmem:s30+$0x15F40] =	vst v53  }
0xdd: {  	v59 =	vld [tilespmem:s30+$0x1FA0];
	[tilespmem:s30+$0x15F50] =	vst v54  }
0xde: {  	v60 =	vld [tilespmem:s30+$0x1FB0];
	[tilespmem:s30+$0x15F60] =	vst v55  }
0xdf: {  	v61 =	vld [tilespmem:s30+$0x1FC0];
	[tilespmem:s30+$0x15F70] =	vst v56  }
0xe0: {  	[tilespmem:s30+$0x15F80] =	vst v57;
	v62 =	vld [tilespmem:s30+$0x1FD0]  }
0xe1: {  	[tilespmem:s30+$0x15F90] =	vst v58;
	v63 =	vld [tilespmem:s30+$0x1FE0]  }
0xe2: {  	[tilespmem:s30+$0x15FA0] =	vst v59  }
0xe3: {  	[tilespmem:s30+$0x15FB0] =	vst v60  }
0xe4: {  	[tilespmem:s30+$0x15FC0] =	vst v61  }
0xe5: {  	[tilespmem:s30+$0x15FD0] =	vst v62  }
0xe6: {  	s29 =	simm.s32 $0x0;
	[tilespmem:s30+$0x15FE0] =	vst v63  }
.LBB2_4:
0xe7: {  	p0 =	por $0x1, $0x1  }
.Ltmp1:
0xe8: {  	_ = 	snop;
	(pc) =	sbr.rel @!p0 .LBB2_6-.Ltmp1, $4  }
0xe9: {  	_ = 	snop  }
0xea: {  	_ =	swait.ge [sflag:s22], $0x4000  }
0xeb: {  	[sflag:s22] =	ssyncset.done $0x0  }
0xec: {  	s31 =	simm.s32 $0x0;
	s30 =	simm.s32 $0x1000;
	[sflag:s22] =	ssyncadd.s32 $0xFFFFC000  }
.LBB2_5:
0xed: {  	p0 =	sne.s32 s30, $0xF000;
	v0 =	vld [tilespmem:s31+$0x5FF0]  }
0xee: {  	v1 =	vld [tilespmem:s31+$0x5C00]  }
0xef: {  	v2 =	vld [tilespmem:s31+$0x5C10]  }
0xf0: {  	v3 =	vld [tilespmem:s31+$0x5C20]  }
0xf1: {  	v4 =	vld [tilespmem:s31+$0x5C30]  }
0xf2: {  	[tilespmem:s31+$0x15FF0] =	vst.add.f32.msk $0xffff, v0  }
0xf3: {  	v0 =	vld [tilespmem:s31+$0x5C40]  }
0xf4: {  	v5 =	vld [tilespmem:s31+$0x5C50]  }
0xf5: {  	v6 =	vld [tilespmem:s31+$0x5C60]  }
0xf6: {  	v7 =	vld [tilespmem:s31+$0x5C70]  }
0xf7: {  	v8 =	vld [tilespmem:s31+$0x5C80]  }
0xf8: {  	v9 =	vld [tilespmem:s31+$0x5C90]  }
0xf9: {  	v10 =	vld [tilespmem:s31+$0x5CA0]  }
0xfa: {  	v11 =	vld [tilespmem:s31+$0x5CB0]  }
0xfb: {  	v12 =	vld [tilespmem:s31+$0x5CC0]  }
0xfc: {  	v13 =	vld [tilespmem:s31+$0x5CD0]  }
0xfd: {  	v14 =	vld [tilespmem:s31+$0x5CE0]  }
0xfe: {  	v15 =	vld [tilespmem:s31+$0x5CF0]  }
0xff: {  	v16 =	vld [tilespmem:s31+$0x5D00]  }
0x100: {  	v17 =	vld [tilespmem:s31+$0x5D10]  }
0x101: {  	v18 =	vld [tilespmem:s31+$0x5D20]  }
0x102: {  	v19 =	vld [tilespmem:s31+$0x5D30]  }
0x103: {  	v20 =	vld [tilespmem:s31+$0x5D40]  }
0x104: {  	v21 =	vld [tilespmem:s31+$0x5D50]  }
0x105: {  	v22 =	vld [tilespmem:s31+$0x5D60]  }
0x106: {  	v23 =	vld [tilespmem:s31+$0x5D70]  }
0x107: {  	v24 =	vld [tilespmem:s31+$0x5D80]  }
0x108: {  	v25 =	vld [tilespmem:s31+$0x5D90]  }
0x109: {  	v26 =	vld [tilespmem:s31+$0x5DA0]  }
0x10a: {  	v27 =	vld [tilespmem:s31+$0x5DB0]  }
0x10b: {  	v28 =	vld [tilespmem:s31+$0x5DC0]  }
0x10c: {  	v29 =	vld [tilespmem:s31+$0x5DD0]  }
0x10d: {  	v30 =	vld [tilespmem:s31+$0x5DE0]  }
0x10e: {  	v31 =	vld [tilespmem:s31+$0x5DF0]  }
0x10f: {  	v32 =	vld [tilespmem:s31+$0x5E00]  }
0x110: {  	v33 =	vld [tilespmem:s31+$0x5E10]  }
0x111: {  	v34 =	vld [tilespmem:s31+$0x5E20]  }
0x112: {  	v35 =	vld [tilespmem:s31+$0x5E30]  }
0x113: {  	v36 =	vld [tilespmem:s31+$0x5E40]  }
0x114: {  	v37 =	vld [tilespmem:s31+$0x5E50]  }
0x115: {  	v38 =	vld [tilespmem:s31+$0x5E60]  }
0x116: {  	v39 =	vld [tilespmem:s31+$0x5E70]  }
0x117: {  	v40 =	vld [tilespmem:s31+$0x5E80]  }
0x118: {  	v41 =	vld [tilespmem:s31+$0x5E90]  }
0x119: {  	v42 =	vld [tilespmem:s31+$0x5EA0]  }
0x11a: {  	v43 =	vld [tilespmem:s31+$0x5EB0]  }
0x11b: {  	v44 =	vld [tilespmem:s31+$0x5EC0]  }
0x11c: {  	v45 =	vld [tilespmem:s31+$0x5ED0]  }
0x11d: {  	v46 =	vld [tilespmem:s31+$0x5EE0]  }
0x11e: {  	v47 =	vld [tilespmem:s31+$0x5EF0]  }
0x11f: {  	v48 =	vld [tilespmem:s31+$0x5F00]  }
0x120: {  	v49 =	vld [tilespmem:s31+$0x5F10]  }
0x121: {  	v50 =	vld [tilespmem:s31+$0x5F20]  }
0x122: {  	v51 =	vld [tilespmem:s31+$0x5F30]  }
0x123: {  	v52 =	vld [tilespmem:s31+$0x5F40]  }
0x124: {  	v53 =	vld [tilespmem:s31+$0x5F50]  }
0x125: {  	v54 =	vld [tilespmem:s31+$0x5F60]  }
0x126: {  	v55 =	vld [tilespmem:s31+$0x5F70]  }
0x127: {  	v56 =	vld [tilespmem:s31+$0x5F80]  }
0x128: {  	v57 =	vld [tilespmem:s31+$0x5F90]  }
0x129: {  	v58 =	vld [tilespmem:s31+$0x5FA0]  }
0x12a: {  	v59 =	vld [tilespmem:s31+$0x5FB0]  }
0x12b: {  	v60 =	vld [tilespmem:s31+$0x5FC0]  }
0x12c: {  	v61 =	vld [tilespmem:s31+$0x5FD0]  }
0x12d: {  	v62 =	vld [tilespmem:s31+$0x5FE0]  }
0x12e: {  	[tilespmem:s31+$0x15C00] =	vst.add.f32.msk $0xffff, v1  }
0x12f: {  	[tilespmem:s31+$0x15C10] =	vst.add.f32.msk $0xffff, v2  }
0x130: {  	[tilespmem:s31+$0x15C20] =	vst.add.f32.msk $0xffff, v3  }
0x131: {  	[tilespmem:s31+$0x15C30] =	vst.add.f32.msk $0xffff, v4  }
0x132: {  	[tilespmem:s31+$0x15C40] =	vst.add.f32.msk $0xffff, v0  }
0x133: {  	[tilespmem:s31+$0x15C50] =	vst.add.f32.msk $0xffff, v5  }
0x134: {  	[tilespmem:s31+$0x15C60] =	vst.add.f32.msk $0xffff, v6  }
0x135: {  	[tilespmem:s31+$0x15C70] =	vst.add.f32.msk $0xffff, v7  }
0x136: {  	[tilespmem:s31+$0x15C80] =	vst.add.f32.msk $0xffff, v8  }
0x137: {  	[tilespmem:s31+$0x15C90] =	vst.add.f32.msk $0xffff, v9  }
0x138: {  	[tilespmem:s31+$0x15CA0] =	vst.add.f32.msk $0xffff, v10  }
0x139: {  	[tilespmem:s31+$0x15CB0] =	vst.add.f32.msk $0xffff, v11  }
0x13a: {  	[tilespmem:s31+$0x15CC0] =	vst.add.f32.msk $0xffff, v12  }
0x13b: {  	[tilespmem:s31+$0x15CD0] =	vst.add.f32.msk $0xffff, v13  }
0x13c: {  	[tilespmem:s31+$0x15CE0] =	vst.add.f32.msk $0xffff, v14  }
0x13d: {  	[tilespmem:s31+$0x15CF0] =	vst.add.f32.msk $0xffff, v15  }
0x13e: {  	[tilespmem:s31+$0x15D00] =	vst.add.f32.msk $0xffff, v16  }
0x13f: {  	[tilespmem:s31+$0x15D10] =	vst.add.f32.msk $0xffff, v17  }
0x140: {  	[tilespmem:s31+$0x15D20] =	vst.add.f32.msk $0xffff, v18  }
0x141: {  	[tilespmem:s31+$0x15D30] =	vst.add.f32.msk $0xffff, v19  }
0x142: {  	[tilespmem:s31+$0x15D40] =	vst.add.f32.msk $0xffff, v20  }
0x143: {  	[tilespmem:s31+$0x15D50] =	vst.add.f32.msk $0xffff, v21  }
0x144: {  	[tilespmem:s31+$0x15D60] =	vst.add.f32.msk $0xffff, v22  }
0x145: {  	[tilespmem:s31+$0x15D70] =	vst.add.f32.msk $0xffff, v23  }
0x146: {  	[tilespmem:s31+$0x15D80] =	vst.add.f32.msk $0xffff, v24  }
0x147: {  	[tilespmem:s31+$0x15D90] =	vst.add.f32.msk $0xffff, v25  }
0x148: {  	[tilespmem:s31+$0x15DA0] =	vst.add.f32.msk $0xffff, v26  }
0x149: {  	[tilespmem:s31+$0x15DB0] =	vst.add.f32.msk $0xffff, v27  }
0x14a: {  	[tilespmem:s31+$0x15DC0] =	vst.add.f32.msk $0xffff, v28  }
0x14b: {  	[tilespmem:s31+$0x15DD0] =	vst.add.f32.msk $0xffff, v29  }
0x14c: {  	[tilespmem:s31+$0x15DE0] =	vst.add.f32.msk $0xffff, v30  }
0x14d: {  	[tilespmem:s31+$0x15DF0] =	vst.add.f32.msk $0xffff, v31  }
0x14e: {  	[tilespmem:s31+$0x15E00] =	vst.add.f32.msk $0xffff, v32  }
0x14f: {  	[tilespmem:s31+$0x15E10] =	vst.add.f32.msk $0xffff, v33  }
0x150: {  	[tilespmem:s31+$0x15E20] =	vst.add.f32.msk $0xffff, v34  }
0x151: {  	[tilespmem:s31+$0x15E30] =	vst.add.f32.msk $0xffff, v35  }
0x152: {  	[tilespmem:s31+$0x15E40] =	vst.add.f32.msk $0xffff, v36  }
0x153: {  	[tilespmem:s31+$0x15E50] =	vst.add.f32.msk $0xffff, v37  }
0x154: {  	[tilespmem:s31+$0x15E60] =	vst.add.f32.msk $0xffff, v38  }
0x155: {  	[tilespmem:s31+$0x15E70] =	vst.add.f32.msk $0xffff, v39  }
0x156: {  	[tilespmem:s31+$0x15E80] =	vst.add.f32.msk $0xffff, v40  }
0x157: {  	[tilespmem:s31+$0x15E90] =	vst.add.f32.msk $0xffff, v41  }
0x158: {  	[tilespmem:s31+$0x15EA0] =	vst.add.f32.msk $0xffff, v42  }
0x159: {  	[tilespmem:s31+$0x15EB0] =	vst.add.f32.msk $0xffff, v43  }
0x15a: {  	[tilespmem:s31+$0x15EC0] =	vst.add.f32.msk $0xffff, v44  }
0x15b: {  	[tilespmem:s31+$0x15ED0] =	vst.add.f32.msk $0xffff, v45  }
0x15c: {  	[tilespmem:s31+$0x15EE0] =	vst.add.f32.msk $0xffff, v46  }
0x15d: {  	[tilespmem:s31+$0x15EF0] =	vst.add.f32.msk $0xffff, v47  }
0x15e: {  	[tilespmem:s31+$0x15F00] =	vst.add.f32.msk $0xffff, v48  }
0x15f: {  	[tilespmem:s31+$0x15F10] =	vst.add.f32.msk $0xffff, v49  }
0x160: {  	[tilespmem:s31+$0x15F20] =	vst.add.f32.msk $0xffff, v50  }
0x161: {  	[tilespmem:s31+$0x15F30] =	vst.add.f32.msk $0xffff, v51  }
0x162: {  	[tilespmem:s31+$0x15F40] =	vst.add.f32.msk $0xffff, v52  }
0x163: {  	[tilespmem:s31+$0x15F50] =	vst.add.f32.msk $0xffff, v53  }
0x164: {  	[tilespmem:s31+$0x15F60] =	vst.add.f32.msk $0xffff, v54  }
0x165: {  	[tilespmem:s31+$0x15F70] =	vst.add.f32.msk $0xffff, v55  }
0x166: {  	[tilespmem:s31+$0x15F80] =	vst.add.f32.msk $0xffff, v56  }
0x167: {  	[tilespmem:s31+$0x15F90] =	vst.add.f32.msk $0xffff, v57  }
.Ltmp2:
0x168: {  	[tilespmem:s31+$0x15FA0] =	vst.add.f32.msk $0xffff, v58;
	(pc) =	sbr.rel @p0 .LBB2_5-.Ltmp2, $4  }
0x169: {  	[tilespmem:s31+$0x15FB0] =	vst.add.f32.msk $0xffff, v59  }
0x16a: {  	[tilespmem:s31+$0x15FC0] =	vst.add.f32.msk $0xffff, v60  }
0x16b: {  	[tilespmem:s31+$0x15FD0] =	vst.add.f32.msk $0xffff, v61  }
0x16c: {  	[tilespmem:s31+$0x15FE0] =	vst.add.f32.msk $0xffff, v62;
	s31 =	sshra.s32 s30, $0x2;
	s30 =	sadd.s32 $0x1000, s30  }
.LBB2_6:
0x16d: {  	v0 =	vld [tilespmem:s31+$0x5FF0]  }
0x16e: {  	v1 =	vld [tilespmem:s31+$0x5C00]  }
0x16f: {  	v2 =	vld [tilespmem:s31+$0x5C10]  }
0x170: {  	v3 =	vld [tilespmem:s31+$0x5C20]  }
0x171: {  	v4 =	vld [tilespmem:s31+$0x5C30]  }
0x172: {  	v5 =	vld [tilespmem:s31+$0x5C50]  }
0x173: {  	v6 =	vld [tilespmem:s31+$0x5C60]  }
0x174: {  	v7 =	vld [tilespmem:s31+$0x5C70]  }
0x175: {  	v8 =	vld [tilespmem:s31+$0x5C80]  }
0x176: {  	v9 =	vld [tilespmem:s31+$0x5C90]  }
0x177: {  	v10 =	vld [tilespmem:s31+$0x5CA0]  }
0x178: {  	v11 =	vld [tilespmem:s31+$0x5CB0]  }
0x179: {  	v12 =	vld [tilespmem:s31+$0x5CC0]  }
0x17a: {  	v13 =	vld [tilespmem:s31+$0x5CD0]  }
0x17b: {  	v14 =	vld [tilespmem:s31+$0x5CE0]  }
0x17c: {  	v15 =	vld [tilespmem:s31+$0x5CF0]  }
0x17d: {  	v16 =	vld [tilespmem:s31+$0x5D00]  }
0x17e: {  	v17 =	vld [tilespmem:s31+$0x5D10]  }
0x17f: {  	v18 =	vld [tilespmem:s31+$0x5D20]  }
0x180: {  	v19 =	vld [tilespmem:s31+$0x5D30]  }
0x181: {  	v20 =	vld [tilespmem:s31+$0x5D40]  }
0x182: {  	v21 =	vld [tilespmem:s31+$0x5D50]  }
0x183: {  	v22 =	vld [tilespmem:s31+$0x5D60]  }
0x184: {  	v23 =	vld [tilespmem:s31+$0x5D70]  }
0x185: {  	v24 =	vld [tilespmem:s31+$0x5D80]  }
0x186: {  	v25 =	vld [tilespmem:s31+$0x5D90]  }
0x187: {  	v26 =	vld [tilespmem:s31+$0x5DA0]  }
0x188: {  	v27 =	vld [tilespmem:s31+$0x5DB0]  }
0x189: {  	v28 =	vld [tilespmem:s31+$0x5DC0]  }
0x18a: {  	v29 =	vld [tilespmem:s31+$0x5DD0]  }
0x18b: {  	v30 =	vld [tilespmem:s31+$0x5DE0]  }
0x18c: {  	v31 =	vld [tilespmem:s31+$0x5DF0]  }
0x18d: {  	v32 =	vld [tilespmem:s31+$0x5E00]  }
0x18e: {  	v33 =	vld [tilespmem:s31+$0x5E10]  }
0x18f: {  	v34 =	vld [tilespmem:s31+$0x5E20]  }
0x190: {  	v35 =	vld [tilespmem:s31+$0x5E30]  }
0x191: {  	v36 =	vld [tilespmem:s31+$0x5E40]  }
0x192: {  	v37 =	vld [tilespmem:s31+$0x5E50]  }
0x193: {  	v38 =	vld [tilespmem:s31+$0x5E60]  }
0x194: {  	v39 =	vld [tilespmem:s31+$0x5E70]  }
0x195: {  	v40 =	vld [tilespmem:s31+$0x5E80]  }
0x196: {  	v41 =	vld [tilespmem:s31+$0x5E90]  }
0x197: {  	v42 =	vld [tilespmem:s31+$0x5EA0]  }
0x198: {  	v43 =	vld [tilespmem:s31+$0x5EB0]  }
0x199: {  	v44 =	vld [tilespmem:s31+$0x5EC0]  }
0x19a: {  	v45 =	vld [tilespmem:s31+$0x5ED0]  }
0x19b: {  	v46 =	vld [tilespmem:s31+$0x5EE0]  }
0x19c: {  	v47 =	vld [tilespmem:s31+$0x5EF0]  }
0x19d: {  	v48 =	vld [tilespmem:s31+$0x5F00]  }
0x19e: {  	v49 =	vld [tilespmem:s31+$0x5F10]  }
0x19f: {  	v50 =	vld [tilespmem:s31+$0x5F20]  }
0x1a0: {  	v51 =	vld [tilespmem:s31+$0x5F30]  }
0x1a1: {  	v52 =	vld [tilespmem:s31+$0x5F40]  }
0x1a2: {  	v53 =	vld [tilespmem:s31+$0x5F50]  }
0x1a3: {  	v54 =	vld [tilespmem:s31+$0x5F60]  }
0x1a4: {  	v55 =	vld [tilespmem:s31+$0x5F70]  }
0x1a5: {  	v56 =	vld [tilespmem:s31+$0x5F80]  }
0x1a6: {  	v57 =	vld [tilespmem:s31+$0x5F90]  }
0x1a7: {  	v58 =	vld [tilespmem:s31+$0x5FA0]  }
0x1a8: {  	v59 =	vld [tilespmem:s31+$0x5FB0]  }
0x1a9: {  	v60 =	vld [tilespmem:s31+$0x5FC0]  }
0x1aa: {  	v61 =	vld [tilespmem:s31+$0x5FD0]  }
0x1ab: {  	v62 =	vld [tilespmem:s31+$0x5FE0]  }
0x1ac: {  	[tilespmem:s31+$0x15FF0] =	vst.add.f32.msk $0xffff, v0  }
0x1ad: {  	v0 =	vld [tilespmem:s31+$0x5C40]  }
0x1ae: {  	[tilespmem:s31+$0x15C00] =	vst.add.f32.msk $0xffff, v1  }
0x1af: {  	[tilespmem:s31+$0x15C10] =	vst.add.f32.msk $0xffff, v2  }
0x1b0: {  	[tilespmem:s31+$0x15C20] =	vst.add.f32.msk $0xffff, v3  }
0x1b1: {  	[tilespmem:s31+$0x15C30] =	vst.add.f32.msk $0xffff, v4  }
0x1b2: {  	[tilespmem:s31+$0x15C50] =	vst.add.f32.msk $0xffff, v5  }
0x1b3: {  	[tilespmem:s31+$0x15C60] =	vst.add.f32.msk $0xffff, v6  }
0x1b4: {  	[tilespmem:s31+$0x15C70] =	vst.add.f32.msk $0xffff, v7  }
0x1b5: {  	[tilespmem:s31+$0x15C80] =	vst.add.f32.msk $0xffff, v8  }
0x1b6: {  	[tilespmem:s31+$0x15C90] =	vst.add.f32.msk $0xffff, v9  }
0x1b7: {  	[tilespmem:s31+$0x15CA0] =	vst.add.f32.msk $0xffff, v10  }
0x1b8: {  	[tilespmem:s31+$0x15CB0] =	vst.add.f32.msk $0xffff, v11  }
0x1b9: {  	[tilespmem:s31+$0x15CC0] =	vst.add.f32.msk $0xffff, v12  }
0x1ba: {  	[tilespmem:s31+$0x15CD0] =	vst.add.f32.msk $0xffff, v13  }
0x1bb: {  	[tilespmem:s31+$0x15CE0] =	vst.add.f32.msk $0xffff, v14  }
0x1bc: {  	[tilespmem:s31+$0x15CF0] =	vst.add.f32.msk $0xffff, v15  }
0x1bd: {  	[tilespmem:s31+$0x15D00] =	vst.add.f32.msk $0xffff, v16  }
0x1be: {  	[tilespmem:s31+$0x15D10] =	vst.add.f32.msk $0xffff, v17  }
0x1bf: {  	[tilespmem:s31+$0x15D20] =	vst.add.f32.msk $0xffff, v18  }
0x1c0: {  	[tilespmem:s31+$0x15D30] =	vst.add.f32.msk $0xffff, v19  }
0x1c1: {  	[tilespmem:s31+$0x15D40] =	vst.add.f32.msk $0xffff, v20  }
0x1c2: {  	[tilespmem:s31+$0x15D50] =	vst.add.f32.msk $0xffff, v21  }
0x1c3: {  	[tilespmem:s31+$0x15D60] =	vst.add.f32.msk $0xffff, v22  }
0x1c4: {  	[tilespmem:s31+$0x15D70] =	vst.add.f32.msk $0xffff, v23  }
0x1c5: {  	[tilespmem:s31+$0x15D80] =	vst.add.f32.msk $0xffff, v24  }
0x1c6: {  	[tilespmem:s31+$0x15D90] =	vst.add.f32.msk $0xffff, v25  }
0x1c7: {  	[tilespmem:s31+$0x15DA0] =	vst.add.f32.msk $0xffff, v26  }
0x1c8: {  	[tilespmem:s31+$0x15DB0] =	vst.add.f32.msk $0xffff, v27  }
0x1c9: {  	[tilespmem:s31+$0x15DC0] =	vst.add.f32.msk $0xffff, v28  }
0x1ca: {  	[tilespmem:s31+$0x15DD0] =	vst.add.f32.msk $0xffff, v29  }
0x1cb: {  	[tilespmem:s31+$0x15DE0] =	vst.add.f32.msk $0xffff, v30  }
0x1cc: {  	[tilespmem:s31+$0x15DF0] =	vst.add.f32.msk $0xffff, v31  }
0x1cd: {  	[tilespmem:s31+$0x15E00] =	vst.add.f32.msk $0xffff, v32  }
0x1ce: {  	[tilespmem:s31+$0x15E10] =	vst.add.f32.msk $0xffff, v33  }
0x1cf: {  	[tilespmem:s31+$0x15E20] =	vst.add.f32.msk $0xffff, v34  }
0x1d0: {  	[tilespmem:s31+$0x15E30] =	vst.add.f32.msk $0xffff, v35  }
0x1d1: {  	[tilespmem:s31+$0x15E40] =	vst.add.f32.msk $0xffff, v36  }
0x1d2: {  	[tilespmem:s31+$0x15E50] =	vst.add.f32.msk $0xffff, v37  }
0x1d3: {  	[tilespmem:s31+$0x15E60] =	vst.add.f32.msk $0xffff, v38  }
0x1d4: {  	[tilespmem:s31+$0x15E70] =	vst.add.f32.msk $0xffff, v39  }
0x1d5: {  	[tilespmem:s31+$0x15E80] =	vst.add.f32.msk $0xffff, v40  }
0x1d6: {  	[tilespmem:s31+$0x15E90] =	vst.add.f32.msk $0xffff, v41  }
0x1d7: {  	[tilespmem:s31+$0x15EA0] =	vst.add.f32.msk $0xffff, v42  }
0x1d8: {  	[tilespmem:s31+$0x15EB0] =	vst.add.f32.msk $0xffff, v43  }
0x1d9: {  	[tilespmem:s31+$0x15EC0] =	vst.add.f32.msk $0xffff, v44  }
0x1da: {  	[tilespmem:s31+$0x15ED0] =	vst.add.f32.msk $0xffff, v45  }
0x1db: {  	[tilespmem:s31+$0x15EE0] =	vst.add.f32.msk $0xffff, v46  }
0x1dc: {  	[tilespmem:s31+$0x15EF0] =	vst.add.f32.msk $0xffff, v47  }
0x1dd: {  	[tilespmem:s31+$0x15F00] =	vst.add.f32.msk $0xffff, v48  }
0x1de: {  	[tilespmem:s31+$0x15F10] =	vst.add.f32.msk $0xffff, v49  }
0x1df: {  	[tilespmem:s31+$0x15F20] =	vst.add.f32.msk $0xffff, v50  }
0x1e0: {  	[tilespmem:s31+$0x15F30] =	vst.add.f32.msk $0xffff, v51  }
0x1e1: {  	[tilespmem:s31+$0x15F40] =	vst.add.f32.msk $0xffff, v52  }
0x1e2: {  	[tilespmem:s31+$0x15F50] =	vst.add.f32.msk $0xffff, v53  }
0x1e3: {  	[tilespmem:s31+$0x15F60] =	vst.add.f32.msk $0xffff, v54  }
0x1e4: {  	[tilespmem:s31+$0x15F70] =	vst.add.f32.msk $0xffff, v55  }
0x1e5: {  	[tilespmem:s31+$0x15F80] =	vst.add.f32.msk $0xffff, v56  }
0x1e6: {  	[tilespmem:s31+$0x15F90] =	vst.add.f32.msk $0xffff, v57  }
0x1e7: {  	[tilespmem:s31+$0x15FA0] =	vst.add.f32.msk $0xffff, v58  }
0x1e8: {  	[tilespmem:s31+$0x15FB0] =	vst.add.f32.msk $0xffff, v59  }
0x1e9: {  	[tilespmem:s31+$0x15FC0] =	vst.add.f32.msk $0xffff, v60  }
0x1ea: {  	s0 =	sshll.u32 s29, $0x9;
	[tilespmem:s31+$0x15FD0] =	vst.add.f32.msk $0xffff, v61  }
0x1eb: {  	s30 =	sand.u32 $0x3FFFFE00, s0;
	[tilespmem:s31+$0x15FE0] =	vst.add.f32.msk $0xffff, v62  }
0x1ec: {  	s0 =	sadd.s32 $0x280, s30;
	[tilespmem:s31+$0x15C40] =	vst.add.f32.msk $0xffff, v0  }
0x1ed: {  	[tilespmem:s14], [sflag:$0x2] =	stream.indirect.gather [hbm4b:s1+s12], $0x80, s0, s12, $0xb8;
	[tilespmem:$0x19C00] =	vst v63  }
0x1ee: {  	_ =	swait.ge [sflag:s23], $0x4000  }
0x1ef: {  	[sflag:s23] =	ssyncset.done $0x0  }
0x1f0: {  	s31 =	simm.s32 $0x0;
	s0 =	simm.s32 $0x1000;
	[sflag:s23] =	ssyncadd.s32 $0xFFFFC000  }
.LBB2_7:
0x1f1: {  	p0 =	sne.s32 s0, $0xF000;
	v0 =	vld [tilespmem:s31+$0x9FF0]  }
0x1f2: {  	v1 =	vld [tilespmem:s31+$0x9C00]  }
0x1f3: {  	v2 =	vld [tilespmem:s31+$0x9C10]  }
0x1f4: {  	v3 =	vld [tilespmem:s31+$0x9C20]  }
0x1f5: {  	v4 =	vld [tilespmem:s31+$0x9C30]  }
0x1f6: {  	[tilespmem:s31+$0x15FF0] =	vst.add.f32.msk $0xffff, v0  }
0x1f7: {  	v0 =	vld [tilespmem:s31+$0x9C40]  }
0x1f8: {  	v5 =	vld [tilespmem:s31+$0x9C50]  }
0x1f9: {  	v6 =	vld [tilespmem:s31+$0x9C60]  }
0x1fa: {  	v7 =	vld [tilespmem:s31+$0x9C70]  }
0x1fb: {  	v8 =	vld [tilespmem:s31+$0x9C80]  }
0x1fc: {  	v9 =	vld [tilespmem:s31+$0x9C90]  }
0x1fd: {  	v10 =	vld [tilespmem:s31+$0x9CA0]  }
0x1fe: {  	v11 =	vld [tilespmem:s31+$0x9CB0]  }
0x1ff: {  	v12 =	vld [tilespmem:s31+$0x9CC0]  }
0x200: {  	v13 =	vld [tilespmem:s31+$0x9CD0]  }
0x201: {  	v14 =	vld [tilespmem:s31+$0x9CE0]  }
0x202: {  	v15 =	vld [tilespmem:s31+$0x9CF0]  }
0x203: {  	v16 =	vld [tilespmem:s31+$0x9D00]  }
0x204: {  	v17 =	vld [tilespmem:s31+$0x9D10]  }
0x205: {  	v18 =	vld [tilespmem:s31+$0x9D20]  }
0x206: {  	v19 =	vld [tilespmem:s31+$0x9D30]  }
0x207: {  	v20 =	vld [tilespmem:s31+$0x9D40]  }
0x208: {  	v21 =	vld [tilespmem:s31+$0x9D50]  }
0x209: {  	v22 =	vld [tilespmem:s31+$0x9D60]  }
0x20a: {  	v23 =	vld [tilespmem:s31+$0x9D70]  }
0x20b: {  	v24 =	vld [tilespmem:s31+$0x9D80]  }
0x20c: {  	v25 =	vld [tilespmem:s31+$0x9D90]  }
0x20d: {  	v26 =	vld [tilespmem:s31+$0x9DA0]  }
0x20e: {  	v27 =	vld [tilespmem:s31+$0x9DB0]  }
0x20f: {  	v28 =	vld [tilespmem:s31+$0x9DC0]  }
0x210: {  	v29 =	vld [tilespmem:s31+$0x9DD0]  }
0x211: {  	v30 =	vld [tilespmem:s31+$0x9DE0]  }
0x212: {  	v31 =	vld [tilespmem:s31+$0x9DF0]  }
0x213: {  	v32 =	vld [tilespmem:s31+$0x9E00]  }
0x214: {  	v33 =	vld [tilespmem:s31+$0x9E10]  }
0x215: {  	v34 =	vld [tilespmem:s31+$0x9E20]  }
0x216: {  	v35 =	vld [tilespmem:s31+$0x9E30]  }
0x217: {  	v36 =	vld [tilespmem:s31+$0x9E40]  }
0x218: {  	v37 =	vld [tilespmem:s31+$0x9E50]  }
0x219: {  	v38 =	vld [tilespmem:s31+$0x9E60]  }
0x21a: {  	v39 =	vld [tilespmem:s31+$0x9E70]  }
0x21b: {  	v40 =	vld [tilespmem:s31+$0x9E80]  }
0x21c: {  	v41 =	vld [tilespmem:s31+$0x9E90]  }
0x21d: {  	v42 =	vld [tilespmem:s31+$0x9EA0]  }
0x21e: {  	v43 =	vld [tilespmem:s31+$0x9EB0]  }
0x21f: {  	v44 =	vld [tilespmem:s31+$0x9EC0]  }
0x220: {  	v45 =	vld [tilespmem:s31+$0x9ED0]  }
0x221: {  	v46 =	vld [tilespmem:s31+$0x9EE0]  }
0x222: {  	v47 =	vld [tilespmem:s31+$0x9EF0]  }
0x223: {  	v48 =	vld [tilespmem:s31+$0x9F00]  }
0x224: {  	v49 =	vld [tilespmem:s31+$0x9F10]  }
0x225: {  	v50 =	vld [tilespmem:s31+$0x9F20]  }
0x226: {  	v51 =	vld [tilespmem:s31+$0x9F30]  }
0x227: {  	v52 =	vld [tilespmem:s31+$0x9F40]  }
0x228: {  	v53 =	vld [tilespmem:s31+$0x9F50]  }
0x229: {  	v54 =	vld [tilespmem:s31+$0x9F60]  }
0x22a: {  	v55 =	vld [tilespmem:s31+$0x9F70]  }
0x22b: {  	v56 =	vld [tilespmem:s31+$0x9F80]  }
0x22c: {  	v57 =	vld [tilespmem:s31+$0x9F90]  }
0x22d: {  	v58 =	vld [tilespmem:s31+$0x9FA0]  }
0x22e: {  	v59 =	vld [tilespmem:s31+$0x9FB0]  }
0x22f: {  	v60 =	vld [tilespmem:s31+$0x9FC0]  }
0x230: {  	v61 =	vld [tilespmem:s31+$0x9FD0]  }
0x231: {  	v62 =	vld [tilespmem:s31+$0x9FE0]  }
0x232: {  	[tilespmem:s31+$0x15C00] =	vst.add.f32.msk $0xffff, v1  }
0x233: {  	[tilespmem:s31+$0x15C10] =	vst.add.f32.msk $0xffff, v2  }
0x234: {  	[tilespmem:s31+$0x15C20] =	vst.add.f32.msk $0xffff, v3  }
0x235: {  	[tilespmem:s31+$0x15C30] =	vst.add.f32.msk $0xffff, v4  }
0x236: {  	[tilespmem:s31+$0x15C40] =	vst.add.f32.msk $0xffff, v0  }
0x237: {  	[tilespmem:s31+$0x15C50] =	vst.add.f32.msk $0xffff, v5  }
0x238: {  	[tilespmem:s31+$0x15C60] =	vst.add.f32.msk $0xffff, v6  }
0x239: {  	[tilespmem:s31+$0x15C70] =	vst.add.f32.msk $0xffff, v7  }
0x23a: {  	[tilespmem:s31+$0x15C80] =	vst.add.f32.msk $0xffff, v8  }
0x23b: {  	[tilespmem:s31+$0x15C90] =	vst.add.f32.msk $0xffff, v9  }
0x23c: {  	[tilespmem:s31+$0x15CA0] =	vst.add.f32.msk $0xffff, v10  }
0x23d: {  	[tilespmem:s31+$0x15CB0] =	vst.add.f32.msk $0xffff, v11  }
0x23e: {  	[tilespmem:s31+$0x15CC0] =	vst.add.f32.msk $0xffff, v12  }
0x23f: {  	[tilespmem:s31+$0x15CD0] =	vst.add.f32.msk $0xffff, v13  }
0x240: {  	[tilespmem:s31+$0x15CE0] =	vst.add.f32.msk $0xffff, v14  }
0x241: {  	[tilespmem:s31+$0x15CF0] =	vst.add.f32.msk $0xffff, v15  }
0x242: {  	[tilespmem:s31+$0x15D00] =	vst.add.f32.msk $0xffff, v16  }
0x243: {  	[tilespmem:s31+$0x15D10] =	vst.add.f32.msk $0xffff, v17  }
0x244: {  	[tilespmem:s31+$0x15D20] =	vst.add.f32.msk $0xffff, v18  }
0x245: {  	[tilespmem:s31+$0x15D30] =	vst.add.f32.msk $0xffff, v19  }
0x246: {  	[tilespmem:s31+$0x15D40] =	vst.add.f32.msk $0xffff, v20  }
0x247: {  	[tilespmem:s31+$0x15D50] =	vst.add.f32.msk $0xffff, v21  }
0x248: {  	[tilespmem:s31+$0x15D60] =	vst.add.f32.msk $0xffff, v22  }
0x249: {  	[tilespmem:s31+$0x15D70] =	vst.add.f32.msk $0xffff, v23  }
0x24a: {  	[tilespmem:s31+$0x15D80] =	vst.add.f32.msk $0xffff, v24  }
0x24b: {  	[tilespmem:s31+$0x15D90] =	vst.add.f32.msk $0xffff, v25  }
0x24c: {  	[tilespmem:s31+$0x15DA0] =	vst.add.f32.msk $0xffff, v26  }
0x24d: {  	[tilespmem:s31+$0x15DB0] =	vst.add.f32.msk $0xffff, v27  }
0x24e: {  	[tilespmem:s31+$0x15DC0] =	vst.add.f32.msk $0xffff, v28  }
0x24f: {  	[tilespmem:s31+$0x15DD0] =	vst.add.f32.msk $0xffff, v29  }
0x250: {  	[tilespmem:s31+$0x15DE0] =	vst.add.f32.msk $0xffff, v30  }
0x251: {  	[tilespmem:s31+$0x15DF0] =	vst.add.f32.msk $0xffff, v31  }
0x252: {  	[tilespmem:s31+$0x15E00] =	vst.add.f32.msk $0xffff, v32  }
0x253: {  	[tilespmem:s31+$0x15E10] =	vst.add.f32.msk $0xffff, v33  }
0x254: {  	[tilespmem:s31+$0x15E20] =	vst.add.f32.msk $0xffff, v34  }
0x255: {  	[tilespmem:s31+$0x15E30] =	vst.add.f32.msk $0xffff, v35  }
0x256: {  	[tilespmem:s31+$0x15E40] =	vst.add.f32.msk $0xffff, v36  }
0x257: {  	[tilespmem:s31+$0x15E50] =	vst.add.f32.msk $0xffff, v37  }
0x258: {  	[tilespmem:s31+$0x15E60] =	vst.add.f32.msk $0xffff, v38  }
0x259: {  	[tilespmem:s31+$0x15E70] =	vst.add.f32.msk $0xffff, v39  }
0x25a: {  	[tilespmem:s31+$0x15E80] =	vst.add.f32.msk $0xffff, v40  }
0x25b: {  	[tilespmem:s31+$0x15E90] =	vst.add.f32.msk $0xffff, v41  }
0x25c: {  	[tilespmem:s31+$0x15EA0] =	vst.add.f32.msk $0xffff, v42  }
0x25d: {  	[tilespmem:s31+$0x15EB0] =	vst.add.f32.msk $0xffff, v43  }
0x25e: {  	[tilespmem:s31+$0x15EC0] =	vst.add.f32.msk $0xffff, v44  }
0x25f: {  	[tilespmem:s31+$0x15ED0] =	vst.add.f32.msk $0xffff, v45  }
0x260: {  	[tilespmem:s31+$0x15EE0] =	vst.add.f32.msk $0xffff, v46  }
0x261: {  	[tilespmem:s31+$0x15EF0] =	vst.add.f32.msk $0xffff, v47  }
0x262: {  	[tilespmem:s31+$0x15F00] =	vst.add.f32.msk $0xffff, v48  }
0x263: {  	[tilespmem:s31+$0x15F10] =	vst.add.f32.msk $0xffff, v49  }
0x264: {  	[tilespmem:s31+$0x15F20] =	vst.add.f32.msk $0xffff, v50  }
0x265: {  	[tilespmem:s31+$0x15F30] =	vst.add.f32.msk $0xffff, v51  }
0x266: {  	[tilespmem:s31+$0x15F40] =	vst.add.f32.msk $0xffff, v52  }
0x267: {  	[tilespmem:s31+$0x15F50] =	vst.add.f32.msk $0xffff, v53  }
0x268: {  	[tilespmem:s31+$0x15F60] =	vst.add.f32.msk $0xffff, v54  }
0x269: {  	[tilespmem:s31+$0x15F70] =	vst.add.f32.msk $0xffff, v55  }
0x26a: {  	[tilespmem:s31+$0x15F80] =	vst.add.f32.msk $0xffff, v56  }
0x26b: {  	[tilespmem:s31+$0x15F90] =	vst.add.f32.msk $0xffff, v57  }
.Ltmp3:
0x26c: {  	[tilespmem:s31+$0x15FA0] =	vst.add.f32.msk $0xffff, v58;
	(pc) =	sbr.rel @p0 .LBB2_7-.Ltmp3, $4  }
0x26d: {  	[tilespmem:s31+$0x15FB0] =	vst.add.f32.msk $0xffff, v59  }
0x26e: {  	[tilespmem:s31+$0x15FC0] =	vst.add.f32.msk $0xffff, v60  }
0x26f: {  	[tilespmem:s31+$0x15FD0] =	vst.add.f32.msk $0xffff, v61  }
0x270: {  	[tilespmem:s31+$0x15FE0] =	vst.add.f32.msk $0xffff, v62;
	s31 =	sshra.s32 s0, $0x2;
	s0 =	sadd.s32 $0x1000, s0  }
0x271: {  	v0 =	vld [tilespmem:s31+$0x9FF0]  }
0x272: {  	v1 =	vld [tilespmem:s31+$0x9C00]  }
0x273: {  	v2 =	vld [tilespmem:s31+$0x9C10]  }
0x274: {  	v3 =	vld [tilespmem:s31+$0x9C20]  }
0x275: {  	v4 =	vld [tilespmem:s31+$0x9C30]  }
0x276: {  	v5 =	vld [tilespmem:s31+$0x9C50]  }
0x277: {  	v6 =	vld [tilespmem:s31+$0x9C60]  }
0x278: {  	v7 =	vld [tilespmem:s31+$0x9C70]  }
0x279: {  	v8 =	vld [tilespmem:s31+$0x9C80]  }
0x27a: {  	v9 =	vld [tilespmem:s31+$0x9C90]  }
0x27b: {  	v10 =	vld [tilespmem:s31+$0x9CA0]  }
0x27c: {  	v11 =	vld [tilespmem:s31+$0x9CB0]  }
0x27d: {  	v12 =	vld [tilespmem:s31+$0x9CC0]  }
0x27e: {  	v13 =	vld [tilespmem:s31+$0x9CD0]  }
0x27f: {  	v14 =	vld [tilespmem:s31+$0x9CE0]  }
0x280: {  	v15 =	vld [tilespmem:s31+$0x9CF0]  }
0x281: {  	v16 =	vld [tilespmem:s31+$0x9D00]  }
0x282: {  	v17 =	vld [tilespmem:s31+$0x9D10]  }
0x283: {  	v18 =	vld [tilespmem:s31+$0x9D20]  }
0x284: {  	v19 =	vld [tilespmem:s31+$0x9D30]  }
0x285: {  	v20 =	vld [tilespmem:s31+$0x9D40]  }
0x286: {  	v21 =	vld [tilespmem:s31+$0x9D50]  }
0x287: {  	v22 =	vld [tilespmem:s31+$0x9D60]  }
0x288: {  	v23 =	vld [tilespmem:s31+$0x9D70]  }
0x289: {  	v24 =	vld [tilespmem:s31+$0x9D80]  }
0x28a: {  	v25 =	vld [tilespmem:s31+$0x9D90]  }
0x28b: {  	v26 =	vld [tilespmem:s31+$0x9DA0]  }
0x28c: {  	v27 =	vld [tilespmem:s31+$0x9DB0]  }
0x28d: {  	v28 =	vld [tilespmem:s31+$0x9DC0]  }
0x28e: {  	v29 =	vld [tilespmem:s31+$0x9DD0]  }
0x28f: {  	v30 =	vld [tilespmem:s31+$0x9DE0]  }
0x290: {  	v31 =	vld [tilespmem:s31+$0x9DF0]  }
0x291: {  	v32 =	vld [tilespmem:s31+$0x9E00]  }
0x292: {  	v33 =	vld [tilespmem:s31+$0x9E10]  }
0x293: {  	v34 =	vld [tilespmem:s31+$0x9E20]  }
0x294: {  	v35 =	vld [tilespmem:s31+$0x9E30]  }
0x295: {  	v36 =	vld [tilespmem:s31+$0x9E40]  }
0x296: {  	v37 =	vld [tilespmem:s31+$0x9E50]  }
0x297: {  	v38 =	vld [tilespmem:s31+$0x9E60]  }
0x298: {  	v39 =	vld [tilespmem:s31+$0x9E70]  }
0x299: {  	v40 =	vld [tilespmem:s31+$0x9E80]  }
0x29a: {  	v41 =	vld [tilespmem:s31+$0x9E90]  }
0x29b: {  	v42 =	vld [tilespmem:s31+$0x9EA0]  }
0x29c: {  	v43 =	vld [tilespmem:s31+$0x9EB0]  }
0x29d: {  	v44 =	vld [tilespmem:s31+$0x9EC0]  }
0x29e: {  	v45 =	vld [tilespmem:s31+$0x9ED0]  }
0x29f: {  	v46 =	vld [tilespmem:s31+$0x9EE0]  }
0x2a0: {  	v47 =	vld [tilespmem:s31+$0x9EF0]  }
0x2a1: {  	v48 =	vld [tilespmem:s31+$0x9F00]  }
0x2a2: {  	v49 =	vld [tilespmem:s31+$0x9F10]  }
0x2a3: {  	v50 =	vld [tilespmem:s31+$0x9F20]  }
0x2a4: {  	v51 =	vld [tilespmem:s31+$0x9F30]  }
0x2a5: {  	v52 =	vld [tilespmem:s31+$0x9F40]  }
0x2a6: {  	v53 =	vld [tilespmem:s31+$0x9F50]  }
0x2a7: {  	v54 =	vld [tilespmem:s31+$0x9F60]  }
0x2a8: {  	v55 =	vld [tilespmem:s31+$0x9F70]  }
0x2a9: {  	v56 =	vld [tilespmem:s31+$0x9F80]  }
0x2aa: {  	v57 =	vld [tilespmem:s31+$0x9F90]  }
0x2ab: {  	v58 =	vld [tilespmem:s31+$0x9FA0]  }
0x2ac: {  	v59 =	vld [tilespmem:s31+$0x9FB0]  }
0x2ad: {  	v60 =	vld [tilespmem:s31+$0x9FC0]  }
0x2ae: {  	v61 =	vld [tilespmem:s31+$0x9FD0]  }
0x2af: {  	v62 =	vld [tilespmem:s31+$0x9FE0]  }
0x2b0: {  	[tilespmem:s31+$0x15FF0] =	vst.add.f32.msk $0xffff, v0  }
0x2b1: {  	v0 =	vld [tilespmem:s31+$0x9C40]  }
0x2b2: {  	[tilespmem:s31+$0x15C00] =	vst.add.f32.msk $0xffff, v1  }
0x2b3: {  	[tilespmem:s31+$0x15C10] =	vst.add.f32.msk $0xffff, v2  }
0x2b4: {  	[tilespmem:s31+$0x15C20] =	vst.add.f32.msk $0xffff, v3  }
0x2b5: {  	[tilespmem:s31+$0x15C30] =	vst.add.f32.msk $0xffff, v4  }
0x2b6: {  	[tilespmem:s31+$0x15C50] =	vst.add.f32.msk $0xffff, v5  }
0x2b7: {  	[tilespmem:s31+$0x15C60] =	vst.add.f32.msk $0xffff, v6  }
0x2b8: {  	[tilespmem:s31+$0x15C70] =	vst.add.f32.msk $0xffff, v7  }
0x2b9: {  	[tilespmem:s31+$0x15C80] =	vst.add.f32.msk $0xffff, v8  }
0x2ba: {  	[tilespmem:s31+$0x15C90] =	vst.add.f32.msk $0xffff, v9  }
0x2bb: {  	[tilespmem:s31+$0x15CA0] =	vst.add.f32.msk $0xffff, v10  }
0x2bc: {  	[tilespmem:s31+$0x15CB0] =	vst.add.f32.msk $0xffff, v11  }
0x2bd: {  	[tilespmem:s31+$0x15CC0] =	vst.add.f32.msk $0xffff, v12  }
0x2be: {  	[tilespmem:s31+$0x15CD0] =	vst.add.f32.msk $0xffff, v13  }
0x2bf: {  	[tilespmem:s31+$0x15CE0] =	vst.add.f32.msk $0xffff, v14  }
0x2c0: {  	[tilespmem:s31+$0x15CF0] =	vst.add.f32.msk $0xffff, v15  }
0x2c1: {  	[tilespmem:s31+$0x15D00] =	vst.add.f32.msk $0xffff, v16  }
0x2c2: {  	[tilespmem:s31+$0x15D10] =	vst.add.f32.msk $0xffff, v17  }
0x2c3: {  	[tilespmem:s31+$0x15D20] =	vst.add.f32.msk $0xffff, v18  }
0x2c4: {  	[tilespmem:s31+$0x15D30] =	vst.add.f32.msk $0xffff, v19  }
0x2c5: {  	[tilespmem:s31+$0x15D40] =	vst.add.f32.msk $0xffff, v20  }
0x2c6: {  	[tilespmem:s31+$0x15D50] =	vst.add.f32.msk $0xffff, v21  }
0x2c7: {  	[tilespmem:s31+$0x15D60] =	vst.add.f32.msk $0xffff, v22  }
0x2c8: {  	[tilespmem:s31+$0x15D70] =	vst.add.f32.msk $0xffff, v23  }
0x2c9: {  	[tilespmem:s31+$0x15D80] =	vst.add.f32.msk $0xffff, v24  }
0x2ca: {  	[tilespmem:s31+$0x15D90] =	vst.add.f32.msk $0xffff, v25  }
0x2cb: {  	[tilespmem:s31+$0x15DA0] =	vst.add.f32.msk $0xffff, v26  }
0x2cc: {  	[tilespmem:s31+$0x15DB0] =	vst.add.f32.msk $0xffff, v27  }
0x2cd: {  	[tilespmem:s31+$0x15DC0] =	vst.add.f32.msk $0xffff, v28  }
0x2ce: {  	[tilespmem:s31+$0x15DD0] =	vst.add.f32.msk $0xffff, v29  }
0x2cf: {  	[tilespmem:s31+$0x15DE0] =	vst.add.f32.msk $0xffff, v30  }
0x2d0: {  	[tilespmem:s31+$0x15DF0] =	vst.add.f32.msk $0xffff, v31  }
0x2d1: {  	[tilespmem:s31+$0x15E00] =	vst.add.f32.msk $0xffff, v32  }
0x2d2: {  	[tilespmem:s31+$0x15E10] =	vst.add.f32.msk $0xffff, v33  }
0x2d3: {  	[tilespmem:s31+$0x15E20] =	vst.add.f32.msk $0xffff, v34  }
0x2d4: {  	[tilespmem:s31+$0x15E30] =	vst.add.f32.msk $0xffff, v35  }
0x2d5: {  	[tilespmem:s31+$0x15E40] =	vst.add.f32.msk $0xffff, v36  }
0x2d6: {  	[tilespmem:s31+$0x15E50] =	vst.add.f32.msk $0xffff, v37  }
0x2d7: {  	[tilespmem:s31+$0x15E60] =	vst.add.f32.msk $0xffff, v38  }
0x2d8: {  	[tilespmem:s31+$0x15E70] =	vst.add.f32.msk $0xffff, v39  }
0x2d9: {  	[tilespmem:s31+$0x15E80] =	vst.add.f32.msk $0xffff, v40  }
0x2da: {  	[tilespmem:s31+$0x15E90] =	vst.add.f32.msk $0xffff, v41  }
0x2db: {  	[tilespmem:s31+$0x15EA0] =	vst.add.f32.msk $0xffff, v42  }
0x2dc: {  	[tilespmem:s31+$0x15EB0] =	vst.add.f32.msk $0xffff, v43  }
0x2dd: {  	[tilespmem:s31+$0x15EC0] =	vst.add.f32.msk $0xffff, v44  }
0x2de: {  	[tilespmem:s31+$0x15ED0] =	vst.add.f32.msk $0xffff, v45  }
0x2df: {  	[tilespmem:s31+$0x15EE0] =	vst.add.f32.msk $0xffff, v46  }
0x2e0: {  	[tilespmem:s31+$0x15EF0] =	vst.add.f32.msk $0xffff, v47  }
0x2e1: {  	[tilespmem:s31+$0x15F00] =	vst.add.f32.msk $0xffff, v48  }
0x2e2: {  	[tilespmem:s31+$0x15F10] =	vst.add.f32.msk $0xffff, v49  }
0x2e3: {  	[tilespmem:s31+$0x15F20] =	vst.add.f32.msk $0xffff, v50  }
0x2e4: {  	[tilespmem:s31+$0x15F30] =	vst.add.f32.msk $0xffff, v51  }
0x2e5: {  	[tilespmem:s31+$0x15F40] =	vst.add.f32.msk $0xffff, v52  }
0x2e6: {  	[tilespmem:s31+$0x15F50] =	vst.add.f32.msk $0xffff, v53  }
0x2e7: {  	[tilespmem:s31+$0x15F60] =	vst.add.f32.msk $0xffff, v54  }
0x2e8: {  	[tilespmem:s31+$0x15F70] =	vst.add.f32.msk $0xffff, v55  }
0x2e9: {  	[tilespmem:s31+$0x15F80] =	vst.add.f32.msk $0xffff, v56  }
0x2ea: {  	[tilespmem:s31+$0x15F90] =	vst.add.f32.msk $0xffff, v57  }
0x2eb: {  	[tilespmem:s31+$0x15FA0] =	vst.add.f32.msk $0xffff, v58  }
0x2ec: {  	[tilespmem:s31+$0x15FB0] =	vst.add.f32.msk $0xffff, v59  }
0x2ed: {  	[tilespmem:s31+$0x15FC0] =	vst.add.f32.msk $0xffff, v60  }
0x2ee: {  	[tilespmem:s31+$0x15FD0] =	vst.add.f32.msk $0xffff, v61  }
0x2ef: {  	p0 =	seq.s32 s29, $0xB;
	[tilespmem:s31+$0x15FE0] =	vst.add.f32.msk $0xffff, v62  }
0x2f0: {  	s0 =	sadd.s32 @!p0 $0x300, s30;
	s2 =	simm.s32 @!p0 $0x9C00;
	[tilespmem:s31+$0x15C40] =	vst.add.f32.msk $0xffff, v0;
	s31 =	simm.s32 @!p0 $0x80  }
0x2f1: {  	[tilespmem:s2], [sflag:$0x3] =	stream.indirect.gather @!p0 [hbm4b:s1+s31], $0x80, s0, s31, $0xb8;
	[tilespmem:$0x19C00] =	vst v63  }
0x2f2: {  	_ =	swait.ge [sflag:s24], $0x4000  }
0x2f3: {  	[sflag:s24] =	ssyncset.done $0x0  }
0x2f4: {  	s31 =	simm.s32 $0x0;
	s0 =	simm.s32 $0x1000;
	[sflag:s24] =	ssyncadd.s32 $0xFFFFC000  }
.LBB2_9:
0x2f5: {  	p1 =	sne.s32 s0, $0xF000;
	v0 =	vld [tilespmem:s31+$0xDFF0]  }
0x2f6: {  	v1 =	vld [tilespmem:s31+$0xDC00]  }
0x2f7: {  	v2 =	vld [tilespmem:s31+$0xDC10]  }
0x2f8: {  	v3 =	vld [tilespmem:s31+$0xDC20]  }
0x2f9: {  	v4 =	vld [tilespmem:s31+$0xDC30]  }
0x2fa: {  	[tilespmem:s31+$0x15FF0] =	vst.add.f32.msk $0xffff, v0  }
0x2fb: {  	v0 =	vld [tilespmem:s31+$0xDC40]  }
0x2fc: {  	v5 =	vld [tilespmem:s31+$0xDC50]  }
0x2fd: {  	v6 =	vld [tilespmem:s31+$0xDC60]  }
0x2fe: {  	v7 =	vld [tilespmem:s31+$0xDC70]  }
0x2ff: {  	v8 =	vld [tilespmem:s31+$0xDC80]  }
0x300: {  	v9 =	vld [tilespmem:s31+$0xDC90]  }
0x301: {  	v10 =	vld [tilespmem:s31+$0xDCA0]  }
0x302: {  	v11 =	vld [tilespmem:s31+$0xDCB0]  }
0x303: {  	v12 =	vld [tilespmem:s31+$0xDCC0]  }
0x304: {  	v13 =	vld [tilespmem:s31+$0xDCD0]  }
0x305: {  	v14 =	vld [tilespmem:s31+$0xDCE0]  }
0x306: {  	v15 =	vld [tilespmem:s31+$0xDCF0]  }
0x307: {  	v16 =	vld [tilespmem:s31+$0xDD00]  }
0x308: {  	v17 =	vld [tilespmem:s31+$0xDD10]  }
0x309: {  	v18 =	vld [tilespmem:s31+$0xDD20]  }
0x30a: {  	v19 =	vld [tilespmem:s31+$0xDD30]  }
0x30b: {  	v20 =	vld [tilespmem:s31+$0xDD40]  }
0x30c: {  	v21 =	vld [tilespmem:s31+$0xDD50]  }
0x30d: {  	v22 =	vld [tilespmem:s31+$0xDD60]  }
0x30e: {  	v23 =	vld [tilespmem:s31+$0xDD70]  }
0x30f: {  	v24 =	vld [tilespmem:s31+$0xDD80]  }
0x310: {  	v25 =	vld [tilespmem:s31+$0xDD90]  }
0x311: {  	v26 =	vld [tilespmem:s31+$0xDDA0]  }
0x312: {  	v27 =	vld [tilespmem:s31+$0xDDB0]  }
0x313: {  	v28 =	vld [tilespmem:s31+$0xDDC0]  }
0x314: {  	v29 =	vld [tilespmem:s31+$0xDDD0]  }
0x315: {  	v30 =	vld [tilespmem:s31+$0xDDE0]  }
0x316: {  	v31 =	vld [tilespmem:s31+$0xDDF0]  }
0x317: {  	v32 =	vld [tilespmem:s31+$0xDE00]  }
0x318: {  	v33 =	vld [tilespmem:s31+$0xDE10]  }
0x319: {  	v34 =	vld [tilespmem:s31+$0xDE20]  }
0x31a: {  	v35 =	vld [tilespmem:s31+$0xDE30]  }
0x31b: {  	v36 =	vld [tilespmem:s31+$0xDE40]  }
0x31c: {  	v37 =	vld [tilespmem:s31+$0xDE50]  }
0x31d: {  	v38 =	vld [tilespmem:s31+$0xDE60]  }
0x31e: {  	v39 =	vld [tilespmem:s31+$0xDE70]  }
0x31f: {  	v40 =	vld [tilespmem:s31+$0xDE80]  }
0x320: {  	v41 =	vld [tilespmem:s31+$0xDE90]  }
0x321: {  	v42 =	vld [tilespmem:s31+$0xDEA0]  }
0x322: {  	v43 =	vld [tilespmem:s31+$0xDEB0]  }
0x323: {  	v44 =	vld [tilespmem:s31+$0xDEC0]  }
0x324: {  	v45 =	vld [tilespmem:s31+$0xDED0]  }
0x325: {  	v46 =	vld [tilespmem:s31+$0xDEE0]  }
0x326: {  	v47 =	vld [tilespmem:s31+$0xDEF0]  }
0x327: {  	v48 =	vld [tilespmem:s31+$0xDF00]  }
0x328: {  	v49 =	vld [tilespmem:s31+$0xDF10]  }
0x329: {  	v50 =	vld [tilespmem:s31+$0xDF20]  }
0x32a: {  	v51 =	vld [tilespmem:s31+$0xDF30]  }
0x32b: {  	v52 =	vld [tilespmem:s31+$0xDF40]  }
0x32c: {  	v53 =	vld [tilespmem:s31+$0xDF50]  }
0x32d: {  	v54 =	vld [tilespmem:s31+$0xDF60]  }
0x32e: {  	v55 =	vld [tilespmem:s31+$0xDF70]  }
0x32f: {  	v56 =	vld [tilespmem:s31+$0xDF80]  }
0x330: {  	v57 =	vld [tilespmem:s31+$0xDF90]  }
0x331: {  	v58 =	vld [tilespmem:s31+$0xDFA0]  }
0x332: {  	v59 =	vld [tilespmem:s31+$0xDFB0]  }
0x333: {  	v60 =	vld [tilespmem:s31+$0xDFC0]  }
0x334: {  	v61 =	vld [tilespmem:s31+$0xDFD0]  }
0x335: {  	v62 =	vld [tilespmem:s31+$0xDFE0]  }
0x336: {  	[tilespmem:s31+$0x15C00] =	vst.add.f32.msk $0xffff, v1  }
0x337: {  	[tilespmem:s31+$0x15C10] =	vst.add.f32.msk $0xffff, v2  }
0x338: {  	[tilespmem:s31+$0x15C20] =	vst.add.f32.msk $0xffff, v3  }
0x339: {  	[tilespmem:s31+$0x15C30] =	vst.add.f32.msk $0xffff, v4  }
0x33a: {  	[tilespmem:s31+$0x15C40] =	vst.add.f32.msk $0xffff, v0  }
0x33b: {  	[tilespmem:s31+$0x15C50] =	vst.add.f32.msk $0xffff, v5  }
0x33c: {  	[tilespmem:s31+$0x15C60] =	vst.add.f32.msk $0xffff, v6  }
0x33d: {  	[tilespmem:s31+$0x15C70] =	vst.add.f32.msk $0xffff, v7  }
0x33e: {  	[tilespmem:s31+$0x15C80] =	vst.add.f32.msk $0xffff, v8  }
0x33f: {  	[tilespmem:s31+$0x15C90] =	vst.add.f32.msk $0xffff, v9  }
0x340: {  	[tilespmem:s31+$0x15CA0] =	vst.add.f32.msk $0xffff, v10  }
0x341: {  	[tilespmem:s31+$0x15CB0] =	vst.add.f32.msk $0xffff, v11  }
0x342: {  	[tilespmem:s31+$0x15CC0] =	vst.add.f32.msk $0xffff, v12  }
0x343: {  	[tilespmem:s31+$0x15CD0] =	vst.add.f32.msk $0xffff, v13  }
0x344: {  	[tilespmem:s31+$0x15CE0] =	vst.add.f32.msk $0xffff, v14  }
0x345: {  	[tilespmem:s31+$0x15CF0] =	vst.add.f32.msk $0xffff, v15  }
0x346: {  	[tilespmem:s31+$0x15D00] =	vst.add.f32.msk $0xffff, v16  }
0x347: {  	[tilespmem:s31+$0x15D10] =	vst.add.f32.msk $0xffff, v17  }
0x348: {  	[tilespmem:s31+$0x15D20] =	vst.add.f32.msk $0xffff, v18  }
0x349: {  	[tilespmem:s31+$0x15D30] =	vst.add.f32.msk $0xffff, v19  }
0x34a: {  	[tilespmem:s31+$0x15D40] =	vst.add.f32.msk $0xffff, v20  }
0x34b: {  	[tilespmem:s31+$0x15D50] =	vst.add.f32.msk $0xffff, v21  }
0x34c: {  	[tilespmem:s31+$0x15D60] =	vst.add.f32.msk $0xffff, v22  }
0x34d: {  	[tilespmem:s31+$0x15D70] =	vst.add.f32.msk $0xffff, v23  }
0x34e: {  	[tilespmem:s31+$0x15D80] =	vst.add.f32.msk $0xffff, v24  }
0x34f: {  	[tilespmem:s31+$0x15D90] =	vst.add.f32.msk $0xffff, v25  }
0x350: {  	[tilespmem:s31+$0x15DA0] =	vst.add.f32.msk $0xffff, v26  }
0x351: {  	[tilespmem:s31+$0x15DB0] =	vst.add.f32.msk $0xffff, v27  }
0x352: {  	[tilespmem:s31+$0x15DC0] =	vst.add.f32.msk $0xffff, v28  }
0x353: {  	[tilespmem:s31+$0x15DD0] =	vst.add.f32.msk $0xffff, v29  }
0x354: {  	[tilespmem:s31+$0x15DE0] =	vst.add.f32.msk $0xffff, v30  }
0x355: {  	[tilespmem:s31+$0x15DF0] =	vst.add.f32.msk $0xffff, v31  }
0x356: {  	[tilespmem:s31+$0x15E00] =	vst.add.f32.msk $0xffff, v32  }
0x357: {  	[tilespmem:s31+$0x15E10] =	vst.add.f32.msk $0xffff, v33  }
0x358: {  	[tilespmem:s31+$0x15E20] =	vst.add.f32.msk $0xffff, v34  }
0x359: {  	[tilespmem:s31+$0x15E30] =	vst.add.f32.msk $0xffff, v35  }
0x35a: {  	[tilespmem:s31+$0x15E40] =	vst.add.f32.msk $0xffff, v36  }
0x35b: {  	[tilespmem:s31+$0x15E50] =	vst.add.f32.msk $0xffff, v37  }
0x35c: {  	[tilespmem:s31+$0x15E60] =	vst.add.f32.msk $0xffff, v38  }
0x35d: {  	[tilespmem:s31+$0x15E70] =	vst.add.f32.msk $0xffff, v39  }
0x35e: {  	[tilespmem:s31+$0x15E80] =	vst.add.f32.msk $0xffff, v40  }
0x35f: {  	[tilespmem:s31+$0x15E90] =	vst.add.f32.msk $0xffff, v41  }
0x360: {  	[tilespmem:s31+$0x15EA0] =	vst.add.f32.msk $0xffff, v42  }
0x361: {  	[tilespmem:s31+$0x15EB0] =	vst.add.f32.msk $0xffff, v43  }
0x362: {  	[tilespmem:s31+$0x15EC0] =	vst.add.f32.msk $0xffff, v44  }
0x363: {  	[tilespmem:s31+$0x15ED0] =	vst.add.f32.msk $0xffff, v45  }
0x364: {  	[tilespmem:s31+$0x15EE0] =	vst.add.f32.msk $0xffff, v46  }
0x365: {  	[tilespmem:s31+$0x15EF0] =	vst.add.f32.msk $0xffff, v47  }
0x366: {  	[tilespmem:s31+$0x15F00] =	vst.add.f32.msk $0xffff, v48  }
0x367: {  	[tilespmem:s31+$0x15F10] =	vst.add.f32.msk $0xffff, v49  }
0x368: {  	[tilespmem:s31+$0x15F20] =	vst.add.f32.msk $0xffff, v50  }
0x369: {  	[tilespmem:s31+$0x15F30] =	vst.add.f32.msk $0xffff, v51  }
0x36a: {  	[tilespmem:s31+$0x15F40] =	vst.add.f32.msk $0xffff, v52  }
0x36b: {  	[tilespmem:s31+$0x15F50] =	vst.add.f32.msk $0xffff, v53  }
0x36c: {  	[tilespmem:s31+$0x15F60] =	vst.add.f32.msk $0xffff, v54  }
0x36d: {  	[tilespmem:s31+$0x15F70] =	vst.add.f32.msk $0xffff, v55  }
0x36e: {  	[tilespmem:s31+$0x15F80] =	vst.add.f32.msk $0xffff, v56  }
0x36f: {  	[tilespmem:s31+$0x15F90] =	vst.add.f32.msk $0xffff, v57  }
.Ltmp4:
0x370: {  	[tilespmem:s31+$0x15FA0] =	vst.add.f32.msk $0xffff, v58;
	(pc) =	sbr.rel @p1 .LBB2_9-.Ltmp4, $4  }
0x371: {  	[tilespmem:s31+$0x15FB0] =	vst.add.f32.msk $0xffff, v59  }
0x372: {  	[tilespmem:s31+$0x15FC0] =	vst.add.f32.msk $0xffff, v60  }
0x373: {  	[tilespmem:s31+$0x15FD0] =	vst.add.f32.msk $0xffff, v61  }
0x374: {  	[tilespmem:s31+$0x15FE0] =	vst.add.f32.msk $0xffff, v62;
	s31 =	sshra.s32 s0, $0x2;
	s0 =	sadd.s32 $0x1000, s0  }
0x375: {  	v0 =	vld [tilespmem:s31+$0xDFF0]  }
0x376: {  	v1 =	vld [tilespmem:s31+$0xDC00]  }
0x377: {  	v2 =	vld [tilespmem:s31+$0xDC10]  }
0x378: {  	v3 =	vld [tilespmem:s31+$0xDC20]  }
0x379: {  	v4 =	vld [tilespmem:s31+$0xDC30]  }
0x37a: {  	v5 =	vld [tilespmem:s31+$0xDC50]  }
0x37b: {  	v6 =	vld [tilespmem:s31+$0xDC60]  }
0x37c: {  	v7 =	vld [tilespmem:s31+$0xDC70]  }
0x37d: {  	v8 =	vld [tilespmem:s31+$0xDC80]  }
0x37e: {  	v9 =	vld [tilespmem:s31+$0xDC90]  }
0x37f: {  	v10 =	vld [tilespmem:s31+$0xDCA0]  }
0x380: {  	v11 =	vld [tilespmem:s31+$0xDCB0]  }
0x381: {  	v12 =	vld [tilespmem:s31+$0xDCC0]  }
0x382: {  	v13 =	vld [tilespmem:s31+$0xDCD0]  }
0x383: {  	v14 =	vld [tilespmem:s31+$0xDCE0]  }
0x384: {  	v15 =	vld [tilespmem:s31+$0xDCF0]  }
0x385: {  	v16 =	vld [tilespmem:s31+$0xDD00]  }
0x386: {  	v17 =	vld [tilespmem:s31+$0xDD10]  }
0x387: {  	v18 =	vld [tilespmem:s31+$0xDD20]  }
0x388: {  	v19 =	vld [tilespmem:s31+$0xDD30]  }
0x389: {  	v20 =	vld [tilespmem:s31+$0xDD40]  }
0x38a: {  	v21 =	vld [tilespmem:s31+$0xDD50]  }
0x38b: {  	v22 =	vld [tilespmem:s31+$0xDD60]  }
0x38c: {  	v23 =	vld [tilespmem:s31+$0xDD70]  }
0x38d: {  	v24 =	vld [tilespmem:s31+$0xDD80]  }
0x38e: {  	v25 =	vld [tilespmem:s31+$0xDD90]  }
0x38f: {  	v26 =	vld [tilespmem:s31+$0xDDA0]  }
0x390: {  	v27 =	vld [tilespmem:s31+$0xDDB0]  }
0x391: {  	v28 =	vld [tilespmem:s31+$0xDDC0]  }
0x392: {  	v29 =	vld [tilespmem:s31+$0xDDD0]  }
0x393: {  	v30 =	vld [tilespmem:s31+$0xDDE0]  }
0x394: {  	v31 =	vld [tilespmem:s31+$0xDDF0]  }
0x395: {  	v32 =	vld [tilespmem:s31+$0xDE00]  }
0x396: {  	v33 =	vld [tilespmem:s31+$0xDE10]  }
0x397: {  	v34 =	vld [tilespmem:s31+$0xDE20]  }
0x398: {  	v35 =	vld [tilespmem:s31+$0xDE30]  }
0x399: {  	v36 =	vld [tilespmem:s31+$0xDE40]  }
0x39a: {  	v37 =	vld [tilespmem:s31+$0xDE50]  }
0x39b: {  	v38 =	vld [tilespmem:s31+$0xDE60]  }
0x39c: {  	v39 =	vld [tilespmem:s31+$0xDE70]  }
0x39d: {  	v40 =	vld [tilespmem:s31+$0xDE80]  }
0x39e: {  	v41 =	vld [tilespmem:s31+$0xDE90]  }
0x39f: {  	v42 =	vld [tilespmem:s31+$0xDEA0]  }
0x3a0: {  	v43 =	vld [tilespmem:s31+$0xDEB0]  }
0x3a1: {  	v44 =	vld [tilespmem:s31+$0xDEC0]  }
0x3a2: {  	v45 =	vld [tilespmem:s31+$0xDED0]  }
0x3a3: {  	v46 =	vld [tilespmem:s31+$0xDEE0]  }
0x3a4: {  	v47 =	vld [tilespmem:s31+$0xDEF0]  }
0x3a5: {  	v48 =	vld [tilespmem:s31+$0xDF00]  }
0x3a6: {  	v49 =	vld [tilespmem:s31+$0xDF10]  }
0x3a7: {  	v50 =	vld [tilespmem:s31+$0xDF20]  }
0x3a8: {  	v51 =	vld [tilespmem:s31+$0xDF30]  }
0x3a9: {  	v52 =	vld [tilespmem:s31+$0xDF40]  }
0x3aa: {  	v53 =	vld [tilespmem:s31+$0xDF50]  }
0x3ab: {  	v54 =	vld [tilespmem:s31+$0xDF60]  }
0x3ac: {  	v55 =	vld [tilespmem:s31+$0xDF70]  }
0x3ad: {  	v56 =	vld [tilespmem:s31+$0xDF80]  }
0x3ae: {  	v57 =	vld [tilespmem:s31+$0xDF90]  }
0x3af: {  	v58 =	vld [tilespmem:s31+$0xDFA0]  }
0x3b0: {  	v59 =	vld [tilespmem:s31+$0xDFB0]  }
0x3b1: {  	v60 =	vld [tilespmem:s31+$0xDFC0]  }
0x3b2: {  	v61 =	vld [tilespmem:s31+$0xDFD0]  }
0x3b3: {  	v62 =	vld [tilespmem:s31+$0xDFE0]  }
0x3b4: {  	[tilespmem:s31+$0x15FF0] =	vst.add.f32.msk $0xffff, v0  }
0x3b5: {  	v0 =	vld [tilespmem:s31+$0xDC40]  }
0x3b6: {  	[tilespmem:s31+$0x15C00] =	vst.add.f32.msk $0xffff, v1  }
0x3b7: {  	[tilespmem:s31+$0x15C10] =	vst.add.f32.msk $0xffff, v2  }
0x3b8: {  	[tilespmem:s31+$0x15C20] =	vst.add.f32.msk $0xffff, v3  }
0x3b9: {  	[tilespmem:s31+$0x15C30] =	vst.add.f32.msk $0xffff, v4  }
0x3ba: {  	[tilespmem:s31+$0x15C50] =	vst.add.f32.msk $0xffff, v5  }
0x3bb: {  	[tilespmem:s31+$0x15C60] =	vst.add.f32.msk $0xffff, v6  }
0x3bc: {  	[tilespmem:s31+$0x15C70] =	vst.add.f32.msk $0xffff, v7  }
0x3bd: {  	[tilespmem:s31+$0x15C80] =	vst.add.f32.msk $0xffff, v8  }
0x3be: {  	[tilespmem:s31+$0x15C90] =	vst.add.f32.msk $0xffff, v9  }
0x3bf: {  	[tilespmem:s31+$0x15CA0] =	vst.add.f32.msk $0xffff, v10  }
0x3c0: {  	[tilespmem:s31+$0x15CB0] =	vst.add.f32.msk $0xffff, v11  }
0x3c1: {  	[tilespmem:s31+$0x15CC0] =	vst.add.f32.msk $0xffff, v12  }
0x3c2: {  	[tilespmem:s31+$0x15CD0] =	vst.add.f32.msk $0xffff, v13  }
0x3c3: {  	[tilespmem:s31+$0x15CE0] =	vst.add.f32.msk $0xffff, v14  }
0x3c4: {  	[tilespmem:s31+$0x15CF0] =	vst.add.f32.msk $0xffff, v15  }
0x3c5: {  	[tilespmem:s31+$0x15D00] =	vst.add.f32.msk $0xffff, v16  }
0x3c6: {  	[tilespmem:s31+$0x15D10] =	vst.add.f32.msk $0xffff, v17  }
0x3c7: {  	[tilespmem:s31+$0x15D20] =	vst.add.f32.msk $0xffff, v18  }
0x3c8: {  	[tilespmem:s31+$0x15D30] =	vst.add.f32.msk $0xffff, v19  }
0x3c9: {  	[tilespmem:s31+$0x15D40] =	vst.add.f32.msk $0xffff, v20  }
0x3ca: {  	[tilespmem:s31+$0x15D50] =	vst.add.f32.msk $0xffff, v21  }
0x3cb: {  	[tilespmem:s31+$0x15D60] =	vst.add.f32.msk $0xffff, v22  }
0x3cc: {  	[tilespmem:s31+$0x15D70] =	vst.add.f32.msk $0xffff, v23  }
0x3cd: {  	[tilespmem:s31+$0x15D80] =	vst.add.f32.msk $0xffff, v24  }
0x3ce: {  	[tilespmem:s31+$0x15D90] =	vst.add.f32.msk $0xffff, v25  }
0x3cf: {  	[tilespmem:s31+$0x15DA0] =	vst.add.f32.msk $0xffff, v26  }
0x3d0: {  	[tilespmem:s31+$0x15DB0] =	vst.add.f32.msk $0xffff, v27  }
0x3d1: {  	[tilespmem:s31+$0x15DC0] =	vst.add.f32.msk $0xffff, v28  }
0x3d2: {  	[tilespmem:s31+$0x15DD0] =	vst.add.f32.msk $0xffff, v29  }
0x3d3: {  	[tilespmem:s31+$0x15DE0] =	vst.add.f32.msk $0xffff, v30  }
0x3d4: {  	[tilespmem:s31+$0x15DF0] =	vst.add.f32.msk $0xffff, v31  }
0x3d5: {  	[tilespmem:s31+$0x15E00] =	vst.add.f32.msk $0xffff, v32  }
0x3d6: {  	[tilespmem:s31+$0x15E10] =	vst.add.f32.msk $0xffff, v33  }
0x3d7: {  	[tilespmem:s31+$0x15E20] =	vst.add.f32.msk $0xffff, v34  }
0x3d8: {  	[tilespmem:s31+$0x15E30] =	vst.add.f32.msk $0xffff, v35  }
0x3d9: {  	[tilespmem:s31+$0x15E40] =	vst.add.f32.msk $0xffff, v36  }
0x3da: {  	[tilespmem:s31+$0x15E50] =	vst.add.f32.msk $0xffff, v37  }
0x3db: {  	[tilespmem:s31+$0x15E60] =	vst.add.f32.msk $0xffff, v38  }
0x3dc: {  	[tilespmem:s31+$0x15E70] =	vst.add.f32.msk $0xffff, v39  }
0x3dd: {  	[tilespmem:s31+$0x15E80] =	vst.add.f32.msk $0xffff, v40  }
0x3de: {  	[tilespmem:s31+$0x15E90] =	vst.add.f32.msk $0xffff, v41  }
0x3df: {  	[tilespmem:s31+$0x15EA0] =	vst.add.f32.msk $0xffff, v42  }
0x3e0: {  	[tilespmem:s31+$0x15EB0] =	vst.add.f32.msk $0xffff, v43  }
0x3e1: {  	[tilespmem:s31+$0x15EC0] =	vst.add.f32.msk $0xffff, v44  }
0x3e2: {  	[tilespmem:s31+$0x15ED0] =	vst.add.f32.msk $0xffff, v45  }
0x3e3: {  	[tilespmem:s31+$0x15EE0] =	vst.add.f32.msk $0xffff, v46  }
0x3e4: {  	[tilespmem:s31+$0x15EF0] =	vst.add.f32.msk $0xffff, v47  }
0x3e5: {  	[tilespmem:s31+$0x15F00] =	vst.add.f32.msk $0xffff, v48  }
0x3e6: {  	[tilespmem:s31+$0x15F10] =	vst.add.f32.msk $0xffff, v49  }
0x3e7: {  	[tilespmem:s31+$0x15F20] =	vst.add.f32.msk $0xffff, v50  }
0x3e8: {  	[tilespmem:s31+$0x15F30] =	vst.add.f32.msk $0xffff, v51  }
0x3e9: {  	[tilespmem:s31+$0x15F40] =	vst.add.f32.msk $0xffff, v52  }
0x3ea: {  	[tilespmem:s31+$0x15F50] =	vst.add.f32.msk $0xffff, v53  }
0x3eb: {  	[tilespmem:s31+$0x15F60] =	vst.add.f32.msk $0xffff, v54  }
0x3ec: {  	[tilespmem:s31+$0x15F70] =	vst.add.f32.msk $0xffff, v55  }
0x3ed: {  	[tilespmem:s31+$0x15F80] =	vst.add.f32.msk $0xffff, v56  }
0x3ee: {  	[tilespmem:s31+$0x15F90] =	vst.add.f32.msk $0xffff, v57  }
0x3ef: {  	[tilespmem:s31+$0x15FA0] =	vst.add.f32.msk $0xffff, v58  }
0x3f0: {  	[tilespmem:s31+$0x15FB0] =	vst.add.f32.msk $0xffff, v59  }
0x3f1: {  	[tilespmem:s31+$0x15FC0] =	vst.add.f32.msk $0xffff, v60  }
0x3f2: {  	[tilespmem:s31+$0x15FD0] =	vst.add.f32.msk $0xffff, v61  }
0x3f3: {  	[tilespmem:s31+$0x15FE0] =	vst.add.f32.msk $0xffff, v62  }
0x3f4: {  	s0 =	sadd.s32 @!p0 $0x380, s30;
	s2 =	simm.s32 @!p0 $0x80;
	[tilespmem:s31+$0x15C40] =	vst.add.f32.msk $0xffff, v0;
	s31 =	simm.s32 @!p0 $0xDC00  }
0x3f5: {  	[tilespmem:s31], [sflag:$0x4] =	stream.indirect.gather @!p0 [hbm4b:s1+s2], $0x80, s0, s2, $0xb8;
	[tilespmem:$0x19C00] =	vst v63  }
0x3f6: {  	_ =	swait.ge [sflag:s25], $0x4000  }
0x3f7: {  	[sflag:s25] =	ssyncset.done $0x0  }
0x3f8: {  	s31 =	simm.s32 $0x0;
	s0 =	simm.s32 $0x1000;
	[sflag:s25] =	ssyncadd.s32 $0xFFFFC000  }
.LBB2_11:
0x3f9: {  	p1 =	sne.s32 s0, $0xF000;
	v0 =	vld [tilespmem:s31+$0x11FF0]  }
0x3fa: {  	v1 =	vld [tilespmem:s31+$0x11C00]  }
0x3fb: {  	v2 =	vld [tilespmem:s31+$0x11C10]  }
0x3fc: {  	v3 =	vld [tilespmem:s31+$0x11C20]  }
0x3fd: {  	v4 =	vld [tilespmem:s31+$0x11C30]  }
0x3fe: {  	[tilespmem:s31+$0x15FF0] =	vst.add.f32.msk $0xffff, v0  }
0x3ff: {  	v0 =	vld [tilespmem:s31+$0x11C40]  }
0x400: {  	v5 =	vld [tilespmem:s31+$0x11C50]  }
0x401: {  	v6 =	vld [tilespmem:s31+$0x11C60]  }
0x402: {  	v7 =	vld [tilespmem:s31+$0x11C70]  }
0x403: {  	v8 =	vld [tilespmem:s31+$0x11C80]  }
0x404: {  	v9 =	vld [tilespmem:s31+$0x11C90]  }
0x405: {  	v10 =	vld [tilespmem:s31+$0x11CA0]  }
0x406: {  	v11 =	vld [tilespmem:s31+$0x11CB0]  }
0x407: {  	v12 =	vld [tilespmem:s31+$0x11CC0]  }
0x408: {  	v13 =	vld [tilespmem:s31+$0x11CD0]  }
0x409: {  	v14 =	vld [tilespmem:s31+$0x11CE0]  }
0x40a: {  	v15 =	vld [tilespmem:s31+$0x11CF0]  }
0x40b: {  	v16 =	vld [tilespmem:s31+$0x11D00]  }
0x40c: {  	v17 =	vld [tilespmem:s31+$0x11D10]  }
0x40d: {  	v18 =	vld [tilespmem:s31+$0x11D20]  }
0x40e: {  	v19 =	vld [tilespmem:s31+$0x11D30]  }
0x40f: {  	v20 =	vld [tilespmem:s31+$0x11D40]  }
0x410: {  	v21 =	vld [tilespmem:s31+$0x11D50]  }
0x411: {  	v22 =	vld [tilespmem:s31+$0x11D60]  }
0x412: {  	v23 =	vld [tilespmem:s31+$0x11D70]  }
0x413: {  	v24 =	vld [tilespmem:s31+$0x11D80]  }
0x414: {  	v25 =	vld [tilespmem:s31+$0x11D90]  }
0x415: {  	v26 =	vld [tilespmem:s31+$0x11DA0]  }
0x416: {  	v27 =	vld [tilespmem:s31+$0x11DB0]  }
0x417: {  	v28 =	vld [tilespmem:s31+$0x11DC0]  }
0x418: {  	v29 =	vld [tilespmem:s31+$0x11DD0]  }
0x419: {  	v30 =	vld [tilespmem:s31+$0x11DE0]  }
0x41a: {  	v31 =	vld [tilespmem:s31+$0x11DF0]  }
0x41b: {  	v32 =	vld [tilespmem:s31+$0x11E00]  }
0x41c: {  	v33 =	vld [tilespmem:s31+$0x11E10]  }
0x41d: {  	v34 =	vld [tilespmem:s31+$0x11E20]  }
0x41e: {  	v35 =	vld [tilespmem:s31+$0x11E30]  }
0x41f: {  	v36 =	vld [tilespmem:s31+$0x11E40]  }
0x420: {  	v37 =	vld [tilespmem:s31+$0x11E50]  }
0x421: {  	v38 =	vld [tilespmem:s31+$0x11E60]  }
0x422: {  	v39 =	vld [tilespmem:s31+$0x11E70]  }
0x423: {  	v40 =	vld [tilespmem:s31+$0x11E80]  }
0x424: {  	v41 =	vld [tilespmem:s31+$0x11E90]  }
0x425: {  	v42 =	vld [tilespmem:s31+$0x11EA0]  }
0x426: {  	v43 =	vld [tilespmem:s31+$0x11EB0]  }
0x427: {  	v44 =	vld [tilespmem:s31+$0x11EC0]  }
0x428: {  	v45 =	vld [tilespmem:s31+$0x11ED0]  }
0x429: {  	v46 =	vld [tilespmem:s31+$0x11EE0]  }
0x42a: {  	v47 =	vld [tilespmem:s31+$0x11EF0]  }
0x42b: {  	v48 =	vld [tilespmem:s31+$0x11F00]  }
0x42c: {  	v49 =	vld [tilespmem:s31+$0x11F10]  }
0x42d: {  	v50 =	vld [tilespmem:s31+$0x11F20]  }
0x42e: {  	v51 =	vld [tilespmem:s31+$0x11F30]  }
0x42f: {  	v52 =	vld [tilespmem:s31+$0x11F40]  }
0x430: {  	v53 =	vld [tilespmem:s31+$0x11F50]  }
0x431: {  	v54 =	vld [tilespmem:s31+$0x11F60]  }
0x432: {  	v55 =	vld [tilespmem:s31+$0x11F70]  }
0x433: {  	v56 =	vld [tilespmem:s31+$0x11F80]  }
0x434: {  	v57 =	vld [tilespmem:s31+$0x11F90]  }
0x435: {  	v58 =	vld [tilespmem:s31+$0x11FA0]  }
0x436: {  	v59 =	vld [tilespmem:s31+$0x11FB0]  }
0x437: {  	v60 =	vld [tilespmem:s31+$0x11FC0]  }
0x438: {  	v61 =	vld [tilespmem:s31+$0x11FD0]  }
0x439: {  	v62 =	vld [tilespmem:s31+$0x11FE0]  }
0x43a: {  	[tilespmem:s31+$0x15C00] =	vst.add.f32.msk $0xffff, v1  }
0x43b: {  	[tilespmem:s31+$0x15C10] =	vst.add.f32.msk $0xffff, v2  }
0x43c: {  	[tilespmem:s31+$0x15C20] =	vst.add.f32.msk $0xffff, v3  }
0x43d: {  	[tilespmem:s31+$0x15C30] =	vst.add.f32.msk $0xffff, v4  }
0x43e: {  	[tilespmem:s31+$0x15C40] =	vst.add.f32.msk $0xffff, v0  }
0x43f: {  	[tilespmem:s31+$0x15C50] =	vst.add.f32.msk $0xffff, v5  }
0x440: {  	[tilespmem:s31+$0x15C60] =	vst.add.f32.msk $0xffff, v6  }
0x441: {  	[tilespmem:s31+$0x15C70] =	vst.add.f32.msk $0xffff, v7  }
0x442: {  	[tilespmem:s31+$0x15C80] =	vst.add.f32.msk $0xffff, v8  }
0x443: {  	[tilespmem:s31+$0x15C90] =	vst.add.f32.msk $0xffff, v9  }
0x444: {  	[tilespmem:s31+$0x15CA0] =	vst.add.f32.msk $0xffff, v10  }
0x445: {  	[tilespmem:s31+$0x15CB0] =	vst.add.f32.msk $0xffff, v11  }
0x446: {  	[tilespmem:s31+$0x15CC0] =	vst.add.f32.msk $0xffff, v12  }
0x447: {  	[tilespmem:s31+$0x15CD0] =	vst.add.f32.msk $0xffff, v13  }
0x448: {  	[tilespmem:s31+$0x15CE0] =	vst.add.f32.msk $0xffff, v14  }
0x449: {  	[tilespmem:s31+$0x15CF0] =	vst.add.f32.msk $0xffff, v15  }
0x44a: {  	[tilespmem:s31+$0x15D00] =	vst.add.f32.msk $0xffff, v16  }
0x44b: {  	[tilespmem:s31+$0x15D10] =	vst.add.f32.msk $0xffff, v17  }
0x44c: {  	[tilespmem:s31+$0x15D20] =	vst.add.f32.msk $0xffff, v18  }
0x44d: {  	[tilespmem:s31+$0x15D30] =	vst.add.f32.msk $0xffff, v19  }
0x44e: {  	[tilespmem:s31+$0x15D40] =	vst.add.f32.msk $0xffff, v20  }
0x44f: {  	[tilespmem:s31+$0x15D50] =	vst.add.f32.msk $0xffff, v21  }
0x450: {  	[tilespmem:s31+$0x15D60] =	vst.add.f32.msk $0xffff, v22  }
0x451: {  	[tilespmem:s31+$0x15D70] =	vst.add.f32.msk $0xffff, v23  }
0x452: {  	[tilespmem:s31+$0x15D80] =	vst.add.f32.msk $0xffff, v24  }
0x453: {  	[tilespmem:s31+$0x15D90] =	vst.add.f32.msk $0xffff, v25  }
0x454: {  	[tilespmem:s31+$0x15DA0] =	vst.add.f32.msk $0xffff, v26  }
0x455: {  	[tilespmem:s31+$0x15DB0] =	vst.add.f32.msk $0xffff, v27  }
0x456: {  	[tilespmem:s31+$0x15DC0] =	vst.add.f32.msk $0xffff, v28  }
0x457: {  	[tilespmem:s31+$0x15DD0] =	vst.add.f32.msk $0xffff, v29  }
0x458: {  	[tilespmem:s31+$0x15DE0] =	vst.add.f32.msk $0xffff, v30  }
0x459: {  	[tilespmem:s31+$0x15DF0] =	vst.add.f32.msk $0xffff, v31  }
0x45a: {  	[tilespmem:s31+$0x15E00] =	vst.add.f32.msk $0xffff, v32  }
0x45b: {  	[tilespmem:s31+$0x15E10] =	vst.add.f32.msk $0xffff, v33  }
0x45c: {  	[tilespmem:s31+$0x15E20] =	vst.add.f32.msk $0xffff, v34  }
0x45d: {  	[tilespmem:s31+$0x15E30] =	vst.add.f32.msk $0xffff, v35  }
0x45e: {  	[tilespmem:s31+$0x15E40] =	vst.add.f32.msk $0xffff, v36  }
0x45f: {  	[tilespmem:s31+$0x15E50] =	vst.add.f32.msk $0xffff, v37  }
0x460: {  	[tilespmem:s31+$0x15E60] =	vst.add.f32.msk $0xffff, v38  }
0x461: {  	[tilespmem:s31+$0x15E70] =	vst.add.f32.msk $0xffff, v39  }
0x462: {  	[tilespmem:s31+$0x15E80] =	vst.add.f32.msk $0xffff, v40  }
0x463: {  	[tilespmem:s31+$0x15E90] =	vst.add.f32.msk $0xffff, v41  }
0x464: {  	[tilespmem:s31+$0x15EA0] =	vst.add.f32.msk $0xffff, v42  }
0x465: {  	[tilespmem:s31+$0x15EB0] =	vst.add.f32.msk $0xffff, v43  }
0x466: {  	[tilespmem:s31+$0x15EC0] =	vst.add.f32.msk $0xffff, v44  }
0x467: {  	[tilespmem:s31+$0x15ED0] =	vst.add.f32.msk $0xffff, v45  }
0x468: {  	[tilespmem:s31+$0x15EE0] =	vst.add.f32.msk $0xffff, v46  }
0x469: {  	[tilespmem:s31+$0x15EF0] =	vst.add.f32.msk $0xffff, v47  }
0x46a: {  	[tilespmem:s31+$0x15F00] =	vst.add.f32.msk $0xffff, v48  }
0x46b: {  	[tilespmem:s31+$0x15F10] =	vst.add.f32.msk $0xffff, v49  }
0x46c: {  	[tilespmem:s31+$0x15F20] =	vst.add.f32.msk $0xffff, v50  }
0x46d: {  	[tilespmem:s31+$0x15F30] =	vst.add.f32.msk $0xffff, v51  }
0x46e: {  	[tilespmem:s31+$0x15F40] =	vst.add.f32.msk $0xffff, v52  }
0x46f: {  	[tilespmem:s31+$0x15F50] =	vst.add.f32.msk $0xffff, v53  }
0x470: {  	[tilespmem:s31+$0x15F60] =	vst.add.f32.msk $0xffff, v54  }
0x471: {  	[tilespmem:s31+$0x15F70] =	vst.add.f32.msk $0xffff, v55  }
0x472: {  	[tilespmem:s31+$0x15F80] =	vst.add.f32.msk $0xffff, v56  }
0x473: {  	[tilespmem:s31+$0x15F90] =	vst.add.f32.msk $0xffff, v57  }
.Ltmp5:
0x474: {  	[tilespmem:s31+$0x15FA0] =	vst.add.f32.msk $0xffff, v58;
	(pc) =	sbr.rel @p1 .LBB2_11-.Ltmp5, $4  }
0x475: {  	[tilespmem:s31+$0x15FB0] =	vst.add.f32.msk $0xffff, v59  }
0x476: {  	[tilespmem:s31+$0x15FC0] =	vst.add.f32.msk $0xffff, v60  }
0x477: {  	[tilespmem:s31+$0x15FD0] =	vst.add.f32.msk $0xffff, v61  }
0x478: {  	[tilespmem:s31+$0x15FE0] =	vst.add.f32.msk $0xffff, v62;
	s31 =	sshra.s32 s0, $0x2;
	s0 =	sadd.s32 $0x1000, s0  }
0x479: {  	v0 =	vld [tilespmem:s31+$0x11FF0]  }
0x47a: {  	v1 =	vld [tilespmem:s31+$0x11C00]  }
0x47b: {  	v2 =	vld [tilespmem:s31+$0x11C10]  }
0x47c: {  	v3 =	vld [tilespmem:s31+$0x11C20]  }
0x47d: {  	v4 =	vld [tilespmem:s31+$0x11C30]  }
0x47e: {  	v5 =	vld [tilespmem:s31+$0x11C50]  }
0x47f: {  	v6 =	vld [tilespmem:s31+$0x11C60]  }
0x480: {  	v7 =	vld [tilespmem:s31+$0x11C70]  }
0x481: {  	v8 =	vld [tilespmem:s31+$0x11C80]  }
0x482: {  	v9 =	vld [tilespmem:s31+$0x11C90]  }
0x483: {  	v10 =	vld [tilespmem:s31+$0x11CA0]  }
0x484: {  	v11 =	vld [tilespmem:s31+$0x11CB0]  }
0x485: {  	v12 =	vld [tilespmem:s31+$0x11CC0]  }
0x486: {  	v13 =	vld [tilespmem:s31+$0x11CD0]  }
0x487: {  	v14 =	vld [tilespmem:s31+$0x11CE0]  }
0x488: {  	v15 =	vld [tilespmem:s31+$0x11CF0]  }
0x489: {  	v16 =	vld [tilespmem:s31+$0x11D00]  }
0x48a: {  	v17 =	vld [tilespmem:s31+$0x11D10]  }
0x48b: {  	v18 =	vld [tilespmem:s31+$0x11D20]  }
0x48c: {  	v19 =	vld [tilespmem:s31+$0x11D30]  }
0x48d: {  	v20 =	vld [tilespmem:s31+$0x11D40]  }
0x48e: {  	v21 =	vld [tilespmem:s31+$0x11D50]  }
0x48f: {  	v22 =	vld [tilespmem:s31+$0x11D60]  }
0x490: {  	v23 =	vld [tilespmem:s31+$0x11D70]  }
0x491: {  	v24 =	vld [tilespmem:s31+$0x11D80]  }
0x492: {  	v25 =	vld [tilespmem:s31+$0x11D90]  }
0x493: {  	v26 =	vld [tilespmem:s31+$0x11DA0]  }
0x494: {  	v27 =	vld [tilespmem:s31+$0x11DB0]  }
0x495: {  	v28 =	vld [tilespmem:s31+$0x11DC0]  }
0x496: {  	v29 =	vld [tilespmem:s31+$0x11DD0]  }
0x497: {  	v30 =	vld [tilespmem:s31+$0x11DE0]  }
0x498: {  	v31 =	vld [tilespmem:s31+$0x11DF0]  }
0x499: {  	v32 =	vld [tilespmem:s31+$0x11E00]  }
0x49a: {  	v33 =	vld [tilespmem:s31+$0x11E10]  }
0x49b: {  	v34 =	vld [tilespmem:s31+$0x11E20]  }
0x49c: {  	v35 =	vld [tilespmem:s31+$0x11E30]  }
0x49d: {  	v36 =	vld [tilespmem:s31+$0x11E40]  }
0x49e: {  	v37 =	vld [tilespmem:s31+$0x11E50]  }
0x49f: {  	v38 =	vld [tilespmem:s31+$0x11E60]  }
0x4a0: {  	v39 =	vld [tilespmem:s31+$0x11E70]  }
0x4a1: {  	v40 =	vld [tilespmem:s31+$0x11E80]  }
0x4a2: {  	v41 =	vld [tilespmem:s31+$0x11E90]  }
0x4a3: {  	v42 =	vld [tilespmem:s31+$0x11EA0]  }
0x4a4: {  	v43 =	vld [tilespmem:s31+$0x11EB0]  }
0x4a5: {  	v44 =	vld [tilespmem:s31+$0x11EC0]  }
0x4a6: {  	v45 =	vld [tilespmem:s31+$0x11ED0]  }
0x4a7: {  	v46 =	vld [tilespmem:s31+$0x11EE0]  }
0x4a8: {  	v47 =	vld [tilespmem:s31+$0x11EF0]  }
0x4a9: {  	v48 =	vld [tilespmem:s31+$0x11F00]  }
0x4aa: {  	v49 =	vld [tilespmem:s31+$0x11F10]  }
0x4ab: {  	v50 =	vld [tilespmem:s31+$0x11F20]  }
0x4ac: {  	v51 =	vld [tilespmem:s31+$0x11F30]  }
0x4ad: {  	v52 =	vld [tilespmem:s31+$0x11F40]  }
0x4ae: {  	v53 =	vld [tilespmem:s31+$0x11F50]  }
0x4af: {  	v54 =	vld [tilespmem:s31+$0x11F60]  }
0x4b0: {  	v55 =	vld [tilespmem:s31+$0x11F70]  }
0x4b1: {  	v56 =	vld [tilespmem:s31+$0x11F80]  }
0x4b2: {  	v57 =	vld [tilespmem:s31+$0x11F90]  }
0x4b3: {  	v58 =	vld [tilespmem:s31+$0x11FA0]  }
0x4b4: {  	v59 =	vld [tilespmem:s31+$0x11FB0]  }
0x4b5: {  	v60 =	vld [tilespmem:s31+$0x11FC0]  }
0x4b6: {  	v61 =	vld [tilespmem:s31+$0x11FD0]  }
0x4b7: {  	v62 =	vld [tilespmem:s31+$0x11FE0]  }
0x4b8: {  	[tilespmem:s31+$0x15FF0] =	vst.add.f32.msk $0xffff, v0  }
0x4b9: {  	v0 =	vld [tilespmem:s31+$0x11C40]  }
0x4ba: {  	[tilespmem:s31+$0x15C00] =	vst.add.f32.msk $0xffff, v1  }
0x4bb: {  	[tilespmem:s31+$0x15C10] =	vst.add.f32.msk $0xffff, v2  }
0x4bc: {  	[tilespmem:s31+$0x15C20] =	vst.add.f32.msk $0xffff, v3  }
0x4bd: {  	[tilespmem:s31+$0x15C30] =	vst.add.f32.msk $0xffff, v4  }
0x4be: {  	[tilespmem:s31+$0x15C50] =	vst.add.f32.msk $0xffff, v5  }
0x4bf: {  	[tilespmem:s31+$0x15C60] =	vst.add.f32.msk $0xffff, v6  }
0x4c0: {  	[tilespmem:s31+$0x15C70] =	vst.add.f32.msk $0xffff, v7  }
0x4c1: {  	[tilespmem:s31+$0x15C80] =	vst.add.f32.msk $0xffff, v8  }
0x4c2: {  	[tilespmem:s31+$0x15C90] =	vst.add.f32.msk $0xffff, v9  }
0x4c3: {  	[tilespmem:s31+$0x15CA0] =	vst.add.f32.msk $0xffff, v10  }
0x4c4: {  	[tilespmem:s31+$0x15CB0] =	vst.add.f32.msk $0xffff, v11  }
0x4c5: {  	[tilespmem:s31+$0x15CC0] =	vst.add.f32.msk $0xffff, v12  }
0x4c6: {  	[tilespmem:s31+$0x15CD0] =	vst.add.f32.msk $0xffff, v13  }
0x4c7: {  	[tilespmem:s31+$0x15CE0] =	vst.add.f32.msk $0xffff, v14  }
0x4c8: {  	[tilespmem:s31+$0x15CF0] =	vst.add.f32.msk $0xffff, v15  }
0x4c9: {  	[tilespmem:s31+$0x15D00] =	vst.add.f32.msk $0xffff, v16  }
0x4ca: {  	[tilespmem:s31+$0x15D10] =	vst.add.f32.msk $0xffff, v17  }
0x4cb: {  	[tilespmem:s31+$0x15D20] =	vst.add.f32.msk $0xffff, v18  }
0x4cc: {  	[tilespmem:s31+$0x15D30] =	vst.add.f32.msk $0xffff, v19  }
0x4cd: {  	[tilespmem:s31+$0x15D40] =	vst.add.f32.msk $0xffff, v20  }
0x4ce: {  	[tilespmem:s31+$0x15D50] =	vst.add.f32.msk $0xffff, v21  }
0x4cf: {  	[tilespmem:s31+$0x15D60] =	vst.add.f32.msk $0xffff, v22  }
0x4d0: {  	[tilespmem:s31+$0x15D70] =	vst.add.f32.msk $0xffff, v23  }
0x4d1: {  	[tilespmem:s31+$0x15D80] =	vst.add.f32.msk $0xffff, v24  }
0x4d2: {  	[tilespmem:s31+$0x15D90] =	vst.add.f32.msk $0xffff, v25  }
0x4d3: {  	[tilespmem:s31+$0x15DA0] =	vst.add.f32.msk $0xffff, v26  }
0x4d4: {  	[tilespmem:s31+$0x15DB0] =	vst.add.f32.msk $0xffff, v27  }
0x4d5: {  	[tilespmem:s31+$0x15DC0] =	vst.add.f32.msk $0xffff, v28  }
0x4d6: {  	[tilespmem:s31+$0x15DD0] =	vst.add.f32.msk $0xffff, v29  }
0x4d7: {  	[tilespmem:s31+$0x15DE0] =	vst.add.f32.msk $0xffff, v30  }
0x4d8: {  	[tilespmem:s31+$0x15DF0] =	vst.add.f32.msk $0xffff, v31  }
0x4d9: {  	[tilespmem:s31+$0x15E00] =	vst.add.f32.msk $0xffff, v32  }
0x4da: {  	[tilespmem:s31+$0x15E10] =	vst.add.f32.msk $0xffff, v33  }
0x4db: {  	[tilespmem:s31+$0x15E20] =	vst.add.f32.msk $0xffff, v34  }
0x4dc: {  	[tilespmem:s31+$0x15E30] =	vst.add.f32.msk $0xffff, v35  }
0x4dd: {  	[tilespmem:s31+$0x15E40] =	vst.add.f32.msk $0xffff, v36  }
0x4de: {  	[tilespmem:s31+$0x15E50] =	vst.add.f32.msk $0xffff, v37  }
0x4df: {  	[tilespmem:s31+$0x15E60] =	vst.add.f32.msk $0xffff, v38  }
0x4e0: {  	[tilespmem:s31+$0x15E70] =	vst.add.f32.msk $0xffff, v39  }
0x4e1: {  	[tilespmem:s31+$0x15E80] =	vst.add.f32.msk $0xffff, v40  }
0x4e2: {  	[tilespmem:s31+$0x15E90] =	vst.add.f32.msk $0xffff, v41  }
0x4e3: {  	[tilespmem:s31+$0x15EA0] =	vst.add.f32.msk $0xffff, v42  }
0x4e4: {  	[tilespmem:s31+$0x15EB0] =	vst.add.f32.msk $0xffff, v43  }
0x4e5: {  	[tilespmem:s31+$0x15EC0] =	vst.add.f32.msk $0xffff, v44  }
0x4e6: {  	[tilespmem:s31+$0x15ED0] =	vst.add.f32.msk $0xffff, v45  }
0x4e7: {  	[tilespmem:s31+$0x15EE0] =	vst.add.f32.msk $0xffff, v46  }
0x4e8: {  	[tilespmem:s31+$0x15EF0] =	vst.add.f32.msk $0xffff, v47  }
0x4e9: {  	[tilespmem:s31+$0x15F00] =	vst.add.f32.msk $0xffff, v48  }
0x4ea: {  	[tilespmem:s31+$0x15F10] =	vst.add.f32.msk $0xffff, v49  }
0x4eb: {  	[tilespmem:s31+$0x15F20] =	vst.add.f32.msk $0xffff, v50  }
0x4ec: {  	[tilespmem:s31+$0x15F30] =	vst.add.f32.msk $0xffff, v51  }
0x4ed: {  	[tilespmem:s31+$0x15F40] =	vst.add.f32.msk $0xffff, v52  }
0x4ee: {  	[tilespmem:s31+$0x15F50] =	vst.add.f32.msk $0xffff, v53  }
0x4ef: {  	[tilespmem:s31+$0x15F60] =	vst.add.f32.msk $0xffff, v54  }
0x4f0: {  	[tilespmem:s31+$0x15F70] =	vst.add.f32.msk $0xffff, v55  }
0x4f1: {  	[tilespmem:s31+$0x15F80] =	vst.add.f32.msk $0xffff, v56  }
0x4f2: {  	[tilespmem:s31+$0x15F90] =	vst.add.f32.msk $0xffff, v57  }
0x4f3: {  	[tilespmem:s31+$0x15FA0] =	vst.add.f32.msk $0xffff, v58  }
.Ltmp6:
0x4f4: {  	[tilespmem:s31+$0x15FB0] =	vst.add.f32.msk $0xffff, v59;
	(pc) =	sbr.rel @p0 .LBB2_14-.Ltmp6, $4  }
0x4f5: {  	[tilespmem:s31+$0x15FC0] =	vst.add.f32.msk $0xffff, v60  }
0x4f6: {  	[tilespmem:s31+$0x15FD0] =	vst.add.f32.msk $0xffff, v61  }
0x4f7: {  	[tilespmem:s31+$0x15FE0] =	vst.add.f32.msk $0xffff, v62  }
0x4f8: {  	[tilespmem:s31+$0x15C40] =	vst.add.f32.msk $0xffff, v0  }
.Ltmp7:
0x4f9: {  	(pc) =	sbr.rel .LBB2_4-.Ltmp7, $3  }
0x4fa: {  	_ =	sdelay $0x1  }
0x4fb: {  	s0 =	sadd.s32 $0x400, s30;
	s29 =	sadd.s32 $0x1, s29  }
0x4fc: {  	[tilespmem:s20], [sflag:$0x5] =	stream.indirect.gather [hbm4b:s1+s12], $0x80, s0, s12, $0xb8;
	[tilespmem:$0x19C00] =	vst v63  }
.LBB2_14:
0x4fd: {  	_ =	swait.ge [sflag:s22], $0x4000  }
0x4fe: {  	[sflag:s22] =	ssyncset.done $0x0  }
0x4ff: {  	s29 =	simm.s32 $0x0;
	s0 =	simm.s32 $0x1000;
	[sflag:s22] =	ssyncadd.s32 $0xFFFFC000  }
.LBB2_15:
0x500: {  	p0 =	sne.s32 s0, $0xF000;
	v0 =	vld [tilespmem:s29+$0x5FF0]  }
0x501: {  	v1 =	vld [tilespmem:s29+$0x5C00]  }
0x502: {  	v2 =	vld [tilespmem:s29+$0x5C10]  }
0x503: {  	v3 =	vld [tilespmem:s29+$0x5C20]  }
0x504: {  	v4 =	vld [tilespmem:s29+$0x5C30]  }
0x505: {  	[tilespmem:s29+$0x15FF0] =	vst.add.f32.msk $0xffff, v0  }
0x506: {  	v0 =	vld [tilespmem:s29+$0x5C40]  }
0x507: {  	v5 =	vld [tilespmem:s29+$0x5C50]  }
0x508: {  	v6 =	vld [tilespmem:s29+$0x5C60]  }
0x509: {  	v7 =	vld [tilespmem:s29+$0x5C70]  }
0x50a: {  	v8 =	vld [tilespmem:s29+$0x5C80]  }
0x50b: {  	v9 =	vld [tilespmem:s29+$0x5C90]  }
0x50c: {  	v10 =	vld [tilespmem:s29+$0x5CA0]  }
0x50d: {  	v11 =	vld [tilespmem:s29+$0x5CB0]  }
0x50e: {  	v12 =	vld [tilespmem:s29+$0x5CC0]  }
0x50f: {  	v13 =	vld [tilespmem:s29+$0x5CD0]  }
0x510: {  	v14 =	vld [tilespmem:s29+$0x5CE0]  }
0x511: {  	v15 =	vld [tilespmem:s29+$0x5CF0]  }
0x512: {  	v16 =	vld [tilespmem:s29+$0x5D00]  }
0x513: {  	v17 =	vld [tilespmem:s29+$0x5D10]  }
0x514: {  	v18 =	vld [tilespmem:s29+$0x5D20]  }
0x515: {  	v19 =	vld [tilespmem:s29+$0x5D30]  }
0x516: {  	v20 =	vld [tilespmem:s29+$0x5D40]  }
0x517: {  	v21 =	vld [tilespmem:s29+$0x5D50]  }
0x518: {  	v22 =	vld [tilespmem:s29+$0x5D60]  }
0x519: {  	v23 =	vld [tilespmem:s29+$0x5D70]  }
0x51a: {  	v24 =	vld [tilespmem:s29+$0x5D80]  }
0x51b: {  	v25 =	vld [tilespmem:s29+$0x5D90]  }
0x51c: {  	v26 =	vld [tilespmem:s29+$0x5DA0]  }
0x51d: {  	v27 =	vld [tilespmem:s29+$0x5DB0]  }
0x51e: {  	v28 =	vld [tilespmem:s29+$0x5DC0]  }
0x51f: {  	v29 =	vld [tilespmem:s29+$0x5DD0]  }
0x520: {  	v30 =	vld [tilespmem:s29+$0x5DE0]  }
0x521: {  	v31 =	vld [tilespmem:s29+$0x5DF0]  }
0x522: {  	v32 =	vld [tilespmem:s29+$0x5E00]  }
0x523: {  	v33 =	vld [tilespmem:s29+$0x5E10]  }
0x524: {  	v34 =	vld [tilespmem:s29+$0x5E20]  }
0x525: {  	v35 =	vld [tilespmem:s29+$0x5E30]  }
0x526: {  	v36 =	vld [tilespmem:s29+$0x5E40]  }
0x527: {  	v37 =	vld [tilespmem:s29+$0x5E50]  }
0x528: {  	v38 =	vld [tilespmem:s29+$0x5E60]  }
0x529: {  	v39 =	vld [tilespmem:s29+$0x5E70]  }
0x52a: {  	v40 =	vld [tilespmem:s29+$0x5E80]  }
0x52b: {  	v41 =	vld [tilespmem:s29+$0x5E90]  }
0x52c: {  	v42 =	vld [tilespmem:s29+$0x5EA0]  }
0x52d: {  	v43 =	vld [tilespmem:s29+$0x5EB0]  }
0x52e: {  	v44 =	vld [tilespmem:s29+$0x5EC0]  }
0x52f: {  	v45 =	vld [tilespmem:s29+$0x5ED0]  }
0x530: {  	v46 =	vld [tilespmem:s29+$0x5EE0]  }
0x531: {  	v47 =	vld [tilespmem:s29+$0x5EF0]  }
0x532: {  	v48 =	vld [tilespmem:s29+$0x5F00]  }
0x533: {  	v49 =	vld [tilespmem:s29+$0x5F10]  }
0x534: {  	v50 =	vld [tilespmem:s29+$0x5F20]  }
0x535: {  	v51 =	vld [tilespmem:s29+$0x5F30]  }
0x536: {  	v52 =	vld [tilespmem:s29+$0x5F40]  }
0x537: {  	v53 =	vld [tilespmem:s29+$0x5F50]  }
0x538: {  	v54 =	vld [tilespmem:s29+$0x5F60]  }
0x539: {  	v55 =	vld [tilespmem:s29+$0x5F70]  }
0x53a: {  	v56 =	vld [tilespmem:s29+$0x5F80]  }
0x53b: {  	v57 =	vld [tilespmem:s29+$0x5F90]  }
0x53c: {  	v58 =	vld [tilespmem:s29+$0x5FA0]  }
0x53d: {  	v59 =	vld [tilespmem:s29+$0x5FB0]  }
0x53e: {  	v60 =	vld [tilespmem:s29+$0x5FC0]  }
0x53f: {  	v61 =	vld [tilespmem:s29+$0x5FD0]  }
0x540: {  	v62 =	vld [tilespmem:s29+$0x5FE0]  }
0x541: {  	[tilespmem:s29+$0x15C00] =	vst.add.f32.msk $0xffff, v1  }
0x542: {  	[tilespmem:s29+$0x15C10] =	vst.add.f32.msk $0xffff, v2  }
0x543: {  	[tilespmem:s29+$0x15C20] =	vst.add.f32.msk $0xffff, v3  }
0x544: {  	[tilespmem:s29+$0x15C30] =	vst.add.f32.msk $0xffff, v4  }
0x545: {  	[tilespmem:s29+$0x15C40] =	vst.add.f32.msk $0xffff, v0  }
0x546: {  	[tilespmem:s29+$0x15C50] =	vst.add.f32.msk $0xffff, v5  }
0x547: {  	[tilespmem:s29+$0x15C60] =	vst.add.f32.msk $0xffff, v6  }
0x548: {  	[tilespmem:s29+$0x15C70] =	vst.add.f32.msk $0xffff, v7  }
0x549: {  	[tilespmem:s29+$0x15C80] =	vst.add.f32.msk $0xffff, v8  }
0x54a: {  	[tilespmem:s29+$0x15C90] =	vst.add.f32.msk $0xffff, v9  }
0x54b: {  	[tilespmem:s29+$0x15CA0] =	vst.add.f32.msk $0xffff, v10  }
0x54c: {  	[tilespmem:s29+$0x15CB0] =	vst.add.f32.msk $0xffff, v11  }
0x54d: {  	[tilespmem:s29+$0x15CC0] =	vst.add.f32.msk $0xffff, v12  }
0x54e: {  	[tilespmem:s29+$0x15CD0] =	vst.add.f32.msk $0xffff, v13  }
0x54f: {  	[tilespmem:s29+$0x15CE0] =	vst.add.f32.msk $0xffff, v14  }
0x550: {  	[tilespmem:s29+$0x15CF0] =	vst.add.f32.msk $0xffff, v15  }
0x551: {  	[tilespmem:s29+$0x15D00] =	vst.add.f32.msk $0xffff, v16  }
0x552: {  	[tilespmem:s29+$0x15D10] =	vst.add.f32.msk $0xffff, v17  }
0x553: {  	[tilespmem:s29+$0x15D20] =	vst.add.f32.msk $0xffff, v18  }
0x554: {  	[tilespmem:s29+$0x15D30] =	vst.add.f32.msk $0xffff, v19  }
0x555: {  	[tilespmem:s29+$0x15D40] =	vst.add.f32.msk $0xffff, v20  }
0x556: {  	[tilespmem:s29+$0x15D50] =	vst.add.f32.msk $0xffff, v21  }
0x557: {  	[tilespmem:s29+$0x15D60] =	vst.add.f32.msk $0xffff, v22  }
0x558: {  	[tilespmem:s29+$0x15D70] =	vst.add.f32.msk $0xffff, v23  }
0x559: {  	[tilespmem:s29+$0x15D80] =	vst.add.f32.msk $0xffff, v24  }
0x55a: {  	[tilespmem:s29+$0x15D90] =	vst.add.f32.msk $0xffff, v25  }
0x55b: {  	[tilespmem:s29+$0x15DA0] =	vst.add.f32.msk $0xffff, v26  }
0x55c: {  	[tilespmem:s29+$0x15DB0] =	vst.add.f32.msk $0xffff, v27  }
0x55d: {  	[tilespmem:s29+$0x15DC0] =	vst.add.f32.msk $0xffff, v28  }
0x55e: {  	[tilespmem:s29+$0x15DD0] =	vst.add.f32.msk $0xffff, v29  }
0x55f: {  	[tilespmem:s29+$0x15DE0] =	vst.add.f32.msk $0xffff, v30  }
0x560: {  	[tilespmem:s29+$0x15DF0] =	vst.add.f32.msk $0xffff, v31  }
0x561: {  	[tilespmem:s29+$0x15E00] =	vst.add.f32.msk $0xffff, v32  }
0x562: {  	[tilespmem:s29+$0x15E10] =	vst.add.f32.msk $0xffff, v33  }
0x563: {  	[tilespmem:s29+$0x15E20] =	vst.add.f32.msk $0xffff, v34  }
0x564: {  	[tilespmem:s29+$0x15E30] =	vst.add.f32.msk $0xffff, v35  }
0x565: {  	[tilespmem:s29+$0x15E40] =	vst.add.f32.msk $0xffff, v36  }
0x566: {  	[tilespmem:s29+$0x15E50] =	vst.add.f32.msk $0xffff, v37  }
0x567: {  	[tilespmem:s29+$0x15E60] =	vst.add.f32.msk $0xffff, v38  }
0x568: {  	[tilespmem:s29+$0x15E70] =	vst.add.f32.msk $0xffff, v39  }
0x569: {  	[tilespmem:s29+$0x15E80] =	vst.add.f32.msk $0xffff, v40  }
0x56a: {  	[tilespmem:s29+$0x15E90] =	vst.add.f32.msk $0xffff, v41  }
0x56b: {  	[tilespmem:s29+$0x15EA0] =	vst.add.f32.msk $0xffff, v42  }
0x56c: {  	[tilespmem:s29+$0x15EB0] =	vst.add.f32.msk $0xffff, v43  }
0x56d: {  	[tilespmem:s29+$0x15EC0] =	vst.add.f32.msk $0xffff, v44  }
0x56e: {  	[tilespmem:s29+$0x15ED0] =	vst.add.f32.msk $0xffff, v45  }
0x56f: {  	[tilespmem:s29+$0x15EE0] =	vst.add.f32.msk $0xffff, v46  }
0x570: {  	[tilespmem:s29+$0x15EF0] =	vst.add.f32.msk $0xffff, v47  }
0x571: {  	[tilespmem:s29+$0x15F00] =	vst.add.f32.msk $0xffff, v48  }
0x572: {  	[tilespmem:s29+$0x15F10] =	vst.add.f32.msk $0xffff, v49  }
0x573: {  	[tilespmem:s29+$0x15F20] =	vst.add.f32.msk $0xffff, v50  }
0x574: {  	[tilespmem:s29+$0x15F30] =	vst.add.f32.msk $0xffff, v51  }
0x575: {  	[tilespmem:s29+$0x15F40] =	vst.add.f32.msk $0xffff, v52  }
0x576: {  	[tilespmem:s29+$0x15F50] =	vst.add.f32.msk $0xffff, v53  }
0x577: {  	[tilespmem:s29+$0x15F60] =	vst.add.f32.msk $0xffff, v54  }
0x578: {  	[tilespmem:s29+$0x15F70] =	vst.add.f32.msk $0xffff, v55  }
0x579: {  	[tilespmem:s29+$0x15F80] =	vst.add.f32.msk $0xffff, v56  }
0x57a: {  	[tilespmem:s29+$0x15F90] =	vst.add.f32.msk $0xffff, v57  }
.Ltmp8:
0x57b: {  	[tilespmem:s29+$0x15FA0] =	vst.add.f32.msk $0xffff, v58;
	(pc) =	sbr.rel @p0 .LBB2_15-.Ltmp8, $4  }
0x57c: {  	[tilespmem:s29+$0x15FB0] =	vst.add.f32.msk $0xffff, v59  }
0x57d: {  	[tilespmem:s29+$0x15FC0] =	vst.add.f32.msk $0xffff, v60  }
0x57e: {  	[tilespmem:s29+$0x15FD0] =	vst.add.f32.msk $0xffff, v61  }
0x57f: {  	[tilespmem:s29+$0x15FE0] =	vst.add.f32.msk $0xffff, v62;
	s29 =	sshra.s32 s0, $0x2;
	s0 =	sadd.s32 $0x1000, s0  }
0x580: {  	v0 =	vld [tilespmem:s29+$0x5FF0]  }
0x581: {  	v1 =	vld [tilespmem:s29+$0x5C00]  }
0x582: {  	v2 =	vld [tilespmem:s29+$0x5C10]  }
0x583: {  	v3 =	vld [tilespmem:s29+$0x5C20]  }
0x584: {  	v4 =	vld [tilespmem:s29+$0x5C30]  }
0x585: {  	v5 =	vld [tilespmem:s29+$0x5C50]  }
0x586: {  	v6 =	vld [tilespmem:s29+$0x5C60]  }
0x587: {  	v7 =	vld [tilespmem:s29+$0x5C70]  }
0x588: {  	v8 =	vld [tilespmem:s29+$0x5C80]  }
0x589: {  	v9 =	vld [tilespmem:s29+$0x5C90]  }
0x58a: {  	v10 =	vld [tilespmem:s29+$0x5CA0]  }
0x58b: {  	v11 =	vld [tilespmem:s29+$0x5CB0]  }
0x58c: {  	v12 =	vld [tilespmem:s29+$0x5CC0]  }
0x58d: {  	v13 =	vld [tilespmem:s29+$0x5CD0]  }
0x58e: {  	v14 =	vld [tilespmem:s29+$0x5CE0]  }
0x58f: {  	v15 =	vld [tilespmem:s29+$0x5CF0]  }
0x590: {  	v16 =	vld [tilespmem:s29+$0x5D00]  }
0x591: {  	v17 =	vld [tilespmem:s29+$0x5D10]  }
0x592: {  	v18 =	vld [tilespmem:s29+$0x5D20]  }
0x593: {  	v19 =	vld [tilespmem:s29+$0x5D30]  }
0x594: {  	v20 =	vld [tilespmem:s29+$0x5D40]  }
0x595: {  	v21 =	vld [tilespmem:s29+$0x5D50]  }
0x596: {  	v22 =	vld [tilespmem:s29+$0x5D60]  }
0x597: {  	v23 =	vld [tilespmem:s29+$0x5D70]  }
0x598: {  	v24 =	vld [tilespmem:s29+$0x5D80]  }
0x599: {  	v25 =	vld [tilespmem:s29+$0x5D90]  }
0x59a: {  	v26 =	vld [tilespmem:s29+$0x5DA0]  }
0x59b: {  	v27 =	vld [tilespmem:s29+$0x5DB0]  }
0x59c: {  	v28 =	vld [tilespmem:s29+$0x5DC0]  }
0x59d: {  	v29 =	vld [tilespmem:s29+$0x5DD0]  }
0x59e: {  	v30 =	vld [tilespmem:s29+$0x5DE0]  }
0x59f: {  	v31 =	vld [tilespmem:s29+$0x5DF0]  }
0x5a0: {  	v32 =	vld [tilespmem:s29+$0x5E00]  }
0x5a1: {  	v33 =	vld [tilespmem:s29+$0x5E10]  }
0x5a2: {  	v34 =	vld [tilespmem:s29+$0x5E20]  }
0x5a3: {  	v35 =	vld [tilespmem:s29+$0x5E30]  }
0x5a4: {  	v36 =	vld [tilespmem:s29+$0x5E40]  }
0x5a5: {  	v37 =	vld [tilespmem:s29+$0x5E50]  }
0x5a6: {  	v38 =	vld [tilespmem:s29+$0x5E60]  }
0x5a7: {  	v39 =	vld [tilespmem:s29+$0x5E70]  }
0x5a8: {  	v40 =	vld [tilespmem:s29+$0x5E80]  }
0x5a9: {  	v41 =	vld [tilespmem:s29+$0x5E90]  }
0x5aa: {  	v42 =	vld [tilespmem:s29+$0x5EA0]  }
0x5ab: {  	v43 =	vld [tilespmem:s29+$0x5EB0]  }
0x5ac: {  	v44 =	vld [tilespmem:s29+$0x5EC0]  }
0x5ad: {  	v45 =	vld [tilespmem:s29+$0x5ED0]  }
0x5ae: {  	v46 =	vld [tilespmem:s29+$0x5EE0]  }
0x5af: {  	v47 =	vld [tilespmem:s29+$0x5EF0]  }
0x5b0: {  	v48 =	vld [tilespmem:s29+$0x5F00]  }
0x5b1: {  	v49 =	vld [tilespmem:s29+$0x5F10]  }
0x5b2: {  	v50 =	vld [tilespmem:s29+$0x5F20]  }
0x5b3: {  	v51 =	vld [tilespmem:s29+$0x5F30]  }
0x5b4: {  	v52 =	vld [tilespmem:s29+$0x5F40]  }
0x5b5: {  	v53 =	vld [tilespmem:s29+$0x5F50]  }
0x5b6: {  	v54 =	vld [tilespmem:s29+$0x5F60]  }
0x5b7: {  	v55 =	vld [tilespmem:s29+$0x5F70]  }
0x5b8: {  	v56 =	vld [tilespmem:s29+$0x5F80]  }
0x5b9: {  	v57 =	vld [tilespmem:s29+$0x5F90]  }
0x5ba: {  	v58 =	vld [tilespmem:s29+$0x5FA0]  }
0x5bb: {  	v59 =	vld [tilespmem:s29+$0x5FB0]  }
0x5bc: {  	v60 =	vld [tilespmem:s29+$0x5FC0]  }
0x5bd: {  	v61 =	vld [tilespmem:s29+$0x5FD0]  }
0x5be: {  	v62 =	vld [tilespmem:s29+$0x5FE0]  }
0x5bf: {  	[tilespmem:s29+$0x15FF0] =	vst.add.f32.msk $0xffff, v0  }
0x5c0: {  	v0 =	vld [tilespmem:s29+$0x5C40]  }
0x5c1: {  	[tilespmem:s29+$0x15C00] =	vst.add.f32.msk $0xffff, v1  }
0x5c2: {  	[tilespmem:s29+$0x15C10] =	vst.add.f32.msk $0xffff, v2  }
0x5c3: {  	[tilespmem:s29+$0x15C20] =	vst.add.f32.msk $0xffff, v3  }
0x5c4: {  	[tilespmem:s29+$0x15C30] =	vst.add.f32.msk $0xffff, v4  }
0x5c5: {  	[tilespmem:s29+$0x15C50] =	vst.add.f32.msk $0xffff, v5  }
0x5c6: {  	[tilespmem:s29+$0x15C60] =	vst.add.f32.msk $0xffff, v6  }
0x5c7: {  	[tilespmem:s29+$0x15C70] =	vst.add.f32.msk $0xffff, v7  }
0x5c8: {  	[tilespmem:s29+$0x15C80] =	vst.add.f32.msk $0xffff, v8  }
0x5c9: {  	[tilespmem:s29+$0x15C90] =	vst.add.f32.msk $0xffff, v9  }
0x5ca: {  	[tilespmem:s29+$0x15CA0] =	vst.add.f32.msk $0xffff, v10  }
0x5cb: {  	[tilespmem:s29+$0x15CB0] =	vst.add.f32.msk $0xffff, v11  }
0x5cc: {  	[tilespmem:s29+$0x15CC0] =	vst.add.f32.msk $0xffff, v12  }
0x5cd: {  	[tilespmem:s29+$0x15CD0] =	vst.add.f32.msk $0xffff, v13  }
0x5ce: {  	[tilespmem:s29+$0x15CE0] =	vst.add.f32.msk $0xffff, v14  }
0x5cf: {  	[tilespmem:s29+$0x15CF0] =	vst.add.f32.msk $0xffff, v15  }
0x5d0: {  	[tilespmem:s29+$0x15D00] =	vst.add.f32.msk $0xffff, v16  }
0x5d1: {  	[tilespmem:s29+$0x15D10] =	vst.add.f32.msk $0xffff, v17  }
0x5d2: {  	[tilespmem:s29+$0x15D20] =	vst.add.f32.msk $0xffff, v18  }
0x5d3: {  	[tilespmem:s29+$0x15D30] =	vst.add.f32.msk $0xffff, v19  }
0x5d4: {  	[tilespmem:s29+$0x15D40] =	vst.add.f32.msk $0xffff, v20  }
0x5d5: {  	[tilespmem:s29+$0x15D50] =	vst.add.f32.msk $0xffff, v21  }
0x5d6: {  	[tilespmem:s29+$0x15D60] =	vst.add.f32.msk $0xffff, v22  }
0x5d7: {  	[tilespmem:s29+$0x15D70] =	vst.add.f32.msk $0xffff, v23  }
0x5d8: {  	[tilespmem:s29+$0x15D80] =	vst.add.f32.msk $0xffff, v24  }
0x5d9: {  	[tilespmem:s29+$0x15D90] =	vst.add.f32.msk $0xffff, v25  }
0x5da: {  	[tilespmem:s29+$0x15DA0] =	vst.add.f32.msk $0xffff, v26  }
0x5db: {  	[tilespmem:s29+$0x15DB0] =	vst.add.f32.msk $0xffff, v27  }
0x5dc: {  	[tilespmem:s29+$0x15DC0] =	vst.add.f32.msk $0xffff, v28  }
0x5dd: {  	[tilespmem:s29+$0x15DD0] =	vst.add.f32.msk $0xffff, v29  }
0x5de: {  	[tilespmem:s29+$0x15DE0] =	vst.add.f32.msk $0xffff, v30  }
0x5df: {  	[tilespmem:s29+$0x15DF0] =	vst.add.f32.msk $0xffff, v31  }
0x5e0: {  	[tilespmem:s29+$0x15E00] =	vst.add.f32.msk $0xffff, v32  }
0x5e1: {  	[tilespmem:s29+$0x15E10] =	vst.add.f32.msk $0xffff, v33  }
0x5e2: {  	[tilespmem:s29+$0x15E20] =	vst.add.f32.msk $0xffff, v34  }
0x5e3: {  	[tilespmem:s29+$0x15E30] =	vst.add.f32.msk $0xffff, v35  }
0x5e4: {  	[tilespmem:s29+$0x15E40] =	vst.add.f32.msk $0xffff, v36  }
0x5e5: {  	[tilespmem:s29+$0x15E50] =	vst.add.f32.msk $0xffff, v37  }
0x5e6: {  	[tilespmem:s29+$0x15E60] =	vst.add.f32.msk $0xffff, v38  }
0x5e7: {  	[tilespmem:s29+$0x15E70] =	vst.add.f32.msk $0xffff, v39  }
0x5e8: {  	[tilespmem:s29+$0x15E80] =	vst.add.f32.msk $0xffff, v40  }
0x5e9: {  	[tilespmem:s29+$0x15E90] =	vst.add.f32.msk $0xffff, v41  }
0x5ea: {  	[tilespmem:s29+$0x15EA0] =	vst.add.f32.msk $0xffff, v42  }
0x5eb: {  	[tilespmem:s29+$0x15EB0] =	vst.add.f32.msk $0xffff, v43  }
0x5ec: {  	[tilespmem:s29+$0x15EC0] =	vst.add.f32.msk $0xffff, v44  }
0x5ed: {  	[tilespmem:s29+$0x15ED0] =	vst.add.f32.msk $0xffff, v45  }
0x5ee: {  	[tilespmem:s29+$0x15EE0] =	vst.add.f32.msk $0xffff, v46  }
0x5ef: {  	[tilespmem:s29+$0x15EF0] =	vst.add.f32.msk $0xffff, v47  }
0x5f0: {  	[tilespmem:s29+$0x15F00] =	vst.add.f32.msk $0xffff, v48  }
0x5f1: {  	[tilespmem:s29+$0x15F10] =	vst.add.f32.msk $0xffff, v49  }
0x5f2: {  	[tilespmem:s29+$0x15F20] =	vst.add.f32.msk $0xffff, v50  }
0x5f3: {  	[tilespmem:s29+$0x15F30] =	vst.add.f32.msk $0xffff, v51  }
0x5f4: {  	[tilespmem:s29+$0x15F40] =	vst.add.f32.msk $0xffff, v52  }
0x5f5: {  	[tilespmem:s29+$0x15F50] =	vst.add.f32.msk $0xffff, v53  }
0x5f6: {  	[tilespmem:s29+$0x15F60] =	vst.add.f32.msk $0xffff, v54  }
0x5f7: {  	[tilespmem:s29+$0x15F70] =	vst.add.f32.msk $0xffff, v55  }
0x5f8: {  	[tilespmem:s29+$0x15F80] =	vst.add.f32.msk $0xffff, v56  }
0x5f9: {  	[tilespmem:s29+$0x15F90] =	vst.add.f32.msk $0xffff, v57  }
0x5fa: {  	[tilespmem:s29+$0x15FA0] =	vst.add.f32.msk $0xffff, v58  }
0x5fb: {  	[tilespmem:s29+$0x15FB0] =	vst.add.f32.msk $0xffff, v59  }
0x5fc: {  	[tilespmem:s29+$0x15FC0] =	vst.add.f32.msk $0xffff, v60  }
0x5fd: {  	s28 =	sadd.s32 $0x1, s28;
	[tilespmem:s29+$0x15FD0] =	vst.add.f32.msk $0xffff, v61  }
0x5fe: {  	p0 =	sne.s32 s28, s7;
	[tilespmem:s29+$0x15FE0] =	vst.add.f32.msk $0xffff, v62  }
.Ltmp9:
0x5ff: {  	[tilespmem:s29+$0x15C40] =	vst.add.f32.msk $0xffff, v0;
	(pc) =	sbr.rel @p0 .LBB2_1-.Ltmp9, $4  }
0x600: {  	[hbm4b:s6+s3] =	stream.linear.scatter [tilespmem:s26], [sflag:$0x6], $0x4000, $0x38;
	[tilespmem:$0x19C00] =	vst v63  }
0x601: {  	_ =	swait.ge [sflag:s11], $0x4000  }
0x602: {  	[sflag:s11] =	ssyncset.done $0x0  }
0x603: {  	[sflag:s11] =	ssyncadd.s32 $0xFFFFC000  }
0x604: {  	_ =	sfence.sel $0x180000  }
0x605: {  	[bflag:$0x0] =	sbarrier.arrive $0xFFFF  }
0x606: {  	_ =	strace $0x90000047  }
0x607: {  	s0 =	stileid.u32;
	[bflag:$0x2] =	sbarrier.arrive $0xFFFF  }
0x608: {  	p0 =	sne.s32 s0, $0x0;
	s0 =	rddreg [dreg:$0x3]  }
0x609: {  	s0 =	sadd.s32 @!p0 $0x100000, s0  }
0x60a: {  	[sflag:s0] =	ssyncadd.tile.s32 @!p0 $0x1;
	_ =	shalt  }
.Lfunc_end2:
_tile_overlayer_lowered:
.L_overlay_start_2:
0x60b: {  	(tag) =	ssettag $0x2  }
0x60c: {  	s0 =	rddreg [dreg:$0x0];
	s2 =	stileid.u32  }
0x60d: {  	s1 =	rddreg [dreg:$0x1];
	p0 =	sne.s32 s2, $0x0  }
0x60e: {  	s3 =	rddreg [dreg:$0x2];
	[bflag:$0x3] =	sbarrier.arrive $0xFFFF;
	s2 =	simm.s32 @!p0 $0x1C06  }
0x60f: {  	[timem:s3], [sflag:s2] =	dma.local @!p0 [hbm:s0], s1  }
0x610: {  	s0 =	simm.s32 @!p0 $0x6  }
0x611: {  	_ =	swait.ge @!p0 [sflag:s0], s1  }
0x612: {  	s1 =	ssub.s32 @!p0 $0x0, s1;
	[sflag:s0] =	ssyncset.done @!p0 $0x0  }
0x613: {  	[sflag:s0] =	ssyncadd.s32 @!p0 s1  }
0x614: {  	[bflag:$0x3] =	sbarrier.arrive $0xFFFF  }
0x615: {  	_ =	shalt  }

</sc_bundles>
